<compile_context>
chip_gen: v7x
topology: tpu7x:2x2x1
jax: 0.10.2.dev20260603
libtpu: 0.0.44.dev20260713+nightly
codegen_flags: <defaults>
</compile_context>

<pallas_src>
import functools

import jax
import jax.numpy as jnp
from jax import lax
from jax.experimental import pallas as pl
from jax.experimental.pallas import tpu as pltpu
from jax.experimental.pallas import tpu_sc as plsc

_CH = 128


def _zero_vmem_1d(ref, nwords):
    z = jnp.zeros((16,), jnp.float32)
    def body(i, _):
        ref[pl.ds(i * 16, 16)] = z
        return 0
    lax.fori_loop(0, nwords // 16, body, 0)


def _deg_kernel(n_acc, nck, rpt):
    mesh = plsc.VectorSubcoreMesh(core_axis_name="c", subcore_axis_name="s")
    per = nck // 16
    half = per // 2
    nextra = nck - per * 16

    @functools.partial(
        pl.kernel,
        out_type=jax.ShapeDtypeStruct((2, n_acc), jnp.float32),
        mesh=mesh,
        scratch_types=[
            pltpu.VMEM((half, _CH), jnp.int32),
            pltpu.VMEM((1, _CH), jnp.int32),
            pltpu.VMEM((_CH,), jnp.float32),
            pltpu.VMEM((rpt,), jnp.float32),
            pltpu.VMEM_SHARED((n_acc,), jnp.float32),
            pltpu.SemaphoreType.DMA,
        ],
        compiler_params=pltpu.CompilerParams(use_tc_tiling_on_sc=False),
    )
    def deg(ei_hbm, out_hbm, idx_v, idx1_v, ones_v, zer_v, hist, sem):
        c = lax.axis_index("c")
        s = lax.axis_index("s")
        base = s * per + c * half
        pltpu.sync_copy(ei_hbm.at[1, pl.ds(base, half)], idx_v)
        one = jnp.ones((16,), jnp.float32)
        for i in range(_CH // 16):
            ones_v[pl.ds(i * 16, 16)] = one
        _zero_vmem_1d(zer_v, rpt)
        pltpu.sync_copy(zer_v, hist.at[pl.ds(s * rpt, rpt)])
        plsc.subcore_barrier()
        kb = 6
        def step(m, _):
            for b in range(kb):
                pltpu.async_copy(
                    ones_v, hist.at[idx_v.at[m * kb + b]], sem, add=True)
            @pl.when(m > 0)
            def _():
                for b in range(kb):
                    pltpu.make_async_copy(
                        ones_v, hist.at[idx_v.at[b]], sem).wait()
            return 0
        lax.fori_loop(0, half // kb, step, 0)
        for b in range(kb):
            pltpu.make_async_copy(ones_v, hist.at[idx_v.at[b]], sem).wait()
        @pl.when(s < nextra // 2)
        def _():
            pltpu.sync_copy(
                ei_hbm.at[1, pl.ds(16 * per + c * (nextra // 2) + s, 1)],
                idx1_v)
            pltpu.sync_copy(ones_v, hist.at[idx1_v.at[0]], add=True)
        plsc.subcore_barrier()
        pltpu.sync_copy(
            hist.at[pl.ds(s * rpt, rpt)],
            out_hbm.at[c, pl.ds(s * rpt, rpt)],
        )

    return deg


def _edge_kernel(n_acc, hd, nck, rpt):
    mesh = plsc.VectorSubcoreMesh(core_axis_name="c", subcore_axis_name="s")
    per = nck // 16
    half = per // 2
    nextra = nck - per * 16
    K = 3

    @functools.partial(
        pl.kernel,
        out_type=jax.ShapeDtypeStruct((2, n_acc, hd), jnp.float32),
        mesh=mesh,
        scratch_types=[
            pltpu.VMEM((half, _CH), jnp.int32),
            pltpu.VMEM((half, _CH), jnp.int32),
            pltpu.VMEM((1, _CH), jnp.int32),
            pltpu.VMEM((1, _CH), jnp.int32),
            pltpu.VMEM((2 * K, _CH, hd), jnp.float32),
            pltpu.VMEM_SHARED((n_acc, hd), jnp.float32),
            pltpu.SemaphoreType.DMA,
            pltpu.SemaphoreType.DMA,
            pltpu.SemaphoreType.DMA,
            pltpu.SemaphoreType.DMA,
        ],
        compiler_params=pltpu.CompilerParams(use_tc_tiling_on_sc=False),
    )
    def edge(y2_hbm, ei_hbm, out_hbm, src_v, dst_v, srcx_v, dstx_v, rows_v,
             acc, sem_ga, sem_gb, sem_sa, sem_sb):
        c = lax.axis_index("c")
        s = lax.axis_index("s")
        yh = y2_hbm.at[c]
        base = s * per

        def fire_g(j0, grp, sem):
            for b in range(K):
                pltpu.async_copy(
                    yh.at[src_v.at[j0 + b]], rows_v.at[grp * K + b], sem)

        def drain_g(j0, grp, sem):
            for b in range(K):
                pltpu.make_async_copy(
                    yh.at[src_v.at[j0 + b]], rows_v.at[grp * K + b], sem
                ).wait()

        def fire_s(j0, grp, sem):
            for b in range(K):
                pltpu.async_copy(
                    rows_v.at[grp * K + b], acc.at[dst_v.at[j0 + b]], sem,
                    add=True)

        def drain_s(j0, grp, sem):
            for b in range(K):
                pltpu.make_async_copy(
                    rows_v.at[grp * K + b], acc.at[dst_v.at[j0 + b]], sem
                ).wait()

        pltpu.sync_copy(ei_hbm.at[0, pl.ds(base, half)], src_v)
        pltpu.sync_copy(ei_hbm.at[1, pl.ds(base, half)], dst_v)
        fire_g(0, 0, sem_ga)
        pltpu.sync_copy(
            y2_hbm.at[c, pl.ds(s * rpt, rpt)], acc.at[pl.ds(s * rpt, rpt)])
        plsc.subcore_barrier()

        for h in range(2):
            if h:
                pltpu.sync_copy(ei_hbm.at[0, pl.ds(base + half, half)], src_v)
                pltpu.sync_copy(ei_hbm.at[1, pl.ds(base + half, half)], dst_v)
                fire_g(0, 0, sem_ga)
            def step(m, _):
                ja = m * 2 * K
                jb = ja + K
                drain_g(ja, 0, sem_ga)
                fire_s(ja, 0, sem_sa)
                @pl.when(m > 0)
                def _():
                    drain_s(ja - K, 1, sem_sb)
                fire_g(jb, 1, sem_gb)
                drain_g(jb, 1, sem_gb)
                fire_s(jb, 1, sem_sb)
                drain_s(ja, 0, sem_sa)
                fire_g(jb + K, 0, sem_ga)
                return 0
            lax.fori_loop(0, half // (2 * K) - 1, step, 0)
            ja = half - 2 * K
            jb = half - K
            drain_g(ja, 0, sem_ga)
            fire_s(ja, 0, sem_sa)
            drain_s(ja - K, 1, sem_sb)
            fire_g(jb, 1, sem_gb)
            drain_g(jb, 1, sem_gb)
            fire_s(jb, 1, sem_sb)
            drain_s(ja, 0, sem_sa)
            drain_s(jb, 1, sem_sb)

        @pl.when(s < nextra)
        def _():
            pltpu.sync_copy(ei_hbm.at[0, pl.ds(16 * per + s, 1)], srcx_v)
            pltpu.sync_copy(ei_hbm.at[1, pl.ds(16 * per + s, 1)], dstx_v)
            pltpu.async_copy(
                yh.at[srcx_v.at[0]], rows_v.at[0], sem_ga).wait()
            pltpu.sync_copy(rows_v.at[0], acc.at[dstx_v.at[0]], add=True)

        plsc.subcore_barrier()
        pltpu.sync_copy(
            acc.at[pl.ds(s * rpt, rpt)],
            out_hbm.at[c, pl.ds(s * rpt, rpt)],
        )

    return edge


def _tc_mm_body(x_ref, w_ref, xw_ref):
    xw_ref[...] = jnp.dot(
        x_ref[...], w_ref[...], preferred_element_type=jnp.float32)


def _dinv_col(dp_ref, blk):
    dvec = dp_ref[0] + dp_ref[1] + 1.0
    return jnp.transpose(lax.rsqrt(dvec)[None, :])


def _tc_scale_body(xw_ref, dp_ref, y_ref):
    dinv = _dinv_col(dp_ref, xw_ref.shape[0])
    y = xw_ref[...] * dinv
    hd = y.shape[-1] // 2
    y_ref[0] = y[:, :hd]
    y_ref[1] = y[:, hd:]


def _tc_head_body(acc_ref, x_ref, dp_ref, bg_ref, w1_ref, b1_ref,
                  w2_ref, b2_ref, w3t_ref, b3_ref, o_ref):
    dinv = _dinv_col(dp_ref, x_ref.shape[0])
    acc = jnp.concatenate([acc_ref[0], acc_ref[1]], axis=1)
    tot = acc * dinv + bg_ref[...]
    h = jnp.maximum(tot, 0.0) + x_ref[...]
    h1 = jnp.dot(h, w1_ref[...], preferred_element_type=jnp.float32) + b1_ref[...]
    h1 = jnp.where(h1 >= 0.0, h1, 0.01 * h1)
    h2 = jnp.dot(h1, w2_ref[...], preferred_element_type=jnp.float32) + b2_ref[...]
    h2 = jnp.where(h2 >= 0.0, h2, 0.01 * h2)
    o = jnp.sum(h2 * w3t_ref[...], axis=1, keepdims=True) + b3_ref[...]
    o_ref[...] = o.reshape(o_ref.shape)


def kernel(x, edge_index, W_gcn, b_gcn, W1, b1, W2, b2, W3, b3):
    n, d = x.shape
    e = edge_index.shape[1]
    hd = d // 2
    nck = e // _CH
    rpt = 640
    n_acc = 16 * rpt
    act = 8

    ei3 = edge_index.astype(jnp.int32).reshape(2, nck, _CH)

    blk = 2048
    grid = n_acc // blk

    deg_p = _deg_kernel(n_acc, nck, rpt)(ei3)
    xw = pl.pallas_call(
        _tc_mm_body,
        grid=(grid,),
        in_specs=[
            pl.BlockSpec((blk, d), lambda i: (i, 0)),
            pl.BlockSpec((d, d), lambda i: (0, 0)),
        ],
        out_specs=pl.BlockSpec((blk, d), lambda i: (i, 0)),
        out_shape=jax.ShapeDtypeStruct((n, d), jnp.float32),
    )(x, W_gcn)

    y2 = pl.pallas_call(
        _tc_scale_body,
        grid=(grid,),
        in_specs=[
            pl.BlockSpec((blk, d), lambda i: (i, 0)),
            pl.BlockSpec((2, blk), lambda i: (0, i)),
        ],
        out_specs=pl.BlockSpec((2, blk, hd), lambda i: (0, i, 0)),
        out_shape=jax.ShapeDtypeStruct((2, n_acc, hd), jnp.float32),
    )(xw, deg_p)

    acc = _edge_kernel(n_acc, hd, nck, rpt)(y2, ei3)

    out = pl.pallas_call(
        _tc_head_body,
        grid=(grid,),
        in_specs=[
            pl.BlockSpec((2, blk, hd), lambda i: (0, i, 0)),
            pl.BlockSpec((blk, d), lambda i: (i, 0)),
            pl.BlockSpec((2, blk), lambda i: (0, i)),
            pl.BlockSpec((1, d), lambda i: (0, 0)),
            pl.BlockSpec((d, 32), lambda i: (0, 0)),
            pl.BlockSpec((1, 32), lambda i: (0, 0)),
            pl.BlockSpec((32, 32), lambda i: (0, 0)),
            pl.BlockSpec((1, 32), lambda i: (0, 0)),
            pl.BlockSpec((1, 32), lambda i: (0, 0)),
            pl.BlockSpec((1, 1), lambda i: (0, 0)),
        ],
        out_specs=pl.BlockSpec((blk // act, act), lambda i: (i, 0)),
        out_shape=jax.ShapeDtypeStruct((n // act, act), jnp.float32),
    )(acc, x, deg_p, b_gcn.reshape(1, d), W1, b1.reshape(1, 32),
      W2, b2.reshape(1, 32), W3.reshape(1, 32), b3.reshape(1, 1))

    return out.reshape(n // act, act, 1)

# --- scband reference (transcript-rebuilt; emitter-appended) ---
"""Pipeline reference for scband-gnnactor-54503134986926 (READ-ONLY COPY).

The authoritative reference and input builder live on the scoring server;
editing this copy changes nothing except your own understanding.
"""

import jax, jax.numpy as jnp
import numpy as np

N = 10000
E = 320000
D = 128
H = 32
ACT = 6
ACT = 8  # act_dim chosen so N is divisible by act_dim


def setup_inputs(seed: int = 0) -> dict:
    key = jax.random.key(seed)
    ks = jax.random.split(key, 12)
    x = jax.random.normal(ks[0], (N, D), dtype=jnp.float32)
    edge_index = jax.random.randint(ks[1], (2, E), 0, N)
    # learned parameters (GCNConv weight/bias + three Linear layers)
    W_gcn = jax.random.normal(ks[2], (D, D), dtype=jnp.float32) * (1.0 / np.sqrt(D))
    b_gcn = jnp.zeros((D,), dtype=jnp.float32)
    W1 = jax.random.normal(ks[3], (D, H), dtype=jnp.float32) * (1.0 / np.sqrt(D))
    b1 = jax.random.normal(ks[4], (H,), dtype=jnp.float32) * 0.01
    W2 = jax.random.normal(ks[5], (H, H), dtype=jnp.float32) * (1.0 / np.sqrt(H))
    b2 = jax.random.normal(ks[6], (H,), dtype=jnp.float32) * 0.01
    W3 = jax.random.normal(ks[7], (H, 1), dtype=jnp.float32) * (1.0 / np.sqrt(H))
    b3 = jax.random.normal(ks[8], (1,), dtype=jnp.float32) * 0.01
    return {"x": x, "edge_index": edge_index, "W_gcn": W_gcn, "b_gcn": b_gcn,
            "W1": W1, "b1": b1, "W2": W2, "b2": b2, "W3": W3, "b3": b3}


def _gcn_conv(x, edge_index, W, b):
    n = x.shape[0]
    src = edge_index[0]
    dst = edge_index[1]
    # add self-loops (PyG GCNConv default)
    loop = jnp.arange(n, dtype=src.dtype)
    src = jnp.concatenate([src, loop])
    dst = jnp.concatenate([dst, loop])
    # symmetric normalization: deg^{-1/2}[src] * deg^{-1/2}[dst]
    deg = jnp.zeros((n,), dtype=x.dtype).at[dst].add(1.0)
    dinv = jax.lax.rsqrt(jnp.maximum(deg, 1e-12))
    norm = dinv[src] * dinv[dst]
    xw = x @ W
    msgs = xw[src] * norm[:, None]  # gather
    out = jnp.zeros_like(xw).at[dst].add(msgs)  # scatter-add
    return out + b


def reference(x, edge_index, W_gcn, b_gcn, W1, b1, W2, b2, W3, b3):
    out = jax.nn.relu(_gcn_conv(x, edge_index, W_gcn, b_gcn))
    h = out + x
    h = h.reshape(-1, ACT, D)
    h = jax.nn.leaky_relu(h @ W1 + b1, negative_slope=0.01)
    last_hidden = jax.nn.leaky_relu(h @ W2 + b2, negative_slope=0.01)
    a_out = last_hidden @ W3 + b3
    return a_out

if __name__ == "__main__":
    import jax
    _d = setup_inputs()
    print(jax.jit(kernel)(*tuple(_d.values())))

</pallas_src>

<mosaic_0001>
#map = affine_map<(d0, d1) -> (0, 0, 0)>
#map1 = affine_map<(d0, d1) -> (0, 0)>
module attributes {stable_mosaic.version = 14 : i64} {
  func.func @deg(%arg0: i32, %arg1: i32, %arg2: memref<2x2500x128xi32, #tpu.memory_space<hbm>>, %arg3: memref<2x10240xf32, #tpu.memory_space<hbm>>, %arg4: memref<78x128xi32, #tpu.memory_space<vmem>>, %arg5: memref<1x128xi32, #tpu.memory_space<vmem>>, %arg6: memref<128xf32, #tpu.memory_space<vmem>>, %arg7: memref<640xf32, #tpu.memory_space<vmem>>, %arg8: memref<10240xf32, #tpu.memory_space<vmem_shared>>, %arg9: memref<!tpu.dma_semaphore, #tpu.memory_space<semaphore_mem>>) attributes {dimension_semantics = [#tpu.dimension_semantics<core_parallel>, #tpu.dimension_semantics<subcore_parallel>], iteration_bounds = array<i64: 2, 16>, scalar_prefetch = 0 : i64, scratch_operands = 6 : i64, tpu.core_type = #tpu.core_type<sc_vector_subcore>, window_params = [{transform_indices = #map}, {transform_indices = #map1}]} {
    %mul3A = arith.constant 156 : i32
    %mul3A_0 = arith.muli %arg1, %mul3A : i32
    %mul3A_1 = arith.constant 78 : i32
    %mul3A_2 = arith.muli %arg0, %mul3A_1 : i32
    %add3A = arith.addi %mul3A_0, %mul3A_2 : i32
    %run_scoped3A = arith.constant 1 : i32
    "tpu.region"() ({
      %run_scoped3A_94 = tpu.sem_alloc : memref<!tpu.dma_semaphore, #tpu.memory_space<semaphore_mem>>
      %dma_start3A = arith.constant 0 : i32
      %dma_start3A_95 = tpu.memref_slice %arg2[%run_scoped3A, %add3A, %dma_start3A] : memref<2x2500x128xi32, #tpu.memory_space<hbm>> -> memref<1x78x128xi32, #tpu.memory_space<hbm>>
      %dma_start3A_96 = tpu.memref_squeeze %dma_start3A_95 : memref<1x78x128xi32, #tpu.memory_space<hbm>> -> memref<78x128xi32, #tpu.memory_space<hbm>>
      %dma_start3A_97 = arith.constant 0 : i32
      %dma_start3A_98 = tpu.memref_slice %arg2[%run_scoped3A, %add3A, %dma_start3A_97] : memref<2x2500x128xi32, #tpu.memory_space<hbm>> -> memref<1x78x128xi32, #tpu.memory_space<hbm>>
      %dma_start3A_99 = tpu.memref_squeeze %dma_start3A_98 : memref<1x78x128xi32, #tpu.memory_space<hbm>> -> memref<78x128xi32, #tpu.memory_space<hbm>>
      tpu.enqueue_dma source(%dma_start3A_99 : memref<78x128xi32, #tpu.memory_space<hbm>>) target(%arg4 : memref<78x128xi32, #tpu.memory_space<vmem>>) target_semaphore(%run_scoped3A_94 : memref<!tpu.dma_semaphore, #tpu.memory_space<semaphore_mem>>)
      %dma_wait3A_100 = arith.constant 0 : i32
      %dma_wait3A_101 = tpu.memref_slice %arg2[%run_scoped3A, %add3A, %dma_wait3A_100] : memref<2x2500x128xi32, #tpu.memory_space<hbm>> -> memref<1x78x128xi32, #tpu.memory_space<hbm>>
      %dma_wait3A_102 = tpu.memref_squeeze %dma_wait3A_101 : memref<1x78x128xi32, #tpu.memory_space<hbm>> -> memref<78x128xi32, #tpu.memory_space<hbm>>
      %dma_wait3A_103 = arith.constant 0 : i32
      %dma_wait3A_104 = tpu.memref_slice %arg2[%run_scoped3A, %add3A, %dma_wait3A_103] : memref<2x2500x128xi32, #tpu.memory_space<hbm>> -> memref<1x78x128xi32, #tpu.memory_space<hbm>>
      %dma_wait3A_105 = tpu.memref_squeeze %dma_wait3A_104 : memref<1x78x128xi32, #tpu.memory_space<hbm>> -> memref<78x128xi32, #tpu.memory_space<hbm>>
      tpu.wait_dma2 semaphore(%run_scoped3A_94 : memref<!tpu.dma_semaphore, #tpu.memory_space<semaphore_mem>>) src(%dma_wait3A_105 : memref<78x128xi32, #tpu.memory_space<hbm>>) dst(%arg4 : memref<78x128xi32, #tpu.memory_space<vmem>>)
      tpu.yield
    }) : () -> ()
    %broadcast_in_dim3A = arith.constant 1.000000e+00 : f32
    %broadcast_in_dim3A_3 = vector.broadcast %broadcast_in_dim3A : f32 to vector<16xf32>
    %swap3A = arith.constant 0 : index
    %swap3A_4 = tpu.vector_load %arg6[%swap3A] {strides = array<i32>} : memref<128xf32, #tpu.memory_space<vmem>>, vector<16xf32>,
    %swap3A_5 = vector.shape_cast %swap3A_4 : vector<16xf32> to vector<16xf32>
    %swap3A_6 = vector.shape_cast %broadcast_in_dim3A_3 : vector<16xf32> to vector<16xf32>
    tpu.vector_store %arg6[%swap3A], %swap3A_6 {strides = array<i32>} : memref<128xf32, #tpu.memory_space<vmem>>, vector<16xf32>,
    %swap3A_7 = arith.constant 16 : index
    %swap3A_8 = tpu.vector_load %arg6[%swap3A_7] {strides = array<i32>} : memref<128xf32, #tpu.memory_space<vmem>>, vector<16xf32>,
    %swap3A_9 = vector.shape_cast %swap3A_8 : vector<16xf32> to vector<16xf32>
    %swap3A_10 = vector.shape_cast %broadcast_in_dim3A_3 : vector<16xf32> to vector<16xf32>
    tpu.vector_store %arg6[%swap3A_7], %swap3A_10 {strides = array<i32>} : memref<128xf32, #tpu.memory_space<vmem>>, vector<16xf32>,
    %swap3A_11 = arith.constant 32 : index
    %swap3A_12 = tpu.vector_load %arg6[%swap3A_11] {strides = array<i32>} : memref<128xf32, #tpu.memory_space<vmem>>, vector<16xf32>,
    %swap3A_13 = vector.shape_cast %swap3A_12 : vector<16xf32> to vector<16xf32>
    %swap3A_14 = vector.shape_cast %broadcast_in_dim3A_3 : vector<16xf32> to vector<16xf32>
    tpu.vector_store %arg6[%swap3A_11], %swap3A_14 {strides = array<i32>} : memref<128xf32, #tpu.memory_space<vmem>>, vector<16xf32>,
    %swap3A_15 = arith.constant 48 : index
    %swap3A_16 = tpu.vector_load %arg6[%swap3A_15] {strides = array<i32>} : memref<128xf32, #tpu.memory_space<vmem>>, vector<16xf32>,
    %swap3A_17 = vector.shape_cast %swap3A_16 : vector<16xf32> to vector<16xf32>
    %swap3A_18 = vector.shape_cast %broadcast_in_dim3A_3 : vector<16xf32> to vector<16xf32>
    tpu.vector_store %arg6[%swap3A_15], %swap3A_18 {strides = array<i32>} : memref<128xf32, #tpu.memory_space<vmem>>, vector<16xf32>,
    %swap3A_19 = arith.constant 64 : index
    %swap3A_20 = tpu.vector_load %arg6[%swap3A_19] {strides = array<i32>} : memref<128xf32, #tpu.memory_space<vmem>>, vector<16xf32>,
    %swap3A_21 = vector.shape_cast %swap3A_20 : vector<16xf32> to vector<16xf32>
    %swap3A_22 = vector.shape_cast %broadcast_in_dim3A_3 : vector<16xf32> to vector<16xf32>
    tpu.vector_store %arg6[%swap3A_19], %swap3A_22 {strides = array<i32>} : memref<128xf32, #tpu.memory_space<vmem>>, vector<16xf32>,
    %swap3A_23 = arith.constant 80 : index
    %swap3A_24 = tpu.vector_load %arg6[%swap3A_23] {strides = array<i32>} : memref<128xf32, #tpu.memory_space<vmem>>, vector<16xf32>,
    %swap3A_25 = vector.shape_cast %swap3A_24 : vector<16xf32> to vector<16xf32>
    %swap3A_26 = vector.shape_cast %broadcast_in_dim3A_3 : vector<16xf32> to vector<16xf32>
    tpu.vector_store %arg6[%swap3A_23], %swap3A_26 {strides = array<i32>} : memref<128xf32, #tpu.memory_space<vmem>>, vector<16xf32>,
    %swap3A_27 = arith.constant 96 : index
    %swap3A_28 = tpu.vector_load %arg6[%swap3A_27] {strides = array<i32>} : memref<128xf32, #tpu.memory_space<vmem>>, vector<16xf32>,
    %swap3A_29 = vector.shape_cast %swap3A_28 : vector<16xf32> to vector<16xf32>
    %swap3A_30 = vector.shape_cast %broadcast_in_dim3A_3 : vector<16xf32> to vector<16xf32>
    tpu.vector_store %arg6[%swap3A_27], %swap3A_30 {strides = array<i32>} : memref<128xf32, #tpu.memory_space<vmem>>, vector<16xf32>,
    %swap3A_31 = arith.constant 112 : index
    %swap3A_32 = tpu.vector_load %arg6[%swap3A_31] {strides = array<i32>} : memref<128xf32, #tpu.memory_space<vmem>>, vector<16xf32>,
    %swap3A_33 = vector.shape_cast %swap3A_32 : vector<16xf32> to vector<16xf32>
    %swap3A_34 = vector.shape_cast %broadcast_in_dim3A_3 : vector<16xf32> to vector<16xf32>
    tpu.vector_store %arg6[%swap3A_31], %swap3A_34 {strides = array<i32>} : memref<128xf32, #tpu.memory_space<vmem>>, vector<16xf32>,
    %broadcast_in_dim3A_35 = arith.constant 0.000000e+00 : f32
    %broadcast_in_dim3A_36 = vector.broadcast %broadcast_in_dim3A_35 : f32 to vector<16xf32>
    %scan3A = arith.constant 0 : i32
    %scan3A_37 = arith.constant 0 : i32
    %scan3A_38 = arith.constant 40 : i32
    %scan3A_39 = arith.addi %scan3A_37, %scan3A_38 : i32
    %scan3A_40 = arith.constant 1 : i32
    %scan3A_41 = scf.for %scan3A_94 = %scan3A_37 to %scan3A_39 step %scan3A_40 iter_args(%scan3A_95 = %scan3A) -> (i32)  : i32 {
      %mul3A_96 = arith.constant 16 : i32
      %mul3A_97 = arith.muli %scan3A_94, %mul3A_96 : i32
      %swap3A_98 = arith.index_cast %mul3A_97 : i32 to index
      %swap3A_99 = tpu.vector_load %arg7[%swap3A_98] {strides = array<i32>} : memref<640xf32, #tpu.memory_space<vmem>>, vector<16xf32>,
      %swap3A_100 = vector.shape_cast %swap3A_99 : vector<16xf32> to vector<16xf32>
      %swap3A_101 = vector.shape_cast %broadcast_in_dim3A_36 : vector<16xf32> to vector<16xf32>
      tpu.vector_store %arg7[%swap3A_98], %swap3A_101 {strides = array<i32>} : memref<640xf32, #tpu.memory_space<vmem>>, vector<16xf32>,
      %scan3A_102 = arith.constant 0 : i32
      scf.yield %scan3A_102 : i32
    }
    %scan3A_42 = arith.constant 40 : i32
    %mul3A_43 = arith.constant 640 : i32
    %mul3A_44 = arith.muli %arg1, %mul3A_43 : i32
    "tpu.region"() ({
      %run_scoped3A_94 = tpu.sem_alloc : memref<!tpu.dma_semaphore, #tpu.memory_space<semaphore_mem>>
      %dma_start3A = tpu.memref_slice %arg8[%mul3A_44] : memref<10240xf32, #tpu.memory_space<vmem_shared>> -> memref<640xf32, #tpu.memory_space<vmem_shared>>
      %dma_start3A_95 = tpu.memref_slice %arg8[%mul3A_44] : memref<10240xf32, #tpu.memory_space<vmem_shared>> -> memref<640xf32, #tpu.memory_space<vmem_shared>>
      tpu.enqueue_dma source(%arg7 : memref<640xf32, #tpu.memory_space<vmem>>) target(%dma_start3A_95 : memref<640xf32, #tpu.memory_space<vmem_shared>>) target_semaphore(%run_scoped3A_94 : memref<!tpu.dma_semaphore, #tpu.memory_space<semaphore_mem>>)
      %dma_wait3A_96 = tpu.memref_slice %arg8[%mul3A_44] : memref<10240xf32, #tpu.memory_space<vmem_shared>> -> memref<640xf32, #tpu.memory_space<vmem_shared>>
      %dma_wait3A_97 = tpu.memref_slice %arg8[%mul3A_44] : memref<10240xf32, #tpu.memory_space<vmem_shared>> -> memref<640xf32, #tpu.memory_space<vmem_shared>>
      tpu.wait_dma2 semaphore(%run_scoped3A_94 : memref<!tpu.dma_semaphore, #tpu.memory_space<semaphore_mem>>) src(%arg7 : memref<640xf32, #tpu.memory_space<vmem>>) dst(%dma_wait3A_97 : memref<640xf32, #tpu.memory_space<vmem_shared>>)
      tpu.yield
    }) : () -> ()
    %barrier3A = arith.constant 0 : index
    tpu.barrier barrier_id(%barrier3A)
    %scan3A_45 = arith.constant 0 : i32
    %scan3A_46 = arith.constant 0 : i32
    %scan3A_47 = arith.constant 13 : i32
    %scan3A_48 = arith.addi %scan3A_46, %scan3A_47 : i32
    %scan3A_49 = arith.constant 1 : i32
    %scan3A_50 = scf.for %scan3A_94 = %scan3A_46 to %scan3A_48 step %scan3A_49 iter_args(%scan3A_95 = %scan3A_45) -> (i32)  : i32 {
      %mul3A_96 = arith.constant 6 : i32
      %mul3A_97 = arith.muli %scan3A_94, %mul3A_96 : i32
      %add3A_98 = arith.constant 0 : i32
      %add3A_99 = arith.addi %mul3A_97, %add3A_98 : i32
      %dma_start3A = arith.constant 0 : i32
      %dma_start3A_100 = tpu.memref_slice %arg4[%add3A_99, %dma_start3A] : memref<78x128xi32, #tpu.memory_space<vmem>> -> memref<1x128xi32, #tpu.memory_space<vmem>>
      %dma_start3A_101 = tpu.memref_squeeze %dma_start3A_100 : memref<1x128xi32, #tpu.memory_space<vmem>> -> memref<128xi32, #tpu.memory_space<vmem>>
      %dma_start3A_102 = arith.constant 0 : i32
      %dma_start3A_103 = tpu.memref_slice %arg8[%dma_start3A_102] : memref<10240xf32, #tpu.memory_space<vmem_shared>> -> memref<10240xf32, #tpu.memory_space<vmem_shared>>
      tpu.enqueue_indirect_dma source(%arg6 : memref<128xf32, #tpu.memory_space<vmem>>) target(%dma_start3A_103 : memref<10240xf32, #tpu.memory_space<vmem_shared>>) offsets(%dma_start3A_101 : memref<128xi32, #tpu.memory_space<vmem>>) semaphore(%arg9 : memref<!tpu.dma_semaphore, #tpu.memory_space<semaphore_mem>>) {add = true}
      %mul3A_104 = arith.constant 6 : i32
      %mul3A_105 = arith.muli %scan3A_94, %mul3A_104 : i32
      %add3A_106 = arith.constant 1 : i32
      %add3A_107 = arith.addi %mul3A_105, %add3A_106 : i32
      %dma_start3A_108 = arith.constant 0 : i32
      %dma_start3A_109 = tpu.memref_slice %arg4[%add3A_107, %dma_start3A_108] : memref<78x128xi32, #tpu.memory_space<vmem>> -> memref<1x128xi32, #tpu.memory_space<vmem>>
      %dma_start3A_110 = tpu.memref_squeeze %dma_start3A_109 : memref<1x128xi32, #tpu.memory_space<vmem>> -> memref<128xi32, #tpu.memory_space<vmem>>
      %dma_start3A_111 = arith.constant 0 : i32
      %dma_start3A_112 = tpu.memref_slice %arg8[%dma_start3A_111] : memref<10240xf32, #tpu.memory_space<vmem_shared>> -> memref<10240xf32, #tpu.memory_space<vmem_shared>>
      tpu.enqueue_indirect_dma source(%arg6 : memref<128xf32, #tpu.memory_space<vmem>>) target(%dma_start3A_112 : memref<10240xf32, #tpu.memory_space<vmem_shared>>) offsets(%dma_start3A_110 : memref<128xi32, #tpu.memory_space<vmem>>) semaphore(%arg9 : memref<!tpu.dma_semaphore, #tpu.memory_space<semaphore_mem>>) {add = true}
      %mul3A_113 = arith.constant 6 : i32
      %mul3A_114 = arith.muli %scan3A_94, %mul3A_113 : i32
      %add3A_115 = arith.constant 2 : i32
      %add3A_116 = arith.addi %mul3A_114, %add3A_115 : i32
      %dma_start3A_117 = arith.constant 0 : i32
      %dma_start3A_118 = tpu.memref_slice %arg4[%add3A_116, %dma_start3A_117] : memref<78x128xi32, #tpu.memory_space<vmem>> -> memref<1x128xi32, #tpu.memory_space<vmem>>
      %dma_start3A_119 = tpu.memref_squeeze %dma_start3A_118 : memref<1x128xi32, #tpu.memory_space<vmem>> -> memref<128xi32, #tpu.memory_space<vmem>>
      %dma_start3A_120 = arith.constant 0 : i32
      %dma_start3A_121 = tpu.memref_slice %arg8[%dma_start3A_120] : memref<10240xf32, #tpu.memory_space<vmem_shared>> -> memref<10240xf32, #tpu.memory_space<vmem_shared>>
      tpu.enqueue_indirect_dma source(%arg6 : memref<128xf32, #tpu.memory_space<vmem>>) target(%dma_start3A_121 : memref<10240xf32, #tpu.memory_space<vmem_shared>>) offsets(%dma_start3A_119 : memref<128xi32, #tpu.memory_space<vmem>>) semaphore(%arg9 : memref<!tpu.dma_semaphore, #tpu.memory_space<semaphore_mem>>) {add = true}
      %mul3A_122 = arith.constant 6 : i32
      %mul3A_123 = arith.muli %scan3A_94, %mul3A_122 : i32
      %add3A_124 = arith.constant 3 : i32
      %add3A_125 = arith.addi %mul3A_123, %add3A_124 : i32
      %dma_start3A_126 = arith.constant 0 : i32
      %dma_start3A_127 = tpu.memref_slice %arg4[%add3A_125, %dma_start3A_126] : memref<78x128xi32, #tpu.memory_space<vmem>> -> memref<1x128xi32, #tpu.memory_space<vmem>>
      %dma_start3A_128 = tpu.memref_squeeze %dma_start3A_127 : memref<1x128xi32, #tpu.memory_space<vmem>> -> memref<128xi32, #tpu.memory_space<vmem>>
      %dma_start3A_129 = arith.constant 0 : i32
      %dma_start3A_130 = tpu.memref_slice %arg8[%dma_start3A_129] : memref<10240xf32, #tpu.memory_space<vmem_shared>> -> memref<10240xf32, #tpu.memory_space<vmem_shared>>
      tpu.enqueue_indirect_dma source(%arg6 : memref<128xf32, #tpu.memory_space<vmem>>) target(%dma_start3A_130 : memref<10240xf32, #tpu.memory_space<vmem_shared>>) offsets(%dma_start3A_128 : memref<128xi32, #tpu.memory_space<vmem>>) semaphore(%arg9 : memref<!tpu.dma_semaphore, #tpu.memory_space<semaphore_mem>>) {add = true}
      %mul3A_131 = arith.constant 6 : i32
      %mul3A_132 = arith.muli %scan3A_94, %mul3A_131 : i32
      %add3A_133 = arith.constant 4 : i32
      %add3A_134 = arith.addi %mul3A_132, %add3A_133 : i32
      %dma_start3A_135 = arith.constant 0 : i32
      %dma_start3A_136 = tpu.memref_slice %arg4[%add3A_134, %dma_start3A_135] : memref<78x128xi32, #tpu.memory_space<vmem>> -> memref<1x128xi32, #tpu.memory_space<vmem>>
      %dma_start3A_137 = tpu.memref_squeeze %dma_start3A_136 : memref<1x128xi32, #tpu.memory_space<vmem>> -> memref<128xi32, #tpu.memory_space<vmem>>
      %dma_start3A_138 = arith.constant 0 : i32
      %dma_start3A_139 = tpu.memref_slice %arg8[%dma_start3A_138] : memref<10240xf32, #tpu.memory_space<vmem_shared>> -> memref<10240xf32, #tpu.memory_space<vmem_shared>>
      tpu.enqueue_indirect_dma source(%arg6 : memref<128xf32, #tpu.memory_space<vmem>>) target(%dma_start3A_139 : memref<10240xf32, #tpu.memory_space<vmem_shared>>) offsets(%dma_start3A_137 : memref<128xi32, #tpu.memory_space<vmem>>) semaphore(%arg9 : memref<!tpu.dma_semaphore, #tpu.memory_space<semaphore_mem>>) {add = true}
      %mul3A_140 = arith.constant 6 : i32
      %mul3A_141 = arith.muli %scan3A_94, %mul3A_140 : i32
      %add3A_142 = arith.constant 5 : i32
      %add3A_143 = arith.addi %mul3A_141, %add3A_142 : i32
      %dma_start3A_144 = arith.constant 0 : i32
      %dma_start3A_145 = tpu.memref_slice %arg4[%add3A_143, %dma_start3A_144] : memref<78x128xi32, #tpu.memory_space<vmem>> -> memref<1x128xi32, #tpu.memory_space<vmem>>
      %dma_start3A_146 = tpu.memref_squeeze %dma_start3A_145 : memref<1x128xi32, #tpu.memory_space<vmem>> -> memref<128xi32, #tpu.memory_space<vmem>>
      %dma_start3A_147 = arith.constant 0 : i32
      %dma_start3A_148 = tpu.memref_slice %arg8[%dma_start3A_147] : memref<10240xf32, #tpu.memory_space<vmem_shared>> -> memref<10240xf32, #tpu.memory_space<vmem_shared>>
      tpu.enqueue_indirect_dma source(%arg6 : memref<128xf32, #tpu.memory_space<vmem>>) target(%dma_start3A_148 : memref<10240xf32, #tpu.memory_space<vmem_shared>>) offsets(%dma_start3A_146 : memref<128xi32, #tpu.memory_space<vmem>>) semaphore(%arg9 : memref<!tpu.dma_semaphore, #tpu.memory_space<semaphore_mem>>) {add = true}
      %gt3A = arith.constant 0 : i32
      %gt3A_149 = arith.cmpi sgt, %scan3A_94, %gt3A : i32
      %convert_element_type3A_150 = arith.extui %gt3A_149 : i1 to i32
      %cond3A_151 = arith.constant 0 : i32
      %cond3A_152 = arith.cmpi ne, %convert_element_type3A_150, %cond3A_151 : i32
      scf.if %cond3A_152 {
        %dma_wait3A_154 = arith.constant 0 : i32
        %dma_wait3A_155 = arith.constant 0 : i32
        %dma_wait3A_156 = tpu.memref_slice %arg4[%dma_wait3A_154, %dma_wait3A_155] : memref<78x128xi32, #tpu.memory_space<vmem>> -> memref<1x128xi32, #tpu.memory_space<vmem>>
        %dma_wait3A_157 = tpu.memref_squeeze %dma_wait3A_156 : memref<1x128xi32, #tpu.memory_space<vmem>> -> memref<128xi32, #tpu.memory_space<vmem>>
        %dma_wait3A_158 = arith.constant 0 : i32
        %dma_wait3A_159 = tpu.memref_slice %arg8[%dma_wait3A_158] : memref<10240xf32, #tpu.memory_space<vmem_shared>> -> memref<10240xf32, #tpu.memory_space<vmem_shared>>
        tpu.wait_indirect_dma semaphore(%arg9 : memref<!tpu.dma_semaphore, #tpu.memory_space<semaphore_mem>>) src(%arg6 : memref<128xf32, #tpu.memory_space<vmem>>) dst(%dma_wait3A_159 : memref<10240xf32, #tpu.memory_space<vmem_shared>>)
        %dma_wait3A_160 = arith.constant 1 : i32
        %dma_wait3A_161 = arith.constant 0 : i32
        %dma_wait3A_162 = tpu.memref_slice %arg4[%dma_wait3A_160, %dma_wait3A_161] : memref<78x128xi32, #tpu.memory_space<vmem>> -> memref<1x128xi32, #tpu.memory_space<vmem>>
        %dma_wait3A_163 = tpu.memref_squeeze %dma_wait3A_162 : memref<1x128xi32, #tpu.memory_space<vmem>> -> memref<128xi32, #tpu.memory_space<vmem>>
        %dma_wait3A_164 = arith.constant 0 : i32
        %dma_wait3A_165 = tpu.memref_slice %arg8[%dma_wait3A_164] : memref<10240xf32, #tpu.memory_space<vmem_shared>> -> memref<10240xf32, #tpu.memory_space<vmem_shared>>
        tpu.wait_indirect_dma semaphore(%arg9 : memref<!tpu.dma_semaphore, #tpu.memory_space<semaphore_mem>>) src(%arg6 : memref<128xf32, #tpu.memory_space<vmem>>) dst(%dma_wait3A_165 : memref<10240xf32, #tpu.memory_space<vmem_shared>>)
        %dma_wait3A_166 = arith.constant 2 : i32
        %dma_wait3A_167 = arith.constant 0 : i32
        %dma_wait3A_168 = tpu.memref_slice %arg4[%dma_wait3A_166, %dma_wait3A_167] : memref<78x128xi32, #tpu.memory_space<vmem>> -> memref<1x128xi32, #tpu.memory_space<vmem>>
        %dma_wait3A_169 = tpu.memref_squeeze %dma_wait3A_168 : memref<1x128xi32, #tpu.memory_space<vmem>> -> memref<128xi32, #tpu.memory_space<vmem>>
        %dma_wait3A_170 = arith.constant 0 : i32
        %dma_wait3A_171 = tpu.memref_slice %arg8[%dma_wait3A_170] : memref<10240xf32, #tpu.memory_space<vmem_shared>> -> memref<10240xf32, #tpu.memory_space<vmem_shared>>
        tpu.wait_indirect_dma semaphore(%arg9 : memref<!tpu.dma_semaphore, #tpu.memory_space<semaphore_mem>>) src(%arg6 : memref<128xf32, #tpu.memory_space<vmem>>) dst(%dma_wait3A_171 : memref<10240xf32, #tpu.memory_space<vmem_shared>>)
        %dma_wait3A_172 = arith.constant 3 : i32
        %dma_wait3A_173 = arith.constant 0 : i32
        %dma_wait3A_174 = tpu.memref_slice %arg4[%dma_wait3A_172, %dma_wait3A_173] : memref<78x128xi32, #tpu.memory_space<vmem>> -> memref<1x128xi32, #tpu.memory_space<vmem>>
        %dma_wait3A_175 = tpu.memref_squeeze %dma_wait3A_174 : memref<1x128xi32, #tpu.memory_space<vmem>> -> memref<128xi32, #tpu.memory_space<vmem>>
        %dma_wait3A_176 = arith.constant 0 : i32
        %dma_wait3A_177 = tpu.memref_slice %arg8[%dma_wait3A_176] : memref<10240xf32, #tpu.memory_space<vmem_shared>> -> memref<10240xf32, #tpu.memory_space<vmem_shared>>
        tpu.wait_indirect_dma semaphore(%arg9 : memref<!tpu.dma_semaphore, #tpu.memory_space<semaphore_mem>>) src(%arg6 : memref<128xf32, #tpu.memory_space<vmem>>) dst(%dma_wait3A_177 : memref<10240xf32, #tpu.memory_space<vmem_shared>>)
        %dma_wait3A_178 = arith.constant 4 : i32
        %dma_wait3A_179 = arith.constant 0 : i32
        %dma_wait3A_180 = tpu.memref_slice %arg4[%dma_wait3A_178, %dma_wait3A_179] : memref<78x128xi32, #tpu.memory_space<vmem>> -> memref<1x128xi32, #tpu.memory_space<vmem>>
        %dma_wait3A_181 = tpu.memref_squeeze %dma_wait3A_180 : memref<1x128xi32, #tpu.memory_space<vmem>> -> memref<128xi32, #tpu.memory_space<vmem>>
        %dma_wait3A_182 = arith.constant 0 : i32
        %dma_wait3A_183 = tpu.memref_slice %arg8[%dma_wait3A_182] : memref<10240xf32, #tpu.memory_space<vmem_shared>> -> memref<10240xf32, #tpu.memory_space<vmem_shared>>
        tpu.wait_indirect_dma semaphore(%arg9 : memref<!tpu.dma_semaphore, #tpu.memory_space<semaphore_mem>>) src(%arg6 : memref<128xf32, #tpu.memory_space<vmem>>) dst(%dma_wait3A_183 : memref<10240xf32, #tpu.memory_space<vmem_shared>>)
        %dma_wait3A_184 = arith.constant 5 : i32
        %dma_wait3A_185 = arith.constant 0 : i32
        %dma_wait3A_186 = tpu.memref_slice %arg4[%dma_wait3A_184, %dma_wait3A_185] : memref<78x128xi32, #tpu.memory_space<vmem>> -> memref<1x128xi32, #tpu.memory_space<vmem>>
        %dma_wait3A_187 = tpu.memref_squeeze %dma_wait3A_186 : memref<1x128xi32, #tpu.memory_space<vmem>> -> memref<128xi32, #tpu.memory_space<vmem>>
        %dma_wait3A_188 = arith.constant 0 : i32
        %dma_wait3A_189 = tpu.memref_slice %arg8[%dma_wait3A_188] : memref<10240xf32, #tpu.memory_space<vmem_shared>> -> memref<10240xf32, #tpu.memory_space<vmem_shared>>
        tpu.wait_indirect_dma semaphore(%arg9 : memref<!tpu.dma_semaphore, #tpu.memory_space<semaphore_mem>>) src(%arg6 : memref<128xf32, #tpu.memory_space<vmem>>) dst(%dma_wait3A_189 : memref<10240xf32, #tpu.memory_space<vmem_shared>>)
      } else {
      }
      %scan3A_153 = arith.constant 0 : i32
      scf.yield %scan3A_153 : i32
    }
    %scan3A_51 = arith.constant 13 : i32
    %dma_wait3A = arith.constant 0 : i32
    %dma_wait3A_52 = arith.constant 0 : i32
    %dma_wait3A_53 = tpu.memref_slice %arg4[%dma_wait3A, %dma_wait3A_52] : memref<78x128xi32, #tpu.memory_space<vmem>> -> memref<1x128xi32, #tpu.memory_space<vmem>>
    %dma_wait3A_54 = tpu.memref_squeeze %dma_wait3A_53 : memref<1x128xi32, #tpu.memory_space<vmem>> -> memref<128xi32, #tpu.memory_space<vmem>>
    %dma_wait3A_55 = arith.constant 0 : i32
    %dma_wait3A_56 = tpu.memref_slice %arg8[%dma_wait3A_55] : memref<10240xf32, #tpu.memory_space<vmem_shared>> -> memref<10240xf32, #tpu.memory_space<vmem_shared>>
    tpu.wait_indirect_dma semaphore(%arg9 : memref<!tpu.dma_semaphore, #tpu.memory_space<semaphore_mem>>) src(%arg6 : memref<128xf32, #tpu.memory_space<vmem>>) dst(%dma_wait3A_56 : memref<10240xf32, #tpu.memory_space<vmem_shared>>)
    %dma_wait3A_57 = arith.constant 1 : i32
    %dma_wait3A_58 = arith.constant 0 : i32
    %dma_wait3A_59 = tpu.memref_slice %arg4[%dma_wait3A_57, %dma_wait3A_58] : memref<78x128xi32, #tpu.memory_space<vmem>> -> memref<1x128xi32, #tpu.memory_space<vmem>>
    %dma_wait3A_60 = tpu.memref_squeeze %dma_wait3A_59 : memref<1x128xi32, #tpu.memory_space<vmem>> -> memref<128xi32, #tpu.memory_space<vmem>>
    %dma_wait3A_61 = arith.constant 0 : i32
    %dma_wait3A_62 = tpu.memref_slice %arg8[%dma_wait3A_61] : memref<10240xf32, #tpu.memory_space<vmem_shared>> -> memref<10240xf32, #tpu.memory_space<vmem_shared>>
    tpu.wait_indirect_dma semaphore(%arg9 : memref<!tpu.dma_semaphore, #tpu.memory_space<semaphore_mem>>) src(%arg6 : memref<128xf32, #tpu.memory_space<vmem>>) dst(%dma_wait3A_62 : memref<10240xf32, #tpu.memory_space<vmem_shared>>)
    %dma_wait3A_63 = arith.constant 2 : i32
    %dma_wait3A_64 = arith.constant 0 : i32
    %dma_wait3A_65 = tpu.memref_slice %arg4[%dma_wait3A_63, %dma_wait3A_64] : memref<78x128xi32, #tpu.memory_space<vmem>> -> memref<1x128xi32, #tpu.memory_space<vmem>>
    %dma_wait3A_66 = tpu.memref_squeeze %dma_wait3A_65 : memref<1x128xi32, #tpu.memory_space<vmem>> -> memref<128xi32, #tpu.memory_space<vmem>>
    %dma_wait3A_67 = arith.constant 0 : i32
    %dma_wait3A_68 = tpu.memref_slice %arg8[%dma_wait3A_67] : memref<10240xf32, #tpu.memory_space<vmem_shared>> -> memref<10240xf32, #tpu.memory_space<vmem_shared>>
    tpu.wait_indirect_dma semaphore(%arg9 : memref<!tpu.dma_semaphore, #tpu.memory_space<semaphore_mem>>) src(%arg6 : memref<128xf32, #tpu.memory_space<vmem>>) dst(%dma_wait3A_68 : memref<10240xf32, #tpu.memory_space<vmem_shared>>)
    %dma_wait3A_69 = arith.constant 3 : i32
    %dma_wait3A_70 = arith.constant 0 : i32
    %dma_wait3A_71 = tpu.memref_slice %arg4[%dma_wait3A_69, %dma_wait3A_70] : memref<78x128xi32, #tpu.memory_space<vmem>> -> memref<1x128xi32, #tpu.memory_space<vmem>>
    %dma_wait3A_72 = tpu.memref_squeeze %dma_wait3A_71 : memref<1x128xi32, #tpu.memory_space<vmem>> -> memref<128xi32, #tpu.memory_space<vmem>>
    %dma_wait3A_73 = arith.constant 0 : i32
    %dma_wait3A_74 = tpu.memref_slice %arg8[%dma_wait3A_73] : memref<10240xf32, #tpu.memory_space<vmem_shared>> -> memref<10240xf32, #tpu.memory_space<vmem_shared>>
    tpu.wait_indirect_dma semaphore(%arg9 : memref<!tpu.dma_semaphore, #tpu.memory_space<semaphore_mem>>) src(%arg6 : memref<128xf32, #tpu.memory_space<vmem>>) dst(%dma_wait3A_74 : memref<10240xf32, #tpu.memory_space<vmem_shared>>)
    %dma_wait3A_75 = arith.constant 4 : i32
    %dma_wait3A_76 = arith.constant 0 : i32
    %dma_wait3A_77 = tpu.memref_slice %arg4[%dma_wait3A_75, %dma_wait3A_76] : memref<78x128xi32, #tpu.memory_space<vmem>> -> memref<1x128xi32, #tpu.memory_space<vmem>>
    %dma_wait3A_78 = tpu.memref_squeeze %dma_wait3A_77 : memref<1x128xi32, #tpu.memory_space<vmem>> -> memref<128xi32, #tpu.memory_space<vmem>>
    %dma_wait3A_79 = arith.constant 0 : i32
    %dma_wait3A_80 = tpu.memref_slice %arg8[%dma_wait3A_79] : memref<10240xf32, #tpu.memory_space<vmem_shared>> -> memref<10240xf32, #tpu.memory_space<vmem_shared>>
    tpu.wait_indirect_dma semaphore(%arg9 : memref<!tpu.dma_semaphore, #tpu.memory_space<semaphore_mem>>) src(%arg6 : memref<128xf32, #tpu.memory_space<vmem>>) dst(%dma_wait3A_80 : memref<10240xf32, #tpu.memory_space<vmem_shared>>)
    %dma_wait3A_81 = arith.constant 5 : i32
    %dma_wait3A_82 = arith.constant 0 : i32
    %dma_wait3A_83 = tpu.memref_slice %arg4[%dma_wait3A_81, %dma_wait3A_82] : memref<78x128xi32, #tpu.memory_space<vmem>> -> memref<1x128xi32, #tpu.memory_space<vmem>>
    %dma_wait3A_84 = tpu.memref_squeeze %dma_wait3A_83 : memref<1x128xi32, #tpu.memory_space<vmem>> -> memref<128xi32, #tpu.memory_space<vmem>>
    %dma_wait3A_85 = arith.constant 0 : i32
    %dma_wait3A_86 = tpu.memref_slice %arg8[%dma_wait3A_85] : memref<10240xf32, #tpu.memory_space<vmem_shared>> -> memref<10240xf32, #tpu.memory_space<vmem_shared>>
    tpu.wait_indirect_dma semaphore(%arg9 : memref<!tpu.dma_semaphore, #tpu.memory_space<semaphore_mem>>) src(%arg6 : memref<128xf32, #tpu.memory_space<vmem>>) dst(%dma_wait3A_86 : memref<10240xf32, #tpu.memory_space<vmem_shared>>)
    %lt3A = arith.constant 2 : i32
    %lt3A_87 = arith.cmpi slt, %arg1, %lt3A : i32
    %convert_element_type3A = arith.extui %lt3A_87 : i1 to i32
    %cond3A = arith.constant 0 : i32
    %cond3A_88 = arith.cmpi ne, %convert_element_type3A, %cond3A : i32
    scf.if %cond3A_88 {
      %mul3A_94 = arith.constant 2 : i32
      %mul3A_95 = arith.muli %arg0, %mul3A_94 : i32
      %add3A_96 = arith.constant 2496 : i32
      %add3A_97 = arith.addi %add3A_96, %mul3A_95 : i32
      %add3A_98 = arith.addi %add3A_97, %arg1 : i32
      %run_scoped3A_99 = arith.constant 1 : i32
      "tpu.region"() ({
        %run_scoped3A_101 = tpu.sem_alloc : memref<!tpu.dma_semaphore, #tpu.memory_space<semaphore_mem>>
        %dma_start3A = arith.constant 0 : i32
        %dma_start3A_102 = tpu.memref_slice %arg2[%run_scoped3A_99, %add3A_98, %dma_start3A] : memref<2x2500x128xi32, #tpu.memory_space<hbm>> -> memref<1x1x128xi32, #tpu.memory_space<hbm>>
        %dma_start3A_103 = tpu.memref_squeeze %dma_start3A_102 : memref<1x1x128xi32, #tpu.memory_space<hbm>> -> memref<1x128xi32, #tpu.memory_space<hbm>>
        %dma_start3A_104 = arith.constant 0 : i32
        %dma_start3A_105 = tpu.memref_slice %arg2[%run_scoped3A_99, %add3A_98, %dma_start3A_104] : memref<2x2500x128xi32, #tpu.memory_space<hbm>> -> memref<1x1x128xi32, #tpu.memory_space<hbm>>
        %dma_start3A_106 = tpu.memref_squeeze %dma_start3A_105 : memref<1x1x128xi32, #tpu.memory_space<hbm>> -> memref<1x128xi32, #tpu.memory_space<hbm>>
        tpu.enqueue_dma source(%dma_start3A_106 : memref<1x128xi32, #tpu.memory_space<hbm>>) target(%arg5 : memref<1x128xi32, #tpu.memory_space<vmem>>) target_semaphore(%run_scoped3A_101 : memref<!tpu.dma_semaphore, #tpu.memory_space<semaphore_mem>>)
        %dma_wait3A_107 = arith.constant 0 : i32
        %dma_wait3A_108 = tpu.memref_slice %arg2[%run_scoped3A_99, %add3A_98, %dma_wait3A_107] : memref<2x2500x128xi32, #tpu.memory_space<hbm>> -> memref<1x1x128xi32, #tpu.memory_space<hbm>>
        %dma_wait3A_109 = tpu.memref_squeeze %dma_wait3A_108 : memref<1x1x128xi32, #tpu.memory_space<hbm>> -> memref<1x128xi32, #tpu.memory_space<hbm>>
        %dma_wait3A_110 = arith.constant 0 : i32
        %dma_wait3A_111 = tpu.memref_slice %arg2[%run_scoped3A_99, %add3A_98, %dma_wait3A_110] : memref<2x2500x128xi32, #tpu.memory_space<hbm>> -> memref<1x1x128xi32, #tpu.memory_space<hbm>>
        %dma_wait3A_112 = tpu.memref_squeeze %dma_wait3A_111 : memref<1x1x128xi32, #tpu.memory_space<hbm>> -> memref<1x128xi32, #tpu.memory_space<hbm>>
        tpu.wait_dma2 semaphore(%run_scoped3A_101 : memref<!tpu.dma_semaphore, #tpu.memory_space<semaphore_mem>>) src(%dma_wait3A_112 : memref<1x128xi32, #tpu.memory_space<hbm>>) dst(%arg5 : memref<1x128xi32, #tpu.memory_space<vmem>>)
        tpu.yield
      }) : () -> ()
      %run_scoped3A_100 = arith.constant 0 : i32
      "tpu.region"() ({
        %run_scoped3A_101 = tpu.sem_alloc : memref<!tpu.dma_semaphore, #tpu.memory_space<semaphore_mem>>
        %dma_start3A = arith.constant 0 : i32
        %dma_start3A_102 = tpu.memref_slice %arg5[%run_scoped3A_100, %dma_start3A] : memref<1x128xi32, #tpu.memory_space<vmem>> -> memref<1x128xi32, #tpu.memory_space<vmem>>
        %dma_start3A_103 = tpu.memref_squeeze %dma_start3A_102 : memref<1x128xi32, #tpu.memory_space<vmem>> -> memref<128xi32, #tpu.memory_space<vmem>>
        %dma_start3A_104 = arith.constant 0 : i32
        %dma_start3A_105 = tpu.memref_slice %arg8[%dma_start3A_104] : memref<10240xf32, #tpu.memory_space<vmem_shared>> -> memref<10240xf32, #tpu.memory_space<vmem_shared>>
        tpu.enqueue_indirect_dma source(%arg6 : memref<128xf32, #tpu.memory_space<vmem>>) target(%dma_start3A_105 : memref<10240xf32, #tpu.memory_space<vmem_shared>>) offsets(%dma_start3A_103 : memref<128xi32, #tpu.memory_space<vmem>>) semaphore(%run_scoped3A_101 : memref<!tpu.dma_semaphore, #tpu.memory_space<semaphore_mem>>) {add = true}
        %dma_wait3A_106 = arith.constant 0 : i32
        %dma_wait3A_107 = tpu.memref_slice %arg5[%run_scoped3A_100, %dma_wait3A_106] : memref<1x128xi32, #tpu.memory_space<vmem>> -> memref<1x128xi32, #tpu.memory_space<vmem>>
        %dma_wait3A_108 = tpu.memref_squeeze %dma_wait3A_107 : memref<1x128xi32, #tpu.memory_space<vmem>> -> memref<128xi32, #tpu.memory_space<vmem>>
        %dma_wait3A_109 = arith.constant 0 : i32
        %dma_wait3A_110 = tpu.memref_slice %arg8[%dma_wait3A_109] : memref<10240xf32, #tpu.memory_space<vmem_shared>> -> memref<10240xf32, #tpu.memory_space<vmem_shared>>
        tpu.wait_indirect_dma semaphore(%run_scoped3A_101 : memref<!tpu.dma_semaphore, #tpu.memory_space<semaphore_mem>>) src(%arg6 : memref<128xf32, #tpu.memory_space<vmem>>) dst(%dma_wait3A_110 : memref<10240xf32, #tpu.memory_space<vmem_shared>>)
        tpu.yield
      }) : () -> ()
    } else {
    }
    %barrier3A_89 = arith.constant 0 : index
    tpu.barrier barrier_id(%barrier3A_89)
    %mul3A_90 = arith.constant 640 : i32
    %mul3A_91 = arith.muli %arg1, %mul3A_90 : i32
    %mul3A_92 = arith.constant 640 : i32
    %mul3A_93 = arith.muli %arg1, %mul3A_92 : i32
    "tpu.region"() ({
      %run_scoped3A_94 = tpu.sem_alloc : memref<!tpu.dma_semaphore, #tpu.memory_space<semaphore_mem>>
      %dma_start3A = tpu.memref_slice %arg3[%arg0, %mul3A_93] : memref<2x10240xf32, #tpu.memory_space<hbm>> -> memref<1x640xf32, #tpu.memory_space<hbm>>
      %dma_start3A_95 = tpu.memref_squeeze %dma_start3A : memref<1x640xf32, #tpu.memory_space<hbm>> -> memref<640xf32, #tpu.memory_space<hbm>>
      %dma_start3A_96 = tpu.memref_slice %arg8[%mul3A_91] : memref<10240xf32, #tpu.memory_space<vmem_shared>> -> memref<640xf32, #tpu.memory_space<vmem_shared>>
      tpu.enqueue_dma source(%dma_start3A_96 : memref<640xf32, #tpu.memory_space<vmem_shared>>) target(%dma_start3A_95 : memref<640xf32, #tpu.memory_space<hbm>>) target_semaphore(%run_scoped3A_94 : memref<!tpu.dma_semaphore, #tpu.memory_space<semaphore_mem>>)
      %dma_wait3A_97 = tpu.memref_slice %arg3[%arg0, %mul3A_93] : memref<2x10240xf32, #tpu.memory_space<hbm>> -> memref<1x640xf32, #tpu.memory_space<hbm>>
      %dma_wait3A_98 = tpu.memref_squeeze %dma_wait3A_97 : memref<1x640xf32, #tpu.memory_space<hbm>> -> memref<640xf32, #tpu.memory_space<hbm>>
      %dma_wait3A_99 = tpu.memref_slice %arg8[%mul3A_91] : memref<10240xf32, #tpu.memory_space<vmem_shared>> -> memref<640xf32, #tpu.memory_space<vmem_shared>>
      tpu.wait_dma2 semaphore(%run_scoped3A_94 : memref<!tpu.dma_semaphore, #tpu.memory_space<semaphore_mem>>) src(%dma_wait3A_99 : memref<640xf32, #tpu.memory_space<vmem_shared>>) dst(%dma_wait3A_98 : memref<640xf32, #tpu.memory_space<hbm>>)
      tpu.yield
    }) : () -> ()
    return
  }
}

#map = affine_map<(d0, d1) -> (0, 0, 0)>
module attributes {stable_mosaic.version = 14 : i64} {
  func.func @edge(%arg0: i32, %arg1: i32, %arg2: memref<2x10240x64xf32, #tpu.memory_space<hbm>>, %arg3: memref<2x2500x128xi32, #tpu.memory_space<hbm>>, %arg4: memref<2x10240x64xf32, #tpu.memory_space<hbm>>, %arg5: memref<78x128xi32, #tpu.memory_space<vmem>>, %arg6: memref<78x128xi32, #tpu.memory_space<vmem>>, %arg7: memref<1x128xi32, #tpu.memory_space<vmem>>, %arg8: memref<1x128xi32, #tpu.memory_space<vmem>>, %arg9: memref<6x128x64xf32, #tpu.memory_space<vmem>>, %arg10: memref<10240x64xf32, #tpu.memory_space<vmem_shared>>, %arg11: memref<!tpu.dma_semaphore, #tpu.memory_space<semaphore_mem>>, %arg12: memref<!tpu.dma_semaphore, #tpu.memory_space<semaphore_mem>>, %arg13: memref<!tpu.dma_semaphore, #tpu.memory_space<semaphore_mem>>, %arg14: memref<!tpu.dma_semaphore, #tpu.memory_space<semaphore_mem>>) attributes {dimension_semantics = [#tpu.dimension_semantics<core_parallel>, #tpu.dimension_semantics<subcore_parallel>], iteration_bounds = array<i64: 2, 16>, scalar_prefetch = 0 : i64, scratch_operands = 10 : i64, tpu.core_type = #tpu.core_type<sc_vector_subcore>, window_params = [{transform_indices = #map}, {transform_indices = #map}, {transform_indices = #map}]} {
    %mul3A = arith.constant 156 : i32
    %mul3A_0 = arith.muli %arg1, %mul3A : i32
    %run_scoped3A = arith.constant 0 : i32
    "tpu.region"() ({
      %run_scoped3A_773 = tpu.sem_alloc : memref<!tpu.dma_semaphore, #tpu.memory_space<semaphore_mem>>
      %dma_start3A_774 = arith.constant 0 : i32
      %dma_start3A_775 = tpu.memref_slice %arg3[%run_scoped3A, %mul3A_0, %dma_start3A_774] : memref<2x2500x128xi32, #tpu.memory_space<hbm>> -> memref<1x78x128xi32, #tpu.memory_space<hbm>>
      %dma_start3A_776 = tpu.memref_squeeze %dma_start3A_775 : memref<1x78x128xi32, #tpu.memory_space<hbm>> -> memref<78x128xi32, #tpu.memory_space<hbm>>
      %dma_start3A_777 = arith.constant 0 : i32
      %dma_start3A_778 = tpu.memref_slice %arg3[%run_scoped3A, %mul3A_0, %dma_start3A_777] : memref<2x2500x128xi32, #tpu.memory_space<hbm>> -> memref<1x78x128xi32, #tpu.memory_space<hbm>>
      %dma_start3A_779 = tpu.memref_squeeze %dma_start3A_778 : memref<1x78x128xi32, #tpu.memory_space<hbm>> -> memref<78x128xi32, #tpu.memory_space<hbm>>
      tpu.enqueue_dma source(%dma_start3A_779 : memref<78x128xi32, #tpu.memory_space<hbm>>) target(%arg5 : memref<78x128xi32, #tpu.memory_space<vmem>>) target_semaphore(%run_scoped3A_773 : memref<!tpu.dma_semaphore, #tpu.memory_space<semaphore_mem>>)
      %dma_wait3A_780 = arith.constant 0 : i32
      %dma_wait3A_781 = tpu.memref_slice %arg3[%run_scoped3A, %mul3A_0, %dma_wait3A_780] : memref<2x2500x128xi32, #tpu.memory_space<hbm>> -> memref<1x78x128xi32, #tpu.memory_space<hbm>>
      %dma_wait3A_782 = tpu.memref_squeeze %dma_wait3A_781 : memref<1x78x128xi32, #tpu.memory_space<hbm>> -> memref<78x128xi32, #tpu.memory_space<hbm>>
      %dma_wait3A_783 = arith.constant 0 : i32
      %dma_wait3A_784 = tpu.memref_slice %arg3[%run_scoped3A, %mul3A_0, %dma_wait3A_783] : memref<2x2500x128xi32, #tpu.memory_space<hbm>> -> memref<1x78x128xi32, #tpu.memory_space<hbm>>
      %dma_wait3A_785 = tpu.memref_squeeze %dma_wait3A_784 : memref<1x78x128xi32, #tpu.memory_space<hbm>> -> memref<78x128xi32, #tpu.memory_space<hbm>>
      tpu.wait_dma2 semaphore(%run_scoped3A_773 : memref<!tpu.dma_semaphore, #tpu.memory_space<semaphore_mem>>) src(%dma_wait3A_785 : memref<78x128xi32, #tpu.memory_space<hbm>>) dst(%arg5 : memref<78x128xi32, #tpu.memory_space<vmem>>)
      tpu.yield
    }) : () -> ()
    %run_scoped3A_1 = arith.constant 1 : i32
    "tpu.region"() ({
      %run_scoped3A_773 = tpu.sem_alloc : memref<!tpu.dma_semaphore, #tpu.memory_space<semaphore_mem>>
      %dma_start3A_774 = arith.constant 0 : i32
      %dma_start3A_775 = tpu.memref_slice %arg3[%run_scoped3A_1, %mul3A_0, %dma_start3A_774] : memref<2x2500x128xi32, #tpu.memory_space<hbm>> -> memref<1x78x128xi32, #tpu.memory_space<hbm>>
      %dma_start3A_776 = tpu.memref_squeeze %dma_start3A_775 : memref<1x78x128xi32, #tpu.memory_space<hbm>> -> memref<78x128xi32, #tpu.memory_space<hbm>>
      %dma_start3A_777 = arith.constant 0 : i32
      %dma_start3A_778 = tpu.memref_slice %arg3[%run_scoped3A_1, %mul3A_0, %dma_start3A_777] : memref<2x2500x128xi32, #tpu.memory_space<hbm>> -> memref<1x78x128xi32, #tpu.memory_space<hbm>>
      %dma_start3A_779 = tpu.memref_squeeze %dma_start3A_778 : memref<1x78x128xi32, #tpu.memory_space<hbm>> -> memref<78x128xi32, #tpu.memory_space<hbm>>
      tpu.enqueue_dma source(%dma_start3A_779 : memref<78x128xi32, #tpu.memory_space<hbm>>) target(%arg6 : memref<78x128xi32, #tpu.memory_space<vmem>>) target_semaphore(%run_scoped3A_773 : memref<!tpu.dma_semaphore, #tpu.memory_space<semaphore_mem>>)
      %dma_wait3A_780 = arith.constant 0 : i32
      %dma_wait3A_781 = tpu.memref_slice %arg3[%run_scoped3A_1, %mul3A_0, %dma_wait3A_780] : memref<2x2500x128xi32, #tpu.memory_space<hbm>> -> memref<1x78x128xi32, #tpu.memory_space<hbm>>
      %dma_wait3A_782 = tpu.memref_squeeze %dma_wait3A_781 : memref<1x78x128xi32, #tpu.memory_space<hbm>> -> memref<78x128xi32, #tpu.memory_space<hbm>>
      %dma_wait3A_783 = arith.constant 0 : i32
      %dma_wait3A_784 = tpu.memref_slice %arg3[%run_scoped3A_1, %mul3A_0, %dma_wait3A_783] : memref<2x2500x128xi32, #tpu.memory_space<hbm>> -> memref<1x78x128xi32, #tpu.memory_space<hbm>>
      %dma_wait3A_785 = tpu.memref_squeeze %dma_wait3A_784 : memref<1x78x128xi32, #tpu.memory_space<hbm>> -> memref<78x128xi32, #tpu.memory_space<hbm>>
      tpu.wait_dma2 semaphore(%run_scoped3A_773 : memref<!tpu.dma_semaphore, #tpu.memory_space<semaphore_mem>>) src(%dma_wait3A_785 : memref<78x128xi32, #tpu.memory_space<hbm>>) dst(%arg6 : memref<78x128xi32, #tpu.memory_space<vmem>>)
      tpu.yield
    }) : () -> ()
    %dma_start3A = arith.constant 0 : i32
    %dma_start3A_2 = arith.constant 0 : i32
    %dma_start3A_3 = arith.constant 0 : i32
    %dma_start3A_4 = arith.constant 0 : i32
    %dma_start3A_5 = tpu.memref_slice %arg9[%dma_start3A_2, %dma_start3A_3, %dma_start3A_4] : memref<6x128x64xf32, #tpu.memory_space<vmem>> -> memref<1x128x64xf32, #tpu.memory_space<vmem>>
    %dma_start3A_6 = tpu.memref_squeeze %dma_start3A_5 : memref<1x128x64xf32, #tpu.memory_space<vmem>> -> memref<128x64xf32, #tpu.memory_space<vmem>>
    %dma_start3A_7 = arith.constant 0 : i32
    %dma_start3A_8 = tpu.memref_slice %arg5[%dma_start3A, %dma_start3A_7] : memref<78x128xi32, #tpu.memory_space<vmem>> -> memref<1x128xi32, #tpu.memory_space<vmem>>
    %dma_start3A_9 = tpu.memref_squeeze %dma_start3A_8 : memref<1x128xi32, #tpu.memory_space<vmem>> -> memref<128xi32, #tpu.memory_space<vmem>>
    %dma_start3A_10 = arith.constant 0 : i32
    %dma_start3A_11 = arith.constant 0 : i32
    %dma_start3A_12 = tpu.memref_slice %arg2[%arg0, %dma_start3A_10, %dma_start3A_11] : memref<2x10240x64xf32, #tpu.memory_space<hbm>> -> memref<1x10240x64xf32, #tpu.memory_space<hbm>>
    %dma_start3A_13 = tpu.memref_squeeze %dma_start3A_12 : memref<1x10240x64xf32, #tpu.memory_space<hbm>> -> memref<10240x64xf32, #tpu.memory_space<hbm>>
    %dma_start3A_14 = arith.constant 0 : i32
    %dma_start3A_15 = arith.constant 0 : i32
    %dma_start3A_16 = tpu.memref_slice %dma_start3A_13[%dma_start3A_14, %dma_start3A_15] : memref<10240x64xf32, #tpu.memory_space<hbm>> -> memref<10240x64xf32, #tpu.memory_space<hbm>>
    tpu.enqueue_indirect_dma source(%dma_start3A_16 : memref<10240x64xf32, #tpu.memory_space<hbm>>) target(%dma_start3A_6 : memref<128x64xf32, #tpu.memory_space<vmem>>) offsets(%dma_start3A_9 : memref<128xi32, #tpu.memory_space<vmem>>) semaphore(%arg11 : memref<!tpu.dma_semaphore, #tpu.memory_space<semaphore_mem>>)
    %dma_start3A_17 = arith.constant 1 : i32
    %dma_start3A_18 = arith.constant 1 : i32
    %dma_start3A_19 = arith.constant 0 : i32
    %dma_start3A_20 = arith.constant 0 : i32
    %dma_start3A_21 = tpu.memref_slice %arg9[%dma_start3A_18, %dma_start3A_19, %dma_start3A_20] : memref<6x128x64xf32, #tpu.memory_space<vmem>> -> memref<1x128x64xf32, #tpu.memory_space<vmem>>
    %dma_start3A_22 = tpu.memref_squeeze %dma_start3A_21 : memref<1x128x64xf32, #tpu.memory_space<vmem>> -> memref<128x64xf32, #tpu.memory_space<vmem>>
    %dma_start3A_23 = arith.constant 0 : i32
    %dma_start3A_24 = tpu.memref_slice %arg5[%dma_start3A_17, %dma_start3A_23] : memref<78x128xi32, #tpu.memory_space<vmem>> -> memref<1x128xi32, #tpu.memory_space<vmem>>
    %dma_start3A_25 = tpu.memref_squeeze %dma_start3A_24 : memref<1x128xi32, #tpu.memory_space<vmem>> -> memref<128xi32, #tpu.memory_space<vmem>>
    %dma_start3A_26 = arith.constant 0 : i32
    %dma_start3A_27 = arith.constant 0 : i32
    %dma_start3A_28 = tpu.memref_slice %arg2[%arg0, %dma_start3A_26, %dma_start3A_27] : memref<2x10240x64xf32, #tpu.memory_space<hbm>> -> memref<1x10240x64xf32, #tpu.memory_space<hbm>>
    %dma_start3A_29 = tpu.memref_squeeze %dma_start3A_28 : memref<1x10240x64xf32, #tpu.memory_space<hbm>> -> memref<10240x64xf32, #tpu.memory_space<hbm>>
    %dma_start3A_30 = arith.constant 0 : i32
    %dma_start3A_31 = arith.constant 0 : i32
    %dma_start3A_32 = tpu.memref_slice %dma_start3A_29[%dma_start3A_30, %dma_start3A_31] : memref<10240x64xf32, #tpu.memory_space<hbm>> -> memref<10240x64xf32, #tpu.memory_space<hbm>>
    tpu.enqueue_indirect_dma source(%dma_start3A_32 : memref<10240x64xf32, #tpu.memory_space<hbm>>) target(%dma_start3A_22 : memref<128x64xf32, #tpu.memory_space<vmem>>) offsets(%dma_start3A_25 : memref<128xi32, #tpu.memory_space<vmem>>) semaphore(%arg11 : memref<!tpu.dma_semaphore, #tpu.memory_space<semaphore_mem>>)
    %dma_start3A_33 = arith.constant 2 : i32
    %dma_start3A_34 = arith.constant 2 : i32
    %dma_start3A_35 = arith.constant 0 : i32
    %dma_start3A_36 = arith.constant 0 : i32
    %dma_start3A_37 = tpu.memref_slice %arg9[%dma_start3A_34, %dma_start3A_35, %dma_start3A_36] : memref<6x128x64xf32, #tpu.memory_space<vmem>> -> memref<1x128x64xf32, #tpu.memory_space<vmem>>
    %dma_start3A_38 = tpu.memref_squeeze %dma_start3A_37 : memref<1x128x64xf32, #tpu.memory_space<vmem>> -> memref<128x64xf32, #tpu.memory_space<vmem>>
    %dma_start3A_39 = arith.constant 0 : i32
    %dma_start3A_40 = tpu.memref_slice %arg5[%dma_start3A_33, %dma_start3A_39] : memref<78x128xi32, #tpu.memory_space<vmem>> -> memref<1x128xi32, #tpu.memory_space<vmem>>
    %dma_start3A_41 = tpu.memref_squeeze %dma_start3A_40 : memref<1x128xi32, #tpu.memory_space<vmem>> -> memref<128xi32, #tpu.memory_space<vmem>>
    %dma_start3A_42 = arith.constant 0 : i32
    %dma_start3A_43 = arith.constant 0 : i32
    %dma_start3A_44 = tpu.memref_slice %arg2[%arg0, %dma_start3A_42, %dma_start3A_43] : memref<2x10240x64xf32, #tpu.memory_space<hbm>> -> memref<1x10240x64xf32, #tpu.memory_space<hbm>>
    %dma_start3A_45 = tpu.memref_squeeze %dma_start3A_44 : memref<1x10240x64xf32, #tpu.memory_space<hbm>> -> memref<10240x64xf32, #tpu.memory_space<hbm>>
    %dma_start3A_46 = arith.constant 0 : i32
    %dma_start3A_47 = arith.constant 0 : i32
    %dma_start3A_48 = tpu.memref_slice %dma_start3A_45[%dma_start3A_46, %dma_start3A_47] : memref<10240x64xf32, #tpu.memory_space<hbm>> -> memref<10240x64xf32, #tpu.memory_space<hbm>>
    tpu.enqueue_indirect_dma source(%dma_start3A_48 : memref<10240x64xf32, #tpu.memory_space<hbm>>) target(%dma_start3A_38 : memref<128x64xf32, #tpu.memory_space<vmem>>) offsets(%dma_start3A_41 : memref<128xi32, #tpu.memory_space<vmem>>) semaphore(%arg11 : memref<!tpu.dma_semaphore, #tpu.memory_space<semaphore_mem>>)
    %mul3A_49 = arith.constant 640 : i32
    %mul3A_50 = arith.muli %arg1, %mul3A_49 : i32
    %mul3A_51 = arith.constant 640 : i32
    %mul3A_52 = arith.muli %arg1, %mul3A_51 : i32
    "tpu.region"() ({
      %run_scoped3A_773 = tpu.sem_alloc : memref<!tpu.dma_semaphore, #tpu.memory_space<semaphore_mem>>
      %dma_start3A_774 = arith.constant 0 : i32
      %dma_start3A_775 = tpu.memref_slice %arg10[%mul3A_52, %dma_start3A_774] : memref<10240x64xf32, #tpu.memory_space<vmem_shared>> -> memref<640x64xf32, #tpu.memory_space<vmem_shared>>
      %dma_start3A_776 = arith.constant 0 : i32
      %dma_start3A_777 = tpu.memref_slice %arg2[%arg0, %mul3A_50, %dma_start3A_776] : memref<2x10240x64xf32, #tpu.memory_space<hbm>> -> memref<1x640x64xf32, #tpu.memory_space<hbm>>
      %dma_start3A_778 = tpu.memref_squeeze %dma_start3A_777 : memref<1x640x64xf32, #tpu.memory_space<hbm>> -> memref<640x64xf32, #tpu.memory_space<hbm>>
      tpu.enqueue_dma source(%dma_start3A_778 : memref<640x64xf32, #tpu.memory_space<hbm>>) target(%dma_start3A_775 : memref<640x64xf32, #tpu.memory_space<vmem_shared>>) target_semaphore(%run_scoped3A_773 : memref<!tpu.dma_semaphore, #tpu.memory_space<semaphore_mem>>)
      %dma_wait3A_779 = arith.constant 0 : i32
      %dma_wait3A_780 = tpu.memref_slice %arg10[%mul3A_52, %dma_wait3A_779] : memref<10240x64xf32, #tpu.memory_space<vmem_shared>> -> memref<640x64xf32, #tpu.memory_space<vmem_shared>>
      %dma_wait3A_781 = arith.constant 0 : i32
      %dma_wait3A_782 = tpu.memref_slice %arg2[%arg0, %mul3A_50, %dma_wait3A_781] : memref<2x10240x64xf32, #tpu.memory_space<hbm>> -> memref<1x640x64xf32, #tpu.memory_space<hbm>>
      %dma_wait3A_783 = tpu.memref_squeeze %dma_wait3A_782 : memref<1x640x64xf32, #tpu.memory_space<hbm>> -> memref<640x64xf32, #tpu.memory_space<hbm>>
      tpu.wait_dma2 semaphore(%run_scoped3A_773 : memref<!tpu.dma_semaphore, #tpu.memory_space<semaphore_mem>>) src(%dma_wait3A_783 : memref<640x64xf32, #tpu.memory_space<hbm>>) dst(%dma_wait3A_780 : memref<640x64xf32, #tpu.memory_space<vmem_shared>>)
      tpu.yield
    }) : () -> ()
    %barrier3A = arith.constant 0 : index
    tpu.barrier barrier_id(%barrier3A)
    %scan3A = arith.constant 0 : i32
    %scan3A_53 = arith.constant 0 : i32
    %scan3A_54 = arith.constant 12 : i32
    %scan3A_55 = arith.addi %scan3A_53, %scan3A_54 : i32
    %scan3A_56 = arith.constant 1 : i32
    %scan3A_57 = scf.for %scan3A_773 = %scan3A_53 to %scan3A_55 step %scan3A_56 iter_args(%scan3A_774 = %scan3A) -> (i32)  : i32 {
      %mul3A_775 = arith.constant 2 : i32
      %mul3A_776 = arith.muli %scan3A_773, %mul3A_775 : i32
      %mul3A_777 = arith.constant 3 : i32
      %mul3A_778 = arith.muli %mul3A_776, %mul3A_777 : i32
      %add3A_779 = arith.constant 3 : i32
      %add3A_780 = arith.addi %mul3A_778, %add3A_779 : i32
      %add3A_781 = arith.constant 0 : i32
      %add3A_782 = arith.addi %mul3A_778, %add3A_781 : i32
      %dma_wait3A_783 = arith.constant 0 : i32
      %dma_wait3A_784 = arith.constant 0 : i32
      %dma_wait3A_785 = arith.constant 0 : i32
      %dma_wait3A_786 = tpu.memref_slice %arg9[%dma_wait3A_783, %dma_wait3A_784, %dma_wait3A_785] : memref<6x128x64xf32, #tpu.memory_space<vmem>> -> memref<1x128x64xf32, #tpu.memory_space<vmem>>
      %dma_wait3A_787 = tpu.memref_squeeze %dma_wait3A_786 : memref<1x128x64xf32, #tpu.memory_space<vmem>> -> memref<128x64xf32, #tpu.memory_space<vmem>>
      %dma_wait3A_788 = arith.constant 0 : i32
      %dma_wait3A_789 = tpu.memref_slice %arg5[%add3A_782, %dma_wait3A_788] : memref<78x128xi32, #tpu.memory_space<vmem>> -> memref<1x128xi32, #tpu.memory_space<vmem>>
      %dma_wait3A_790 = tpu.memref_squeeze %dma_wait3A_789 : memref<1x128xi32, #tpu.memory_space<vmem>> -> memref<128xi32, #tpu.memory_space<vmem>>
      %dma_wait3A_791 = arith.constant 0 : i32
      %dma_wait3A_792 = arith.constant 0 : i32
      %dma_wait3A_793 = tpu.memref_slice %arg2[%arg0, %dma_wait3A_791, %dma_wait3A_792] : memref<2x10240x64xf32, #tpu.memory_space<hbm>> -> memref<1x10240x64xf32, #tpu.memory_space<hbm>>
      %dma_wait3A_794 = tpu.memref_squeeze %dma_wait3A_793 : memref<1x10240x64xf32, #tpu.memory_space<hbm>> -> memref<10240x64xf32, #tpu.memory_space<hbm>>
      %dma_wait3A_795 = arith.constant 0 : i32
      %dma_wait3A_796 = arith.constant 0 : i32
      %dma_wait3A_797 = tpu.memref_slice %dma_wait3A_794[%dma_wait3A_795, %dma_wait3A_796] : memref<10240x64xf32, #tpu.memory_space<hbm>> -> memref<10240x64xf32, #tpu.memory_space<hbm>>
      tpu.wait_indirect_dma semaphore(%arg11 : memref<!tpu.dma_semaphore, #tpu.memory_space<semaphore_mem>>) src(%dma_wait3A_797 : memref<10240x64xf32, #tpu.memory_space<hbm>>) dst(%dma_wait3A_787 : memref<128x64xf32, #tpu.memory_space<vmem>>)
      %add3A_798 = arith.constant 1 : i32
      %add3A_799 = arith.addi %mul3A_778, %add3A_798 : i32
      %dma_wait3A_800 = arith.constant 1 : i32
      %dma_wait3A_801 = arith.constant 0 : i32
      %dma_wait3A_802 = arith.constant 0 : i32
      %dma_wait3A_803 = tpu.memref_slice %arg9[%dma_wait3A_800, %dma_wait3A_801, %dma_wait3A_802] : memref<6x128x64xf32, #tpu.memory_space<vmem>> -> memref<1x128x64xf32, #tpu.memory_space<vmem>>
      %dma_wait3A_804 = tpu.memref_squeeze %dma_wait3A_803 : memref<1x128x64xf32, #tpu.memory_space<vmem>> -> memref<128x64xf32, #tpu.memory_space<vmem>>
      %dma_wait3A_805 = arith.constant 0 : i32
      %dma_wait3A_806 = tpu.memref_slice %arg5[%add3A_799, %dma_wait3A_805] : memref<78x128xi32, #tpu.memory_space<vmem>> -> memref<1x128xi32, #tpu.memory_space<vmem>>
      %dma_wait3A_807 = tpu.memref_squeeze %dma_wait3A_806 : memref<1x128xi32, #tpu.memory_space<vmem>> -> memref<128xi32, #tpu.memory_space<vmem>>
      %dma_wait3A_808 = arith.constant 0 : i32
      %dma_wait3A_809 = arith.constant 0 : i32
      %dma_wait3A_810 = tpu.memref_slice %arg2[%arg0, %dma_wait3A_808, %dma_wait3A_809] : memref<2x10240x64xf32, #tpu.memory_space<hbm>> -> memref<1x10240x64xf32, #tpu.memory_space<hbm>>
      %dma_wait3A_811 = tpu.memref_squeeze %dma_wait3A_810 : memref<1x10240x64xf32, #tpu.memory_space<hbm>> -> memref<10240x64xf32, #tpu.memory_space<hbm>>
      %dma_wait3A_812 = arith.constant 0 : i32
      %dma_wait3A_813 = arith.constant 0 : i32
      %dma_wait3A_814 = tpu.memref_slice %dma_wait3A_811[%dma_wait3A_812, %dma_wait3A_813] : memref<10240x64xf32, #tpu.memory_space<hbm>> -> memref<10240x64xf32, #tpu.memory_space<hbm>>
      tpu.wait_indirect_dma semaphore(%arg11 : memref<!tpu.dma_semaphore, #tpu.memory_space<semaphore_mem>>) src(%dma_wait3A_814 : memref<10240x64xf32, #tpu.memory_space<hbm>>) dst(%dma_wait3A_804 : memref<128x64xf32, #tpu.memory_space<vmem>>)
      %add3A_815 = arith.constant 2 : i32
      %add3A_816 = arith.addi %mul3A_778, %add3A_815 : i32
      %dma_wait3A_817 = arith.constant 2 : i32
      %dma_wait3A_818 = arith.constant 0 : i32
      %dma_wait3A_819 = arith.constant 0 : i32
      %dma_wait3A_820 = tpu.memref_slice %arg9[%dma_wait3A_817, %dma_wait3A_818, %dma_wait3A_819] : memref<6x128x64xf32, #tpu.memory_space<vmem>> -> memref<1x128x64xf32, #tpu.memory_space<vmem>>
      %dma_wait3A_821 = tpu.memref_squeeze %dma_wait3A_820 : memref<1x128x64xf32, #tpu.memory_space<vmem>> -> memref<128x64xf32, #tpu.memory_space<vmem>>
      %dma_wait3A_822 = arith.constant 0 : i32
      %dma_wait3A_823 = tpu.memref_slice %arg5[%add3A_816, %dma_wait3A_822] : memref<78x128xi32, #tpu.memory_space<vmem>> -> memref<1x128xi32, #tpu.memory_space<vmem>>
      %dma_wait3A_824 = tpu.memref_squeeze %dma_wait3A_823 : memref<1x128xi32, #tpu.memory_space<vmem>> -> memref<128xi32, #tpu.memory_space<vmem>>
      %dma_wait3A_825 = arith.constant 0 : i32
      %dma_wait3A_826 = arith.constant 0 : i32
      %dma_wait3A_827 = tpu.memref_slice %arg2[%arg0, %dma_wait3A_825, %dma_wait3A_826] : memref<2x10240x64xf32, #tpu.memory_space<hbm>> -> memref<1x10240x64xf32, #tpu.memory_space<hbm>>
      %dma_wait3A_828 = tpu.memref_squeeze %dma_wait3A_827 : memref<1x10240x64xf32, #tpu.memory_space<hbm>> -> memref<10240x64xf32, #tpu.memory_space<hbm>>
      %dma_wait3A_829 = arith.constant 0 : i32
      %dma_wait3A_830 = arith.constant 0 : i32
      %dma_wait3A_831 = tpu.memref_slice %dma_wait3A_828[%dma_wait3A_829, %dma_wait3A_830] : memref<10240x64xf32, #tpu.memory_space<hbm>> -> memref<10240x64xf32, #tpu.memory_space<hbm>>
      tpu.wait_indirect_dma semaphore(%arg11 : memref<!tpu.dma_semaphore, #tpu.memory_space<semaphore_mem>>) src(%dma_wait3A_831 : memref<10240x64xf32, #tpu.memory_space<hbm>>) dst(%dma_wait3A_821 : memref<128x64xf32, #tpu.memory_space<vmem>>)
      %add3A_832 = arith.constant 0 : i32
      %add3A_833 = arith.addi %mul3A_778, %add3A_832 : i32
      %dma_start3A_834 = arith.constant 0 : i32
      %dma_start3A_835 = arith.constant 0 : i32
      %dma_start3A_836 = arith.constant 0 : i32
      %dma_start3A_837 = tpu.memref_slice %arg9[%dma_start3A_834, %dma_start3A_835, %dma_start3A_836] : memref<6x128x64xf32, #tpu.memory_space<vmem>> -> memref<1x128x64xf32, #tpu.memory_space<vmem>>
      %dma_start3A_838 = tpu.memref_squeeze %dma_start3A_837 : memref<1x128x64xf32, #tpu.memory_space<vmem>> -> memref<128x64xf32, #tpu.memory_space<vmem>>
      %dma_start3A_839 = arith.constant 0 : i32
      %dma_start3A_840 = tpu.memref_slice %arg6[%add3A_833, %dma_start3A_839] : memref<78x128xi32, #tpu.memory_space<vmem>> -> memref<1x128xi32, #tpu.memory_space<vmem>>
      %dma_start3A_841 = tpu.memref_squeeze %dma_start3A_840 : memref<1x128xi32, #tpu.memory_space<vmem>> -> memref<128xi32, #tpu.memory_space<vmem>>
      %dma_start3A_842 = arith.constant 0 : i32
      %dma_start3A_843 = arith.constant 0 : i32
      %dma_start3A_844 = tpu.memref_slice %arg10[%dma_start3A_842, %dma_start3A_843] : memref<10240x64xf32, #tpu.memory_space<vmem_shared>> -> memref<10240x64xf32, #tpu.memory_space<vmem_shared>>
      tpu.enqueue_indirect_dma source(%dma_start3A_838 : memref<128x64xf32, #tpu.memory_space<vmem>>) target(%dma_start3A_844 : memref<10240x64xf32, #tpu.memory_space<vmem_shared>>) offsets(%dma_start3A_841 : memref<128xi32, #tpu.memory_space<vmem>>) semaphore(%arg13 : memref<!tpu.dma_semaphore, #tpu.memory_space<semaphore_mem>>) {add = true}
      %add3A_845 = arith.constant 1 : i32
      %add3A_846 = arith.addi %mul3A_778, %add3A_845 : i32
      %dma_start3A_847 = arith.constant 1 : i32
      %dma_start3A_848 = arith.constant 0 : i32
      %dma_start3A_849 = arith.constant 0 : i32
      %dma_start3A_850 = tpu.memref_slice %arg9[%dma_start3A_847, %dma_start3A_848, %dma_start3A_849] : memref<6x128x64xf32, #tpu.memory_space<vmem>> -> memref<1x128x64xf32, #tpu.memory_space<vmem>>
      %dma_start3A_851 = tpu.memref_squeeze %dma_start3A_850 : memref<1x128x64xf32, #tpu.memory_space<vmem>> -> memref<128x64xf32, #tpu.memory_space<vmem>>
      %dma_start3A_852 = arith.constant 0 : i32
      %dma_start3A_853 = tpu.memref_slice %arg6[%add3A_846, %dma_start3A_852] : memref<78x128xi32, #tpu.memory_space<vmem>> -> memref<1x128xi32, #tpu.memory_space<vmem>>
      %dma_start3A_854 = tpu.memref_squeeze %dma_start3A_853 : memref<1x128xi32, #tpu.memory_space<vmem>> -> memref<128xi32, #tpu.memory_space<vmem>>
      %dma_start3A_855 = arith.constant 0 : i32
      %dma_start3A_856 = arith.constant 0 : i32
      %dma_start3A_857 = tpu.memref_slice %arg10[%dma_start3A_855, %dma_start3A_856] : memref<10240x64xf32, #tpu.memory_space<vmem_shared>> -> memref<10240x64xf32, #tpu.memory_space<vmem_shared>>
      tpu.enqueue_indirect_dma source(%dma_start3A_851 : memref<128x64xf32, #tpu.memory_space<vmem>>) target(%dma_start3A_857 : memref<10240x64xf32, #tpu.memory_space<vmem_shared>>) offsets(%dma_start3A_854 : memref<128xi32, #tpu.memory_space<vmem>>) semaphore(%arg13 : memref<!tpu.dma_semaphore, #tpu.memory_space<semaphore_mem>>) {add = true}
      %add3A_858 = arith.constant 2 : i32
      %add3A_859 = arith.addi %mul3A_778, %add3A_858 : i32
      %dma_start3A_860 = arith.constant 2 : i32
      %dma_start3A_861 = arith.constant 0 : i32
      %dma_start3A_862 = arith.constant 0 : i32
      %dma_start3A_863 = tpu.memref_slice %arg9[%dma_start3A_860, %dma_start3A_861, %dma_start3A_862] : memref<6x128x64xf32, #tpu.memory_space<vmem>> -> memref<1x128x64xf32, #tpu.memory_space<vmem>>
      %dma_start3A_864 = tpu.memref_squeeze %dma_start3A_863 : memref<1x128x64xf32, #tpu.memory_space<vmem>> -> memref<128x64xf32, #tpu.memory_space<vmem>>
      %dma_start3A_865 = arith.constant 0 : i32
      %dma_start3A_866 = tpu.memref_slice %arg6[%add3A_859, %dma_start3A_865] : memref<78x128xi32, #tpu.memory_space<vmem>> -> memref<1x128xi32, #tpu.memory_space<vmem>>
      %dma_start3A_867 = tpu.memref_squeeze %dma_start3A_866 : memref<1x128xi32, #tpu.memory_space<vmem>> -> memref<128xi32, #tpu.memory_space<vmem>>
      %dma_start3A_868 = arith.constant 0 : i32
      %dma_start3A_869 = arith.constant 0 : i32
      %dma_start3A_870 = tpu.memref_slice %arg10[%dma_start3A_868, %dma_start3A_869] : memref<10240x64xf32, #tpu.memory_space<vmem_shared>> -> memref<10240x64xf32, #tpu.memory_space<vmem_shared>>
      tpu.enqueue_indirect_dma source(%dma_start3A_864 : memref<128x64xf32, #tpu.memory_space<vmem>>) target(%dma_start3A_870 : memref<10240x64xf32, #tpu.memory_space<vmem_shared>>) offsets(%dma_start3A_867 : memref<128xi32, #tpu.memory_space<vmem>>) semaphore(%arg13 : memref<!tpu.dma_semaphore, #tpu.memory_space<semaphore_mem>>) {add = true}
      %gt3A = arith.constant 0 : i32
      %gt3A_871 = arith.cmpi sgt, %scan3A_773, %gt3A : i32
      %convert_element_type3A_872 = arith.extui %gt3A_871 : i1 to i32
      %cond3A_873 = arith.constant 0 : i32
      %cond3A_874 = arith.cmpi ne, %convert_element_type3A_872, %cond3A_873 : i32
      scf.if %cond3A_874 {
        %sub3A = arith.constant 3 : i32
        %sub3A_1109 = arith.subi %mul3A_778, %sub3A : i32
        %add3A_1110 = arith.constant 0 : i32
        %add3A_1111 = arith.addi %sub3A_1109, %add3A_1110 : i32
        %dma_wait3A_1112 = arith.constant 3 : i32
        %dma_wait3A_1113 = arith.constant 0 : i32
        %dma_wait3A_1114 = arith.constant 0 : i32
        %dma_wait3A_1115 = tpu.memref_slice %arg9[%dma_wait3A_1112, %dma_wait3A_1113, %dma_wait3A_1114] : memref<6x128x64xf32, #tpu.memory_space<vmem>> -> memref<1x128x64xf32, #tpu.memory_space<vmem>>
        %dma_wait3A_1116 = tpu.memref_squeeze %dma_wait3A_1115 : memref<1x128x64xf32, #tpu.memory_space<vmem>> -> memref<128x64xf32, #tpu.memory_space<vmem>>
        %dma_wait3A_1117 = arith.constant 0 : i32
        %dma_wait3A_1118 = tpu.memref_slice %arg6[%add3A_1111, %dma_wait3A_1117] : memref<78x128xi32, #tpu.memory_space<vmem>> -> memref<1x128xi32, #tpu.memory_space<vmem>>
        %dma_wait3A_1119 = tpu.memref_squeeze %dma_wait3A_1118 : memref<1x128xi32, #tpu.memory_space<vmem>> -> memref<128xi32, #tpu.memory_space<vmem>>
        %dma_wait3A_1120 = arith.constant 0 : i32
        %dma_wait3A_1121 = arith.constant 0 : i32
        %dma_wait3A_1122 = tpu.memref_slice %arg10[%dma_wait3A_1120, %dma_wait3A_1121] : memref<10240x64xf32, #tpu.memory_space<vmem_shared>> -> memref<10240x64xf32, #tpu.memory_space<vmem_shared>>
        tpu.wait_indirect_dma semaphore(%arg14 : memref<!tpu.dma_semaphore, #tpu.memory_space<semaphore_mem>>) src(%dma_wait3A_1116 : memref<128x64xf32, #tpu.memory_space<vmem>>) dst(%dma_wait3A_1122 : memref<10240x64xf32, #tpu.memory_space<vmem_shared>>)
        %add3A_1123 = arith.constant 1 : i32
        %add3A_1124 = arith.addi %sub3A_1109, %add3A_1123 : i32
        %dma_wait3A_1125 = arith.constant 4 : i32
        %dma_wait3A_1126 = arith.constant 0 : i32
        %dma_wait3A_1127 = arith.constant 0 : i32
        %dma_wait3A_1128 = tpu.memref_slice %arg9[%dma_wait3A_1125, %dma_wait3A_1126, %dma_wait3A_1127] : memref<6x128x64xf32, #tpu.memory_space<vmem>> -> memref<1x128x64xf32, #tpu.memory_space<vmem>>
        %dma_wait3A_1129 = tpu.memref_squeeze %dma_wait3A_1128 : memref<1x128x64xf32, #tpu.memory_space<vmem>> -> memref<128x64xf32, #tpu.memory_space<vmem>>
        %dma_wait3A_1130 = arith.constant 0 : i32
        %dma_wait3A_1131 = tpu.memref_slice %arg6[%add3A_1124, %dma_wait3A_1130] : memref<78x128xi32, #tpu.memory_space<vmem>> -> memref<1x128xi32, #tpu.memory_space<vmem>>
        %dma_wait3A_1132 = tpu.memref_squeeze %dma_wait3A_1131 : memref<1x128xi32, #tpu.memory_space<vmem>> -> memref<128xi32, #tpu.memory_space<vmem>>
        %dma_wait3A_1133 = arith.constant 0 : i32
        %dma_wait3A_1134 = arith.constant 0 : i32
        %dma_wait3A_1135 = tpu.memref_slice %arg10[%dma_wait3A_1133, %dma_wait3A_1134] : memref<10240x64xf32, #tpu.memory_space<vmem_shared>> -> memref<10240x64xf32, #tpu.memory_space<vmem_shared>>
        tpu.wait_indirect_dma semaphore(%arg14 : memref<!tpu.dma_semaphore, #tpu.memory_space<semaphore_mem>>) src(%dma_wait3A_1129 : memref<128x64xf32, #tpu.memory_space<vmem>>) dst(%dma_wait3A_1135 : memref<10240x64xf32, #tpu.memory_space<vmem_shared>>)
        %add3A_1136 = arith.constant 2 : i32
        %add3A_1137 = arith.addi %sub3A_1109, %add3A_1136 : i32
        %dma_wait3A_1138 = arith.constant 5 : i32
        %dma_wait3A_1139 = arith.constant 0 : i32
        %dma_wait3A_1140 = arith.constant 0 : i32
        %dma_wait3A_1141 = tpu.memref_slice %arg9[%dma_wait3A_1138, %dma_wait3A_1139, %dma_wait3A_1140] : memref<6x128x64xf32, #tpu.memory_space<vmem>> -> memref<1x128x64xf32, #tpu.memory_space<vmem>>
        %dma_wait3A_1142 = tpu.memref_squeeze %dma_wait3A_1141 : memref<1x128x64xf32, #tpu.memory_space<vmem>> -> memref<128x64xf32, #tpu.memory_space<vmem>>
        %dma_wait3A_1143 = arith.constant 0 : i32
        %dma_wait3A_1144 = tpu.memref_slice %arg6[%add3A_1137, %dma_wait3A_1143] : memref<78x128xi32, #tpu.memory_space<vmem>> -> memref<1x128xi32, #tpu.memory_space<vmem>>
        %dma_wait3A_1145 = tpu.memref_squeeze %dma_wait3A_1144 : memref<1x128xi32, #tpu.memory_space<vmem>> -> memref<128xi32, #tpu.memory_space<vmem>>
        %dma_wait3A_1146 = arith.constant 0 : i32
        %dma_wait3A_1147 = arith.constant 0 : i32
        %dma_wait3A_1148 = tpu.memref_slice %arg10[%dma_wait3A_1146, %dma_wait3A_1147] : memref<10240x64xf32, #tpu.memory_space<vmem_shared>> -> memref<10240x64xf32, #tpu.memory_space<vmem_shared>>
        tpu.wait_indirect_dma semaphore(%arg14 : memref<!tpu.dma_semaphore, #tpu.memory_space<semaphore_mem>>) src(%dma_wait3A_1142 : memref<128x64xf32, #tpu.memory_space<vmem>>) dst(%dma_wait3A_1148 : memref<10240x64xf32, #tpu.memory_space<vmem_shared>>)
      } else {
      }
      %add3A_875 = arith.constant 0 : i32
      %add3A_876 = arith.addi %add3A_780, %add3A_875 : i32
      %dma_start3A_877 = arith.constant 3 : i32
      %dma_start3A_878 = arith.constant 0 : i32
      %dma_start3A_879 = arith.constant 0 : i32
      %dma_start3A_880 = tpu.memref_slice %arg9[%dma_start3A_877, %dma_start3A_878, %dma_start3A_879] : memref<6x128x64xf32, #tpu.memory_space<vmem>> -> memref<1x128x64xf32, #tpu.memory_space<vmem>>
      %dma_start3A_881 = tpu.memref_squeeze %dma_start3A_880 : memref<1x128x64xf32, #tpu.memory_space<vmem>> -> memref<128x64xf32, #tpu.memory_space<vmem>>
      %dma_start3A_882 = arith.constant 0 : i32
      %dma_start3A_883 = tpu.memref_slice %arg5[%add3A_876, %dma_start3A_882] : memref<78x128xi32, #tpu.memory_space<vmem>> -> memref<1x128xi32, #tpu.memory_space<vmem>>
      %dma_start3A_884 = tpu.memref_squeeze %dma_start3A_883 : memref<1x128xi32, #tpu.memory_space<vmem>> -> memref<128xi32, #tpu.memory_space<vmem>>
      %dma_start3A_885 = arith.constant 0 : i32
      %dma_start3A_886 = arith.constant 0 : i32
      %dma_start3A_887 = tpu.memref_slice %arg2[%arg0, %dma_start3A_885, %dma_start3A_886] : memref<2x10240x64xf32, #tpu.memory_space<hbm>> -> memref<1x10240x64xf32, #tpu.memory_space<hbm>>
      %dma_start3A_888 = tpu.memref_squeeze %dma_start3A_887 : memref<1x10240x64xf32, #tpu.memory_space<hbm>> -> memref<10240x64xf32, #tpu.memory_space<hbm>>
      %dma_start3A_889 = arith.constant 0 : i32
      %dma_start3A_890 = arith.constant 0 : i32
      %dma_start3A_891 = tpu.memref_slice %dma_start3A_888[%dma_start3A_889, %dma_start3A_890] : memref<10240x64xf32, #tpu.memory_space<hbm>> -> memref<10240x64xf32, #tpu.memory_space<hbm>>
      tpu.enqueue_indirect_dma source(%dma_start3A_891 : memref<10240x64xf32, #tpu.memory_space<hbm>>) target(%dma_start3A_881 : memref<128x64xf32, #tpu.memory_space<vmem>>) offsets(%dma_start3A_884 : memref<128xi32, #tpu.memory_space<vmem>>) semaphore(%arg12 : memref<!tpu.dma_semaphore, #tpu.memory_space<semaphore_mem>>)
      %add3A_892 = arith.constant 1 : i32
      %add3A_893 = arith.addi %add3A_780, %add3A_892 : i32
      %dma_start3A_894 = arith.constant 4 : i32
      %dma_start3A_895 = arith.constant 0 : i32
      %dma_start3A_896 = arith.constant 0 : i32
      %dma_start3A_897 = tpu.memref_slice %arg9[%dma_start3A_894, %dma_start3A_895, %dma_start3A_896] : memref<6x128x64xf32, #tpu.memory_space<vmem>> -> memref<1x128x64xf32, #tpu.memory_space<vmem>>
      %dma_start3A_898 = tpu.memref_squeeze %dma_start3A_897 : memref<1x128x64xf32, #tpu.memory_space<vmem>> -> memref<128x64xf32, #tpu.memory_space<vmem>>
      %dma_start3A_899 = arith.constant 0 : i32
      %dma_start3A_900 = tpu.memref_slice %arg5[%add3A_893, %dma_start3A_899] : memref<78x128xi32, #tpu.memory_space<vmem>> -> memref<1x128xi32, #tpu.memory_space<vmem>>
      %dma_start3A_901 = tpu.memref_squeeze %dma_start3A_900 : memref<1x128xi32, #tpu.memory_space<vmem>> -> memref<128xi32, #tpu.memory_space<vmem>>
      %dma_start3A_902 = arith.constant 0 : i32
      %dma_start3A_903 = arith.constant 0 : i32
      %dma_start3A_904 = tpu.memref_slice %arg2[%arg0, %dma_start3A_902, %dma_start3A_903] : memref<2x10240x64xf32, #tpu.memory_space<hbm>> -> memref<1x10240x64xf32, #tpu.memory_space<hbm>>
      %dma_start3A_905 = tpu.memref_squeeze %dma_start3A_904 : memref<1x10240x64xf32, #tpu.memory_space<hbm>> -> memref<10240x64xf32, #tpu.memory_space<hbm>>
      %dma_start3A_906 = arith.constant 0 : i32
      %dma_start3A_907 = arith.constant 0 : i32
      %dma_start3A_908 = tpu.memref_slice %dma_start3A_905[%dma_start3A_906, %dma_start3A_907] : memref<10240x64xf32, #tpu.memory_space<hbm>> -> memref<10240x64xf32, #tpu.memory_space<hbm>>
      tpu.enqueue_indirect_dma source(%dma_start3A_908 : memref<10240x64xf32, #tpu.memory_space<hbm>>) target(%dma_start3A_898 : memref<128x64xf32, #tpu.memory_space<vmem>>) offsets(%dma_start3A_901 : memref<128xi32, #tpu.memory_space<vmem>>) semaphore(%arg12 : memref<!tpu.dma_semaphore, #tpu.memory_space<semaphore_mem>>)
      %add3A_909 = arith.constant 2 : i32
      %add3A_910 = arith.addi %add3A_780, %add3A_909 : i32
      %dma_start3A_911 = arith.constant 5 : i32
      %dma_start3A_912 = arith.constant 0 : i32
      %dma_start3A_913 = arith.constant 0 : i32
      %dma_start3A_914 = tpu.memref_slice %arg9[%dma_start3A_911, %dma_start3A_912, %dma_start3A_913] : memref<6x128x64xf32, #tpu.memory_space<vmem>> -> memref<1x128x64xf32, #tpu.memory_space<vmem>>
      %dma_start3A_915 = tpu.memref_squeeze %dma_start3A_914 : memref<1x128x64xf32, #tpu.memory_space<vmem>> -> memref<128x64xf32, #tpu.memory_space<vmem>>
      %dma_start3A_916 = arith.constant 0 : i32
      %dma_start3A_917 = tpu.memref_slice %arg5[%add3A_910, %dma_start3A_916] : memref<78x128xi32, #tpu.memory_space<vmem>> -> memref<1x128xi32, #tpu.memory_space<vmem>>
      %dma_start3A_918 = tpu.memref_squeeze %dma_start3A_917 : memref<1x128xi32, #tpu.memory_space<vmem>> -> memref<128xi32, #tpu.memory_space<vmem>>
      %dma_start3A_919 = arith.constant 0 : i32
      %dma_start3A_920 = arith.constant 0 : i32
      %dma_start3A_921 = tpu.memref_slice %arg2[%arg0, %dma_start3A_919, %dma_start3A_920] : memref<2x10240x64xf32, #tpu.memory_space<hbm>> -> memref<1x10240x64xf32, #tpu.memory_space<hbm>>
      %dma_start3A_922 = tpu.memref_squeeze %dma_start3A_921 : memref<1x10240x64xf32, #tpu.memory_space<hbm>> -> memref<10240x64xf32, #tpu.memory_space<hbm>>
      %dma_start3A_923 = arith.constant 0 : i32
      %dma_start3A_924 = arith.constant 0 : i32
      %dma_start3A_925 = tpu.memref_slice %dma_start3A_922[%dma_start3A_923, %dma_start3A_924] : memref<10240x64xf32, #tpu.memory_space<hbm>> -> memref<10240x64xf32, #tpu.memory_space<hbm>>
      tpu.enqueue_indirect_dma source(%dma_start3A_925 : memref<10240x64xf32, #tpu.memory_space<hbm>>) target(%dma_start3A_915 : memref<128x64xf32, #tpu.memory_space<vmem>>) offsets(%dma_start3A_918 : memref<128xi32, #tpu.memory_space<vmem>>) semaphore(%arg12 : memref<!tpu.dma_semaphore, #tpu.memory_space<semaphore_mem>>)
      %add3A_926 = arith.constant 0 : i32
      %add3A_927 = arith.addi %add3A_780, %add3A_926 : i32
      %dma_wait3A_928 = arith.constant 3 : i32
      %dma_wait3A_929 = arith.constant 0 : i32
      %dma_wait3A_930 = arith.constant 0 : i32
      %dma_wait3A_931 = tpu.memref_slice %arg9[%dma_wait3A_928, %dma_wait3A_929, %dma_wait3A_930] : memref<6x128x64xf32, #tpu.memory_space<vmem>> -> memref<1x128x64xf32, #tpu.memory_space<vmem>>
      %dma_wait3A_932 = tpu.memref_squeeze %dma_wait3A_931 : memref<1x128x64xf32, #tpu.memory_space<vmem>> -> memref<128x64xf32, #tpu.memory_space<vmem>>
      %dma_wait3A_933 = arith.constant 0 : i32
      %dma_wait3A_934 = tpu.memref_slice %arg5[%add3A_927, %dma_wait3A_933] : memref<78x128xi32, #tpu.memory_space<vmem>> -> memref<1x128xi32, #tpu.memory_space<vmem>>
      %dma_wait3A_935 = tpu.memref_squeeze %dma_wait3A_934 : memref<1x128xi32, #tpu.memory_space<vmem>> -> memref<128xi32, #tpu.memory_space<vmem>>
      %dma_wait3A_936 = arith.constant 0 : i32
      %dma_wait3A_937 = arith.constant 0 : i32
      %dma_wait3A_938 = tpu.memref_slice %arg2[%arg0, %dma_wait3A_936, %dma_wait3A_937] : memref<2x10240x64xf32, #tpu.memory_space<hbm>> -> memref<1x10240x64xf32, #tpu.memory_space<hbm>>
      %dma_wait3A_939 = tpu.memref_squeeze %dma_wait3A_938 : memref<1x10240x64xf32, #tpu.memory_space<hbm>> -> memref<10240x64xf32, #tpu.memory_space<hbm>>
      %dma_wait3A_940 = arith.constant 0 : i32
      %dma_wait3A_941 = arith.constant 0 : i32
      %dma_wait3A_942 = tpu.memref_slice %dma_wait3A_939[%dma_wait3A_940, %dma_wait3A_941] : memref<10240x64xf32, #tpu.memory_space<hbm>> -> memref<10240x64xf32, #tpu.memory_space<hbm>>
      tpu.wait_indirect_dma semaphore(%arg12 : memref<!tpu.dma_semaphore, #tpu.memory_space<semaphore_mem>>) src(%dma_wait3A_942 : memref<10240x64xf32, #tpu.memory_space<hbm>>) dst(%dma_wait3A_932 : memref<128x64xf32, #tpu.memory_space<vmem>>)
      %add3A_943 = arith.constant 1 : i32
      %add3A_944 = arith.addi %add3A_780, %add3A_943 : i32
      %dma_wait3A_945 = arith.constant 4 : i32
      %dma_wait3A_946 = arith.constant 0 : i32
      %dma_wait3A_947 = arith.constant 0 : i32
      %dma_wait3A_948 = tpu.memref_slice %arg9[%dma_wait3A_945, %dma_wait3A_946, %dma_wait3A_947] : memref<6x128x64xf32, #tpu.memory_space<vmem>> -> memref<1x128x64xf32, #tpu.memory_space<vmem>>
      %dma_wait3A_949 = tpu.memref_squeeze %dma_wait3A_948 : memref<1x128x64xf32, #tpu.memory_space<vmem>> -> memref<128x64xf32, #tpu.memory_space<vmem>>
      %dma_wait3A_950 = arith.constant 0 : i32
      %dma_wait3A_951 = tpu.memref_slice %arg5[%add3A_944, %dma_wait3A_950] : memref<78x128xi32, #tpu.memory_space<vmem>> -> memref<1x128xi32, #tpu.memory_space<vmem>>
      %dma_wait3A_952 = tpu.memref_squeeze %dma_wait3A_951 : memref<1x128xi32, #tpu.memory_space<vmem>> -> memref<128xi32, #tpu.memory_space<vmem>>
      %dma_wait3A_953 = arith.constant 0 : i32
      %dma_wait3A_954 = arith.constant 0 : i32
      %dma_wait3A_955 = tpu.memref_slice %arg2[%arg0, %dma_wait3A_953, %dma_wait3A_954] : memref<2x10240x64xf32, #tpu.memory_space<hbm>> -> memref<1x10240x64xf32, #tpu.memory_space<hbm>>
      %dma_wait3A_956 = tpu.memref_squeeze %dma_wait3A_955 : memref<1x10240x64xf32, #tpu.memory_space<hbm>> -> memref<10240x64xf32, #tpu.memory_space<hbm>>
      %dma_wait3A_957 = arith.constant 0 : i32
      %dma_wait3A_958 = arith.constant 0 : i32
      %dma_wait3A_959 = tpu.memref_slice %dma_wait3A_956[%dma_wait3A_957, %dma_wait3A_958] : memref<10240x64xf32, #tpu.memory_space<hbm>> -> memref<10240x64xf32, #tpu.memory_space<hbm>>
      tpu.wait_indirect_dma semaphore(%arg12 : memref<!tpu.dma_semaphore, #tpu.memory_space<semaphore_mem>>) src(%dma_wait3A_959 : memref<10240x64xf32, #tpu.memory_space<hbm>>) dst(%dma_wait3A_949 : memref<128x64xf32, #tpu.memory_space<vmem>>)
      %add3A_960 = arith.constant 2 : i32
      %add3A_961 = arith.addi %add3A_780, %add3A_960 : i32
      %dma_wait3A_962 = arith.constant 5 : i32
      %dma_wait3A_963 = arith.constant 0 : i32
      %dma_wait3A_964 = arith.constant 0 : i32
      %dma_wait3A_965 = tpu.memref_slice %arg9[%dma_wait3A_962, %dma_wait3A_963, %dma_wait3A_964] : memref<6x128x64xf32, #tpu.memory_space<vmem>> -> memref<1x128x64xf32, #tpu.memory_space<vmem>>
      %dma_wait3A_966 = tpu.memref_squeeze %dma_wait3A_965 : memref<1x128x64xf32, #tpu.memory_space<vmem>> -> memref<128x64xf32, #tpu.memory_space<vmem>>
      %dma_wait3A_967 = arith.constant 0 : i32
      %dma_wait3A_968 = tpu.memref_slice %arg5[%add3A_961, %dma_wait3A_967] : memref<78x128xi32, #tpu.memory_space<vmem>> -> memref<1x128xi32, #tpu.memory_space<vmem>>
      %dma_wait3A_969 = tpu.memref_squeeze %dma_wait3A_968 : memref<1x128xi32, #tpu.memory_space<vmem>> -> memref<128xi32, #tpu.memory_space<vmem>>
      %dma_wait3A_970 = arith.constant 0 : i32
      %dma_wait3A_971 = arith.constant 0 : i32
      %dma_wait3A_972 = tpu.memref_slice %arg2[%arg0, %dma_wait3A_970, %dma_wait3A_971] : memref<2x10240x64xf32, #tpu.memory_space<hbm>> -> memref<1x10240x64xf32, #tpu.memory_space<hbm>>
      %dma_wait3A_973 = tpu.memref_squeeze %dma_wait3A_972 : memref<1x10240x64xf32, #tpu.memory_space<hbm>> -> memref<10240x64xf32, #tpu.memory_space<hbm>>
      %dma_wait3A_974 = arith.constant 0 : i32
      %dma_wait3A_975 = arith.constant 0 : i32
      %dma_wait3A_976 = tpu.memref_slice %dma_wait3A_973[%dma_wait3A_974, %dma_wait3A_975] : memref<10240x64xf32, #tpu.memory_space<hbm>> -> memref<10240x64xf32, #tpu.memory_space<hbm>>
      tpu.wait_indirect_dma semaphore(%arg12 : memref<!tpu.dma_semaphore, #tpu.memory_space<semaphore_mem>>) src(%dma_wait3A_976 : memref<10240x64xf32, #tpu.memory_space<hbm>>) dst(%dma_wait3A_966 : memref<128x64xf32, #tpu.memory_space<vmem>>)
      %add3A_977 = arith.constant 0 : i32
      %add3A_978 = arith.addi %add3A_780, %add3A_977 : i32
      %dma_start3A_979 = arith.constant 3 : i32
      %dma_start3A_980 = arith.constant 0 : i32
      %dma_start3A_981 = arith.constant 0 : i32
      %dma_start3A_982 = tpu.memref_slice %arg9[%dma_start3A_979, %dma_start3A_980, %dma_start3A_981] : memref<6x128x64xf32, #tpu.memory_space<vmem>> -> memref<1x128x64xf32, #tpu.memory_space<vmem>>
      %dma_start3A_983 = tpu.memref_squeeze %dma_start3A_982 : memref<1x128x64xf32, #tpu.memory_space<vmem>> -> memref<128x64xf32, #tpu.memory_space<vmem>>
      %dma_start3A_984 = arith.constant 0 : i32
      %dma_start3A_985 = tpu.memref_slice %arg6[%add3A_978, %dma_start3A_984] : memref<78x128xi32, #tpu.memory_space<vmem>> -> memref<1x128xi32, #tpu.memory_space<vmem>>
      %dma_start3A_986 = tpu.memref_squeeze %dma_start3A_985 : memref<1x128xi32, #tpu.memory_space<vmem>> -> memref<128xi32, #tpu.memory_space<vmem>>
      %dma_start3A_987 = arith.constant 0 : i32
      %dma_start3A_988 = arith.constant 0 : i32
      %dma_start3A_989 = tpu.memref_slice %arg10[%dma_start3A_987, %dma_start3A_988] : memref<10240x64xf32, #tpu.memory_space<vmem_shared>> -> memref<10240x64xf32, #tpu.memory_space<vmem_shared>>
      tpu.enqueue_indirect_dma source(%dma_start3A_983 : memref<128x64xf32, #tpu.memory_space<vmem>>) target(%dma_start3A_989 : memref<10240x64xf32, #tpu.memory_space<vmem_shared>>) offsets(%dma_start3A_986 : memref<128xi32, #tpu.memory_space<vmem>>) semaphore(%arg14 : memref<!tpu.dma_semaphore, #tpu.memory_space<semaphore_mem>>) {add = true}
      %add3A_990 = arith.constant 1 : i32
      %add3A_991 = arith.addi %add3A_780, %add3A_990 : i32
      %dma_start3A_992 = arith.constant 4 : i32
      %dma_start3A_993 = arith.constant 0 : i32
      %dma_start3A_994 = arith.constant 0 : i32
      %dma_start3A_995 = tpu.memref_slice %arg9[%dma_start3A_992, %dma_start3A_993, %dma_start3A_994] : memref<6x128x64xf32, #tpu.memory_space<vmem>> -> memref<1x128x64xf32, #tpu.memory_space<vmem>>
      %dma_start3A_996 = tpu.memref_squeeze %dma_start3A_995 : memref<1x128x64xf32, #tpu.memory_space<vmem>> -> memref<128x64xf32, #tpu.memory_space<vmem>>
      %dma_start3A_997 = arith.constant 0 : i32
      %dma_start3A_998 = tpu.memref_slice %arg6[%add3A_991, %dma_start3A_997] : memref<78x128xi32, #tpu.memory_space<vmem>> -> memref<1x128xi32, #tpu.memory_space<vmem>>
      %dma_start3A_999 = tpu.memref_squeeze %dma_start3A_998 : memref<1x128xi32, #tpu.memory_space<vmem>> -> memref<128xi32, #tpu.memory_space<vmem>>
      %dma_start3A_1000 = arith.constant 0 : i32
      %dma_start3A_1001 = arith.constant 0 : i32
      %dma_start3A_1002 = tpu.memref_slice %arg10[%dma_start3A_1000, %dma_start3A_1001] : memref<10240x64xf32, #tpu.memory_space<vmem_shared>> -> memref<10240x64xf32, #tpu.memory_space<vmem_shared>>
      tpu.enqueue_indirect_dma source(%dma_start3A_996 : memref<128x64xf32, #tpu.memory_space<vmem>>) target(%dma_start3A_1002 : memref<10240x64xf32, #tpu.memory_space<vmem_shared>>) offsets(%dma_start3A_999 : memref<128xi32, #tpu.memory_space<vmem>>) semaphore(%arg14 : memref<!tpu.dma_semaphore, #tpu.memory_space<semaphore_mem>>) {add = true}
      %add3A_1003 = arith.constant 2 : i32
      %add3A_1004 = arith.addi %add3A_780, %add3A_1003 : i32
      %dma_start3A_1005 = arith.constant 5 : i32
      %dma_start3A_1006 = arith.constant 0 : i32
      %dma_start3A_1007 = arith.constant 0 : i32
      %dma_start3A_1008 = tpu.memref_slice %arg9[%dma_start3A_1005, %dma_start3A_1006, %dma_start3A_1007] : memref<6x128x64xf32, #tpu.memory_space<vmem>> -> memref<1x128x64xf32, #tpu.memory_space<vmem>>
      %dma_start3A_1009 = tpu.memref_squeeze %dma_start3A_1008 : memref<1x128x64xf32, #tpu.memory_space<vmem>> -> memref<128x64xf32, #tpu.memory_space<vmem>>
      %dma_start3A_1010 = arith.constant 0 : i32
      %dma_start3A_1011 = tpu.memref_slice %arg6[%add3A_1004, %dma_start3A_1010] : memref<78x128xi32, #tpu.memory_space<vmem>> -> memref<1x128xi32, #tpu.memory_space<vmem>>
      %dma_start3A_1012 = tpu.memref_squeeze %dma_start3A_1011 : memref<1x128xi32, #tpu.memory_space<vmem>> -> memref<128xi32, #tpu.memory_space<vmem>>
      %dma_start3A_1013 = arith.constant 0 : i32
      %dma_start3A_1014 = arith.constant 0 : i32
      %dma_start3A_1015 = tpu.memref_slice %arg10[%dma_start3A_1013, %dma_start3A_1014] : memref<10240x64xf32, #tpu.memory_space<vmem_shared>> -> memref<10240x64xf32, #tpu.memory_space<vmem_shared>>
      tpu.enqueue_indirect_dma source(%dma_start3A_1009 : memref<128x64xf32, #tpu.memory_space<vmem>>) target(%dma_start3A_1015 : memref<10240x64xf32, #tpu.memory_space<vmem_shared>>) offsets(%dma_start3A_1012 : memref<128xi32, #tpu.memory_space<vmem>>) semaphore(%arg14 : memref<!tpu.dma_semaphore, #tpu.memory_space<semaphore_mem>>) {add = true}
      %add3A_1016 = arith.constant 0 : i32
      %add3A_1017 = arith.addi %mul3A_778, %add3A_1016 : i32
      %dma_wait3A_1018 = arith.constant 0 : i32
      %dma_wait3A_1019 = arith.constant 0 : i32
      %dma_wait3A_1020 = arith.constant 0 : i32
      %dma_wait3A_1021 = tpu.memref_slice %arg9[%dma_wait3A_1018, %dma_wait3A_1019, %dma_wait3A_1020] : memref<6x128x64xf32, #tpu.memory_space<vmem>> -> memref<1x128x64xf32, #tpu.memory_space<vmem>>
      %dma_wait3A_1022 = tpu.memref_squeeze %dma_wait3A_1021 : memref<1x128x64xf32, #tpu.memory_space<vmem>> -> memref<128x64xf32, #tpu.memory_space<vmem>>
      %dma_wait3A_1023 = arith.constant 0 : i32
      %dma_wait3A_1024 = tpu.memref_slice %arg6[%add3A_1017, %dma_wait3A_1023] : memref<78x128xi32, #tpu.memory_space<vmem>> -> memref<1x128xi32, #tpu.memory_space<vmem>>
      %dma_wait3A_1025 = tpu.memref_squeeze %dma_wait3A_1024 : memref<1x128xi32, #tpu.memory_space<vmem>> -> memref<128xi32, #tpu.memory_space<vmem>>
      %dma_wait3A_1026 = arith.constant 0 : i32
      %dma_wait3A_1027 = arith.constant 0 : i32
      %dma_wait3A_1028 = tpu.memref_slice %arg10[%dma_wait3A_1026, %dma_wait3A_1027] : memref<10240x64xf32, #tpu.memory_space<vmem_shared>> -> memref<10240x64xf32, #tpu.memory_space<vmem_shared>>
      tpu.wait_indirect_dma semaphore(%arg13 : memref<!tpu.dma_semaphore, #tpu.memory_space<semaphore_mem>>) src(%dma_wait3A_1022 : memref<128x64xf32, #tpu.memory_space<vmem>>) dst(%dma_wait3A_1028 : memref<10240x64xf32, #tpu.memory_space<vmem_shared>>)
      %add3A_1029 = arith.constant 1 : i32
      %add3A_1030 = arith.addi %mul3A_778, %add3A_1029 : i32
      %dma_wait3A_1031 = arith.constant 1 : i32
      %dma_wait3A_1032 = arith.constant 0 : i32
      %dma_wait3A_1033 = arith.constant 0 : i32
      %dma_wait3A_1034 = tpu.memref_slice %arg9[%dma_wait3A_1031, %dma_wait3A_1032, %dma_wait3A_1033] : memref<6x128x64xf32, #tpu.memory_space<vmem>> -> memref<1x128x64xf32, #tpu.memory_space<vmem>>
      %dma_wait3A_1035 = tpu.memref_squeeze %dma_wait3A_1034 : memref<1x128x64xf32, #tpu.memory_space<vmem>> -> memref<128x64xf32, #tpu.memory_space<vmem>>
      %dma_wait3A_1036 = arith.constant 0 : i32
      %dma_wait3A_1037 = tpu.memref_slice %arg6[%add3A_1030, %dma_wait3A_1036] : memref<78x128xi32, #tpu.memory_space<vmem>> -> memref<1x128xi32, #tpu.memory_space<vmem>>
      %dma_wait3A_1038 = tpu.memref_squeeze %dma_wait3A_1037 : memref<1x128xi32, #tpu.memory_space<vmem>> -> memref<128xi32, #tpu.memory_space<vmem>>
      %dma_wait3A_1039 = arith.constant 0 : i32
      %dma_wait3A_1040 = arith.constant 0 : i32
      %dma_wait3A_1041 = tpu.memref_slice %arg10[%dma_wait3A_1039, %dma_wait3A_1040] : memref<10240x64xf32, #tpu.memory_space<vmem_shared>> -> memref<10240x64xf32, #tpu.memory_space<vmem_shared>>
      tpu.wait_indirect_dma semaphore(%arg13 : memref<!tpu.dma_semaphore, #tpu.memory_space<semaphore_mem>>) src(%dma_wait3A_1035 : memref<128x64xf32, #tpu.memory_space<vmem>>) dst(%dma_wait3A_1041 : memref<10240x64xf32, #tpu.memory_space<vmem_shared>>)
      %add3A_1042 = arith.constant 2 : i32
      %add3A_1043 = arith.addi %mul3A_778, %add3A_1042 : i32
      %dma_wait3A_1044 = arith.constant 2 : i32
      %dma_wait3A_1045 = arith.constant 0 : i32
      %dma_wait3A_1046 = arith.constant 0 : i32
      %dma_wait3A_1047 = tpu.memref_slice %arg9[%dma_wait3A_1044, %dma_wait3A_1045, %dma_wait3A_1046] : memref<6x128x64xf32, #tpu.memory_space<vmem>> -> memref<1x128x64xf32, #tpu.memory_space<vmem>>
      %dma_wait3A_1048 = tpu.memref_squeeze %dma_wait3A_1047 : memref<1x128x64xf32, #tpu.memory_space<vmem>> -> memref<128x64xf32, #tpu.memory_space<vmem>>
      %dma_wait3A_1049 = arith.constant 0 : i32
      %dma_wait3A_1050 = tpu.memref_slice %arg6[%add3A_1043, %dma_wait3A_1049] : memref<78x128xi32, #tpu.memory_space<vmem>> -> memref<1x128xi32, #tpu.memory_space<vmem>>
      %dma_wait3A_1051 = tpu.memref_squeeze %dma_wait3A_1050 : memref<1x128xi32, #tpu.memory_space<vmem>> -> memref<128xi32, #tpu.memory_space<vmem>>
      %dma_wait3A_1052 = arith.constant 0 : i32
      %dma_wait3A_1053 = arith.constant 0 : i32
      %dma_wait3A_1054 = tpu.memref_slice %arg10[%dma_wait3A_1052, %dma_wait3A_1053] : memref<10240x64xf32, #tpu.memory_space<vmem_shared>> -> memref<10240x64xf32, #tpu.memory_space<vmem_shared>>
      tpu.wait_indirect_dma semaphore(%arg13 : memref<!tpu.dma_semaphore, #tpu.memory_space<semaphore_mem>>) src(%dma_wait3A_1048 : memref<128x64xf32, #tpu.memory_space<vmem>>) dst(%dma_wait3A_1054 : memref<10240x64xf32, #tpu.memory_space<vmem_shared>>)
      %add3A_1055 = arith.constant 3 : i32
      %add3A_1056 = arith.addi %add3A_780, %add3A_1055 : i32
      %add3A_1057 = arith.constant 0 : i32
      %add3A_1058 = arith.addi %add3A_1056, %add3A_1057 : i32
      %dma_start3A_1059 = arith.constant 0 : i32
      %dma_start3A_1060 = arith.constant 0 : i32
      %dma_start3A_1061 = arith.constant 0 : i32
      %dma_start3A_1062 = tpu.memref_slice %arg9[%dma_start3A_1059, %dma_start3A_1060, %dma_start3A_1061] : memref<6x128x64xf32, #tpu.memory_space<vmem>> -> memref<1x128x64xf32, #tpu.memory_space<vmem>>
      %dma_start3A_1063 = tpu.memref_squeeze %dma_start3A_1062 : memref<1x128x64xf32, #tpu.memory_space<vmem>> -> memref<128x64xf32, #tpu.memory_space<vmem>>
      %dma_start3A_1064 = arith.constant 0 : i32
      %dma_start3A_1065 = tpu.memref_slice %arg5[%add3A_1058, %dma_start3A_1064] : memref<78x128xi32, #tpu.memory_space<vmem>> -> memref<1x128xi32, #tpu.memory_space<vmem>>
      %dma_start3A_1066 = tpu.memref_squeeze %dma_start3A_1065 : memref<1x128xi32, #tpu.memory_space<vmem>> -> memref<128xi32, #tpu.memory_space<vmem>>
      %dma_start3A_1067 = arith.constant 0 : i32
      %dma_start3A_1068 = arith.constant 0 : i32
      %dma_start3A_1069 = tpu.memref_slice %arg2[%arg0, %dma_start3A_1067, %dma_start3A_1068] : memref<2x10240x64xf32, #tpu.memory_space<hbm>> -> memref<1x10240x64xf32, #tpu.memory_space<hbm>>
      %dma_start3A_1070 = tpu.memref_squeeze %dma_start3A_1069 : memref<1x10240x64xf32, #tpu.memory_space<hbm>> -> memref<10240x64xf32, #tpu.memory_space<hbm>>
      %dma_start3A_1071 = arith.constant 0 : i32
      %dma_start3A_1072 = arith.constant 0 : i32
      %dma_start3A_1073 = tpu.memref_slice %dma_start3A_1070[%dma_start3A_1071, %dma_start3A_1072] : memref<10240x64xf32, #tpu.memory_space<hbm>> -> memref<10240x64xf32, #tpu.memory_space<hbm>>
      tpu.enqueue_indirect_dma source(%dma_start3A_1073 : memref<10240x64xf32, #tpu.memory_space<hbm>>) target(%dma_start3A_1063 : memref<128x64xf32, #tpu.memory_space<vmem>>) offsets(%dma_start3A_1066 : memref<128xi32, #tpu.memory_space<vmem>>) semaphore(%arg11 : memref<!tpu.dma_semaphore, #tpu.memory_space<semaphore_mem>>)
      %add3A_1074 = arith.constant 1 : i32
      %add3A_1075 = arith.addi %add3A_1056, %add3A_1074 : i32
      %dma_start3A_1076 = arith.constant 1 : i32
      %dma_start3A_1077 = arith.constant 0 : i32
      %dma_start3A_1078 = arith.constant 0 : i32
      %dma_start3A_1079 = tpu.memref_slice %arg9[%dma_start3A_1076, %dma_start3A_1077, %dma_start3A_1078] : memref<6x128x64xf32, #tpu.memory_space<vmem>> -> memref<1x128x64xf32, #tpu.memory_space<vmem>>
      %dma_start3A_1080 = tpu.memref_squeeze %dma_start3A_1079 : memref<1x128x64xf32, #tpu.memory_space<vmem>> -> memref<128x64xf32, #tpu.memory_space<vmem>>
      %dma_start3A_1081 = arith.constant 0 : i32
      %dma_start3A_1082 = tpu.memref_slice %arg5[%add3A_1075, %dma_start3A_1081] : memref<78x128xi32, #tpu.memory_space<vmem>> -> memref<1x128xi32, #tpu.memory_space<vmem>>
      %dma_start3A_1083 = tpu.memref_squeeze %dma_start3A_1082 : memref<1x128xi32, #tpu.memory_space<vmem>> -> memref<128xi32, #tpu.memory_space<vmem>>
      %dma_start3A_1084 = arith.constant 0 : i32
      %dma_start3A_1085 = arith.constant 0 : i32
      %dma_start3A_1086 = tpu.memref_slice %arg2[%arg0, %dma_start3A_1084, %dma_start3A_1085] : memref<2x10240x64xf32, #tpu.memory_space<hbm>> -> memref<1x10240x64xf32, #tpu.memory_space<hbm>>
      %dma_start3A_1087 = tpu.memref_squeeze %dma_start3A_1086 : memref<1x10240x64xf32, #tpu.memory_space<hbm>> -> memref<10240x64xf32, #tpu.memory_space<hbm>>
      %dma_start3A_1088 = arith.constant 0 : i32
      %dma_start3A_1089 = arith.constant 0 : i32
      %dma_start3A_1090 = tpu.memref_slice %dma_start3A_1087[%dma_start3A_1088, %dma_start3A_1089] : memref<10240x64xf32, #tpu.memory_space<hbm>> -> memref<10240x64xf32, #tpu.memory_space<hbm>>
      tpu.enqueue_indirect_dma source(%dma_start3A_1090 : memref<10240x64xf32, #tpu.memory_space<hbm>>) target(%dma_start3A_1080 : memref<128x64xf32, #tpu.memory_space<vmem>>) offsets(%dma_start3A_1083 : memref<128xi32, #tpu.memory_space<vmem>>) semaphore(%arg11 : memref<!tpu.dma_semaphore, #tpu.memory_space<semaphore_mem>>)
      %add3A_1091 = arith.constant 2 : i32
      %add3A_1092 = arith.addi %add3A_1056, %add3A_1091 : i32
      %dma_start3A_1093 = arith.constant 2 : i32
      %dma_start3A_1094 = arith.constant 0 : i32
      %dma_start3A_1095 = arith.constant 0 : i32
      %dma_start3A_1096 = tpu.memref_slice %arg9[%dma_start3A_1093, %dma_start3A_1094, %dma_start3A_1095] : memref<6x128x64xf32, #tpu.memory_space<vmem>> -> memref<1x128x64xf32, #tpu.memory_space<vmem>>
      %dma_start3A_1097 = tpu.memref_squeeze %dma_start3A_1096 : memref<1x128x64xf32, #tpu.memory_space<vmem>> -> memref<128x64xf32, #tpu.memory_space<vmem>>
      %dma_start3A_1098 = arith.constant 0 : i32
      %dma_start3A_1099 = tpu.memref_slice %arg5[%add3A_1092, %dma_start3A_1098] : memref<78x128xi32, #tpu.memory_space<vmem>> -> memref<1x128xi32, #tpu.memory_space<vmem>>
      %dma_start3A_1100 = tpu.memref_squeeze %dma_start3A_1099 : memref<1x128xi32, #tpu.memory_space<vmem>> -> memref<128xi32, #tpu.memory_space<vmem>>
      %dma_start3A_1101 = arith.constant 0 : i32
      %dma_start3A_1102 = arith.constant 0 : i32
      %dma_start3A_1103 = tpu.memref_slice %arg2[%arg0, %dma_start3A_1101, %dma_start3A_1102] : memref<2x10240x64xf32, #tpu.memory_space<hbm>> -> memref<1x10240x64xf32, #tpu.memory_space<hbm>>
      %dma_start3A_1104 = tpu.memref_squeeze %dma_start3A_1103 : memref<1x10240x64xf32, #tpu.memory_space<hbm>> -> memref<10240x64xf32, #tpu.memory_space<hbm>>
      %dma_start3A_1105 = arith.constant 0 : i32
      %dma_start3A_1106 = arith.constant 0 : i32
      %dma_start3A_1107 = tpu.memref_slice %dma_start3A_1104[%dma_start3A_1105, %dma_start3A_1106] : memref<10240x64xf32, #tpu.memory_space<hbm>> -> memref<10240x64xf32, #tpu.memory_space<hbm>>
      tpu.enqueue_indirect_dma source(%dma_start3A_1107 : memref<10240x64xf32, #tpu.memory_space<hbm>>) target(%dma_start3A_1097 : memref<128x64xf32, #tpu.memory_space<vmem>>) offsets(%dma_start3A_1100 : memref<128xi32, #tpu.memory_space<vmem>>) semaphore(%arg11 : memref<!tpu.dma_semaphore, #tpu.memory_space<semaphore_mem>>)
      %scan3A_1108 = arith.constant 0 : i32
      scf.yield %scan3A_1108 : i32
    }
    %scan3A_58 = arith.constant 12 : i32
    %dma_wait3A = arith.constant 72 : i32
    %dma_wait3A_59 = arith.constant 0 : i32
    %dma_wait3A_60 = arith.constant 0 : i32
    %dma_wait3A_61 = arith.constant 0 : i32
    %dma_wait3A_62 = tpu.memref_slice %arg9[%dma_wait3A_59, %dma_wait3A_60, %dma_wait3A_61] : memref<6x128x64xf32, #tpu.memory_space<vmem>> -> memref<1x128x64xf32, #tpu.memory_space<vmem>>
    %dma_wait3A_63 = tpu.memref_squeeze %dma_wait3A_62 : memref<1x128x64xf32, #tpu.memory_space<vmem>> -> memref<128x64xf32, #tpu.memory_space<vmem>>
    %dma_wait3A_64 = arith.constant 0 : i32
    %dma_wait3A_65 = tpu.memref_slice %arg5[%dma_wait3A, %dma_wait3A_64] : memref<78x128xi32, #tpu.memory_space<vmem>> -> memref<1x128xi32, #tpu.memory_space<vmem>>
    %dma_wait3A_66 = tpu.memref_squeeze %dma_wait3A_65 : memref<1x128xi32, #tpu.memory_space<vmem>> -> memref<128xi32, #tpu.memory_space<vmem>>
    %dma_wait3A_67 = arith.constant 0 : i32
    %dma_wait3A_68 = arith.constant 0 : i32
    %dma_wait3A_69 = tpu.memref_slice %arg2[%arg0, %dma_wait3A_67, %dma_wait3A_68] : memref<2x10240x64xf32, #tpu.memory_space<hbm>> -> memref<1x10240x64xf32, #tpu.memory_space<hbm>>
    %dma_wait3A_70 = tpu.memref_squeeze %dma_wait3A_69 : memref<1x10240x64xf32, #tpu.memory_space<hbm>> -> memref<10240x64xf32, #tpu.memory_space<hbm>>
    %dma_wait3A_71 = arith.constant 0 : i32
    %dma_wait3A_72 = arith.constant 0 : i32
    %dma_wait3A_73 = tpu.memref_slice %dma_wait3A_70[%dma_wait3A_71, %dma_wait3A_72] : memref<10240x64xf32, #tpu.memory_space<hbm>> -> memref<10240x64xf32, #tpu.memory_space<hbm>>
    tpu.wait_indirect_dma semaphore(%arg11 : memref<!tpu.dma_semaphore, #tpu.memory_space<semaphore_mem>>) src(%dma_wait3A_73 : memref<10240x64xf32, #tpu.memory_space<hbm>>) dst(%dma_wait3A_63 : memref<128x64xf32, #tpu.memory_space<vmem>>)
    %dma_wait3A_74 = arith.constant 73 : i32
    %dma_wait3A_75 = arith.constant 1 : i32
    %dma_wait3A_76 = arith.constant 0 : i32
    %dma_wait3A_77 = arith.constant 0 : i32
    %dma_wait3A_78 = tpu.memref_slice %arg9[%dma_wait3A_75, %dma_wait3A_76, %dma_wait3A_77] : memref<6x128x64xf32, #tpu.memory_space<vmem>> -> memref<1x128x64xf32, #tpu.memory_space<vmem>>
    %dma_wait3A_79 = tpu.memref_squeeze %dma_wait3A_78 : memref<1x128x64xf32, #tpu.memory_space<vmem>> -> memref<128x64xf32, #tpu.memory_space<vmem>>
    %dma_wait3A_80 = arith.constant 0 : i32
    %dma_wait3A_81 = tpu.memref_slice %arg5[%dma_wait3A_74, %dma_wait3A_80] : memref<78x128xi32, #tpu.memory_space<vmem>> -> memref<1x128xi32, #tpu.memory_space<vmem>>
    %dma_wait3A_82 = tpu.memref_squeeze %dma_wait3A_81 : memref<1x128xi32, #tpu.memory_space<vmem>> -> memref<128xi32, #tpu.memory_space<vmem>>
    %dma_wait3A_83 = arith.constant 0 : i32
    %dma_wait3A_84 = arith.constant 0 : i32
    %dma_wait3A_85 = tpu.memref_slice %arg2[%arg0, %dma_wait3A_83, %dma_wait3A_84] : memref<2x10240x64xf32, #tpu.memory_space<hbm>> -> memref<1x10240x64xf32, #tpu.memory_space<hbm>>
    %dma_wait3A_86 = tpu.memref_squeeze %dma_wait3A_85 : memref<1x10240x64xf32, #tpu.memory_space<hbm>> -> memref<10240x64xf32, #tpu.memory_space<hbm>>
    %dma_wait3A_87 = arith.constant 0 : i32
    %dma_wait3A_88 = arith.constant 0 : i32
    %dma_wait3A_89 = tpu.memref_slice %dma_wait3A_86[%dma_wait3A_87, %dma_wait3A_88] : memref<10240x64xf32, #tpu.memory_space<hbm>> -> memref<10240x64xf32, #tpu.memory_space<hbm>>
    tpu.wait_indirect_dma semaphore(%arg11 : memref<!tpu.dma_semaphore, #tpu.memory_space<semaphore_mem>>) src(%dma_wait3A_89 : memref<10240x64xf32, #tpu.memory_space<hbm>>) dst(%dma_wait3A_79 : memref<128x64xf32, #tpu.memory_space<vmem>>)
    %dma_wait3A_90 = arith.constant 74 : i32
    %dma_wait3A_91 = arith.constant 2 : i32
    %dma_wait3A_92 = arith.constant 0 : i32
    %dma_wait3A_93 = arith.constant 0 : i32
    %dma_wait3A_94 = tpu.memref_slice %arg9[%dma_wait3A_91, %dma_wait3A_92, %dma_wait3A_93] : memref<6x128x64xf32, #tpu.memory_space<vmem>> -> memref<1x128x64xf32, #tpu.memory_space<vmem>>
    %dma_wait3A_95 = tpu.memref_squeeze %dma_wait3A_94 : memref<1x128x64xf32, #tpu.memory_space<vmem>> -> memref<128x64xf32, #tpu.memory_space<vmem>>
    %dma_wait3A_96 = arith.constant 0 : i32
    %dma_wait3A_97 = tpu.memref_slice %arg5[%dma_wait3A_90, %dma_wait3A_96] : memref<78x128xi32, #tpu.memory_space<vmem>> -> memref<1x128xi32, #tpu.memory_space<vmem>>
    %dma_wait3A_98 = tpu.memref_squeeze %dma_wait3A_97 : memref<1x128xi32, #tpu.memory_space<vmem>> -> memref<128xi32, #tpu.memory_space<vmem>>
    %dma_wait3A_99 = arith.constant 0 : i32
    %dma_wait3A_100 = arith.constant 0 : i32
    %dma_wait3A_101 = tpu.memref_slice %arg2[%arg0, %dma_wait3A_99, %dma_wait3A_100] : memref<2x10240x64xf32, #tpu.memory_space<hbm>> -> memref<1x10240x64xf32, #tpu.memory_space<hbm>>
    %dma_wait3A_102 = tpu.memref_squeeze %dma_wait3A_101 : memref<1x10240x64xf32, #tpu.memory_space<hbm>> -> memref<10240x64xf32, #tpu.memory_space<hbm>>
    %dma_wait3A_103 = arith.constant 0 : i32
    %dma_wait3A_104 = arith.constant 0 : i32
    %dma_wait3A_105 = tpu.memref_slice %dma_wait3A_102[%dma_wait3A_103, %dma_wait3A_104] : memref<10240x64xf32, #tpu.memory_space<hbm>> -> memref<10240x64xf32, #tpu.memory_space<hbm>>
    tpu.wait_indirect_dma semaphore(%arg11 : memref<!tpu.dma_semaphore, #tpu.memory_space<semaphore_mem>>) src(%dma_wait3A_105 : memref<10240x64xf32, #tpu.memory_space<hbm>>) dst(%dma_wait3A_95 : memref<128x64xf32, #tpu.memory_space<vmem>>)
    %dma_start3A_106 = arith.constant 0 : i32
    %dma_start3A_107 = arith.constant 72 : i32
    %dma_start3A_108 = arith.constant 0 : i32
    %dma_start3A_109 = arith.constant 0 : i32
    %dma_start3A_110 = tpu.memref_slice %arg9[%dma_start3A_106, %dma_start3A_108, %dma_start3A_109] : memref<6x128x64xf32, #tpu.memory_space<vmem>> -> memref<1x128x64xf32, #tpu.memory_space<vmem>>
    %dma_start3A_111 = tpu.memref_squeeze %dma_start3A_110 : memref<1x128x64xf32, #tpu.memory_space<vmem>> -> memref<128x64xf32, #tpu.memory_space<vmem>>
    %dma_start3A_112 = arith.constant 0 : i32
    %dma_start3A_113 = tpu.memref_slice %arg6[%dma_start3A_107, %dma_start3A_112] : memref<78x128xi32, #tpu.memory_space<vmem>> -> memref<1x128xi32, #tpu.memory_space<vmem>>
    %dma_start3A_114 = tpu.memref_squeeze %dma_start3A_113 : memref<1x128xi32, #tpu.memory_space<vmem>> -> memref<128xi32, #tpu.memory_space<vmem>>
    %dma_start3A_115 = arith.constant 0 : i32
    %dma_start3A_116 = arith.constant 0 : i32
    %dma_start3A_117 = tpu.memref_slice %arg10[%dma_start3A_115, %dma_start3A_116] : memref<10240x64xf32, #tpu.memory_space<vmem_shared>> -> memref<10240x64xf32, #tpu.memory_space<vmem_shared>>
    tpu.enqueue_indirect_dma source(%dma_start3A_111 : memref<128x64xf32, #tpu.memory_space<vmem>>) target(%dma_start3A_117 : memref<10240x64xf32, #tpu.memory_space<vmem_shared>>) offsets(%dma_start3A_114 : memref<128xi32, #tpu.memory_space<vmem>>) semaphore(%arg13 : memref<!tpu.dma_semaphore, #tpu.memory_space<semaphore_mem>>) {add = true}
    %dma_start3A_118 = arith.constant 1 : i32
    %dma_start3A_119 = arith.constant 73 : i32
    %dma_start3A_120 = arith.constant 0 : i32
    %dma_start3A_121 = arith.constant 0 : i32
    %dma_start3A_122 = tpu.memref_slice %arg9[%dma_start3A_118, %dma_start3A_120, %dma_start3A_121] : memref<6x128x64xf32, #tpu.memory_space<vmem>> -> memref<1x128x64xf32, #tpu.memory_space<vmem>>
    %dma_start3A_123 = tpu.memref_squeeze %dma_start3A_122 : memref<1x128x64xf32, #tpu.memory_space<vmem>> -> memref<128x64xf32, #tpu.memory_space<vmem>>
    %dma_start3A_124 = arith.constant 0 : i32
    %dma_start3A_125 = tpu.memref_slice %arg6[%dma_start3A_119, %dma_start3A_124] : memref<78x128xi32, #tpu.memory_space<vmem>> -> memref<1x128xi32, #tpu.memory_space<vmem>>
    %dma_start3A_126 = tpu.memref_squeeze %dma_start3A_125 : memref<1x128xi32, #tpu.memory_space<vmem>> -> memref<128xi32, #tpu.memory_space<vmem>>
    %dma_start3A_127 = arith.constant 0 : i32
    %dma_start3A_128 = arith.constant 0 : i32
    %dma_start3A_129 = tpu.memref_slice %arg10[%dma_start3A_127, %dma_start3A_128] : memref<10240x64xf32, #tpu.memory_space<vmem_shared>> -> memref<10240x64xf32, #tpu.memory_space<vmem_shared>>
    tpu.enqueue_indirect_dma source(%dma_start3A_123 : memref<128x64xf32, #tpu.memory_space<vmem>>) target(%dma_start3A_129 : memref<10240x64xf32, #tpu.memory_space<vmem_shared>>) offsets(%dma_start3A_126 : memref<128xi32, #tpu.memory_space<vmem>>) semaphore(%arg13 : memref<!tpu.dma_semaphore, #tpu.memory_space<semaphore_mem>>) {add = true}
    %dma_start3A_130 = arith.constant 2 : i32
    %dma_start3A_131 = arith.constant 74 : i32
    %dma_start3A_132 = arith.constant 0 : i32
    %dma_start3A_133 = arith.constant 0 : i32
    %dma_start3A_134 = tpu.memref_slice %arg9[%dma_start3A_130, %dma_start3A_132, %dma_start3A_133] : memref<6x128x64xf32, #tpu.memory_space<vmem>> -> memref<1x128x64xf32, #tpu.memory_space<vmem>>
    %dma_start3A_135 = tpu.memref_squeeze %dma_start3A_134 : memref<1x128x64xf32, #tpu.memory_space<vmem>> -> memref<128x64xf32, #tpu.memory_space<vmem>>
    %dma_start3A_136 = arith.constant 0 : i32
    %dma_start3A_137 = tpu.memref_slice %arg6[%dma_start3A_131, %dma_start3A_136] : memref<78x128xi32, #tpu.memory_space<vmem>> -> memref<1x128xi32, #tpu.memory_space<vmem>>
    %dma_start3A_138 = tpu.memref_squeeze %dma_start3A_137 : memref<1x128xi32, #tpu.memory_space<vmem>> -> memref<128xi32, #tpu.memory_space<vmem>>
    %dma_start3A_139 = arith.constant 0 : i32
    %dma_start3A_140 = arith.constant 0 : i32
    %dma_start3A_141 = tpu.memref_slice %arg10[%dma_start3A_139, %dma_start3A_140] : memref<10240x64xf32, #tpu.memory_space<vmem_shared>> -> memref<10240x64xf32, #tpu.memory_space<vmem_shared>>
    tpu.enqueue_indirect_dma source(%dma_start3A_135 : memref<128x64xf32, #tpu.memory_space<vmem>>) target(%dma_start3A_141 : memref<10240x64xf32, #tpu.memory_space<vmem_shared>>) offsets(%dma_start3A_138 : memref<128xi32, #tpu.memory_space<vmem>>) semaphore(%arg13 : memref<!tpu.dma_semaphore, #tpu.memory_space<semaphore_mem>>) {add = true}
    %dma_wait3A_142 = arith.constant 3 : i32
    %dma_wait3A_143 = arith.constant 69 : i32
    %dma_wait3A_144 = arith.constant 0 : i32
    %dma_wait3A_145 = arith.constant 0 : i32
    %dma_wait3A_146 = tpu.memref_slice %arg9[%dma_wait3A_142, %dma_wait3A_144, %dma_wait3A_145] : memref<6x128x64xf32, #tpu.memory_space<vmem>> -> memref<1x128x64xf32, #tpu.memory_space<vmem>>
    %dma_wait3A_147 = tpu.memref_squeeze %dma_wait3A_146 : memref<1x128x64xf32, #tpu.memory_space<vmem>> -> memref<128x64xf32, #tpu.memory_space<vmem>>
    %dma_wait3A_148 = arith.constant 0 : i32
    %dma_wait3A_149 = tpu.memref_slice %arg6[%dma_wait3A_143, %dma_wait3A_148] : memref<78x128xi32, #tpu.memory_space<vmem>> -> memref<1x128xi32, #tpu.memory_space<vmem>>
    %dma_wait3A_150 = tpu.memref_squeeze %dma_wait3A_149 : memref<1x128xi32, #tpu.memory_space<vmem>> -> memref<128xi32, #tpu.memory_space<vmem>>
    %dma_wait3A_151 = arith.constant 0 : i32
    %dma_wait3A_152 = arith.constant 0 : i32
    %dma_wait3A_153 = tpu.memref_slice %arg10[%dma_wait3A_151, %dma_wait3A_152] : memref<10240x64xf32, #tpu.memory_space<vmem_shared>> -> memref<10240x64xf32, #tpu.memory_space<vmem_shared>>
    tpu.wait_indirect_dma semaphore(%arg14 : memref<!tpu.dma_semaphore, #tpu.memory_space<semaphore_mem>>) src(%dma_wait3A_147 : memref<128x64xf32, #tpu.memory_space<vmem>>) dst(%dma_wait3A_153 : memref<10240x64xf32, #tpu.memory_space<vmem_shared>>)
    %dma_wait3A_154 = arith.constant 4 : i32
    %dma_wait3A_155 = arith.constant 70 : i32
    %dma_wait3A_156 = arith.constant 0 : i32
    %dma_wait3A_157 = arith.constant 0 : i32
    %dma_wait3A_158 = tpu.memref_slice %arg9[%dma_wait3A_154, %dma_wait3A_156, %dma_wait3A_157] : memref<6x128x64xf32, #tpu.memory_space<vmem>> -> memref<1x128x64xf32, #tpu.memory_space<vmem>>
    %dma_wait3A_159 = tpu.memref_squeeze %dma_wait3A_158 : memref<1x128x64xf32, #tpu.memory_space<vmem>> -> memref<128x64xf32, #tpu.memory_space<vmem>>
    %dma_wait3A_160 = arith.constant 0 : i32
    %dma_wait3A_161 = tpu.memref_slice %arg6[%dma_wait3A_155, %dma_wait3A_160] : memref<78x128xi32, #tpu.memory_space<vmem>> -> memref<1x128xi32, #tpu.memory_space<vmem>>
    %dma_wait3A_162 = tpu.memref_squeeze %dma_wait3A_161 : memref<1x128xi32, #tpu.memory_space<vmem>> -> memref<128xi32, #tpu.memory_space<vmem>>
    %dma_wait3A_163 = arith.constant 0 : i32
    %dma_wait3A_164 = arith.constant 0 : i32
    %dma_wait3A_165 = tpu.memref_slice %arg10[%dma_wait3A_163, %dma_wait3A_164] : memref<10240x64xf32, #tpu.memory_space<vmem_shared>> -> memref<10240x64xf32, #tpu.memory_space<vmem_shared>>
    tpu.wait_indirect_dma semaphore(%arg14 : memref<!tpu.dma_semaphore, #tpu.memory_space<semaphore_mem>>) src(%dma_wait3A_159 : memref<128x64xf32, #tpu.memory_space<vmem>>) dst(%dma_wait3A_165 : memref<10240x64xf32, #tpu.memory_space<vmem_shared>>)
    %dma_wait3A_166 = arith.constant 5 : i32
    %dma_wait3A_167 = arith.constant 71 : i32
    %dma_wait3A_168 = arith.constant 0 : i32
    %dma_wait3A_169 = arith.constant 0 : i32
    %dma_wait3A_170 = tpu.memref_slice %arg9[%dma_wait3A_166, %dma_wait3A_168, %dma_wait3A_169] : memref<6x128x64xf32, #tpu.memory_space<vmem>> -> memref<1x128x64xf32, #tpu.memory_space<vmem>>
    %dma_wait3A_171 = tpu.memref_squeeze %dma_wait3A_170 : memref<1x128x64xf32, #tpu.memory_space<vmem>> -> memref<128x64xf32, #tpu.memory_space<vmem>>
    %dma_wait3A_172 = arith.constant 0 : i32
    %dma_wait3A_173 = tpu.memref_slice %arg6[%dma_wait3A_167, %dma_wait3A_172] : memref<78x128xi32, #tpu.memory_space<vmem>> -> memref<1x128xi32, #tpu.memory_space<vmem>>
    %dma_wait3A_174 = tpu.memref_squeeze %dma_wait3A_173 : memref<1x128xi32, #tpu.memory_space<vmem>> -> memref<128xi32, #tpu.memory_space<vmem>>
    %dma_wait3A_175 = arith.constant 0 : i32
    %dma_wait3A_176 = arith.constant 0 : i32
    %dma_wait3A_177 = tpu.memref_slice %arg10[%dma_wait3A_175, %dma_wait3A_176] : memref<10240x64xf32, #tpu.memory_space<vmem_shared>> -> memref<10240x64xf32, #tpu.memory_space<vmem_shared>>
    tpu.wait_indirect_dma semaphore(%arg14 : memref<!tpu.dma_semaphore, #tpu.memory_space<semaphore_mem>>) src(%dma_wait3A_171 : memref<128x64xf32, #tpu.memory_space<vmem>>) dst(%dma_wait3A_177 : memref<10240x64xf32, #tpu.memory_space<vmem_shared>>)
    %dma_start3A_178 = arith.constant 75 : i32
    %dma_start3A_179 = arith.constant 3 : i32
    %dma_start3A_180 = arith.constant 0 : i32
    %dma_start3A_181 = arith.constant 0 : i32
    %dma_start3A_182 = tpu.memref_slice %arg9[%dma_start3A_179, %dma_start3A_180, %dma_start3A_181] : memref<6x128x64xf32, #tpu.memory_space<vmem>> -> memref<1x128x64xf32, #tpu.memory_space<vmem>>
    %dma_start3A_183 = tpu.memref_squeeze %dma_start3A_182 : memref<1x128x64xf32, #tpu.memory_space<vmem>> -> memref<128x64xf32, #tpu.memory_space<vmem>>
    %dma_start3A_184 = arith.constant 0 : i32
    %dma_start3A_185 = tpu.memref_slice %arg5[%dma_start3A_178, %dma_start3A_184] : memref<78x128xi32, #tpu.memory_space<vmem>> -> memref<1x128xi32, #tpu.memory_space<vmem>>
    %dma_start3A_186 = tpu.memref_squeeze %dma_start3A_185 : memref<1x128xi32, #tpu.memory_space<vmem>> -> memref<128xi32, #tpu.memory_space<vmem>>
    %dma_start3A_187 = arith.constant 0 : i32
    %dma_start3A_188 = arith.constant 0 : i32
    %dma_start3A_189 = tpu.memref_slice %arg2[%arg0, %dma_start3A_187, %dma_start3A_188] : memref<2x10240x64xf32, #tpu.memory_space<hbm>> -> memref<1x10240x64xf32, #tpu.memory_space<hbm>>
    %dma_start3A_190 = tpu.memref_squeeze %dma_start3A_189 : memref<1x10240x64xf32, #tpu.memory_space<hbm>> -> memref<10240x64xf32, #tpu.memory_space<hbm>>
    %dma_start3A_191 = arith.constant 0 : i32
    %dma_start3A_192 = arith.constant 0 : i32
    %dma_start3A_193 = tpu.memref_slice %dma_start3A_190[%dma_start3A_191, %dma_start3A_192] : memref<10240x64xf32, #tpu.memory_space<hbm>> -> memref<10240x64xf32, #tpu.memory_space<hbm>>
    tpu.enqueue_indirect_dma source(%dma_start3A_193 : memref<10240x64xf32, #tpu.memory_space<hbm>>) target(%dma_start3A_183 : memref<128x64xf32, #tpu.memory_space<vmem>>) offsets(%dma_start3A_186 : memref<128xi32, #tpu.memory_space<vmem>>) semaphore(%arg12 : memref<!tpu.dma_semaphore, #tpu.memory_space<semaphore_mem>>)
    %dma_start3A_194 = arith.constant 76 : i32
    %dma_start3A_195 = arith.constant 4 : i32
    %dma_start3A_196 = arith.constant 0 : i32
    %dma_start3A_197 = arith.constant 0 : i32
    %dma_start3A_198 = tpu.memref_slice %arg9[%dma_start3A_195, %dma_start3A_196, %dma_start3A_197] : memref<6x128x64xf32, #tpu.memory_space<vmem>> -> memref<1x128x64xf32, #tpu.memory_space<vmem>>
    %dma_start3A_199 = tpu.memref_squeeze %dma_start3A_198 : memref<1x128x64xf32, #tpu.memory_space<vmem>> -> memref<128x64xf32, #tpu.memory_space<vmem>>
    %dma_start3A_200 = arith.constant 0 : i32
    %dma_start3A_201 = tpu.memref_slice %arg5[%dma_start3A_194, %dma_start3A_200] : memref<78x128xi32, #tpu.memory_space<vmem>> -> memref<1x128xi32, #tpu.memory_space<vmem>>
    %dma_start3A_202 = tpu.memref_squeeze %dma_start3A_201 : memref<1x128xi32, #tpu.memory_space<vmem>> -> memref<128xi32, #tpu.memory_space<vmem>>
    %dma_start3A_203 = arith.constant 0 : i32
    %dma_start3A_204 = arith.constant 0 : i32
    %dma_start3A_205 = tpu.memref_slice %arg2[%arg0, %dma_start3A_203, %dma_start3A_204] : memref<2x10240x64xf32, #tpu.memory_space<hbm>> -> memref<1x10240x64xf32, #tpu.memory_space<hbm>>
    %dma_start3A_206 = tpu.memref_squeeze %dma_start3A_205 : memref<1x10240x64xf32, #tpu.memory_space<hbm>> -> memref<10240x64xf32, #tpu.memory_space<hbm>>
    %dma_start3A_207 = arith.constant 0 : i32
    %dma_start3A_208 = arith.constant 0 : i32
    %dma_start3A_209 = tpu.memref_slice %dma_start3A_206[%dma_start3A_207, %dma_start3A_208] : memref<10240x64xf32, #tpu.memory_space<hbm>> -> memref<10240x64xf32, #tpu.memory_space<hbm>>
    tpu.enqueue_indirect_dma source(%dma_start3A_209 : memref<10240x64xf32, #tpu.memory_space<hbm>>) target(%dma_start3A_199 : memref<128x64xf32, #tpu.memory_space<vmem>>) offsets(%dma_start3A_202 : memref<128xi32, #tpu.memory_space<vmem>>) semaphore(%arg12 : memref<!tpu.dma_semaphore, #tpu.memory_space<semaphore_mem>>)
    %dma_start3A_210 = arith.constant 77 : i32
    %dma_start3A_211 = arith.constant 5 : i32
    %dma_start3A_212 = arith.constant 0 : i32
    %dma_start3A_213 = arith.constant 0 : i32
    %dma_start3A_214 = tpu.memref_slice %arg9[%dma_start3A_211, %dma_start3A_212, %dma_start3A_213] : memref<6x128x64xf32, #tpu.memory_space<vmem>> -> memref<1x128x64xf32, #tpu.memory_space<vmem>>
    %dma_start3A_215 = tpu.memref_squeeze %dma_start3A_214 : memref<1x128x64xf32, #tpu.memory_space<vmem>> -> memref<128x64xf32, #tpu.memory_space<vmem>>
    %dma_start3A_216 = arith.constant 0 : i32
    %dma_start3A_217 = tpu.memref_slice %arg5[%dma_start3A_210, %dma_start3A_216] : memref<78x128xi32, #tpu.memory_space<vmem>> -> memref<1x128xi32, #tpu.memory_space<vmem>>
    %dma_start3A_218 = tpu.memref_squeeze %dma_start3A_217 : memref<1x128xi32, #tpu.memory_space<vmem>> -> memref<128xi32, #tpu.memory_space<vmem>>
    %dma_start3A_219 = arith.constant 0 : i32
    %dma_start3A_220 = arith.constant 0 : i32
    %dma_start3A_221 = tpu.memref_slice %arg2[%arg0, %dma_start3A_219, %dma_start3A_220] : memref<2x10240x64xf32, #tpu.memory_space<hbm>> -> memref<1x10240x64xf32, #tpu.memory_space<hbm>>
    %dma_start3A_222 = tpu.memref_squeeze %dma_start3A_221 : memref<1x10240x64xf32, #tpu.memory_space<hbm>> -> memref<10240x64xf32, #tpu.memory_space<hbm>>
    %dma_start3A_223 = arith.constant 0 : i32
    %dma_start3A_224 = arith.constant 0 : i32
    %dma_start3A_225 = tpu.memref_slice %dma_start3A_222[%dma_start3A_223, %dma_start3A_224] : memref<10240x64xf32, #tpu.memory_space<hbm>> -> memref<10240x64xf32, #tpu.memory_space<hbm>>
    tpu.enqueue_indirect_dma source(%dma_start3A_225 : memref<10240x64xf32, #tpu.memory_space<hbm>>) target(%dma_start3A_215 : memref<128x64xf32, #tpu.memory_space<vmem>>) offsets(%dma_start3A_218 : memref<128xi32, #tpu.memory_space<vmem>>) semaphore(%arg12 : memref<!tpu.dma_semaphore, #tpu.memory_space<semaphore_mem>>)
    %dma_wait3A_226 = arith.constant 75 : i32
    %dma_wait3A_227 = arith.constant 3 : i32
    %dma_wait3A_228 = arith.constant 0 : i32
    %dma_wait3A_229 = arith.constant 0 : i32
    %dma_wait3A_230 = tpu.memref_slice %arg9[%dma_wait3A_227, %dma_wait3A_228, %dma_wait3A_229] : memref<6x128x64xf32, #tpu.memory_space<vmem>> -> memref<1x128x64xf32, #tpu.memory_space<vmem>>
    %dma_wait3A_231 = tpu.memref_squeeze %dma_wait3A_230 : memref<1x128x64xf32, #tpu.memory_space<vmem>> -> memref<128x64xf32, #tpu.memory_space<vmem>>
    %dma_wait3A_232 = arith.constant 0 : i32
    %dma_wait3A_233 = tpu.memref_slice %arg5[%dma_wait3A_226, %dma_wait3A_232] : memref<78x128xi32, #tpu.memory_space<vmem>> -> memref<1x128xi32, #tpu.memory_space<vmem>>
    %dma_wait3A_234 = tpu.memref_squeeze %dma_wait3A_233 : memref<1x128xi32, #tpu.memory_space<vmem>> -> memref<128xi32, #tpu.memory_space<vmem>>
    %dma_wait3A_235 = arith.constant 0 : i32
    %dma_wait3A_236 = arith.constant 0 : i32
    %dma_wait3A_237 = tpu.memref_slice %arg2[%arg0, %dma_wait3A_235, %dma_wait3A_236] : memref<2x10240x64xf32, #tpu.memory_space<hbm>> -> memref<1x10240x64xf32, #tpu.memory_space<hbm>>
    %dma_wait3A_238 = tpu.memref_squeeze %dma_wait3A_237 : memref<1x10240x64xf32, #tpu.memory_space<hbm>> -> memref<10240x64xf32, #tpu.memory_space<hbm>>
    %dma_wait3A_239 = arith.constant 0 : i32
    %dma_wait3A_240 = arith.constant 0 : i32
    %dma_wait3A_241 = tpu.memref_slice %dma_wait3A_238[%dma_wait3A_239, %dma_wait3A_240] : memref<10240x64xf32, #tpu.memory_space<hbm>> -> memref<10240x64xf32, #tpu.memory_space<hbm>>
    tpu.wait_indirect_dma semaphore(%arg12 : memref<!tpu.dma_semaphore, #tpu.memory_space<semaphore_mem>>) src(%dma_wait3A_241 : memref<10240x64xf32, #tpu.memory_space<hbm>>) dst(%dma_wait3A_231 : memref<128x64xf32, #tpu.memory_space<vmem>>)
    %dma_wait3A_242 = arith.constant 76 : i32
    %dma_wait3A_243 = arith.constant 4 : i32
    %dma_wait3A_244 = arith.constant 0 : i32
    %dma_wait3A_245 = arith.constant 0 : i32
    %dma_wait3A_246 = tpu.memref_slice %arg9[%dma_wait3A_243, %dma_wait3A_244, %dma_wait3A_245] : memref<6x128x64xf32, #tpu.memory_space<vmem>> -> memref<1x128x64xf32, #tpu.memory_space<vmem>>
    %dma_wait3A_247 = tpu.memref_squeeze %dma_wait3A_246 : memref<1x128x64xf32, #tpu.memory_space<vmem>> -> memref<128x64xf32, #tpu.memory_space<vmem>>
    %dma_wait3A_248 = arith.constant 0 : i32
    %dma_wait3A_249 = tpu.memref_slice %arg5[%dma_wait3A_242, %dma_wait3A_248] : memref<78x128xi32, #tpu.memory_space<vmem>> -> memref<1x128xi32, #tpu.memory_space<vmem>>
    %dma_wait3A_250 = tpu.memref_squeeze %dma_wait3A_249 : memref<1x128xi32, #tpu.memory_space<vmem>> -> memref<128xi32, #tpu.memory_space<vmem>>
    %dma_wait3A_251 = arith.constant 0 : i32
    %dma_wait3A_252 = arith.constant 0 : i32
    %dma_wait3A_253 = tpu.memref_slice %arg2[%arg0, %dma_wait3A_251, %dma_wait3A_252] : memref<2x10240x64xf32, #tpu.memory_space<hbm>> -> memref<1x10240x64xf32, #tpu.memory_space<hbm>>
    %dma_wait3A_254 = tpu.memref_squeeze %dma_wait3A_253 : memref<1x10240x64xf32, #tpu.memory_space<hbm>> -> memref<10240x64xf32, #tpu.memory_space<hbm>>
    %dma_wait3A_255 = arith.constant 0 : i32
    %dma_wait3A_256 = arith.constant 0 : i32
    %dma_wait3A_257 = tpu.memref_slice %dma_wait3A_254[%dma_wait3A_255, %dma_wait3A_256] : memref<10240x64xf32, #tpu.memory_space<hbm>> -> memref<10240x64xf32, #tpu.memory_space<hbm>>
    tpu.wait_indirect_dma semaphore(%arg12 : memref<!tpu.dma_semaphore, #tpu.memory_space<semaphore_mem>>) src(%dma_wait3A_257 : memref<10240x64xf32, #tpu.memory_space<hbm>>) dst(%dma_wait3A_247 : memref<128x64xf32, #tpu.memory_space<vmem>>)
    %dma_wait3A_258 = arith.constant 77 : i32
    %dma_wait3A_259 = arith.constant 5 : i32
    %dma_wait3A_260 = arith.constant 0 : i32
    %dma_wait3A_261 = arith.constant 0 : i32
    %dma_wait3A_262 = tpu.memref_slice %arg9[%dma_wait3A_259, %dma_wait3A_260, %dma_wait3A_261] : memref<6x128x64xf32, #tpu.memory_space<vmem>> -> memref<1x128x64xf32, #tpu.memory_space<vmem>>
    %dma_wait3A_263 = tpu.memref_squeeze %dma_wait3A_262 : memref<1x128x64xf32, #tpu.memory_space<vmem>> -> memref<128x64xf32, #tpu.memory_space<vmem>>
    %dma_wait3A_264 = arith.constant 0 : i32
    %dma_wait3A_265 = tpu.memref_slice %arg5[%dma_wait3A_258, %dma_wait3A_264] : memref<78x128xi32, #tpu.memory_space<vmem>> -> memref<1x128xi32, #tpu.memory_space<vmem>>
    %dma_wait3A_266 = tpu.memref_squeeze %dma_wait3A_265 : memref<1x128xi32, #tpu.memory_space<vmem>> -> memref<128xi32, #tpu.memory_space<vmem>>
    %dma_wait3A_267 = arith.constant 0 : i32
    %dma_wait3A_268 = arith.constant 0 : i32
    %dma_wait3A_269 = tpu.memref_slice %arg2[%arg0, %dma_wait3A_267, %dma_wait3A_268] : memref<2x10240x64xf32, #tpu.memory_space<hbm>> -> memref<1x10240x64xf32, #tpu.memory_space<hbm>>
    %dma_wait3A_270 = tpu.memref_squeeze %dma_wait3A_269 : memref<1x10240x64xf32, #tpu.memory_space<hbm>> -> memref<10240x64xf32, #tpu.memory_space<hbm>>
    %dma_wait3A_271 = arith.constant 0 : i32
    %dma_wait3A_272 = arith.constant 0 : i32
    %dma_wait3A_273 = tpu.memref_slice %dma_wait3A_270[%dma_wait3A_271, %dma_wait3A_272] : memref<10240x64xf32, #tpu.memory_space<hbm>> -> memref<10240x64xf32, #tpu.memory_space<hbm>>
    tpu.wait_indirect_dma semaphore(%arg12 : memref<!tpu.dma_semaphore, #tpu.memory_space<semaphore_mem>>) src(%dma_wait3A_273 : memref<10240x64xf32, #tpu.memory_space<hbm>>) dst(%dma_wait3A_263 : memref<128x64xf32, #tpu.memory_space<vmem>>)
    %dma_start3A_274 = arith.constant 3 : i32
    %dma_start3A_275 = arith.constant 75 : i32
    %dma_start3A_276 = arith.constant 0 : i32
    %dma_start3A_277 = arith.constant 0 : i32
    %dma_start3A_278 = tpu.memref_slice %arg9[%dma_start3A_274, %dma_start3A_276, %dma_start3A_277] : memref<6x128x64xf32, #tpu.memory_space<vmem>> -> memref<1x128x64xf32, #tpu.memory_space<vmem>>
    %dma_start3A_279 = tpu.memref_squeeze %dma_start3A_278 : memref<1x128x64xf32, #tpu.memory_space<vmem>> -> memref<128x64xf32, #tpu.memory_space<vmem>>
    %dma_start3A_280 = arith.constant 0 : i32
    %dma_start3A_281 = tpu.memref_slice %arg6[%dma_start3A_275, %dma_start3A_280] : memref<78x128xi32, #tpu.memory_space<vmem>> -> memref<1x128xi32, #tpu.memory_space<vmem>>
    %dma_start3A_282 = tpu.memref_squeeze %dma_start3A_281 : memref<1x128xi32, #tpu.memory_space<vmem>> -> memref<128xi32, #tpu.memory_space<vmem>>
    %dma_start3A_283 = arith.constant 0 : i32
    %dma_start3A_284 = arith.constant 0 : i32
    %dma_start3A_285 = tpu.memref_slice %arg10[%dma_start3A_283, %dma_start3A_284] : memref<10240x64xf32, #tpu.memory_space<vmem_shared>> -> memref<10240x64xf32, #tpu.memory_space<vmem_shared>>
    tpu.enqueue_indirect_dma source(%dma_start3A_279 : memref<128x64xf32, #tpu.memory_space<vmem>>) target(%dma_start3A_285 : memref<10240x64xf32, #tpu.memory_space<vmem_shared>>) offsets(%dma_start3A_282 : memref<128xi32, #tpu.memory_space<vmem>>) semaphore(%arg14 : memref<!tpu.dma_semaphore, #tpu.memory_space<semaphore_mem>>) {add = true}
    %dma_start3A_286 = arith.constant 4 : i32
    %dma_start3A_287 = arith.constant 76 : i32
    %dma_start3A_288 = arith.constant 0 : i32
    %dma_start3A_289 = arith.constant 0 : i32
    %dma_start3A_290 = tpu.memref_slice %arg9[%dma_start3A_286, %dma_start3A_288, %dma_start3A_289] : memref<6x128x64xf32, #tpu.memory_space<vmem>> -> memref<1x128x64xf32, #tpu.memory_space<vmem>>
    %dma_start3A_291 = tpu.memref_squeeze %dma_start3A_290 : memref<1x128x64xf32, #tpu.memory_space<vmem>> -> memref<128x64xf32, #tpu.memory_space<vmem>>
    %dma_start3A_292 = arith.constant 0 : i32
    %dma_start3A_293 = tpu.memref_slice %arg6[%dma_start3A_287, %dma_start3A_292] : memref<78x128xi32, #tpu.memory_space<vmem>> -> memref<1x128xi32, #tpu.memory_space<vmem>>
    %dma_start3A_294 = tpu.memref_squeeze %dma_start3A_293 : memref<1x128xi32, #tpu.memory_space<vmem>> -> memref<128xi32, #tpu.memory_space<vmem>>
    %dma_start3A_295 = arith.constant 0 : i32
    %dma_start3A_296 = arith.constant 0 : i32
    %dma_start3A_297 = tpu.memref_slice %arg10[%dma_start3A_295, %dma_start3A_296] : memref<10240x64xf32, #tpu.memory_space<vmem_shared>> -> memref<10240x64xf32, #tpu.memory_space<vmem_shared>>
    tpu.enqueue_indirect_dma source(%dma_start3A_291 : memref<128x64xf32, #tpu.memory_space<vmem>>) target(%dma_start3A_297 : memref<10240x64xf32, #tpu.memory_space<vmem_shared>>) offsets(%dma_start3A_294 : memref<128xi32, #tpu.memory_space<vmem>>) semaphore(%arg14 : memref<!tpu.dma_semaphore, #tpu.memory_space<semaphore_mem>>) {add = true}
    %dma_start3A_298 = arith.constant 5 : i32
    %dma_start3A_299 = arith.constant 77 : i32
    %dma_start3A_300 = arith.constant 0 : i32
    %dma_start3A_301 = arith.constant 0 : i32
    %dma_start3A_302 = tpu.memref_slice %arg9[%dma_start3A_298, %dma_start3A_300, %dma_start3A_301] : memref<6x128x64xf32, #tpu.memory_space<vmem>> -> memref<1x128x64xf32, #tpu.memory_space<vmem>>
    %dma_start3A_303 = tpu.memref_squeeze %dma_start3A_302 : memref<1x128x64xf32, #tpu.memory_space<vmem>> -> memref<128x64xf32, #tpu.memory_space<vmem>>
    %dma_start3A_304 = arith.constant 0 : i32
    %dma_start3A_305 = tpu.memref_slice %arg6[%dma_start3A_299, %dma_start3A_304] : memref<78x128xi32, #tpu.memory_space<vmem>> -> memref<1x128xi32, #tpu.memory_space<vmem>>
    %dma_start3A_306 = tpu.memref_squeeze %dma_start3A_305 : memref<1x128xi32, #tpu.memory_space<vmem>> -> memref<128xi32, #tpu.memory_space<vmem>>
    %dma_start3A_307 = arith.constant 0 : i32
    %dma_start3A_308 = arith.constant 0 : i32
    %dma_start3A_309 = tpu.memref_slice %arg10[%dma_start3A_307, %dma_start3A_308] : memref<10240x64xf32, #tpu.memory_space<vmem_shared>> -> memref<10240x64xf32, #tpu.memory_space<vmem_shared>>
    tpu.enqueue_indirect_dma source(%dma_start3A_303 : memref<128x64xf32, #tpu.memory_space<vmem>>) target(%dma_start3A_309 : memref<10240x64xf32, #tpu.memory_space<vmem_shared>>) offsets(%dma_start3A_306 : memref<128xi32, #tpu.memory_space<vmem>>) semaphore(%arg14 : memref<!tpu.dma_semaphore, #tpu.memory_space<semaphore_mem>>) {add = true}
    %dma_wait3A_310 = arith.constant 0 : i32
    %dma_wait3A_311 = arith.constant 72 : i32
    %dma_wait3A_312 = arith.constant 0 : i32
    %dma_wait3A_313 = arith.constant 0 : i32
    %dma_wait3A_314 = tpu.memref_slice %arg9[%dma_wait3A_310, %dma_wait3A_312, %dma_wait3A_313] : memref<6x128x64xf32, #tpu.memory_space<vmem>> -> memref<1x128x64xf32, #tpu.memory_space<vmem>>
    %dma_wait3A_315 = tpu.memref_squeeze %dma_wait3A_314 : memref<1x128x64xf32, #tpu.memory_space<vmem>> -> memref<128x64xf32, #tpu.memory_space<vmem>>
    %dma_wait3A_316 = arith.constant 0 : i32
    %dma_wait3A_317 = tpu.memref_slice %arg6[%dma_wait3A_311, %dma_wait3A_316] : memref<78x128xi32, #tpu.memory_space<vmem>> -> memref<1x128xi32, #tpu.memory_space<vmem>>
    %dma_wait3A_318 = tpu.memref_squeeze %dma_wait3A_317 : memref<1x128xi32, #tpu.memory_space<vmem>> -> memref<128xi32, #tpu.memory_space<vmem>>
    %dma_wait3A_319 = arith.constant 0 : i32
    %dma_wait3A_320 = arith.constant 0 : i32
    %dma_wait3A_321 = tpu.memref_slice %arg10[%dma_wait3A_319, %dma_wait3A_320] : memref<10240x64xf32, #tpu.memory_space<vmem_shared>> -> memref<10240x64xf32, #tpu.memory_space<vmem_shared>>
    tpu.wait_indirect_dma semaphore(%arg13 : memref<!tpu.dma_semaphore, #tpu.memory_space<semaphore_mem>>) src(%dma_wait3A_315 : memref<128x64xf32, #tpu.memory_space<vmem>>) dst(%dma_wait3A_321 : memref<10240x64xf32, #tpu.memory_space<vmem_shared>>)
    %dma_wait3A_322 = arith.constant 1 : i32
    %dma_wait3A_323 = arith.constant 73 : i32
    %dma_wait3A_324 = arith.constant 0 : i32
    %dma_wait3A_325 = arith.constant 0 : i32
    %dma_wait3A_326 = tpu.memref_slice %arg9[%dma_wait3A_322, %dma_wait3A_324, %dma_wait3A_325] : memref<6x128x64xf32, #tpu.memory_space<vmem>> -> memref<1x128x64xf32, #tpu.memory_space<vmem>>
    %dma_wait3A_327 = tpu.memref_squeeze %dma_wait3A_326 : memref<1x128x64xf32, #tpu.memory_space<vmem>> -> memref<128x64xf32, #tpu.memory_space<vmem>>
    %dma_wait3A_328 = arith.constant 0 : i32
    %dma_wait3A_329 = tpu.memref_slice %arg6[%dma_wait3A_323, %dma_wait3A_328] : memref<78x128xi32, #tpu.memory_space<vmem>> -> memref<1x128xi32, #tpu.memory_space<vmem>>
    %dma_wait3A_330 = tpu.memref_squeeze %dma_wait3A_329 : memref<1x128xi32, #tpu.memory_space<vmem>> -> memref<128xi32, #tpu.memory_space<vmem>>
    %dma_wait3A_331 = arith.constant 0 : i32
    %dma_wait3A_332 = arith.constant 0 : i32
    %dma_wait3A_333 = tpu.memref_slice %arg10[%dma_wait3A_331, %dma_wait3A_332] : memref<10240x64xf32, #tpu.memory_space<vmem_shared>> -> memref<10240x64xf32, #tpu.memory_space<vmem_shared>>
    tpu.wait_indirect_dma semaphore(%arg13 : memref<!tpu.dma_semaphore, #tpu.memory_space<semaphore_mem>>) src(%dma_wait3A_327 : memref<128x64xf32, #tpu.memory_space<vmem>>) dst(%dma_wait3A_333 : memref<10240x64xf32, #tpu.memory_space<vmem_shared>>)
    %dma_wait3A_334 = arith.constant 2 : i32
    %dma_wait3A_335 = arith.constant 74 : i32
    %dma_wait3A_336 = arith.constant 0 : i32
    %dma_wait3A_337 = arith.constant 0 : i32
    %dma_wait3A_338 = tpu.memref_slice %arg9[%dma_wait3A_334, %dma_wait3A_336, %dma_wait3A_337] : memref<6x128x64xf32, #tpu.memory_space<vmem>> -> memref<1x128x64xf32, #tpu.memory_space<vmem>>
    %dma_wait3A_339 = tpu.memref_squeeze %dma_wait3A_338 : memref<1x128x64xf32, #tpu.memory_space<vmem>> -> memref<128x64xf32, #tpu.memory_space<vmem>>
    %dma_wait3A_340 = arith.constant 0 : i32
    %dma_wait3A_341 = tpu.memref_slice %arg6[%dma_wait3A_335, %dma_wait3A_340] : memref<78x128xi32, #tpu.memory_space<vmem>> -> memref<1x128xi32, #tpu.memory_space<vmem>>
    %dma_wait3A_342 = tpu.memref_squeeze %dma_wait3A_341 : memref<1x128xi32, #tpu.memory_space<vmem>> -> memref<128xi32, #tpu.memory_space<vmem>>
    %dma_wait3A_343 = arith.constant 0 : i32
    %dma_wait3A_344 = arith.constant 0 : i32
    %dma_wait3A_345 = tpu.memref_slice %arg10[%dma_wait3A_343, %dma_wait3A_344] : memref<10240x64xf32, #tpu.memory_space<vmem_shared>> -> memref<10240x64xf32, #tpu.memory_space<vmem_shared>>
    tpu.wait_indirect_dma semaphore(%arg13 : memref<!tpu.dma_semaphore, #tpu.memory_space<semaphore_mem>>) src(%dma_wait3A_339 : memref<128x64xf32, #tpu.memory_space<vmem>>) dst(%dma_wait3A_345 : memref<10240x64xf32, #tpu.memory_space<vmem_shared>>)
    %dma_wait3A_346 = arith.constant 3 : i32
    %dma_wait3A_347 = arith.constant 75 : i32
    %dma_wait3A_348 = arith.constant 0 : i32
    %dma_wait3A_349 = arith.constant 0 : i32
    %dma_wait3A_350 = tpu.memref_slice %arg9[%dma_wait3A_346, %dma_wait3A_348, %dma_wait3A_349] : memref<6x128x64xf32, #tpu.memory_space<vmem>> -> memref<1x128x64xf32, #tpu.memory_space<vmem>>
    %dma_wait3A_351 = tpu.memref_squeeze %dma_wait3A_350 : memref<1x128x64xf32, #tpu.memory_space<vmem>> -> memref<128x64xf32, #tpu.memory_space<vmem>>
    %dma_wait3A_352 = arith.constant 0 : i32
    %dma_wait3A_353 = tpu.memref_slice %arg6[%dma_wait3A_347, %dma_wait3A_352] : memref<78x128xi32, #tpu.memory_space<vmem>> -> memref<1x128xi32, #tpu.memory_space<vmem>>
    %dma_wait3A_354 = tpu.memref_squeeze %dma_wait3A_353 : memref<1x128xi32, #tpu.memory_space<vmem>> -> memref<128xi32, #tpu.memory_space<vmem>>
    %dma_wait3A_355 = arith.constant 0 : i32
    %dma_wait3A_356 = arith.constant 0 : i32
    %dma_wait3A_357 = tpu.memref_slice %arg10[%dma_wait3A_355, %dma_wait3A_356] : memref<10240x64xf32, #tpu.memory_space<vmem_shared>> -> memref<10240x64xf32, #tpu.memory_space<vmem_shared>>
    tpu.wait_indirect_dma semaphore(%arg14 : memref<!tpu.dma_semaphore, #tpu.memory_space<semaphore_mem>>) src(%dma_wait3A_351 : memref<128x64xf32, #tpu.memory_space<vmem>>) dst(%dma_wait3A_357 : memref<10240x64xf32, #tpu.memory_space<vmem_shared>>)
    %dma_wait3A_358 = arith.constant 4 : i32
    %dma_wait3A_359 = arith.constant 76 : i32
    %dma_wait3A_360 = arith.constant 0 : i32
    %dma_wait3A_361 = arith.constant 0 : i32
    %dma_wait3A_362 = tpu.memref_slice %arg9[%dma_wait3A_358, %dma_wait3A_360, %dma_wait3A_361] : memref<6x128x64xf32, #tpu.memory_space<vmem>> -> memref<1x128x64xf32, #tpu.memory_space<vmem>>
    %dma_wait3A_363 = tpu.memref_squeeze %dma_wait3A_362 : memref<1x128x64xf32, #tpu.memory_space<vmem>> -> memref<128x64xf32, #tpu.memory_space<vmem>>
    %dma_wait3A_364 = arith.constant 0 : i32
    %dma_wait3A_365 = tpu.memref_slice %arg6[%dma_wait3A_359, %dma_wait3A_364] : memref<78x128xi32, #tpu.memory_space<vmem>> -> memref<1x128xi32, #tpu.memory_space<vmem>>
    %dma_wait3A_366 = tpu.memref_squeeze %dma_wait3A_365 : memref<1x128xi32, #tpu.memory_space<vmem>> -> memref<128xi32, #tpu.memory_space<vmem>>
    %dma_wait3A_367 = arith.constant 0 : i32
    %dma_wait3A_368 = arith.constant 0 : i32
    %dma_wait3A_369 = tpu.memref_slice %arg10[%dma_wait3A_367, %dma_wait3A_368] : memref<10240x64xf32, #tpu.memory_space<vmem_shared>> -> memref<10240x64xf32, #tpu.memory_space<vmem_shared>>
    tpu.wait_indirect_dma semaphore(%arg14 : memref<!tpu.dma_semaphore, #tpu.memory_space<semaphore_mem>>) src(%dma_wait3A_363 : memref<128x64xf32, #tpu.memory_space<vmem>>) dst(%dma_wait3A_369 : memref<10240x64xf32, #tpu.memory_space<vmem_shared>>)
    %dma_wait3A_370 = arith.constant 5 : i32
    %dma_wait3A_371 = arith.constant 77 : i32
    %dma_wait3A_372 = arith.constant 0 : i32
    %dma_wait3A_373 = arith.constant 0 : i32
    %dma_wait3A_374 = tpu.memref_slice %arg9[%dma_wait3A_370, %dma_wait3A_372, %dma_wait3A_373] : memref<6x128x64xf32, #tpu.memory_space<vmem>> -> memref<1x128x64xf32, #tpu.memory_space<vmem>>
    %dma_wait3A_375 = tpu.memref_squeeze %dma_wait3A_374 : memref<1x128x64xf32, #tpu.memory_space<vmem>> -> memref<128x64xf32, #tpu.memory_space<vmem>>
    %dma_wait3A_376 = arith.constant 0 : i32
    %dma_wait3A_377 = tpu.memref_slice %arg6[%dma_wait3A_371, %dma_wait3A_376] : memref<78x128xi32, #tpu.memory_space<vmem>> -> memref<1x128xi32, #tpu.memory_space<vmem>>
    %dma_wait3A_378 = tpu.memref_squeeze %dma_wait3A_377 : memref<1x128xi32, #tpu.memory_space<vmem>> -> memref<128xi32, #tpu.memory_space<vmem>>
    %dma_wait3A_379 = arith.constant 0 : i32
    %dma_wait3A_380 = arith.constant 0 : i32
    %dma_wait3A_381 = tpu.memref_slice %arg10[%dma_wait3A_379, %dma_wait3A_380] : memref<10240x64xf32, #tpu.memory_space<vmem_shared>> -> memref<10240x64xf32, #tpu.memory_space<vmem_shared>>
    tpu.wait_indirect_dma semaphore(%arg14 : memref<!tpu.dma_semaphore, #tpu.memory_space<semaphore_mem>>) src(%dma_wait3A_375 : memref<128x64xf32, #tpu.memory_space<vmem>>) dst(%dma_wait3A_381 : memref<10240x64xf32, #tpu.memory_space<vmem_shared>>)
    %add3A = arith.constant 78 : i32
    %add3A_382 = arith.addi %mul3A_0, %add3A : i32
    %run_scoped3A_383 = arith.constant 0 : i32
    "tpu.region"() ({
      %run_scoped3A_773 = tpu.sem_alloc : memref<!tpu.dma_semaphore, #tpu.memory_space<semaphore_mem>>
      %dma_start3A_774 = arith.constant 0 : i32
      %dma_start3A_775 = tpu.memref_slice %arg3[%run_scoped3A_383, %add3A_382, %dma_start3A_774] : memref<2x2500x128xi32, #tpu.memory_space<hbm>> -> memref<1x78x128xi32, #tpu.memory_space<hbm>>
      %dma_start3A_776 = tpu.memref_squeeze %dma_start3A_775 : memref<1x78x128xi32, #tpu.memory_space<hbm>> -> memref<78x128xi32, #tpu.memory_space<hbm>>
      %dma_start3A_777 = arith.constant 0 : i32
      %dma_start3A_778 = tpu.memref_slice %arg3[%run_scoped3A_383, %add3A_382, %dma_start3A_777] : memref<2x2500x128xi32, #tpu.memory_space<hbm>> -> memref<1x78x128xi32, #tpu.memory_space<hbm>>
      %dma_start3A_779 = tpu.memref_squeeze %dma_start3A_778 : memref<1x78x128xi32, #tpu.memory_space<hbm>> -> memref<78x128xi32, #tpu.memory_space<hbm>>
      tpu.enqueue_dma source(%dma_start3A_779 : memref<78x128xi32, #tpu.memory_space<hbm>>) target(%arg5 : memref<78x128xi32, #tpu.memory_space<vmem>>) target_semaphore(%run_scoped3A_773 : memref<!tpu.dma_semaphore, #tpu.memory_space<semaphore_mem>>)
      %dma_wait3A_780 = arith.constant 0 : i32
      %dma_wait3A_781 = tpu.memref_slice %arg3[%run_scoped3A_383, %add3A_382, %dma_wait3A_780] : memref<2x2500x128xi32, #tpu.memory_space<hbm>> -> memref<1x78x128xi32, #tpu.memory_space<hbm>>
      %dma_wait3A_782 = tpu.memref_squeeze %dma_wait3A_781 : memref<1x78x128xi32, #tpu.memory_space<hbm>> -> memref<78x128xi32, #tpu.memory_space<hbm>>
      %dma_wait3A_783 = arith.constant 0 : i32
      %dma_wait3A_784 = tpu.memref_slice %arg3[%run_scoped3A_383, %add3A_382, %dma_wait3A_783] : memref<2x2500x128xi32, #tpu.memory_space<hbm>> -> memref<1x78x128xi32, #tpu.memory_space<hbm>>
      %dma_wait3A_785 = tpu.memref_squeeze %dma_wait3A_784 : memref<1x78x128xi32, #tpu.memory_space<hbm>> -> memref<78x128xi32, #tpu.memory_space<hbm>>
      tpu.wait_dma2 semaphore(%run_scoped3A_773 : memref<!tpu.dma_semaphore, #tpu.memory_space<semaphore_mem>>) src(%dma_wait3A_785 : memref<78x128xi32, #tpu.memory_space<hbm>>) dst(%arg5 : memref<78x128xi32, #tpu.memory_space<vmem>>)
      tpu.yield
    }) : () -> ()
    %add3A_384 = arith.constant 78 : i32
    %add3A_385 = arith.addi %mul3A_0, %add3A_384 : i32
    %run_scoped3A_386 = arith.constant 1 : i32
    "tpu.region"() ({
      %run_scoped3A_773 = tpu.sem_alloc : memref<!tpu.dma_semaphore, #tpu.memory_space<semaphore_mem>>
      %dma_start3A_774 = arith.constant 0 : i32
      %dma_start3A_775 = tpu.memref_slice %arg3[%run_scoped3A_386, %add3A_385, %dma_start3A_774] : memref<2x2500x128xi32, #tpu.memory_space<hbm>> -> memref<1x78x128xi32, #tpu.memory_space<hbm>>
      %dma_start3A_776 = tpu.memref_squeeze %dma_start3A_775 : memref<1x78x128xi32, #tpu.memory_space<hbm>> -> memref<78x128xi32, #tpu.memory_space<hbm>>
      %dma_start3A_777 = arith.constant 0 : i32
      %dma_start3A_778 = tpu.memref_slice %arg3[%run_scoped3A_386, %add3A_385, %dma_start3A_777] : memref<2x2500x128xi32, #tpu.memory_space<hbm>> -> memref<1x78x128xi32, #tpu.memory_space<hbm>>
      %dma_start3A_779 = tpu.memref_squeeze %dma_start3A_778 : memref<1x78x128xi32, #tpu.memory_space<hbm>> -> memref<78x128xi32, #tpu.memory_space<hbm>>
      tpu.enqueue_dma source(%dma_start3A_779 : memref<78x128xi32, #tpu.memory_space<hbm>>) target(%arg6 : memref<78x128xi32, #tpu.memory_space<vmem>>) target_semaphore(%run_scoped3A_773 : memref<!tpu.dma_semaphore, #tpu.memory_space<semaphore_mem>>)
      %dma_wait3A_780 = arith.constant 0 : i32
      %dma_wait3A_781 = tpu.memref_slice %arg3[%run_scoped3A_386, %add3A_385, %dma_wait3A_780] : memref<2x2500x128xi32, #tpu.memory_space<hbm>> -> memref<1x78x128xi32, #tpu.memory_space<hbm>>
      %dma_wait3A_782 = tpu.memref_squeeze %dma_wait3A_781 : memref<1x78x128xi32, #tpu.memory_space<hbm>> -> memref<78x128xi32, #tpu.memory_space<hbm>>
      %dma_wait3A_783 = arith.constant 0 : i32
      %dma_wait3A_784 = tpu.memref_slice %arg3[%run_scoped3A_386, %add3A_385, %dma_wait3A_783] : memref<2x2500x128xi32, #tpu.memory_space<hbm>> -> memref<1x78x128xi32, #tpu.memory_space<hbm>>
      %dma_wait3A_785 = tpu.memref_squeeze %dma_wait3A_784 : memref<1x78x128xi32, #tpu.memory_space<hbm>> -> memref<78x128xi32, #tpu.memory_space<hbm>>
      tpu.wait_dma2 semaphore(%run_scoped3A_773 : memref<!tpu.dma_semaphore, #tpu.memory_space<semaphore_mem>>) src(%dma_wait3A_785 : memref<78x128xi32, #tpu.memory_space<hbm>>) dst(%arg6 : memref<78x128xi32, #tpu.memory_space<vmem>>)
      tpu.yield
    }) : () -> ()
    %dma_start3A_387 = arith.constant 0 : i32
    %dma_start3A_388 = arith.constant 0 : i32
    %dma_start3A_389 = arith.constant 0 : i32
    %dma_start3A_390 = arith.constant 0 : i32
    %dma_start3A_391 = tpu.memref_slice %arg9[%dma_start3A_388, %dma_start3A_389, %dma_start3A_390] : memref<6x128x64xf32, #tpu.memory_space<vmem>> -> memref<1x128x64xf32, #tpu.memory_space<vmem>>
    %dma_start3A_392 = tpu.memref_squeeze %dma_start3A_391 : memref<1x128x64xf32, #tpu.memory_space<vmem>> -> memref<128x64xf32, #tpu.memory_space<vmem>>
    %dma_start3A_393 = arith.constant 0 : i32
    %dma_start3A_394 = tpu.memref_slice %arg5[%dma_start3A_387, %dma_start3A_393] : memref<78x128xi32, #tpu.memory_space<vmem>> -> memref<1x128xi32, #tpu.memory_space<vmem>>
    %dma_start3A_395 = tpu.memref_squeeze %dma_start3A_394 : memref<1x128xi32, #tpu.memory_space<vmem>> -> memref<128xi32, #tpu.memory_space<vmem>>
    %dma_start3A_396 = arith.constant 0 : i32
    %dma_start3A_397 = arith.constant 0 : i32
    %dma_start3A_398 = tpu.memref_slice %arg2[%arg0, %dma_start3A_396, %dma_start3A_397] : memref<2x10240x64xf32, #tpu.memory_space<hbm>> -> memref<1x10240x64xf32, #tpu.memory_space<hbm>>
    %dma_start3A_399 = tpu.memref_squeeze %dma_start3A_398 : memref<1x10240x64xf32, #tpu.memory_space<hbm>> -> memref<10240x64xf32, #tpu.memory_space<hbm>>
    %dma_start3A_400 = arith.constant 0 : i32
    %dma_start3A_401 = arith.constant 0 : i32
    %dma_start3A_402 = tpu.memref_slice %dma_start3A_399[%dma_start3A_400, %dma_start3A_401] : memref<10240x64xf32, #tpu.memory_space<hbm>> -> memref<10240x64xf32, #tpu.memory_space<hbm>>
    tpu.enqueue_indirect_dma source(%dma_start3A_402 : memref<10240x64xf32, #tpu.memory_space<hbm>>) target(%dma_start3A_392 : memref<128x64xf32, #tpu.memory_space<vmem>>) offsets(%dma_start3A_395 : memref<128xi32, #tpu.memory_space<vmem>>) semaphore(%arg11 : memref<!tpu.dma_semaphore, #tpu.memory_space<semaphore_mem>>)
    %dma_start3A_403 = arith.constant 1 : i32
    %dma_start3A_404 = arith.constant 1 : i32
    %dma_start3A_405 = arith.constant 0 : i32
    %dma_start3A_406 = arith.constant 0 : i32
    %dma_start3A_407 = tpu.memref_slice %arg9[%dma_start3A_404, %dma_start3A_405, %dma_start3A_406] : memref<6x128x64xf32, #tpu.memory_space<vmem>> -> memref<1x128x64xf32, #tpu.memory_space<vmem>>
    %dma_start3A_408 = tpu.memref_squeeze %dma_start3A_407 : memref<1x128x64xf32, #tpu.memory_space<vmem>> -> memref<128x64xf32, #tpu.memory_space<vmem>>
    %dma_start3A_409 = arith.constant 0 : i32
    %dma_start3A_410 = tpu.memref_slice %arg5[%dma_start3A_403, %dma_start3A_409] : memref<78x128xi32, #tpu.memory_space<vmem>> -> memref<1x128xi32, #tpu.memory_space<vmem>>
    %dma_start3A_411 = tpu.memref_squeeze %dma_start3A_410 : memref<1x128xi32, #tpu.memory_space<vmem>> -> memref<128xi32, #tpu.memory_space<vmem>>
    %dma_start3A_412 = arith.constant 0 : i32
    %dma_start3A_413 = arith.constant 0 : i32
    %dma_start3A_414 = tpu.memref_slice %arg2[%arg0, %dma_start3A_412, %dma_start3A_413] : memref<2x10240x64xf32, #tpu.memory_space<hbm>> -> memref<1x10240x64xf32, #tpu.memory_space<hbm>>
    %dma_start3A_415 = tpu.memref_squeeze %dma_start3A_414 : memref<1x10240x64xf32, #tpu.memory_space<hbm>> -> memref<10240x64xf32, #tpu.memory_space<hbm>>
    %dma_start3A_416 = arith.constant 0 : i32
    %dma_start3A_417 = arith.constant 0 : i32
    %dma_start3A_418 = tpu.memref_slice %dma_start3A_415[%dma_start3A_416, %dma_start3A_417] : memref<10240x64xf32, #tpu.memory_space<hbm>> -> memref<10240x64xf32, #tpu.memory_space<hbm>>
    tpu.enqueue_indirect_dma source(%dma_start3A_418 : memref<10240x64xf32, #tpu.memory_space<hbm>>) target(%dma_start3A_408 : memref<128x64xf32, #tpu.memory_space<vmem>>) offsets(%dma_start3A_411 : memref<128xi32, #tpu.memory_space<vmem>>) semaphore(%arg11 : memref<!tpu.dma_semaphore, #tpu.memory_space<semaphore_mem>>)
    %dma_start3A_419 = arith.constant 2 : i32
    %dma_start3A_420 = arith.constant 2 : i32
    %dma_start3A_421 = arith.constant 0 : i32
    %dma_start3A_422 = arith.constant 0 : i32
    %dma_start3A_423 = tpu.memref_slice %arg9[%dma_start3A_420, %dma_start3A_421, %dma_start3A_422] : memref<6x128x64xf32, #tpu.memory_space<vmem>> -> memref<1x128x64xf32, #tpu.memory_space<vmem>>
    %dma_start3A_424 = tpu.memref_squeeze %dma_start3A_423 : memref<1x128x64xf32, #tpu.memory_space<vmem>> -> memref<128x64xf32, #tpu.memory_space<vmem>>
    %dma_start3A_425 = arith.constant 0 : i32
    %dma_start3A_426 = tpu.memref_slice %arg5[%dma_start3A_419, %dma_start3A_425] : memref<78x128xi32, #tpu.memory_space<vmem>> -> memref<1x128xi32, #tpu.memory_space<vmem>>
    %dma_start3A_427 = tpu.memref_squeeze %dma_start3A_426 : memref<1x128xi32, #tpu.memory_space<vmem>> -> memref<128xi32, #tpu.memory_space<vmem>>
    %dma_start3A_428 = arith.constant 0 : i32
    %dma_start3A_429 = arith.constant 0 : i32
    %dma_start3A_430 = tpu.memref_slice %arg2[%arg0, %dma_start3A_428, %dma_start3A_429] : memref<2x10240x64xf32, #tpu.memory_space<hbm>> -> memref<1x10240x64xf32, #tpu.memory_space<hbm>>
    %dma_start3A_431 = tpu.memref_squeeze %dma_start3A_430 : memref<1x10240x64xf32, #tpu.memory_space<hbm>> -> memref<10240x64xf32, #tpu.memory_space<hbm>>
    %dma_start3A_432 = arith.constant 0 : i32
    %dma_start3A_433 = arith.constant 0 : i32
    %dma_start3A_434 = tpu.memref_slice %dma_start3A_431[%dma_start3A_432, %dma_start3A_433] : memref<10240x64xf32, #tpu.memory_space<hbm>> -> memref<10240x64xf32, #tpu.memory_space<hbm>>
    tpu.enqueue_indirect_dma source(%dma_start3A_434 : memref<10240x64xf32, #tpu.memory_space<hbm>>) target(%dma_start3A_424 : memref<128x64xf32, #tpu.memory_space<vmem>>) offsets(%dma_start3A_427 : memref<128xi32, #tpu.memory_space<vmem>>) semaphore(%arg11 : memref<!tpu.dma_semaphore, #tpu.memory_space<semaphore_mem>>)
    %scan3A_435 = arith.constant 0 : i32
    %scan3A_436 = arith.constant 0 : i32
    %scan3A_437 = arith.constant 12 : i32
    %scan3A_438 = arith.addi %scan3A_436, %scan3A_437 : i32
    %scan3A_439 = arith.constant 1 : i32
    %scan3A_440 = scf.for %scan3A_773 = %scan3A_436 to %scan3A_438 step %scan3A_439 iter_args(%scan3A_774 = %scan3A_435) -> (i32)  : i32 {
      %mul3A_775 = arith.constant 2 : i32
      %mul3A_776 = arith.muli %scan3A_773, %mul3A_775 : i32
      %mul3A_777 = arith.constant 3 : i32
      %mul3A_778 = arith.muli %mul3A_776, %mul3A_777 : i32
      %add3A_779 = arith.constant 3 : i32
      %add3A_780 = arith.addi %mul3A_778, %add3A_779 : i32
      %add3A_781 = arith.constant 0 : i32
      %add3A_782 = arith.addi %mul3A_778, %add3A_781 : i32
      %dma_wait3A_783 = arith.constant 0 : i32
      %dma_wait3A_784 = arith.constant 0 : i32
      %dma_wait3A_785 = arith.constant 0 : i32
      %dma_wait3A_786 = tpu.memref_slice %arg9[%dma_wait3A_783, %dma_wait3A_784, %dma_wait3A_785] : memref<6x128x64xf32, #tpu.memory_space<vmem>> -> memref<1x128x64xf32, #tpu.memory_space<vmem>>
      %dma_wait3A_787 = tpu.memref_squeeze %dma_wait3A_786 : memref<1x128x64xf32, #tpu.memory_space<vmem>> -> memref<128x64xf32, #tpu.memory_space<vmem>>
      %dma_wait3A_788 = arith.constant 0 : i32
      %dma_wait3A_789 = tpu.memref_slice %arg5[%add3A_782, %dma_wait3A_788] : memref<78x128xi32, #tpu.memory_space<vmem>> -> memref<1x128xi32, #tpu.memory_space<vmem>>
      %dma_wait3A_790 = tpu.memref_squeeze %dma_wait3A_789 : memref<1x128xi32, #tpu.memory_space<vmem>> -> memref<128xi32, #tpu.memory_space<vmem>>
      %dma_wait3A_791 = arith.constant 0 : i32
      %dma_wait3A_792 = arith.constant 0 : i32
      %dma_wait3A_793 = tpu.memref_slice %arg2[%arg0, %dma_wait3A_791, %dma_wait3A_792] : memref<2x10240x64xf32, #tpu.memory_space<hbm>> -> memref<1x10240x64xf32, #tpu.memory_space<hbm>>
      %dma_wait3A_794 = tpu.memref_squeeze %dma_wait3A_793 : memref<1x10240x64xf32, #tpu.memory_space<hbm>> -> memref<10240x64xf32, #tpu.memory_space<hbm>>
      %dma_wait3A_795 = arith.constant 0 : i32
      %dma_wait3A_796 = arith.constant 0 : i32
      %dma_wait3A_797 = tpu.memref_slice %dma_wait3A_794[%dma_wait3A_795, %dma_wait3A_796] : memref<10240x64xf32, #tpu.memory_space<hbm>> -> memref<10240x64xf32, #tpu.memory_space<hbm>>
      tpu.wait_indirect_dma semaphore(%arg11 : memref<!tpu.dma_semaphore, #tpu.memory_space<semaphore_mem>>) src(%dma_wait3A_797 : memref<10240x64xf32, #tpu.memory_space<hbm>>) dst(%dma_wait3A_787 : memref<128x64xf32, #tpu.memory_space<vmem>>)
      %add3A_798 = arith.constant 1 : i32
      %add3A_799 = arith.addi %mul3A_778, %add3A_798 : i32
      %dma_wait3A_800 = arith.constant 1 : i32
      %dma_wait3A_801 = arith.constant 0 : i32
      %dma_wait3A_802 = arith.constant 0 : i32
      %dma_wait3A_803 = tpu.memref_slice %arg9[%dma_wait3A_800, %dma_wait3A_801, %dma_wait3A_802] : memref<6x128x64xf32, #tpu.memory_space<vmem>> -> memref<1x128x64xf32, #tpu.memory_space<vmem>>
      %dma_wait3A_804 = tpu.memref_squeeze %dma_wait3A_803 : memref<1x128x64xf32, #tpu.memory_space<vmem>> -> memref<128x64xf32, #tpu.memory_space<vmem>>
      %dma_wait3A_805 = arith.constant 0 : i32
      %dma_wait3A_806 = tpu.memref_slice %arg5[%add3A_799, %dma_wait3A_805] : memref<78x128xi32, #tpu.memory_space<vmem>> -> memref<1x128xi32, #tpu.memory_space<vmem>>
      %dma_wait3A_807 = tpu.memref_squeeze %dma_wait3A_806 : memref<1x128xi32, #tpu.memory_space<vmem>> -> memref<128xi32, #tpu.memory_space<vmem>>
      %dma_wait3A_808 = arith.constant 0 : i32
      %dma_wait3A_809 = arith.constant 0 : i32
      %dma_wait3A_810 = tpu.memref_slice %arg2[%arg0, %dma_wait3A_808, %dma_wait3A_809] : memref<2x10240x64xf32, #tpu.memory_space<hbm>> -> memref<1x10240x64xf32, #tpu.memory_space<hbm>>
      %dma_wait3A_811 = tpu.memref_squeeze %dma_wait3A_810 : memref<1x10240x64xf32, #tpu.memory_space<hbm>> -> memref<10240x64xf32, #tpu.memory_space<hbm>>
      %dma_wait3A_812 = arith.constant 0 : i32
      %dma_wait3A_813 = arith.constant 0 : i32
      %dma_wait3A_814 = tpu.memref_slice %dma_wait3A_811[%dma_wait3A_812, %dma_wait3A_813] : memref<10240x64xf32, #tpu.memory_space<hbm>> -> memref<10240x64xf32, #tpu.memory_space<hbm>>
      tpu.wait_indirect_dma semaphore(%arg11 : memref<!tpu.dma_semaphore, #tpu.memory_space<semaphore_mem>>) src(%dma_wait3A_814 : memref<10240x64xf32, #tpu.memory_space<hbm>>) dst(%dma_wait3A_804 : memref<128x64xf32, #tpu.memory_space<vmem>>)
      %add3A_815 = arith.constant 2 : i32
      %add3A_816 = arith.addi %mul3A_778, %add3A_815 : i32
      %dma_wait3A_817 = arith.constant 2 : i32
      %dma_wait3A_818 = arith.constant 0 : i32
      %dma_wait3A_819 = arith.constant 0 : i32
      %dma_wait3A_820 = tpu.memref_slice %arg9[%dma_wait3A_817, %dma_wait3A_818, %dma_wait3A_819] : memref<6x128x64xf32, #tpu.memory_space<vmem>> -> memref<1x128x64xf32, #tpu.memory_space<vmem>>
      %dma_wait3A_821 = tpu.memref_squeeze %dma_wait3A_820 : memref<1x128x64xf32, #tpu.memory_space<vmem>> -> memref<128x64xf32, #tpu.memory_space<vmem>>
      %dma_wait3A_822 = arith.constant 0 : i32
      %dma_wait3A_823 = tpu.memref_slice %arg5[%add3A_816, %dma_wait3A_822] : memref<78x128xi32, #tpu.memory_space<vmem>> -> memref<1x128xi32, #tpu.memory_space<vmem>>
      %dma_wait3A_824 = tpu.memref_squeeze %dma_wait3A_823 : memref<1x128xi32, #tpu.memory_space<vmem>> -> memref<128xi32, #tpu.memory_space<vmem>>
      %dma_wait3A_825 = arith.constant 0 : i32
      %dma_wait3A_826 = arith.constant 0 : i32
      %dma_wait3A_827 = tpu.memref_slice %arg2[%arg0, %dma_wait3A_825, %dma_wait3A_826] : memref<2x10240x64xf32, #tpu.memory_space<hbm>> -> memref<1x10240x64xf32, #tpu.memory_space<hbm>>
      %dma_wait3A_828 = tpu.memref_squeeze %dma_wait3A_827 : memref<1x10240x64xf32, #tpu.memory_space<hbm>> -> memref<10240x64xf32, #tpu.memory_space<hbm>>
      %dma_wait3A_829 = arith.constant 0 : i32
      %dma_wait3A_830 = arith.constant 0 : i32
      %dma_wait3A_831 = tpu.memref_slice %dma_wait3A_828[%dma_wait3A_829, %dma_wait3A_830] : memref<10240x64xf32, #tpu.memory_space<hbm>> -> memref<10240x64xf32, #tpu.memory_space<hbm>>
      tpu.wait_indirect_dma semaphore(%arg11 : memref<!tpu.dma_semaphore, #tpu.memory_space<semaphore_mem>>) src(%dma_wait3A_831 : memref<10240x64xf32, #tpu.memory_space<hbm>>) dst(%dma_wait3A_821 : memref<128x64xf32, #tpu.memory_space<vmem>>)
      %add3A_832 = arith.constant 0 : i32
      %add3A_833 = arith.addi %mul3A_778, %add3A_832 : i32
      %dma_start3A_834 = arith.constant 0 : i32
      %dma_start3A_835 = arith.constant 0 : i32
      %dma_start3A_836 = arith.constant 0 : i32
      %dma_start3A_837 = tpu.memref_slice %arg9[%dma_start3A_834, %dma_start3A_835, %dma_start3A_836] : memref<6x128x64xf32, #tpu.memory_space<vmem>> -> memref<1x128x64xf32, #tpu.memory_space<vmem>>
      %dma_start3A_838 = tpu.memref_squeeze %dma_start3A_837 : memref<1x128x64xf32, #tpu.memory_space<vmem>> -> memref<128x64xf32, #tpu.memory_space<vmem>>
      %dma_start3A_839 = arith.constant 0 : i32
      %dma_start3A_840 = tpu.memref_slice %arg6[%add3A_833, %dma_start3A_839] : memref<78x128xi32, #tpu.memory_space<vmem>> -> memref<1x128xi32, #tpu.memory_space<vmem>>
      %dma_start3A_841 = tpu.memref_squeeze %dma_start3A_840 : memref<1x128xi32, #tpu.memory_space<vmem>> -> memref<128xi32, #tpu.memory_space<vmem>>
      %dma_start3A_842 = arith.constant 0 : i32
      %dma_start3A_843 = arith.constant 0 : i32
      %dma_start3A_844 = tpu.memref_slice %arg10[%dma_start3A_842, %dma_start3A_843] : memref<10240x64xf32, #tpu.memory_space<vmem_shared>> -> memref<10240x64xf32, #tpu.memory_space<vmem_shared>>
      tpu.enqueue_indirect_dma source(%dma_start3A_838 : memref<128x64xf32, #tpu.memory_space<vmem>>) target(%dma_start3A_844 : memref<10240x64xf32, #tpu.memory_space<vmem_shared>>) offsets(%dma_start3A_841 : memref<128xi32, #tpu.memory_space<vmem>>) semaphore(%arg13 : memref<!tpu.dma_semaphore, #tpu.memory_space<semaphore_mem>>) {add = true}
      %add3A_845 = arith.constant 1 : i32
      %add3A_846 = arith.addi %mul3A_778, %add3A_845 : i32
      %dma_start3A_847 = arith.constant 1 : i32
      %dma_start3A_848 = arith.constant 0 : i32
      %dma_start3A_849 = arith.constant 0 : i32
      %dma_start3A_850 = tpu.memref_slice %arg9[%dma_start3A_847, %dma_start3A_848, %dma_start3A_849] : memref<6x128x64xf32, #tpu.memory_space<vmem>> -> memref<1x128x64xf32, #tpu.memory_space<vmem>>
      %dma_start3A_851 = tpu.memref_squeeze %dma_start3A_850 : memref<1x128x64xf32, #tpu.memory_space<vmem>> -> memref<128x64xf32, #tpu.memory_space<vmem>>
      %dma_start3A_852 = arith.constant 0 : i32
      %dma_start3A_853 = tpu.memref_slice %arg6[%add3A_846, %dma_start3A_852] : memref<78x128xi32, #tpu.memory_space<vmem>> -> memref<1x128xi32, #tpu.memory_space<vmem>>
      %dma_start3A_854 = tpu.memref_squeeze %dma_start3A_853 : memref<1x128xi32, #tpu.memory_space<vmem>> -> memref<128xi32, #tpu.memory_space<vmem>>
      %dma_start3A_855 = arith.constant 0 : i32
      %dma_start3A_856 = arith.constant 0 : i32
      %dma_start3A_857 = tpu.memref_slice %arg10[%dma_start3A_855, %dma_start3A_856] : memref<10240x64xf32, #tpu.memory_space<vmem_shared>> -> memref<10240x64xf32, #tpu.memory_space<vmem_shared>>
      tpu.enqueue_indirect_dma source(%dma_start3A_851 : memref<128x64xf32, #tpu.memory_space<vmem>>) target(%dma_start3A_857 : memref<10240x64xf32, #tpu.memory_space<vmem_shared>>) offsets(%dma_start3A_854 : memref<128xi32, #tpu.memory_space<vmem>>) semaphore(%arg13 : memref<!tpu.dma_semaphore, #tpu.memory_space<semaphore_mem>>) {add = true}
      %add3A_858 = arith.constant 2 : i32
      %add3A_859 = arith.addi %mul3A_778, %add3A_858 : i32
      %dma_start3A_860 = arith.constant 2 : i32
      %dma_start3A_861 = arith.constant 0 : i32
      %dma_start3A_862 = arith.constant 0 : i32
      %dma_start3A_863 = tpu.memref_slice %arg9[%dma_start3A_860, %dma_start3A_861, %dma_start3A_862] : memref<6x128x64xf32, #tpu.memory_space<vmem>> -> memref<1x128x64xf32, #tpu.memory_space<vmem>>
      %dma_start3A_864 = tpu.memref_squeeze %dma_start3A_863 : memref<1x128x64xf32, #tpu.memory_space<vmem>> -> memref<128x64xf32, #tpu.memory_space<vmem>>
      %dma_start3A_865 = arith.constant 0 : i32
      %dma_start3A_866 = tpu.memref_slice %arg6[%add3A_859, %dma_start3A_865] : memref<78x128xi32, #tpu.memory_space<vmem>> -> memref<1x128xi32, #tpu.memory_space<vmem>>
      %dma_start3A_867 = tpu.memref_squeeze %dma_start3A_866 : memref<1x128xi32, #tpu.memory_space<vmem>> -> memref<128xi32, #tpu.memory_space<vmem>>
      %dma_start3A_868 = arith.constant 0 : i32
      %dma_start3A_869 = arith.constant 0 : i32
      %dma_start3A_870 = tpu.memref_slice %arg10[%dma_start3A_868, %dma_start3A_869] : memref<10240x64xf32, #tpu.memory_space<vmem_shared>> -> memref<10240x64xf32, #tpu.memory_space<vmem_shared>>
      tpu.enqueue_indirect_dma source(%dma_start3A_864 : memref<128x64xf32, #tpu.memory_space<vmem>>) target(%dma_start3A_870 : memref<10240x64xf32, #tpu.memory_space<vmem_shared>>) offsets(%dma_start3A_867 : memref<128xi32, #tpu.memory_space<vmem>>) semaphore(%arg13 : memref<!tpu.dma_semaphore, #tpu.memory_space<semaphore_mem>>) {add = true}
      %gt3A = arith.constant 0 : i32
      %gt3A_871 = arith.cmpi sgt, %scan3A_773, %gt3A : i32
      %convert_element_type3A_872 = arith.extui %gt3A_871 : i1 to i32
      %cond3A_873 = arith.constant 0 : i32
      %cond3A_874 = arith.cmpi ne, %convert_element_type3A_872, %cond3A_873 : i32
      scf.if %cond3A_874 {
        %sub3A = arith.constant 3 : i32
        %sub3A_1109 = arith.subi %mul3A_778, %sub3A : i32
        %add3A_1110 = arith.constant 0 : i32
        %add3A_1111 = arith.addi %sub3A_1109, %add3A_1110 : i32
        %dma_wait3A_1112 = arith.constant 3 : i32
        %dma_wait3A_1113 = arith.constant 0 : i32
        %dma_wait3A_1114 = arith.constant 0 : i32
        %dma_wait3A_1115 = tpu.memref_slice %arg9[%dma_wait3A_1112, %dma_wait3A_1113, %dma_wait3A_1114] : memref<6x128x64xf32, #tpu.memory_space<vmem>> -> memref<1x128x64xf32, #tpu.memory_space<vmem>>
        %dma_wait3A_1116 = tpu.memref_squeeze %dma_wait3A_1115 : memref<1x128x64xf32, #tpu.memory_space<vmem>> -> memref<128x64xf32, #tpu.memory_space<vmem>>
        %dma_wait3A_1117 = arith.constant 0 : i32
        %dma_wait3A_1118 = tpu.memref_slice %arg6[%add3A_1111, %dma_wait3A_1117] : memref<78x128xi32, #tpu.memory_space<vmem>> -> memref<1x128xi32, #tpu.memory_space<vmem>>
        %dma_wait3A_1119 = tpu.memref_squeeze %dma_wait3A_1118 : memref<1x128xi32, #tpu.memory_space<vmem>> -> memref<128xi32, #tpu.memory_space<vmem>>
        %dma_wait3A_1120 = arith.constant 0 : i32
        %dma_wait3A_1121 = arith.constant 0 : i32
        %dma_wait3A_1122 = tpu.memref_slice %arg10[%dma_wait3A_1120, %dma_wait3A_1121] : memref<10240x64xf32, #tpu.memory_space<vmem_shared>> -> memref<10240x64xf32, #tpu.memory_space<vmem_shared>>
        tpu.wait_indirect_dma semaphore(%arg14 : memref<!tpu.dma_semaphore, #tpu.memory_space<semaphore_mem>>) src(%dma_wait3A_1116 : memref<128x64xf32, #tpu.memory_space<vmem>>) dst(%dma_wait3A_1122 : memref<10240x64xf32, #tpu.memory_space<vmem_shared>>)
        %add3A_1123 = arith.constant 1 : i32
        %add3A_1124 = arith.addi %sub3A_1109, %add3A_1123 : i32
        %dma_wait3A_1125 = arith.constant 4 : i32
        %dma_wait3A_1126 = arith.constant 0 : i32
        %dma_wait3A_1127 = arith.constant 0 : i32
        %dma_wait3A_1128 = tpu.memref_slice %arg9[%dma_wait3A_1125, %dma_wait3A_1126, %dma_wait3A_1127] : memref<6x128x64xf32, #tpu.memory_space<vmem>> -> memref<1x128x64xf32, #tpu.memory_space<vmem>>
        %dma_wait3A_1129 = tpu.memref_squeeze %dma_wait3A_1128 : memref<1x128x64xf32, #tpu.memory_space<vmem>> -> memref<128x64xf32, #tpu.memory_space<vmem>>
        %dma_wait3A_1130 = arith.constant 0 : i32
        %dma_wait3A_1131 = tpu.memref_slice %arg6[%add3A_1124, %dma_wait3A_1130] : memref<78x128xi32, #tpu.memory_space<vmem>> -> memref<1x128xi32, #tpu.memory_space<vmem>>
        %dma_wait3A_1132 = tpu.memref_squeeze %dma_wait3A_1131 : memref<1x128xi32, #tpu.memory_space<vmem>> -> memref<128xi32, #tpu.memory_space<vmem>>
        %dma_wait3A_1133 = arith.constant 0 : i32
        %dma_wait3A_1134 = arith.constant 0 : i32
        %dma_wait3A_1135 = tpu.memref_slice %arg10[%dma_wait3A_1133, %dma_wait3A_1134] : memref<10240x64xf32, #tpu.memory_space<vmem_shared>> -> memref<10240x64xf32, #tpu.memory_space<vmem_shared>>
        tpu.wait_indirect_dma semaphore(%arg14 : memref<!tpu.dma_semaphore, #tpu.memory_space<semaphore_mem>>) src(%dma_wait3A_1129 : memref<128x64xf32, #tpu.memory_space<vmem>>) dst(%dma_wait3A_1135 : memref<10240x64xf32, #tpu.memory_space<vmem_shared>>)
        %add3A_1136 = arith.constant 2 : i32
        %add3A_1137 = arith.addi %sub3A_1109, %add3A_1136 : i32
        %dma_wait3A_1138 = arith.constant 5 : i32
        %dma_wait3A_1139 = arith.constant 0 : i32
        %dma_wait3A_1140 = arith.constant 0 : i32
        %dma_wait3A_1141 = tpu.memref_slice %arg9[%dma_wait3A_1138, %dma_wait3A_1139, %dma_wait3A_1140] : memref<6x128x64xf32, #tpu.memory_space<vmem>> -> memref<1x128x64xf32, #tpu.memory_space<vmem>>
        %dma_wait3A_1142 = tpu.memref_squeeze %dma_wait3A_1141 : memref<1x128x64xf32, #tpu.memory_space<vmem>> -> memref<128x64xf32, #tpu.memory_space<vmem>>
        %dma_wait3A_1143 = arith.constant 0 : i32
        %dma_wait3A_1144 = tpu.memref_slice %arg6[%add3A_1137, %dma_wait3A_1143] : memref<78x128xi32, #tpu.memory_space<vmem>> -> memref<1x128xi32, #tpu.memory_space<vmem>>
        %dma_wait3A_1145 = tpu.memref_squeeze %dma_wait3A_1144 : memref<1x128xi32, #tpu.memory_space<vmem>> -> memref<128xi32, #tpu.memory_space<vmem>>
        %dma_wait3A_1146 = arith.constant 0 : i32
        %dma_wait3A_1147 = arith.constant 0 : i32
        %dma_wait3A_1148 = tpu.memref_slice %arg10[%dma_wait3A_1146, %dma_wait3A_1147] : memref<10240x64xf32, #tpu.memory_space<vmem_shared>> -> memref<10240x64xf32, #tpu.memory_space<vmem_shared>>
        tpu.wait_indirect_dma semaphore(%arg14 : memref<!tpu.dma_semaphore, #tpu.memory_space<semaphore_mem>>) src(%dma_wait3A_1142 : memref<128x64xf32, #tpu.memory_space<vmem>>) dst(%dma_wait3A_1148 : memref<10240x64xf32, #tpu.memory_space<vmem_shared>>)
      } else {
      }
      %add3A_875 = arith.constant 0 : i32
      %add3A_876 = arith.addi %add3A_780, %add3A_875 : i32
      %dma_start3A_877 = arith.constant 3 : i32
      %dma_start3A_878 = arith.constant 0 : i32
      %dma_start3A_879 = arith.constant 0 : i32
      %dma_start3A_880 = tpu.memref_slice %arg9[%dma_start3A_877, %dma_start3A_878, %dma_start3A_879] : memref<6x128x64xf32, #tpu.memory_space<vmem>> -> memref<1x128x64xf32, #tpu.memory_space<vmem>>
      %dma_start3A_881 = tpu.memref_squeeze %dma_start3A_880 : memref<1x128x64xf32, #tpu.memory_space<vmem>> -> memref<128x64xf32, #tpu.memory_space<vmem>>
      %dma_start3A_882 = arith.constant 0 : i32
      %dma_start3A_883 = tpu.memref_slice %arg5[%add3A_876, %dma_start3A_882] : memref<78x128xi32, #tpu.memory_space<vmem>> -> memref<1x128xi32, #tpu.memory_space<vmem>>
      %dma_start3A_884 = tpu.memref_squeeze %dma_start3A_883 : memref<1x128xi32, #tpu.memory_space<vmem>> -> memref<128xi32, #tpu.memory_space<vmem>>
      %dma_start3A_885 = arith.constant 0 : i32
      %dma_start3A_886 = arith.constant 0 : i32
      %dma_start3A_887 = tpu.memref_slice %arg2[%arg0, %dma_start3A_885, %dma_start3A_886] : memref<2x10240x64xf32, #tpu.memory_space<hbm>> -> memref<1x10240x64xf32, #tpu.memory_space<hbm>>
      %dma_start3A_888 = tpu.memref_squeeze %dma_start3A_887 : memref<1x10240x64xf32, #tpu.memory_space<hbm>> -> memref<10240x64xf32, #tpu.memory_space<hbm>>
      %dma_start3A_889 = arith.constant 0 : i32
      %dma_start3A_890 = arith.constant 0 : i32
      %dma_start3A_891 = tpu.memref_slice %dma_start3A_888[%dma_start3A_889, %dma_start3A_890] : memref<10240x64xf32, #tpu.memory_space<hbm>> -> memref<10240x64xf32, #tpu.memory_space<hbm>>
      tpu.enqueue_indirect_dma source(%dma_start3A_891 : memref<10240x64xf32, #tpu.memory_space<hbm>>) target(%dma_start3A_881 : memref<128x64xf32, #tpu.memory_space<vmem>>) offsets(%dma_start3A_884 : memref<128xi32, #tpu.memory_space<vmem>>) semaphore(%arg12 : memref<!tpu.dma_semaphore, #tpu.memory_space<semaphore_mem>>)
      %add3A_892 = arith.constant 1 : i32
      %add3A_893 = arith.addi %add3A_780, %add3A_892 : i32
      %dma_start3A_894 = arith.constant 4 : i32
      %dma_start3A_895 = arith.constant 0 : i32
      %dma_start3A_896 = arith.constant 0 : i32
      %dma_start3A_897 = tpu.memref_slice %arg9[%dma_start3A_894, %dma_start3A_895, %dma_start3A_896] : memref<6x128x64xf32, #tpu.memory_space<vmem>> -> memref<1x128x64xf32, #tpu.memory_space<vmem>>
      %dma_start3A_898 = tpu.memref_squeeze %dma_start3A_897 : memref<1x128x64xf32, #tpu.memory_space<vmem>> -> memref<128x64xf32, #tpu.memory_space<vmem>>
      %dma_start3A_899 = arith.constant 0 : i32
      %dma_start3A_900 = tpu.memref_slice %arg5[%add3A_893, %dma_start3A_899] : memref<78x128xi32, #tpu.memory_space<vmem>> -> memref<1x128xi32, #tpu.memory_space<vmem>>
      %dma_start3A_901 = tpu.memref_squeeze %dma_start3A_900 : memref<1x128xi32, #tpu.memory_space<vmem>> -> memref<128xi32, #tpu.memory_space<vmem>>
      %dma_start3A_902 = arith.constant 0 : i32
      %dma_start3A_903 = arith.constant 0 : i32
      %dma_start3A_904 = tpu.memref_slice %arg2[%arg0, %dma_start3A_902, %dma_start3A_903] : memref<2x10240x64xf32, #tpu.memory_space<hbm>> -> memref<1x10240x64xf32, #tpu.memory_space<hbm>>
      %dma_start3A_905 = tpu.memref_squeeze %dma_start3A_904 : memref<1x10240x64xf32, #tpu.memory_space<hbm>> -> memref<10240x64xf32, #tpu.memory_space<hbm>>
      %dma_start3A_906 = arith.constant 0 : i32
      %dma_start3A_907 = arith.constant 0 : i32
      %dma_start3A_908 = tpu.memref_slice %dma_start3A_905[%dma_start3A_906, %dma_start3A_907] : memref<10240x64xf32, #tpu.memory_space<hbm>> -> memref<10240x64xf32, #tpu.memory_space<hbm>>
      tpu.enqueue_indirect_dma source(%dma_start3A_908 : memref<10240x64xf32, #tpu.memory_space<hbm>>) target(%dma_start3A_898 : memref<128x64xf32, #tpu.memory_space<vmem>>) offsets(%dma_start3A_901 : memref<128xi32, #tpu.memory_space<vmem>>) semaphore(%arg12 : memref<!tpu.dma_semaphore, #tpu.memory_space<semaphore_mem>>)
      %add3A_909 = arith.constant 2 : i32
      %add3A_910 = arith.addi %add3A_780, %add3A_909 : i32
      %dma_start3A_911 = arith.constant 5 : i32
      %dma_start3A_912 = arith.constant 0 : i32
      %dma_start3A_913 = arith.constant 0 : i32
      %dma_start3A_914 = tpu.memref_slice %arg9[%dma_start3A_911, %dma_start3A_912, %dma_start3A_913] : memref<6x128x64xf32, #tpu.memory_space<vmem>> -> memref<1x128x64xf32, #tpu.memory_space<vmem>>
      %dma_start3A_915 = tpu.memref_squeeze %dma_start3A_914 : memref<1x128x64xf32, #tpu.memory_space<vmem>> -> memref<128x64xf32, #tpu.memory_space<vmem>>
      %dma_start3A_916 = arith.constant 0 : i32
      %dma_start3A_917 = tpu.memref_slice %arg5[%add3A_910, %dma_start3A_916] : memref<78x128xi32, #tpu.memory_space<vmem>> -> memref<1x128xi32, #tpu.memory_space<vmem>>
      %dma_start3A_918 = tpu.memref_squeeze %dma_start3A_917 : memref<1x128xi32, #tpu.memory_space<vmem>> -> memref<128xi32, #tpu.memory_space<vmem>>
      %dma_start3A_919 = arith.constant 0 : i32
      %dma_start3A_920 = arith.constant 0 : i32
      %dma_start3A_921 = tpu.memref_slice %arg2[%arg0, %dma_start3A_919, %dma_start3A_920] : memref<2x10240x64xf32, #tpu.memory_space<hbm>> -> memref<1x10240x64xf32, #tpu.memory_space<hbm>>
      %dma_start3A_922 = tpu.memref_squeeze %dma_start3A_921 : memref<1x10240x64xf32, #tpu.memory_space<hbm>> -> memref<10240x64xf32, #tpu.memory_space<hbm>>
      %dma_start3A_923 = arith.constant 0 : i32
      %dma_start3A_924 = arith.constant 0 : i32
      %dma_start3A_925 = tpu.memref_slice %dma_start3A_922[%dma_start3A_923, %dma_start3A_924] : memref<10240x64xf32, #tpu.memory_space<hbm>> -> memref<10240x64xf32, #tpu.memory_space<hbm>>
      tpu.enqueue_indirect_dma source(%dma_start3A_925 : memref<10240x64xf32, #tpu.memory_space<hbm>>) target(%dma_start3A_915 : memref<128x64xf32, #tpu.memory_space<vmem>>) offsets(%dma_start3A_918 : memref<128xi32, #tpu.memory_space<vmem>>) semaphore(%arg12 : memref<!tpu.dma_semaphore, #tpu.memory_space<semaphore_mem>>)
      %add3A_926 = arith.constant 0 : i32
      %add3A_927 = arith.addi %add3A_780, %add3A_926 : i32
      %dma_wait3A_928 = arith.constant 3 : i32
      %dma_wait3A_929 = arith.constant 0 : i32
      %dma_wait3A_930 = arith.constant 0 : i32
      %dma_wait3A_931 = tpu.memref_slice %arg9[%dma_wait3A_928, %dma_wait3A_929, %dma_wait3A_930] : memref<6x128x64xf32, #tpu.memory_space<vmem>> -> memref<1x128x64xf32, #tpu.memory_space<vmem>>
      %dma_wait3A_932 = tpu.memref_squeeze %dma_wait3A_931 : memref<1x128x64xf32, #tpu.memory_space<vmem>> -> memref<128x64xf32, #tpu.memory_space<vmem>>
      %dma_wait3A_933 = arith.constant 0 : i32
      %dma_wait3A_934 = tpu.memref_slice %arg5[%add3A_927, %dma_wait3A_933] : memref<78x128xi32, #tpu.memory_space<vmem>> -> memref<1x128xi32, #tpu.memory_space<vmem>>
      %dma_wait3A_935 = tpu.memref_squeeze %dma_wait3A_934 : memref<1x128xi32, #tpu.memory_space<vmem>> -> memref<128xi32, #tpu.memory_space<vmem>>
      %dma_wait3A_936 = arith.constant 0 : i32
      %dma_wait3A_937 = arith.constant 0 : i32
      %dma_wait3A_938 = tpu.memref_slice %arg2[%arg0, %dma_wait3A_936, %dma_wait3A_937] : memref<2x10240x64xf32, #tpu.memory_space<hbm>> -> memref<1x10240x64xf32, #tpu.memory_space<hbm>>
      %dma_wait3A_939 = tpu.memref_squeeze %dma_wait3A_938 : memref<1x10240x64xf32, #tpu.memory_space<hbm>> -> memref<10240x64xf32, #tpu.memory_space<hbm>>
      %dma_wait3A_940 = arith.constant 0 : i32
      %dma_wait3A_941 = arith.constant 0 : i32
      %dma_wait3A_942 = tpu.memref_slice %dma_wait3A_939[%dma_wait3A_940, %dma_wait3A_941] : memref<10240x64xf32, #tpu.memory_space<hbm>> -> memref<10240x64xf32, #tpu.memory_space<hbm>>
      tpu.wait_indirect_dma semaphore(%arg12 : memref<!tpu.dma_semaphore, #tpu.memory_space<semaphore_mem>>) src(%dma_wait3A_942 : memref<10240x64xf32, #tpu.memory_space<hbm>>) dst(%dma_wait3A_932 : memref<128x64xf32, #tpu.memory_space<vmem>>)
      %add3A_943 = arith.constant 1 : i32
      %add3A_944 = arith.addi %add3A_780, %add3A_943 : i32
      %dma_wait3A_945 = arith.constant 4 : i32
      %dma_wait3A_946 = arith.constant 0 : i32
      %dma_wait3A_947 = arith.constant 0 : i32
      %dma_wait3A_948 = tpu.memref_slice %arg9[%dma_wait3A_945, %dma_wait3A_946, %dma_wait3A_947] : memref<6x128x64xf32, #tpu.memory_space<vmem>> -> memref<1x128x64xf32, #tpu.memory_space<vmem>>
      %dma_wait3A_949 = tpu.memref_squeeze %dma_wait3A_948 : memref<1x128x64xf32, #tpu.memory_space<vmem>> -> memref<128x64xf32, #tpu.memory_space<vmem>>
      %dma_wait3A_950 = arith.constant 0 : i32
      %dma_wait3A_951 = tpu.memref_slice %arg5[%add3A_944, %dma_wait3A_950] : memref<78x128xi32, #tpu.memory_space<vmem>> -> memref<1x128xi32, #tpu.memory_space<vmem>>
      %dma_wait3A_952 = tpu.memref_squeeze %dma_wait3A_951 : memref<1x128xi32, #tpu.memory_space<vmem>> -> memref<128xi32, #tpu.memory_space<vmem>>
      %dma_wait3A_953 = arith.constant 0 : i32
      %dma_wait3A_954 = arith.constant 0 : i32
      %dma_wait3A_955 = tpu.memref_slice %arg2[%arg0, %dma_wait3A_953, %dma_wait3A_954] : memref<2x10240x64xf32, #tpu.memory_space<hbm>> -> memref<1x10240x64xf32, #tpu.memory_space<hbm>>
      %dma_wait3A_956 = tpu.memref_squeeze %dma_wait3A_955 : memref<1x10240x64xf32, #tpu.memory_space<hbm>> -> memref<10240x64xf32, #tpu.memory_space<hbm>>
      %dma_wait3A_957 = arith.constant 0 : i32
      %dma_wait3A_958 = arith.constant 0 : i32
      %dma_wait3A_959 = tpu.memref_slice %dma_wait3A_956[%dma_wait3A_957, %dma_wait3A_958] : memref<10240x64xf32, #tpu.memory_space<hbm>> -> memref<10240x64xf32, #tpu.memory_space<hbm>>
      tpu.wait_indirect_dma semaphore(%arg12 : memref<!tpu.dma_semaphore, #tpu.memory_space<semaphore_mem>>) src(%dma_wait3A_959 : memref<10240x64xf32, #tpu.memory_space<hbm>>) dst(%dma_wait3A_949 : memref<128x64xf32, #tpu.memory_space<vmem>>)
      %add3A_960 = arith.constant 2 : i32
      %add3A_961 = arith.addi %add3A_780, %add3A_960 : i32
      %dma_wait3A_962 = arith.constant 5 : i32
      %dma_wait3A_963 = arith.constant 0 : i32
      %dma_wait3A_964 = arith.constant 0 : i32
      %dma_wait3A_965 = tpu.memref_slice %arg9[%dma_wait3A_962, %dma_wait3A_963, %dma_wait3A_964] : memref<6x128x64xf32, #tpu.memory_space<vmem>> -> memref<1x128x64xf32, #tpu.memory_space<vmem>>
      %dma_wait3A_966 = tpu.memref_squeeze %dma_wait3A_965 : memref<1x128x64xf32, #tpu.memory_space<vmem>> -> memref<128x64xf32, #tpu.memory_space<vmem>>
      %dma_wait3A_967 = arith.constant 0 : i32
      %dma_wait3A_968 = tpu.memref_slice %arg5[%add3A_961, %dma_wait3A_967] : memref<78x128xi32, #tpu.memory_space<vmem>> -> memref<1x128xi32, #tpu.memory_space<vmem>>
      %dma_wait3A_969 = tpu.memref_squeeze %dma_wait3A_968 : memref<1x128xi32, #tpu.memory_space<vmem>> -> memref<128xi32, #tpu.memory_space<vmem>>
      %dma_wait3A_970 = arith.constant 0 : i32
      %dma_wait3A_971 = arith.constant 0 : i32
      %dma_wait3A_972 = tpu.memref_slice %arg2[%arg0, %dma_wait3A_970, %dma_wait3A_971] : memref<2x10240x64xf32, #tpu.memory_space<hbm>> -> memref<1x10240x64xf32, #tpu.memory_space<hbm>>
      %dma_wait3A_973 = tpu.memref_squeeze %dma_wait3A_972 : memref<1x10240x64xf32, #tpu.memory_space<hbm>> -> memref<10240x64xf32, #tpu.memory_space<hbm>>
      %dma_wait3A_974 = arith.constant 0 : i32
      %dma_wait3A_975 = arith.constant 0 : i32
      %dma_wait3A_976 = tpu.memref_slice %dma_wait3A_973[%dma_wait3A_974, %dma_wait3A_975] : memref<10240x64xf32, #tpu.memory_space<hbm>> -> memref<10240x64xf32, #tpu.memory_space<hbm>>
      tpu.wait_indirect_dma semaphore(%arg12 : memref<!tpu.dma_semaphore, #tpu.memory_space<semaphore_mem>>) src(%dma_wait3A_976 : memref<10240x64xf32, #tpu.memory_space<hbm>>) dst(%dma_wait3A_966 : memref<128x64xf32, #tpu.memory_space<vmem>>)
      %add3A_977 = arith.constant 0 : i32
      %add3A_978 = arith.addi %add3A_780, %add3A_977 : i32
      %dma_start3A_979 = arith.constant 3 : i32
      %dma_start3A_980 = arith.constant 0 : i32
      %dma_start3A_981 = arith.constant 0 : i32
      %dma_start3A_982 = tpu.memref_slice %arg9[%dma_start3A_979, %dma_start3A_980, %dma_start3A_981] : memref<6x128x64xf32, #tpu.memory_space<vmem>> -> memref<1x128x64xf32, #tpu.memory_space<vmem>>
      %dma_start3A_983 = tpu.memref_squeeze %dma_start3A_982 : memref<1x128x64xf32, #tpu.memory_space<vmem>> -> memref<128x64xf32, #tpu.memory_space<vmem>>
      %dma_start3A_984 = arith.constant 0 : i32
      %dma_start3A_985 = tpu.memref_slice %arg6[%add3A_978, %dma_start3A_984] : memref<78x128xi32, #tpu.memory_space<vmem>> -> memref<1x128xi32, #tpu.memory_space<vmem>>
      %dma_start3A_986 = tpu.memref_squeeze %dma_start3A_985 : memref<1x128xi32, #tpu.memory_space<vmem>> -> memref<128xi32, #tpu.memory_space<vmem>>
      %dma_start3A_987 = arith.constant 0 : i32
      %dma_start3A_988 = arith.constant 0 : i32
      %dma_start3A_989 = tpu.memref_slice %arg10[%dma_start3A_987, %dma_start3A_988] : memref<10240x64xf32, #tpu.memory_space<vmem_shared>> -> memref<10240x64xf32, #tpu.memory_space<vmem_shared>>
      tpu.enqueue_indirect_dma source(%dma_start3A_983 : memref<128x64xf32, #tpu.memory_space<vmem>>) target(%dma_start3A_989 : memref<10240x64xf32, #tpu.memory_space<vmem_shared>>) offsets(%dma_start3A_986 : memref<128xi32, #tpu.memory_space<vmem>>) semaphore(%arg14 : memref<!tpu.dma_semaphore, #tpu.memory_space<semaphore_mem>>) {add = true}
      %add3A_990 = arith.constant 1 : i32
      %add3A_991 = arith.addi %add3A_780, %add3A_990 : i32
      %dma_start3A_992 = arith.constant 4 : i32
      %dma_start3A_993 = arith.constant 0 : i32
      %dma_start3A_994 = arith.constant 0 : i32
      %dma_start3A_995 = tpu.memref_slice %arg9[%dma_start3A_992, %dma_start3A_993, %dma_start3A_994] : memref<6x128x64xf32, #tpu.memory_space<vmem>> -> memref<1x128x64xf32, #tpu.memory_space<vmem>>
      %dma_start3A_996 = tpu.memref_squeeze %dma_start3A_995 : memref<1x128x64xf32, #tpu.memory_space<vmem>> -> memref<128x64xf32, #tpu.memory_space<vmem>>
      %dma_start3A_997 = arith.constant 0 : i32
      %dma_start3A_998 = tpu.memref_slice %arg6[%add3A_991, %dma_start3A_997] : memref<78x128xi32, #tpu.memory_space<vmem>> -> memref<1x128xi32, #tpu.memory_space<vmem>>
      %dma_start3A_999 = tpu.memref_squeeze %dma_start3A_998 : memref<1x128xi32, #tpu.memory_space<vmem>> -> memref<128xi32, #tpu.memory_space<vmem>>
      %dma_start3A_1000 = arith.constant 0 : i32
      %dma_start3A_1001 = arith.constant 0 : i32
      %dma_start3A_1002 = tpu.memref_slice %arg10[%dma_start3A_1000, %dma_start3A_1001] : memref<10240x64xf32, #tpu.memory_space<vmem_shared>> -> memref<10240x64xf32, #tpu.memory_space<vmem_shared>>
      tpu.enqueue_indirect_dma source(%dma_start3A_996 : memref<128x64xf32, #tpu.memory_space<vmem>>) target(%dma_start3A_1002 : memref<10240x64xf32, #tpu.memory_space<vmem_shared>>) offsets(%dma_start3A_999 : memref<128xi32, #tpu.memory_space<vmem>>) semaphore(%arg14 : memref<!tpu.dma_semaphore, #tpu.memory_space<semaphore_mem>>) {add = true}
      %add3A_1003 = arith.constant 2 : i32
      %add3A_1004 = arith.addi %add3A_780, %add3A_1003 : i32
      %dma_start3A_1005 = arith.constant 5 : i32
      %dma_start3A_1006 = arith.constant 0 : i32
      %dma_start3A_1007 = arith.constant 0 : i32
      %dma_start3A_1008 = tpu.memref_slice %arg9[%dma_start3A_1005, %dma_start3A_1006, %dma_start3A_1007] : memref<6x128x64xf32, #tpu.memory_space<vmem>> -> memref<1x128x64xf32, #tpu.memory_space<vmem>>
      %dma_start3A_1009 = tpu.memref_squeeze %dma_start3A_1008 : memref<1x128x64xf32, #tpu.memory_space<vmem>> -> memref<128x64xf32, #tpu.memory_space<vmem>>
      %dma_start3A_1010 = arith.constant 0 : i32
      %dma_start3A_1011 = tpu.memref_slice %arg6[%add3A_1004, %dma_start3A_1010] : memref<78x128xi32, #tpu.memory_space<vmem>> -> memref<1x128xi32, #tpu.memory_space<vmem>>
      %dma_start3A_1012 = tpu.memref_squeeze %dma_start3A_1011 : memref<1x128xi32, #tpu.memory_space<vmem>> -> memref<128xi32, #tpu.memory_space<vmem>>
      %dma_start3A_1013 = arith.constant 0 : i32
      %dma_start3A_1014 = arith.constant 0 : i32
      %dma_start3A_1015 = tpu.memref_slice %arg10[%dma_start3A_1013, %dma_start3A_1014] : memref<10240x64xf32, #tpu.memory_space<vmem_shared>> -> memref<10240x64xf32, #tpu.memory_space<vmem_shared>>
      tpu.enqueue_indirect_dma source(%dma_start3A_1009 : memref<128x64xf32, #tpu.memory_space<vmem>>) target(%dma_start3A_1015 : memref<10240x64xf32, #tpu.memory_space<vmem_shared>>) offsets(%dma_start3A_1012 : memref<128xi32, #tpu.memory_space<vmem>>) semaphore(%arg14 : memref<!tpu.dma_semaphore, #tpu.memory_space<semaphore_mem>>) {add = true}
      %add3A_1016 = arith.constant 0 : i32
      %add3A_1017 = arith.addi %mul3A_778, %add3A_1016 : i32
      %dma_wait3A_1018 = arith.constant 0 : i32
      %dma_wait3A_1019 = arith.constant 0 : i32
      %dma_wait3A_1020 = arith.constant 0 : i32
      %dma_wait3A_1021 = tpu.memref_slice %arg9[%dma_wait3A_1018, %dma_wait3A_1019, %dma_wait3A_1020] : memref<6x128x64xf32, #tpu.memory_space<vmem>> -> memref<1x128x64xf32, #tpu.memory_space<vmem>>
      %dma_wait3A_1022 = tpu.memref_squeeze %dma_wait3A_1021 : memref<1x128x64xf32, #tpu.memory_space<vmem>> -> memref<128x64xf32, #tpu.memory_space<vmem>>
      %dma_wait3A_1023 = arith.constant 0 : i32
      %dma_wait3A_1024 = tpu.memref_slice %arg6[%add3A_1017, %dma_wait3A_1023] : memref<78x128xi32, #tpu.memory_space<vmem>> -> memref<1x128xi32, #tpu.memory_space<vmem>>
      %dma_wait3A_1025 = tpu.memref_squeeze %dma_wait3A_1024 : memref<1x128xi32, #tpu.memory_space<vmem>> -> memref<128xi32, #tpu.memory_space<vmem>>
      %dma_wait3A_1026 = arith.constant 0 : i32
      %dma_wait3A_1027 = arith.constant 0 : i32
      %dma_wait3A_1028 = tpu.memref_slice %arg10[%dma_wait3A_1026, %dma_wait3A_1027] : memref<10240x64xf32, #tpu.memory_space<vmem_shared>> -> memref<10240x64xf32, #tpu.memory_space<vmem_shared>>
      tpu.wait_indirect_dma semaphore(%arg13 : memref<!tpu.dma_semaphore, #tpu.memory_space<semaphore_mem>>) src(%dma_wait3A_1022 : memref<128x64xf32, #tpu.memory_space<vmem>>) dst(%dma_wait3A_1028 : memref<10240x64xf32, #tpu.memory_space<vmem_shared>>)
      %add3A_1029 = arith.constant 1 : i32
      %add3A_1030 = arith.addi %mul3A_778, %add3A_1029 : i32
      %dma_wait3A_1031 = arith.constant 1 : i32
      %dma_wait3A_1032 = arith.constant 0 : i32
      %dma_wait3A_1033 = arith.constant 0 : i32
      %dma_wait3A_1034 = tpu.memref_slice %arg9[%dma_wait3A_1031, %dma_wait3A_1032, %dma_wait3A_1033] : memref<6x128x64xf32, #tpu.memory_space<vmem>> -> memref<1x128x64xf32, #tpu.memory_space<vmem>>
      %dma_wait3A_1035 = tpu.memref_squeeze %dma_wait3A_1034 : memref<1x128x64xf32, #tpu.memory_space<vmem>> -> memref<128x64xf32, #tpu.memory_space<vmem>>
      %dma_wait3A_1036 = arith.constant 0 : i32
      %dma_wait3A_1037 = tpu.memref_slice %arg6[%add3A_1030, %dma_wait3A_1036] : memref<78x128xi32, #tpu.memory_space<vmem>> -> memref<1x128xi32, #tpu.memory_space<vmem>>
      %dma_wait3A_1038 = tpu.memref_squeeze %dma_wait3A_1037 : memref<1x128xi32, #tpu.memory_space<vmem>> -> memref<128xi32, #tpu.memory_space<vmem>>
      %dma_wait3A_1039 = arith.constant 0 : i32
      %dma_wait3A_1040 = arith.constant 0 : i32
      %dma_wait3A_1041 = tpu.memref_slice %arg10[%dma_wait3A_1039, %dma_wait3A_1040] : memref<10240x64xf32, #tpu.memory_space<vmem_shared>> -> memref<10240x64xf32, #tpu.memory_space<vmem_shared>>
      tpu.wait_indirect_dma semaphore(%arg13 : memref<!tpu.dma_semaphore, #tpu.memory_space<semaphore_mem>>) src(%dma_wait3A_1035 : memref<128x64xf32, #tpu.memory_space<vmem>>) dst(%dma_wait3A_1041 : memref<10240x64xf32, #tpu.memory_space<vmem_shared>>)
      %add3A_1042 = arith.constant 2 : i32
      %add3A_1043 = arith.addi %mul3A_778, %add3A_1042 : i32
      %dma_wait3A_1044 = arith.constant 2 : i32
      %dma_wait3A_1045 = arith.constant 0 : i32
      %dma_wait3A_1046 = arith.constant 0 : i32
      %dma_wait3A_1047 = tpu.memref_slice %arg9[%dma_wait3A_1044, %dma_wait3A_1045, %dma_wait3A_1046] : memref<6x128x64xf32, #tpu.memory_space<vmem>> -> memref<1x128x64xf32, #tpu.memory_space<vmem>>
      %dma_wait3A_1048 = tpu.memref_squeeze %dma_wait3A_1047 : memref<1x128x64xf32, #tpu.memory_space<vmem>> -> memref<128x64xf32, #tpu.memory_space<vmem>>
      %dma_wait3A_1049 = arith.constant 0 : i32
      %dma_wait3A_1050 = tpu.memref_slice %arg6[%add3A_1043, %dma_wait3A_1049] : memref<78x128xi32, #tpu.memory_space<vmem>> -> memref<1x128xi32, #tpu.memory_space<vmem>>
      %dma_wait3A_1051 = tpu.memref_squeeze %dma_wait3A_1050 : memref<1x128xi32, #tpu.memory_space<vmem>> -> memref<128xi32, #tpu.memory_space<vmem>>
      %dma_wait3A_1052 = arith.constant 0 : i32
      %dma_wait3A_1053 = arith.constant 0 : i32
      %dma_wait3A_1054 = tpu.memref_slice %arg10[%dma_wait3A_1052, %dma_wait3A_1053] : memref<10240x64xf32, #tpu.memory_space<vmem_shared>> -> memref<10240x64xf32, #tpu.memory_space<vmem_shared>>
      tpu.wait_indirect_dma semaphore(%arg13 : memref<!tpu.dma_semaphore, #tpu.memory_space<semaphore_mem>>) src(%dma_wait3A_1048 : memref<128x64xf32, #tpu.memory_space<vmem>>) dst(%dma_wait3A_1054 : memref<10240x64xf32, #tpu.memory_space<vmem_shared>>)
      %add3A_1055 = arith.constant 3 : i32
      %add3A_1056 = arith.addi %add3A_780, %add3A_1055 : i32
      %add3A_1057 = arith.constant 0 : i32
      %add3A_1058 = arith.addi %add3A_1056, %add3A_1057 : i32
      %dma_start3A_1059 = arith.constant 0 : i32
      %dma_start3A_1060 = arith.constant 0 : i32
      %dma_start3A_1061 = arith.constant 0 : i32
      %dma_start3A_1062 = tpu.memref_slice %arg9[%dma_start3A_1059, %dma_start3A_1060, %dma_start3A_1061] : memref<6x128x64xf32, #tpu.memory_space<vmem>> -> memref<1x128x64xf32, #tpu.memory_space<vmem>>
      %dma_start3A_1063 = tpu.memref_squeeze %dma_start3A_1062 : memref<1x128x64xf32, #tpu.memory_space<vmem>> -> memref<128x64xf32, #tpu.memory_space<vmem>>
      %dma_start3A_1064 = arith.constant 0 : i32
      %dma_start3A_1065 = tpu.memref_slice %arg5[%add3A_1058, %dma_start3A_1064] : memref<78x128xi32, #tpu.memory_space<vmem>> -> memref<1x128xi32, #tpu.memory_space<vmem>>
      %dma_start3A_1066 = tpu.memref_squeeze %dma_start3A_1065 : memref<1x128xi32, #tpu.memory_space<vmem>> -> memref<128xi32, #tpu.memory_space<vmem>>
      %dma_start3A_1067 = arith.constant 0 : i32
      %dma_start3A_1068 = arith.constant 0 : i32
      %dma_start3A_1069 = tpu.memref_slice %arg2[%arg0, %dma_start3A_1067, %dma_start3A_1068] : memref<2x10240x64xf32, #tpu.memory_space<hbm>> -> memref<1x10240x64xf32, #tpu.memory_space<hbm>>
      %dma_start3A_1070 = tpu.memref_squeeze %dma_start3A_1069 : memref<1x10240x64xf32, #tpu.memory_space<hbm>> -> memref<10240x64xf32, #tpu.memory_space<hbm>>
      %dma_start3A_1071 = arith.constant 0 : i32
      %dma_start3A_1072 = arith.constant 0 : i32
      %dma_start3A_1073 = tpu.memref_slice %dma_start3A_1070[%dma_start3A_1071, %dma_start3A_1072] : memref<10240x64xf32, #tpu.memory_space<hbm>> -> memref<10240x64xf32, #tpu.memory_space<hbm>>
      tpu.enqueue_indirect_dma source(%dma_start3A_1073 : memref<10240x64xf32, #tpu.memory_space<hbm>>) target(%dma_start3A_1063 : memref<128x64xf32, #tpu.memory_space<vmem>>) offsets(%dma_start3A_1066 : memref<128xi32, #tpu.memory_space<vmem>>) semaphore(%arg11 : memref<!tpu.dma_semaphore, #tpu.memory_space<semaphore_mem>>)
      %add3A_1074 = arith.constant 1 : i32
      %add3A_1075 = arith.addi %add3A_1056, %add3A_1074 : i32
      %dma_start3A_1076 = arith.constant 1 : i32
      %dma_start3A_1077 = arith.constant 0 : i32
      %dma_start3A_1078 = arith.constant 0 : i32
      %dma_start3A_1079 = tpu.memref_slice %arg9[%dma_start3A_1076, %dma_start3A_1077, %dma_start3A_1078] : memref<6x128x64xf32, #tpu.memory_space<vmem>> -> memref<1x128x64xf32, #tpu.memory_space<vmem>>
      %dma_start3A_1080 = tpu.memref_squeeze %dma_start3A_1079 : memref<1x128x64xf32, #tpu.memory_space<vmem>> -> memref<128x64xf32, #tpu.memory_space<vmem>>
      %dma_start3A_1081 = arith.constant 0 : i32
      %dma_start3A_1082 = tpu.memref_slice %arg5[%add3A_1075, %dma_start3A_1081] : memref<78x128xi32, #tpu.memory_space<vmem>> -> memref<1x128xi32, #tpu.memory_space<vmem>>
      %dma_start3A_1083 = tpu.memref_squeeze %dma_start3A_1082 : memref<1x128xi32, #tpu.memory_space<vmem>> -> memref<128xi32, #tpu.memory_space<vmem>>
      %dma_start3A_1084 = arith.constant 0 : i32
      %dma_start3A_1085 = arith.constant 0 : i32
      %dma_start3A_1086 = tpu.memref_slice %arg2[%arg0, %dma_start3A_1084, %dma_start3A_1085] : memref<2x10240x64xf32, #tpu.memory_space<hbm>> -> memref<1x10240x64xf32, #tpu.memory_space<hbm>>
      %dma_start3A_1087 = tpu.memref_squeeze %dma_start3A_1086 : memref<1x10240x64xf32, #tpu.memory_space<hbm>> -> memref<10240x64xf32, #tpu.memory_space<hbm>>
      %dma_start3A_1088 = arith.constant 0 : i32
      %dma_start3A_1089 = arith.constant 0 : i32
      %dma_start3A_1090 = tpu.memref_slice %dma_start3A_1087[%dma_start3A_1088, %dma_start3A_1089] : memref<10240x64xf32, #tpu.memory_space<hbm>> -> memref<10240x64xf32, #tpu.memory_space<hbm>>
      tpu.enqueue_indirect_dma source(%dma_start3A_1090 : memref<10240x64xf32, #tpu.memory_space<hbm>>) target(%dma_start3A_1080 : memref<128x64xf32, #tpu.memory_space<vmem>>) offsets(%dma_start3A_1083 : memref<128xi32, #tpu.memory_space<vmem>>) semaphore(%arg11 : memref<!tpu.dma_semaphore, #tpu.memory_space<semaphore_mem>>)
      %add3A_1091 = arith.constant 2 : i32
      %add3A_1092 = arith.addi %add3A_1056, %add3A_1091 : i32
      %dma_start3A_1093 = arith.constant 2 : i32
      %dma_start3A_1094 = arith.constant 0 : i32
      %dma_start3A_1095 = arith.constant 0 : i32
      %dma_start3A_1096 = tpu.memref_slice %arg9[%dma_start3A_1093, %dma_start3A_1094, %dma_start3A_1095] : memref<6x128x64xf32, #tpu.memory_space<vmem>> -> memref<1x128x64xf32, #tpu.memory_space<vmem>>
      %dma_start3A_1097 = tpu.memref_squeeze %dma_start3A_1096 : memref<1x128x64xf32, #tpu.memory_space<vmem>> -> memref<128x64xf32, #tpu.memory_space<vmem>>
      %dma_start3A_1098 = arith.constant 0 : i32
      %dma_start3A_1099 = tpu.memref_slice %arg5[%add3A_1092, %dma_start3A_1098] : memref<78x128xi32, #tpu.memory_space<vmem>> -> memref<1x128xi32, #tpu.memory_space<vmem>>
      %dma_start3A_1100 = tpu.memref_squeeze %dma_start3A_1099 : memref<1x128xi32, #tpu.memory_space<vmem>> -> memref<128xi32, #tpu.memory_space<vmem>>
      %dma_start3A_1101 = arith.constant 0 : i32
      %dma_start3A_1102 = arith.constant 0 : i32
      %dma_start3A_1103 = tpu.memref_slice %arg2[%arg0, %dma_start3A_1101, %dma_start3A_1102] : memref<2x10240x64xf32, #tpu.memory_space<hbm>> -> memref<1x10240x64xf32, #tpu.memory_space<hbm>>
      %dma_start3A_1104 = tpu.memref_squeeze %dma_start3A_1103 : memref<1x10240x64xf32, #tpu.memory_space<hbm>> -> memref<10240x64xf32, #tpu.memory_space<hbm>>
      %dma_start3A_1105 = arith.constant 0 : i32
      %dma_start3A_1106 = arith.constant 0 : i32
      %dma_start3A_1107 = tpu.memref_slice %dma_start3A_1104[%dma_start3A_1105, %dma_start3A_1106] : memref<10240x64xf32, #tpu.memory_space<hbm>> -> memref<10240x64xf32, #tpu.memory_space<hbm>>
      tpu.enqueue_indirect_dma source(%dma_start3A_1107 : memref<10240x64xf32, #tpu.memory_space<hbm>>) target(%dma_start3A_1097 : memref<128x64xf32, #tpu.memory_space<vmem>>) offsets(%dma_start3A_1100 : memref<128xi32, #tpu.memory_space<vmem>>) semaphore(%arg11 : memref<!tpu.dma_semaphore, #tpu.memory_space<semaphore_mem>>)
      %scan3A_1108 = arith.constant 0 : i32
      scf.yield %scan3A_1108 : i32
    }
    %scan3A_441 = arith.constant 12 : i32
    %dma_wait3A_442 = arith.constant 72 : i32
    %dma_wait3A_443 = arith.constant 0 : i32
    %dma_wait3A_444 = arith.constant 0 : i32
    %dma_wait3A_445 = arith.constant 0 : i32
    %dma_wait3A_446 = tpu.memref_slice %arg9[%dma_wait3A_443, %dma_wait3A_444, %dma_wait3A_445] : memref<6x128x64xf32, #tpu.memory_space<vmem>> -> memref<1x128x64xf32, #tpu.memory_space<vmem>>
    %dma_wait3A_447 = tpu.memref_squeeze %dma_wait3A_446 : memref<1x128x64xf32, #tpu.memory_space<vmem>> -> memref<128x64xf32, #tpu.memory_space<vmem>>
    %dma_wait3A_448 = arith.constant 0 : i32
    %dma_wait3A_449 = tpu.memref_slice %arg5[%dma_wait3A_442, %dma_wait3A_448] : memref<78x128xi32, #tpu.memory_space<vmem>> -> memref<1x128xi32, #tpu.memory_space<vmem>>
    %dma_wait3A_450 = tpu.memref_squeeze %dma_wait3A_449 : memref<1x128xi32, #tpu.memory_space<vmem>> -> memref<128xi32, #tpu.memory_space<vmem>>
    %dma_wait3A_451 = arith.constant 0 : i32
    %dma_wait3A_452 = arith.constant 0 : i32
    %dma_wait3A_453 = tpu.memref_slice %arg2[%arg0, %dma_wait3A_451, %dma_wait3A_452] : memref<2x10240x64xf32, #tpu.memory_space<hbm>> -> memref<1x10240x64xf32, #tpu.memory_space<hbm>>
    %dma_wait3A_454 = tpu.memref_squeeze %dma_wait3A_453 : memref<1x10240x64xf32, #tpu.memory_space<hbm>> -> memref<10240x64xf32, #tpu.memory_space<hbm>>
    %dma_wait3A_455 = arith.constant 0 : i32
    %dma_wait3A_456 = arith.constant 0 : i32
    %dma_wait3A_457 = tpu.memref_slice %dma_wait3A_454[%dma_wait3A_455, %dma_wait3A_456] : memref<10240x64xf32, #tpu.memory_space<hbm>> -> memref<10240x64xf32, #tpu.memory_space<hbm>>
    tpu.wait_indirect_dma semaphore(%arg11 : memref<!tpu.dma_semaphore, #tpu.memory_space<semaphore_mem>>) src(%dma_wait3A_457 : memref<10240x64xf32, #tpu.memory_space<hbm>>) dst(%dma_wait3A_447 : memref<128x64xf32, #tpu.memory_space<vmem>>)
    %dma_wait3A_458 = arith.constant 73 : i32
    %dma_wait3A_459 = arith.constant 1 : i32
    %dma_wait3A_460 = arith.constant 0 : i32
    %dma_wait3A_461 = arith.constant 0 : i32
    %dma_wait3A_462 = tpu.memref_slice %arg9[%dma_wait3A_459, %dma_wait3A_460, %dma_wait3A_461] : memref<6x128x64xf32, #tpu.memory_space<vmem>> -> memref<1x128x64xf32, #tpu.memory_space<vmem>>
    %dma_wait3A_463 = tpu.memref_squeeze %dma_wait3A_462 : memref<1x128x64xf32, #tpu.memory_space<vmem>> -> memref<128x64xf32, #tpu.memory_space<vmem>>
    %dma_wait3A_464 = arith.constant 0 : i32
    %dma_wait3A_465 = tpu.memref_slice %arg5[%dma_wait3A_458, %dma_wait3A_464] : memref<78x128xi32, #tpu.memory_space<vmem>> -> memref<1x128xi32, #tpu.memory_space<vmem>>
    %dma_wait3A_466 = tpu.memref_squeeze %dma_wait3A_465 : memref<1x128xi32, #tpu.memory_space<vmem>> -> memref<128xi32, #tpu.memory_space<vmem>>
    %dma_wait3A_467 = arith.constant 0 : i32
    %dma_wait3A_468 = arith.constant 0 : i32
    %dma_wait3A_469 = tpu.memref_slice %arg2[%arg0, %dma_wait3A_467, %dma_wait3A_468] : memref<2x10240x64xf32, #tpu.memory_space<hbm>> -> memref<1x10240x64xf32, #tpu.memory_space<hbm>>
    %dma_wait3A_470 = tpu.memref_squeeze %dma_wait3A_469 : memref<1x10240x64xf32, #tpu.memory_space<hbm>> -> memref<10240x64xf32, #tpu.memory_space<hbm>>
    %dma_wait3A_471 = arith.constant 0 : i32
    %dma_wait3A_472 = arith.constant 0 : i32
    %dma_wait3A_473 = tpu.memref_slice %dma_wait3A_470[%dma_wait3A_471, %dma_wait3A_472] : memref<10240x64xf32, #tpu.memory_space<hbm>> -> memref<10240x64xf32, #tpu.memory_space<hbm>>
    tpu.wait_indirect_dma semaphore(%arg11 : memref<!tpu.dma_semaphore, #tpu.memory_space<semaphore_mem>>) src(%dma_wait3A_473 : memref<10240x64xf32, #tpu.memory_space<hbm>>) dst(%dma_wait3A_463 : memref<128x64xf32, #tpu.memory_space<vmem>>)
    %dma_wait3A_474 = arith.constant 74 : i32
    %dma_wait3A_475 = arith.constant 2 : i32
    %dma_wait3A_476 = arith.constant 0 : i32
    %dma_wait3A_477 = arith.constant 0 : i32
    %dma_wait3A_478 = tpu.memref_slice %arg9[%dma_wait3A_475, %dma_wait3A_476, %dma_wait3A_477] : memref<6x128x64xf32, #tpu.memory_space<vmem>> -> memref<1x128x64xf32, #tpu.memory_space<vmem>>
    %dma_wait3A_479 = tpu.memref_squeeze %dma_wait3A_478 : memref<1x128x64xf32, #tpu.memory_space<vmem>> -> memref<128x64xf32, #tpu.memory_space<vmem>>
    %dma_wait3A_480 = arith.constant 0 : i32
    %dma_wait3A_481 = tpu.memref_slice %arg5[%dma_wait3A_474, %dma_wait3A_480] : memref<78x128xi32, #tpu.memory_space<vmem>> -> memref<1x128xi32, #tpu.memory_space<vmem>>
    %dma_wait3A_482 = tpu.memref_squeeze %dma_wait3A_481 : memref<1x128xi32, #tpu.memory_space<vmem>> -> memref<128xi32, #tpu.memory_space<vmem>>
    %dma_wait3A_483 = arith.constant 0 : i32
    %dma_wait3A_484 = arith.constant 0 : i32
    %dma_wait3A_485 = tpu.memref_slice %arg2[%arg0, %dma_wait3A_483, %dma_wait3A_484] : memref<2x10240x64xf32, #tpu.memory_space<hbm>> -> memref<1x10240x64xf32, #tpu.memory_space<hbm>>
    %dma_wait3A_486 = tpu.memref_squeeze %dma_wait3A_485 : memref<1x10240x64xf32, #tpu.memory_space<hbm>> -> memref<10240x64xf32, #tpu.memory_space<hbm>>
    %dma_wait3A_487 = arith.constant 0 : i32
    %dma_wait3A_488 = arith.constant 0 : i32
    %dma_wait3A_489 = tpu.memref_slice %dma_wait3A_486[%dma_wait3A_487, %dma_wait3A_488] : memref<10240x64xf32, #tpu.memory_space<hbm>> -> memref<10240x64xf32, #tpu.memory_space<hbm>>
    tpu.wait_indirect_dma semaphore(%arg11 : memref<!tpu.dma_semaphore, #tpu.memory_space<semaphore_mem>>) src(%dma_wait3A_489 : memref<10240x64xf32, #tpu.memory_space<hbm>>) dst(%dma_wait3A_479 : memref<128x64xf32, #tpu.memory_space<vmem>>)
    %dma_start3A_490 = arith.constant 0 : i32
    %dma_start3A_491 = arith.constant 72 : i32
    %dma_start3A_492 = arith.constant 0 : i32
    %dma_start3A_493 = arith.constant 0 : i32
    %dma_start3A_494 = tpu.memref_slice %arg9[%dma_start3A_490, %dma_start3A_492, %dma_start3A_493] : memref<6x128x64xf32, #tpu.memory_space<vmem>> -> memref<1x128x64xf32, #tpu.memory_space<vmem>>
    %dma_start3A_495 = tpu.memref_squeeze %dma_start3A_494 : memref<1x128x64xf32, #tpu.memory_space<vmem>> -> memref<128x64xf32, #tpu.memory_space<vmem>>
    %dma_start3A_496 = arith.constant 0 : i32
    %dma_start3A_497 = tpu.memref_slice %arg6[%dma_start3A_491, %dma_start3A_496] : memref<78x128xi32, #tpu.memory_space<vmem>> -> memref<1x128xi32, #tpu.memory_space<vmem>>
    %dma_start3A_498 = tpu.memref_squeeze %dma_start3A_497 : memref<1x128xi32, #tpu.memory_space<vmem>> -> memref<128xi32, #tpu.memory_space<vmem>>
    %dma_start3A_499 = arith.constant 0 : i32
    %dma_start3A_500 = arith.constant 0 : i32
    %dma_start3A_501 = tpu.memref_slice %arg10[%dma_start3A_499, %dma_start3A_500] : memref<10240x64xf32, #tpu.memory_space<vmem_shared>> -> memref<10240x64xf32, #tpu.memory_space<vmem_shared>>
    tpu.enqueue_indirect_dma source(%dma_start3A_495 : memref<128x64xf32, #tpu.memory_space<vmem>>) target(%dma_start3A_501 : memref<10240x64xf32, #tpu.memory_space<vmem_shared>>) offsets(%dma_start3A_498 : memref<128xi32, #tpu.memory_space<vmem>>) semaphore(%arg13 : memref<!tpu.dma_semaphore, #tpu.memory_space<semaphore_mem>>) {add = true}
    %dma_start3A_502 = arith.constant 1 : i32
    %dma_start3A_503 = arith.constant 73 : i32
    %dma_start3A_504 = arith.constant 0 : i32
    %dma_start3A_505 = arith.constant 0 : i32
    %dma_start3A_506 = tpu.memref_slice %arg9[%dma_start3A_502, %dma_start3A_504, %dma_start3A_505] : memref<6x128x64xf32, #tpu.memory_space<vmem>> -> memref<1x128x64xf32, #tpu.memory_space<vmem>>
    %dma_start3A_507 = tpu.memref_squeeze %dma_start3A_506 : memref<1x128x64xf32, #tpu.memory_space<vmem>> -> memref<128x64xf32, #tpu.memory_space<vmem>>
    %dma_start3A_508 = arith.constant 0 : i32
    %dma_start3A_509 = tpu.memref_slice %arg6[%dma_start3A_503, %dma_start3A_508] : memref<78x128xi32, #tpu.memory_space<vmem>> -> memref<1x128xi32, #tpu.memory_space<vmem>>
    %dma_start3A_510 = tpu.memref_squeeze %dma_start3A_509 : memref<1x128xi32, #tpu.memory_space<vmem>> -> memref<128xi32, #tpu.memory_space<vmem>>
    %dma_start3A_511 = arith.constant 0 : i32
    %dma_start3A_512 = arith.constant 0 : i32
    %dma_start3A_513 = tpu.memref_slice %arg10[%dma_start3A_511, %dma_start3A_512] : memref<10240x64xf32, #tpu.memory_space<vmem_shared>> -> memref<10240x64xf32, #tpu.memory_space<vmem_shared>>
    tpu.enqueue_indirect_dma source(%dma_start3A_507 : memref<128x64xf32, #tpu.memory_space<vmem>>) target(%dma_start3A_513 : memref<10240x64xf32, #tpu.memory_space<vmem_shared>>) offsets(%dma_start3A_510 : memref<128xi32, #tpu.memory_space<vmem>>) semaphore(%arg13 : memref<!tpu.dma_semaphore, #tpu.memory_space<semaphore_mem>>) {add = true}
    %dma_start3A_514 = arith.constant 2 : i32
    %dma_start3A_515 = arith.constant 74 : i32
    %dma_start3A_516 = arith.constant 0 : i32
    %dma_start3A_517 = arith.constant 0 : i32
    %dma_start3A_518 = tpu.memref_slice %arg9[%dma_start3A_514, %dma_start3A_516, %dma_start3A_517] : memref<6x128x64xf32, #tpu.memory_space<vmem>> -> memref<1x128x64xf32, #tpu.memory_space<vmem>>
    %dma_start3A_519 = tpu.memref_squeeze %dma_start3A_518 : memref<1x128x64xf32, #tpu.memory_space<vmem>> -> memref<128x64xf32, #tpu.memory_space<vmem>>
    %dma_start3A_520 = arith.constant 0 : i32
    %dma_start3A_521 = tpu.memref_slice %arg6[%dma_start3A_515, %dma_start3A_520] : memref<78x128xi32, #tpu.memory_space<vmem>> -> memref<1x128xi32, #tpu.memory_space<vmem>>
    %dma_start3A_522 = tpu.memref_squeeze %dma_start3A_521 : memref<1x128xi32, #tpu.memory_space<vmem>> -> memref<128xi32, #tpu.memory_space<vmem>>
    %dma_start3A_523 = arith.constant 0 : i32
    %dma_start3A_524 = arith.constant 0 : i32
    %dma_start3A_525 = tpu.memref_slice %arg10[%dma_start3A_523, %dma_start3A_524] : memref<10240x64xf32, #tpu.memory_space<vmem_shared>> -> memref<10240x64xf32, #tpu.memory_space<vmem_shared>>
    tpu.enqueue_indirect_dma source(%dma_start3A_519 : memref<128x64xf32, #tpu.memory_space<vmem>>) target(%dma_start3A_525 : memref<10240x64xf32, #tpu.memory_space<vmem_shared>>) offsets(%dma_start3A_522 : memref<128xi32, #tpu.memory_space<vmem>>) semaphore(%arg13 : memref<!tpu.dma_semaphore, #tpu.memory_space<semaphore_mem>>) {add = true}
    %dma_wait3A_526 = arith.constant 3 : i32
    %dma_wait3A_527 = arith.constant 69 : i32
    %dma_wait3A_528 = arith.constant 0 : i32
    %dma_wait3A_529 = arith.constant 0 : i32
    %dma_wait3A_530 = tpu.memref_slice %arg9[%dma_wait3A_526, %dma_wait3A_528, %dma_wait3A_529] : memref<6x128x64xf32, #tpu.memory_space<vmem>> -> memref<1x128x64xf32, #tpu.memory_space<vmem>>
    %dma_wait3A_531 = tpu.memref_squeeze %dma_wait3A_530 : memref<1x128x64xf32, #tpu.memory_space<vmem>> -> memref<128x64xf32, #tpu.memory_space<vmem>>
    %dma_wait3A_532 = arith.constant 0 : i32
    %dma_wait3A_533 = tpu.memref_slice %arg6[%dma_wait3A_527, %dma_wait3A_532] : memref<78x128xi32, #tpu.memory_space<vmem>> -> memref<1x128xi32, #tpu.memory_space<vmem>>
    %dma_wait3A_534 = tpu.memref_squeeze %dma_wait3A_533 : memref<1x128xi32, #tpu.memory_space<vmem>> -> memref<128xi32, #tpu.memory_space<vmem>>
    %dma_wait3A_535 = arith.constant 0 : i32
    %dma_wait3A_536 = arith.constant 0 : i32
    %dma_wait3A_537 = tpu.memref_slice %arg10[%dma_wait3A_535, %dma_wait3A_536] : memref<10240x64xf32, #tpu.memory_space<vmem_shared>> -> memref<10240x64xf32, #tpu.memory_space<vmem_shared>>
    tpu.wait_indirect_dma semaphore(%arg14 : memref<!tpu.dma_semaphore, #tpu.memory_space<semaphore_mem>>) src(%dma_wait3A_531 : memref<128x64xf32, #tpu.memory_space<vmem>>) dst(%dma_wait3A_537 : memref<10240x64xf32, #tpu.memory_space<vmem_shared>>)
    %dma_wait3A_538 = arith.constant 4 : i32
    %dma_wait3A_539 = arith.constant 70 : i32
    %dma_wait3A_540 = arith.constant 0 : i32
    %dma_wait3A_541 = arith.constant 0 : i32
    %dma_wait3A_542 = tpu.memref_slice %arg9[%dma_wait3A_538, %dma_wait3A_540, %dma_wait3A_541] : memref<6x128x64xf32, #tpu.memory_space<vmem>> -> memref<1x128x64xf32, #tpu.memory_space<vmem>>
    %dma_wait3A_543 = tpu.memref_squeeze %dma_wait3A_542 : memref<1x128x64xf32, #tpu.memory_space<vmem>> -> memref<128x64xf32, #tpu.memory_space<vmem>>
    %dma_wait3A_544 = arith.constant 0 : i32
    %dma_wait3A_545 = tpu.memref_slice %arg6[%dma_wait3A_539, %dma_wait3A_544] : memref<78x128xi32, #tpu.memory_space<vmem>> -> memref<1x128xi32, #tpu.memory_space<vmem>>
    %dma_wait3A_546 = tpu.memref_squeeze %dma_wait3A_545 : memref<1x128xi32, #tpu.memory_space<vmem>> -> memref<128xi32, #tpu.memory_space<vmem>>
    %dma_wait3A_547 = arith.constant 0 : i32
    %dma_wait3A_548 = arith.constant 0 : i32
    %dma_wait3A_549 = tpu.memref_slice %arg10[%dma_wait3A_547, %dma_wait3A_548] : memref<10240x64xf32, #tpu.memory_space<vmem_shared>> -> memref<10240x64xf32, #tpu.memory_space<vmem_shared>>
    tpu.wait_indirect_dma semaphore(%arg14 : memref<!tpu.dma_semaphore, #tpu.memory_space<semaphore_mem>>) src(%dma_wait3A_543 : memref<128x64xf32, #tpu.memory_space<vmem>>) dst(%dma_wait3A_549 : memref<10240x64xf32, #tpu.memory_space<vmem_shared>>)
    %dma_wait3A_550 = arith.constant 5 : i32
    %dma_wait3A_551 = arith.constant 71 : i32
    %dma_wait3A_552 = arith.constant 0 : i32
    %dma_wait3A_553 = arith.constant 0 : i32
    %dma_wait3A_554 = tpu.memref_slice %arg9[%dma_wait3A_550, %dma_wait3A_552, %dma_wait3A_553] : memref<6x128x64xf32, #tpu.memory_space<vmem>> -> memref<1x128x64xf32, #tpu.memory_space<vmem>>
    %dma_wait3A_555 = tpu.memref_squeeze %dma_wait3A_554 : memref<1x128x64xf32, #tpu.memory_space<vmem>> -> memref<128x64xf32, #tpu.memory_space<vmem>>
    %dma_wait3A_556 = arith.constant 0 : i32
    %dma_wait3A_557 = tpu.memref_slice %arg6[%dma_wait3A_551, %dma_wait3A_556] : memref<78x128xi32, #tpu.memory_space<vmem>> -> memref<1x128xi32, #tpu.memory_space<vmem>>
    %dma_wait3A_558 = tpu.memref_squeeze %dma_wait3A_557 : memref<1x128xi32, #tpu.memory_space<vmem>> -> memref<128xi32, #tpu.memory_space<vmem>>
    %dma_wait3A_559 = arith.constant 0 : i32
    %dma_wait3A_560 = arith.constant 0 : i32
    %dma_wait3A_561 = tpu.memref_slice %arg10[%dma_wait3A_559, %dma_wait3A_560] : memref<10240x64xf32, #tpu.memory_space<vmem_shared>> -> memref<10240x64xf32, #tpu.memory_space<vmem_shared>>
    tpu.wait_indirect_dma semaphore(%arg14 : memref<!tpu.dma_semaphore, #tpu.memory_space<semaphore_mem>>) src(%dma_wait3A_555 : memref<128x64xf32, #tpu.memory_space<vmem>>) dst(%dma_wait3A_561 : memref<10240x64xf32, #tpu.memory_space<vmem_shared>>)
    %dma_start3A_562 = arith.constant 75 : i32
    %dma_start3A_563 = arith.constant 3 : i32
    %dma_start3A_564 = arith.constant 0 : i32
    %dma_start3A_565 = arith.constant 0 : i32
    %dma_start3A_566 = tpu.memref_slice %arg9[%dma_start3A_563, %dma_start3A_564, %dma_start3A_565] : memref<6x128x64xf32, #tpu.memory_space<vmem>> -> memref<1x128x64xf32, #tpu.memory_space<vmem>>
    %dma_start3A_567 = tpu.memref_squeeze %dma_start3A_566 : memref<1x128x64xf32, #tpu.memory_space<vmem>> -> memref<128x64xf32, #tpu.memory_space<vmem>>
    %dma_start3A_568 = arith.constant 0 : i32
    %dma_start3A_569 = tpu.memref_slice %arg5[%dma_start3A_562, %dma_start3A_568] : memref<78x128xi32, #tpu.memory_space<vmem>> -> memref<1x128xi32, #tpu.memory_space<vmem>>
    %dma_start3A_570 = tpu.memref_squeeze %dma_start3A_569 : memref<1x128xi32, #tpu.memory_space<vmem>> -> memref<128xi32, #tpu.memory_space<vmem>>
    %dma_start3A_571 = arith.constant 0 : i32
    %dma_start3A_572 = arith.constant 0 : i32
    %dma_start3A_573 = tpu.memref_slice %arg2[%arg0, %dma_start3A_571, %dma_start3A_572] : memref<2x10240x64xf32, #tpu.memory_space<hbm>> -> memref<1x10240x64xf32, #tpu.memory_space<hbm>>
    %dma_start3A_574 = tpu.memref_squeeze %dma_start3A_573 : memref<1x10240x64xf32, #tpu.memory_space<hbm>> -> memref<10240x64xf32, #tpu.memory_space<hbm>>
    %dma_start3A_575 = arith.constant 0 : i32
    %dma_start3A_576 = arith.constant 0 : i32
    %dma_start3A_577 = tpu.memref_slice %dma_start3A_574[%dma_start3A_575, %dma_start3A_576] : memref<10240x64xf32, #tpu.memory_space<hbm>> -> memref<10240x64xf32, #tpu.memory_space<hbm>>
    tpu.enqueue_indirect_dma source(%dma_start3A_577 : memref<10240x64xf32, #tpu.memory_space<hbm>>) target(%dma_start3A_567 : memref<128x64xf32, #tpu.memory_space<vmem>>) offsets(%dma_start3A_570 : memref<128xi32, #tpu.memory_space<vmem>>) semaphore(%arg12 : memref<!tpu.dma_semaphore, #tpu.memory_space<semaphore_mem>>)
    %dma_start3A_578 = arith.constant 76 : i32
    %dma_start3A_579 = arith.constant 4 : i32
    %dma_start3A_580 = arith.constant 0 : i32
    %dma_start3A_581 = arith.constant 0 : i32
    %dma_start3A_582 = tpu.memref_slice %arg9[%dma_start3A_579, %dma_start3A_580, %dma_start3A_581] : memref<6x128x64xf32, #tpu.memory_space<vmem>> -> memref<1x128x64xf32, #tpu.memory_space<vmem>>
    %dma_start3A_583 = tpu.memref_squeeze %dma_start3A_582 : memref<1x128x64xf32, #tpu.memory_space<vmem>> -> memref<128x64xf32, #tpu.memory_space<vmem>>
    %dma_start3A_584 = arith.constant 0 : i32
    %dma_start3A_585 = tpu.memref_slice %arg5[%dma_start3A_578, %dma_start3A_584] : memref<78x128xi32, #tpu.memory_space<vmem>> -> memref<1x128xi32, #tpu.memory_space<vmem>>
    %dma_start3A_586 = tpu.memref_squeeze %dma_start3A_585 : memref<1x128xi32, #tpu.memory_space<vmem>> -> memref<128xi32, #tpu.memory_space<vmem>>
    %dma_start3A_587 = arith.constant 0 : i32
    %dma_start3A_588 = arith.constant 0 : i32
    %dma_start3A_589 = tpu.memref_slice %arg2[%arg0, %dma_start3A_587, %dma_start3A_588] : memref<2x10240x64xf32, #tpu.memory_space<hbm>> -> memref<1x10240x64xf32, #tpu.memory_space<hbm>>
    %dma_start3A_590 = tpu.memref_squeeze %dma_start3A_589 : memref<1x10240x64xf32, #tpu.memory_space<hbm>> -> memref<10240x64xf32, #tpu.memory_space<hbm>>
    %dma_start3A_591 = arith.constant 0 : i32
    %dma_start3A_592 = arith.constant 0 : i32
    %dma_start3A_593 = tpu.memref_slice %dma_start3A_590[%dma_start3A_591, %dma_start3A_592] : memref<10240x64xf32, #tpu.memory_space<hbm>> -> memref<10240x64xf32, #tpu.memory_space<hbm>>
    tpu.enqueue_indirect_dma source(%dma_start3A_593 : memref<10240x64xf32, #tpu.memory_space<hbm>>) target(%dma_start3A_583 : memref<128x64xf32, #tpu.memory_space<vmem>>) offsets(%dma_start3A_586 : memref<128xi32, #tpu.memory_space<vmem>>) semaphore(%arg12 : memref<!tpu.dma_semaphore, #tpu.memory_space<semaphore_mem>>)
    %dma_start3A_594 = arith.constant 77 : i32
    %dma_start3A_595 = arith.constant 5 : i32
    %dma_start3A_596 = arith.constant 0 : i32
    %dma_start3A_597 = arith.constant 0 : i32
    %dma_start3A_598 = tpu.memref_slice %arg9[%dma_start3A_595, %dma_start3A_596, %dma_start3A_597] : memref<6x128x64xf32, #tpu.memory_space<vmem>> -> memref<1x128x64xf32, #tpu.memory_space<vmem>>
    %dma_start3A_599 = tpu.memref_squeeze %dma_start3A_598 : memref<1x128x64xf32, #tpu.memory_space<vmem>> -> memref<128x64xf32, #tpu.memory_space<vmem>>
    %dma_start3A_600 = arith.constant 0 : i32
    %dma_start3A_601 = tpu.memref_slice %arg5[%dma_start3A_594, %dma_start3A_600] : memref<78x128xi32, #tpu.memory_space<vmem>> -> memref<1x128xi32, #tpu.memory_space<vmem>>
    %dma_start3A_602 = tpu.memref_squeeze %dma_start3A_601 : memref<1x128xi32, #tpu.memory_space<vmem>> -> memref<128xi32, #tpu.memory_space<vmem>>
    %dma_start3A_603 = arith.constant 0 : i32
    %dma_start3A_604 = arith.constant 0 : i32
    %dma_start3A_605 = tpu.memref_slice %arg2[%arg0, %dma_start3A_603, %dma_start3A_604] : memref<2x10240x64xf32, #tpu.memory_space<hbm>> -> memref<1x10240x64xf32, #tpu.memory_space<hbm>>
    %dma_start3A_606 = tpu.memref_squeeze %dma_start3A_605 : memref<1x10240x64xf32, #tpu.memory_space<hbm>> -> memref<10240x64xf32, #tpu.memory_space<hbm>>
    %dma_start3A_607 = arith.constant 0 : i32
    %dma_start3A_608 = arith.constant 0 : i32
    %dma_start3A_609 = tpu.memref_slice %dma_start3A_606[%dma_start3A_607, %dma_start3A_608] : memref<10240x64xf32, #tpu.memory_space<hbm>> -> memref<10240x64xf32, #tpu.memory_space<hbm>>
    tpu.enqueue_indirect_dma source(%dma_start3A_609 : memref<10240x64xf32, #tpu.memory_space<hbm>>) target(%dma_start3A_599 : memref<128x64xf32, #tpu.memory_space<vmem>>) offsets(%dma_start3A_602 : memref<128xi32, #tpu.memory_space<vmem>>) semaphore(%arg12 : memref<!tpu.dma_semaphore, #tpu.memory_space<semaphore_mem>>)
    %dma_wait3A_610 = arith.constant 75 : i32
    %dma_wait3A_611 = arith.constant 3 : i32
    %dma_wait3A_612 = arith.constant 0 : i32
    %dma_wait3A_613 = arith.constant 0 : i32
    %dma_wait3A_614 = tpu.memref_slice %arg9[%dma_wait3A_611, %dma_wait3A_612, %dma_wait3A_613] : memref<6x128x64xf32, #tpu.memory_space<vmem>> -> memref<1x128x64xf32, #tpu.memory_space<vmem>>
    %dma_wait3A_615 = tpu.memref_squeeze %dma_wait3A_614 : memref<1x128x64xf32, #tpu.memory_space<vmem>> -> memref<128x64xf32, #tpu.memory_space<vmem>>
    %dma_wait3A_616 = arith.constant 0 : i32
    %dma_wait3A_617 = tpu.memref_slice %arg5[%dma_wait3A_610, %dma_wait3A_616] : memref<78x128xi32, #tpu.memory_space<vmem>> -> memref<1x128xi32, #tpu.memory_space<vmem>>
    %dma_wait3A_618 = tpu.memref_squeeze %dma_wait3A_617 : memref<1x128xi32, #tpu.memory_space<vmem>> -> memref<128xi32, #tpu.memory_space<vmem>>
    %dma_wait3A_619 = arith.constant 0 : i32
    %dma_wait3A_620 = arith.constant 0 : i32
    %dma_wait3A_621 = tpu.memref_slice %arg2[%arg0, %dma_wait3A_619, %dma_wait3A_620] : memref<2x10240x64xf32, #tpu.memory_space<hbm>> -> memref<1x10240x64xf32, #tpu.memory_space<hbm>>
    %dma_wait3A_622 = tpu.memref_squeeze %dma_wait3A_621 : memref<1x10240x64xf32, #tpu.memory_space<hbm>> -> memref<10240x64xf32, #tpu.memory_space<hbm>>
    %dma_wait3A_623 = arith.constant 0 : i32
    %dma_wait3A_624 = arith.constant 0 : i32
    %dma_wait3A_625 = tpu.memref_slice %dma_wait3A_622[%dma_wait3A_623, %dma_wait3A_624] : memref<10240x64xf32, #tpu.memory_space<hbm>> -> memref<10240x64xf32, #tpu.memory_space<hbm>>
    tpu.wait_indirect_dma semaphore(%arg12 : memref<!tpu.dma_semaphore, #tpu.memory_space<semaphore_mem>>) src(%dma_wait3A_625 : memref<10240x64xf32, #tpu.memory_space<hbm>>) dst(%dma_wait3A_615 : memref<128x64xf32, #tpu.memory_space<vmem>>)
    %dma_wait3A_626 = arith.constant 76 : i32
    %dma_wait3A_627 = arith.constant 4 : i32
    %dma_wait3A_628 = arith.constant 0 : i32
    %dma_wait3A_629 = arith.constant 0 : i32
    %dma_wait3A_630 = tpu.memref_slice %arg9[%dma_wait3A_627, %dma_wait3A_628, %dma_wait3A_629] : memref<6x128x64xf32, #tpu.memory_space<vmem>> -> memref<1x128x64xf32, #tpu.memory_space<vmem>>
    %dma_wait3A_631 = tpu.memref_squeeze %dma_wait3A_630 : memref<1x128x64xf32, #tpu.memory_space<vmem>> -> memref<128x64xf32, #tpu.memory_space<vmem>>
    %dma_wait3A_632 = arith.constant 0 : i32
    %dma_wait3A_633 = tpu.memref_slice %arg5[%dma_wait3A_626, %dma_wait3A_632] : memref<78x128xi32, #tpu.memory_space<vmem>> -> memref<1x128xi32, #tpu.memory_space<vmem>>
    %dma_wait3A_634 = tpu.memref_squeeze %dma_wait3A_633 : memref<1x128xi32, #tpu.memory_space<vmem>> -> memref<128xi32, #tpu.memory_space<vmem>>
    %dma_wait3A_635 = arith.constant 0 : i32
    %dma_wait3A_636 = arith.constant 0 : i32
    %dma_wait3A_637 = tpu.memref_slice %arg2[%arg0, %dma_wait3A_635, %dma_wait3A_636] : memref<2x10240x64xf32, #tpu.memory_space<hbm>> -> memref<1x10240x64xf32, #tpu.memory_space<hbm>>
    %dma_wait3A_638 = tpu.memref_squeeze %dma_wait3A_637 : memref<1x10240x64xf32, #tpu.memory_space<hbm>> -> memref<10240x64xf32, #tpu.memory_space<hbm>>
    %dma_wait3A_639 = arith.constant 0 : i32
    %dma_wait3A_640 = arith.constant 0 : i32
    %dma_wait3A_641 = tpu.memref_slice %dma_wait3A_638[%dma_wait3A_639, %dma_wait3A_640] : memref<10240x64xf32, #tpu.memory_space<hbm>> -> memref<10240x64xf32, #tpu.memory_space<hbm>>
    tpu.wait_indirect_dma semaphore(%arg12 : memref<!tpu.dma_semaphore, #tpu.memory_space<semaphore_mem>>) src(%dma_wait3A_641 : memref<10240x64xf32, #tpu.memory_space<hbm>>) dst(%dma_wait3A_631 : memref<128x64xf32, #tpu.memory_space<vmem>>)
    %dma_wait3A_642 = arith.constant 77 : i32
    %dma_wait3A_643 = arith.constant 5 : i32
    %dma_wait3A_644 = arith.constant 0 : i32
    %dma_wait3A_645 = arith.constant 0 : i32
    %dma_wait3A_646 = tpu.memref_slice %arg9[%dma_wait3A_643, %dma_wait3A_644, %dma_wait3A_645] : memref<6x128x64xf32, #tpu.memory_space<vmem>> -> memref<1x128x64xf32, #tpu.memory_space<vmem>>
    %dma_wait3A_647 = tpu.memref_squeeze %dma_wait3A_646 : memref<1x128x64xf32, #tpu.memory_space<vmem>> -> memref<128x64xf32, #tpu.memory_space<vmem>>
    %dma_wait3A_648 = arith.constant 0 : i32
    %dma_wait3A_649 = tpu.memref_slice %arg5[%dma_wait3A_642, %dma_wait3A_648] : memref<78x128xi32, #tpu.memory_space<vmem>> -> memref<1x128xi32, #tpu.memory_space<vmem>>
    %dma_wait3A_650 = tpu.memref_squeeze %dma_wait3A_649 : memref<1x128xi32, #tpu.memory_space<vmem>> -> memref<128xi32, #tpu.memory_space<vmem>>
    %dma_wait3A_651 = arith.constant 0 : i32
    %dma_wait3A_652 = arith.constant 0 : i32
    %dma_wait3A_653 = tpu.memref_slice %arg2[%arg0, %dma_wait3A_651, %dma_wait3A_652] : memref<2x10240x64xf32, #tpu.memory_space<hbm>> -> memref<1x10240x64xf32, #tpu.memory_space<hbm>>
    %dma_wait3A_654 = tpu.memref_squeeze %dma_wait3A_653 : memref<1x10240x64xf32, #tpu.memory_space<hbm>> -> memref<10240x64xf32, #tpu.memory_space<hbm>>
    %dma_wait3A_655 = arith.constant 0 : i32
    %dma_wait3A_656 = arith.constant 0 : i32
    %dma_wait3A_657 = tpu.memref_slice %dma_wait3A_654[%dma_wait3A_655, %dma_wait3A_656] : memref<10240x64xf32, #tpu.memory_space<hbm>> -> memref<10240x64xf32, #tpu.memory_space<hbm>>
    tpu.wait_indirect_dma semaphore(%arg12 : memref<!tpu.dma_semaphore, #tpu.memory_space<semaphore_mem>>) src(%dma_wait3A_657 : memref<10240x64xf32, #tpu.memory_space<hbm>>) dst(%dma_wait3A_647 : memref<128x64xf32, #tpu.memory_space<vmem>>)
    %dma_start3A_658 = arith.constant 3 : i32
    %dma_start3A_659 = arith.constant 75 : i32
    %dma_start3A_660 = arith.constant 0 : i32
    %dma_start3A_661 = arith.constant 0 : i32
    %dma_start3A_662 = tpu.memref_slice %arg9[%dma_start3A_658, %dma_start3A_660, %dma_start3A_661] : memref<6x128x64xf32, #tpu.memory_space<vmem>> -> memref<1x128x64xf32, #tpu.memory_space<vmem>>
    %dma_start3A_663 = tpu.memref_squeeze %dma_start3A_662 : memref<1x128x64xf32, #tpu.memory_space<vmem>> -> memref<128x64xf32, #tpu.memory_space<vmem>>
    %dma_start3A_664 = arith.constant 0 : i32
    %dma_start3A_665 = tpu.memref_slice %arg6[%dma_start3A_659, %dma_start3A_664] : memref<78x128xi32, #tpu.memory_space<vmem>> -> memref<1x128xi32, #tpu.memory_space<vmem>>
    %dma_start3A_666 = tpu.memref_squeeze %dma_start3A_665 : memref<1x128xi32, #tpu.memory_space<vmem>> -> memref<128xi32, #tpu.memory_space<vmem>>
    %dma_start3A_667 = arith.constant 0 : i32
    %dma_start3A_668 = arith.constant 0 : i32
    %dma_start3A_669 = tpu.memref_slice %arg10[%dma_start3A_667, %dma_start3A_668] : memref<10240x64xf32, #tpu.memory_space<vmem_shared>> -> memref<10240x64xf32, #tpu.memory_space<vmem_shared>>
    tpu.enqueue_indirect_dma source(%dma_start3A_663 : memref<128x64xf32, #tpu.memory_space<vmem>>) target(%dma_start3A_669 : memref<10240x64xf32, #tpu.memory_space<vmem_shared>>) offsets(%dma_start3A_666 : memref<128xi32, #tpu.memory_space<vmem>>) semaphore(%arg14 : memref<!tpu.dma_semaphore, #tpu.memory_space<semaphore_mem>>) {add = true}
    %dma_start3A_670 = arith.constant 4 : i32
    %dma_start3A_671 = arith.constant 76 : i32
    %dma_start3A_672 = arith.constant 0 : i32
    %dma_start3A_673 = arith.constant 0 : i32
    %dma_start3A_674 = tpu.memref_slice %arg9[%dma_start3A_670, %dma_start3A_672, %dma_start3A_673] : memref<6x128x64xf32, #tpu.memory_space<vmem>> -> memref<1x128x64xf32, #tpu.memory_space<vmem>>
    %dma_start3A_675 = tpu.memref_squeeze %dma_start3A_674 : memref<1x128x64xf32, #tpu.memory_space<vmem>> -> memref<128x64xf32, #tpu.memory_space<vmem>>
    %dma_start3A_676 = arith.constant 0 : i32
    %dma_start3A_677 = tpu.memref_slice %arg6[%dma_start3A_671, %dma_start3A_676] : memref<78x128xi32, #tpu.memory_space<vmem>> -> memref<1x128xi32, #tpu.memory_space<vmem>>
    %dma_start3A_678 = tpu.memref_squeeze %dma_start3A_677 : memref<1x128xi32, #tpu.memory_space<vmem>> -> memref<128xi32, #tpu.memory_space<vmem>>
    %dma_start3A_679 = arith.constant 0 : i32
    %dma_start3A_680 = arith.constant 0 : i32
    %dma_start3A_681 = tpu.memref_slice %arg10[%dma_start3A_679, %dma_start3A_680] : memref<10240x64xf32, #tpu.memory_space<vmem_shared>> -> memref<10240x64xf32, #tpu.memory_space<vmem_shared>>
    tpu.enqueue_indirect_dma source(%dma_start3A_675 : memref<128x64xf32, #tpu.memory_space<vmem>>) target(%dma_start3A_681 : memref<10240x64xf32, #tpu.memory_space<vmem_shared>>) offsets(%dma_start3A_678 : memref<128xi32, #tpu.memory_space<vmem>>) semaphore(%arg14 : memref<!tpu.dma_semaphore, #tpu.memory_space<semaphore_mem>>) {add = true}
    %dma_start3A_682 = arith.constant 5 : i32
    %dma_start3A_683 = arith.constant 77 : i32
    %dma_start3A_684 = arith.constant 0 : i32
    %dma_start3A_685 = arith.constant 0 : i32
    %dma_start3A_686 = tpu.memref_slice %arg9[%dma_start3A_682, %dma_start3A_684, %dma_start3A_685] : memref<6x128x64xf32, #tpu.memory_space<vmem>> -> memref<1x128x64xf32, #tpu.memory_space<vmem>>
    %dma_start3A_687 = tpu.memref_squeeze %dma_start3A_686 : memref<1x128x64xf32, #tpu.memory_space<vmem>> -> memref<128x64xf32, #tpu.memory_space<vmem>>
    %dma_start3A_688 = arith.constant 0 : i32
    %dma_start3A_689 = tpu.memref_slice %arg6[%dma_start3A_683, %dma_start3A_688] : memref<78x128xi32, #tpu.memory_space<vmem>> -> memref<1x128xi32, #tpu.memory_space<vmem>>
    %dma_start3A_690 = tpu.memref_squeeze %dma_start3A_689 : memref<1x128xi32, #tpu.memory_space<vmem>> -> memref<128xi32, #tpu.memory_space<vmem>>
    %dma_start3A_691 = arith.constant 0 : i32
    %dma_start3A_692 = arith.constant 0 : i32
    %dma_start3A_693 = tpu.memref_slice %arg10[%dma_start3A_691, %dma_start3A_692] : memref<10240x64xf32, #tpu.memory_space<vmem_shared>> -> memref<10240x64xf32, #tpu.memory_space<vmem_shared>>
    tpu.enqueue_indirect_dma source(%dma_start3A_687 : memref<128x64xf32, #tpu.memory_space<vmem>>) target(%dma_start3A_693 : memref<10240x64xf32, #tpu.memory_space<vmem_shared>>) offsets(%dma_start3A_690 : memref<128xi32, #tpu.memory_space<vmem>>) semaphore(%arg14 : memref<!tpu.dma_semaphore, #tpu.memory_space<semaphore_mem>>) {add = true}
    %dma_wait3A_694 = arith.constant 0 : i32
    %dma_wait3A_695 = arith.constant 72 : i32
    %dma_wait3A_696 = arith.constant 0 : i32
    %dma_wait3A_697 = arith.constant 0 : i32
    %dma_wait3A_698 = tpu.memref_slice %arg9[%dma_wait3A_694, %dma_wait3A_696, %dma_wait3A_697] : memref<6x128x64xf32, #tpu.memory_space<vmem>> -> memref<1x128x64xf32, #tpu.memory_space<vmem>>
    %dma_wait3A_699 = tpu.memref_squeeze %dma_wait3A_698 : memref<1x128x64xf32, #tpu.memory_space<vmem>> -> memref<128x64xf32, #tpu.memory_space<vmem>>
    %dma_wait3A_700 = arith.constant 0 : i32
    %dma_wait3A_701 = tpu.memref_slice %arg6[%dma_wait3A_695, %dma_wait3A_700] : memref<78x128xi32, #tpu.memory_space<vmem>> -> memref<1x128xi32, #tpu.memory_space<vmem>>
    %dma_wait3A_702 = tpu.memref_squeeze %dma_wait3A_701 : memref<1x128xi32, #tpu.memory_space<vmem>> -> memref<128xi32, #tpu.memory_space<vmem>>
    %dma_wait3A_703 = arith.constant 0 : i32
    %dma_wait3A_704 = arith.constant 0 : i32
    %dma_wait3A_705 = tpu.memref_slice %arg10[%dma_wait3A_703, %dma_wait3A_704] : memref<10240x64xf32, #tpu.memory_space<vmem_shared>> -> memref<10240x64xf32, #tpu.memory_space<vmem_shared>>
    tpu.wait_indirect_dma semaphore(%arg13 : memref<!tpu.dma_semaphore, #tpu.memory_space<semaphore_mem>>) src(%dma_wait3A_699 : memref<128x64xf32, #tpu.memory_space<vmem>>) dst(%dma_wait3A_705 : memref<10240x64xf32, #tpu.memory_space<vmem_shared>>)
    %dma_wait3A_706 = arith.constant 1 : i32
    %dma_wait3A_707 = arith.constant 73 : i32
    %dma_wait3A_708 = arith.constant 0 : i32
    %dma_wait3A_709 = arith.constant 0 : i32
    %dma_wait3A_710 = tpu.memref_slice %arg9[%dma_wait3A_706, %dma_wait3A_708, %dma_wait3A_709] : memref<6x128x64xf32, #tpu.memory_space<vmem>> -> memref<1x128x64xf32, #tpu.memory_space<vmem>>
    %dma_wait3A_711 = tpu.memref_squeeze %dma_wait3A_710 : memref<1x128x64xf32, #tpu.memory_space<vmem>> -> memref<128x64xf32, #tpu.memory_space<vmem>>
    %dma_wait3A_712 = arith.constant 0 : i32
    %dma_wait3A_713 = tpu.memref_slice %arg6[%dma_wait3A_707, %dma_wait3A_712] : memref<78x128xi32, #tpu.memory_space<vmem>> -> memref<1x128xi32, #tpu.memory_space<vmem>>
    %dma_wait3A_714 = tpu.memref_squeeze %dma_wait3A_713 : memref<1x128xi32, #tpu.memory_space<vmem>> -> memref<128xi32, #tpu.memory_space<vmem>>
    %dma_wait3A_715 = arith.constant 0 : i32
    %dma_wait3A_716 = arith.constant 0 : i32
    %dma_wait3A_717 = tpu.memref_slice %arg10[%dma_wait3A_715, %dma_wait3A_716] : memref<10240x64xf32, #tpu.memory_space<vmem_shared>> -> memref<10240x64xf32, #tpu.memory_space<vmem_shared>>
    tpu.wait_indirect_dma semaphore(%arg13 : memref<!tpu.dma_semaphore, #tpu.memory_space<semaphore_mem>>) src(%dma_wait3A_711 : memref<128x64xf32, #tpu.memory_space<vmem>>) dst(%dma_wait3A_717 : memref<10240x64xf32, #tpu.memory_space<vmem_shared>>)
    %dma_wait3A_718 = arith.constant 2 : i32
    %dma_wait3A_719 = arith.constant 74 : i32
    %dma_wait3A_720 = arith.constant 0 : i32
    %dma_wait3A_721 = arith.constant 0 : i32
    %dma_wait3A_722 = tpu.memref_slice %arg9[%dma_wait3A_718, %dma_wait3A_720, %dma_wait3A_721] : memref<6x128x64xf32, #tpu.memory_space<vmem>> -> memref<1x128x64xf32, #tpu.memory_space<vmem>>
    %dma_wait3A_723 = tpu.memref_squeeze %dma_wait3A_722 : memref<1x128x64xf32, #tpu.memory_space<vmem>> -> memref<128x64xf32, #tpu.memory_space<vmem>>
    %dma_wait3A_724 = arith.constant 0 : i32
    %dma_wait3A_725 = tpu.memref_slice %arg6[%dma_wait3A_719, %dma_wait3A_724] : memref<78x128xi32, #tpu.memory_space<vmem>> -> memref<1x128xi32, #tpu.memory_space<vmem>>
    %dma_wait3A_726 = tpu.memref_squeeze %dma_wait3A_725 : memref<1x128xi32, #tpu.memory_space<vmem>> -> memref<128xi32, #tpu.memory_space<vmem>>
    %dma_wait3A_727 = arith.constant 0 : i32
    %dma_wait3A_728 = arith.constant 0 : i32
    %dma_wait3A_729 = tpu.memref_slice %arg10[%dma_wait3A_727, %dma_wait3A_728] : memref<10240x64xf32, #tpu.memory_space<vmem_shared>> -> memref<10240x64xf32, #tpu.memory_space<vmem_shared>>
    tpu.wait_indirect_dma semaphore(%arg13 : memref<!tpu.dma_semaphore, #tpu.memory_space<semaphore_mem>>) src(%dma_wait3A_723 : memref<128x64xf32, #tpu.memory_space<vmem>>) dst(%dma_wait3A_729 : memref<10240x64xf32, #tpu.memory_space<vmem_shared>>)
    %dma_wait3A_730 = arith.constant 3 : i32
    %dma_wait3A_731 = arith.constant 75 : i32
    %dma_wait3A_732 = arith.constant 0 : i32
    %dma_wait3A_733 = arith.constant 0 : i32
    %dma_wait3A_734 = tpu.memref_slice %arg9[%dma_wait3A_730, %dma_wait3A_732, %dma_wait3A_733] : memref<6x128x64xf32, #tpu.memory_space<vmem>> -> memref<1x128x64xf32, #tpu.memory_space<vmem>>
    %dma_wait3A_735 = tpu.memref_squeeze %dma_wait3A_734 : memref<1x128x64xf32, #tpu.memory_space<vmem>> -> memref<128x64xf32, #tpu.memory_space<vmem>>
    %dma_wait3A_736 = arith.constant 0 : i32
    %dma_wait3A_737 = tpu.memref_slice %arg6[%dma_wait3A_731, %dma_wait3A_736] : memref<78x128xi32, #tpu.memory_space<vmem>> -> memref<1x128xi32, #tpu.memory_space<vmem>>
    %dma_wait3A_738 = tpu.memref_squeeze %dma_wait3A_737 : memref<1x128xi32, #tpu.memory_space<vmem>> -> memref<128xi32, #tpu.memory_space<vmem>>
    %dma_wait3A_739 = arith.constant 0 : i32
    %dma_wait3A_740 = arith.constant 0 : i32
    %dma_wait3A_741 = tpu.memref_slice %arg10[%dma_wait3A_739, %dma_wait3A_740] : memref<10240x64xf32, #tpu.memory_space<vmem_shared>> -> memref<10240x64xf32, #tpu.memory_space<vmem_shared>>
    tpu.wait_indirect_dma semaphore(%arg14 : memref<!tpu.dma_semaphore, #tpu.memory_space<semaphore_mem>>) src(%dma_wait3A_735 : memref<128x64xf32, #tpu.memory_space<vmem>>) dst(%dma_wait3A_741 : memref<10240x64xf32, #tpu.memory_space<vmem_shared>>)
    %dma_wait3A_742 = arith.constant 4 : i32
    %dma_wait3A_743 = arith.constant 76 : i32
    %dma_wait3A_744 = arith.constant 0 : i32
    %dma_wait3A_745 = arith.constant 0 : i32
    %dma_wait3A_746 = tpu.memref_slice %arg9[%dma_wait3A_742, %dma_wait3A_744, %dma_wait3A_745] : memref<6x128x64xf32, #tpu.memory_space<vmem>> -> memref<1x128x64xf32, #tpu.memory_space<vmem>>
    %dma_wait3A_747 = tpu.memref_squeeze %dma_wait3A_746 : memref<1x128x64xf32, #tpu.memory_space<vmem>> -> memref<128x64xf32, #tpu.memory_space<vmem>>
    %dma_wait3A_748 = arith.constant 0 : i32
    %dma_wait3A_749 = tpu.memref_slice %arg6[%dma_wait3A_743, %dma_wait3A_748] : memref<78x128xi32, #tpu.memory_space<vmem>> -> memref<1x128xi32, #tpu.memory_space<vmem>>
    %dma_wait3A_750 = tpu.memref_squeeze %dma_wait3A_749 : memref<1x128xi32, #tpu.memory_space<vmem>> -> memref<128xi32, #tpu.memory_space<vmem>>
    %dma_wait3A_751 = arith.constant 0 : i32
    %dma_wait3A_752 = arith.constant 0 : i32
    %dma_wait3A_753 = tpu.memref_slice %arg10[%dma_wait3A_751, %dma_wait3A_752] : memref<10240x64xf32, #tpu.memory_space<vmem_shared>> -> memref<10240x64xf32, #tpu.memory_space<vmem_shared>>
    tpu.wait_indirect_dma semaphore(%arg14 : memref<!tpu.dma_semaphore, #tpu.memory_space<semaphore_mem>>) src(%dma_wait3A_747 : memref<128x64xf32, #tpu.memory_space<vmem>>) dst(%dma_wait3A_753 : memref<10240x64xf32, #tpu.memory_space<vmem_shared>>)
    %dma_wait3A_754 = arith.constant 5 : i32
    %dma_wait3A_755 = arith.constant 77 : i32
    %dma_wait3A_756 = arith.constant 0 : i32
    %dma_wait3A_757 = arith.constant 0 : i32
    %dma_wait3A_758 = tpu.memref_slice %arg9[%dma_wait3A_754, %dma_wait3A_756, %dma_wait3A_757] : memref<6x128x64xf32, #tpu.memory_space<vmem>> -> memref<1x128x64xf32, #tpu.memory_space<vmem>>
    %dma_wait3A_759 = tpu.memref_squeeze %dma_wait3A_758 : memref<1x128x64xf32, #tpu.memory_space<vmem>> -> memref<128x64xf32, #tpu.memory_space<vmem>>
    %dma_wait3A_760 = arith.constant 0 : i32
    %dma_wait3A_761 = tpu.memref_slice %arg6[%dma_wait3A_755, %dma_wait3A_760] : memref<78x128xi32, #tpu.memory_space<vmem>> -> memref<1x128xi32, #tpu.memory_space<vmem>>
    %dma_wait3A_762 = tpu.memref_squeeze %dma_wait3A_761 : memref<1x128xi32, #tpu.memory_space<vmem>> -> memref<128xi32, #tpu.memory_space<vmem>>
    %dma_wait3A_763 = arith.constant 0 : i32
    %dma_wait3A_764 = arith.constant 0 : i32
    %dma_wait3A_765 = tpu.memref_slice %arg10[%dma_wait3A_763, %dma_wait3A_764] : memref<10240x64xf32, #tpu.memory_space<vmem_shared>> -> memref<10240x64xf32, #tpu.memory_space<vmem_shared>>
    tpu.wait_indirect_dma semaphore(%arg14 : memref<!tpu.dma_semaphore, #tpu.memory_space<semaphore_mem>>) src(%dma_wait3A_759 : memref<128x64xf32, #tpu.memory_space<vmem>>) dst(%dma_wait3A_765 : memref<10240x64xf32, #tpu.memory_space<vmem_shared>>)
    %lt3A = arith.constant 4 : i32
    %lt3A_766 = arith.cmpi slt, %arg1, %lt3A : i32
    %convert_element_type3A = arith.extui %lt3A_766 : i1 to i32
    %cond3A = arith.constant 0 : i32
    %cond3A_767 = arith.cmpi ne, %convert_element_type3A, %cond3A : i32
    scf.if %cond3A_767 {
      %add3A_773 = arith.constant 2496 : i32
      %add3A_774 = arith.addi %add3A_773, %arg1 : i32
      %run_scoped3A_775 = arith.constant 0 : i32
      "tpu.region"() ({
        %run_scoped3A_813 = tpu.sem_alloc : memref<!tpu.dma_semaphore, #tpu.memory_space<semaphore_mem>>
        %dma_start3A_814 = arith.constant 0 : i32
        %dma_start3A_815 = tpu.memref_slice %arg3[%run_scoped3A_775, %add3A_774, %dma_start3A_814] : memref<2x2500x128xi32, #tpu.memory_space<hbm>> -> memref<1x1x128xi32, #tpu.memory_space<hbm>>
        %dma_start3A_816 = tpu.memref_squeeze %dma_start3A_815 : memref<1x1x128xi32, #tpu.memory_space<hbm>> -> memref<1x128xi32, #tpu.memory_space<hbm>>
        %dma_start3A_817 = arith.constant 0 : i32
        %dma_start3A_818 = tpu.memref_slice %arg3[%run_scoped3A_775, %add3A_774, %dma_start3A_817] : memref<2x2500x128xi32, #tpu.memory_space<hbm>> -> memref<1x1x128xi32, #tpu.memory_space<hbm>>
        %dma_start3A_819 = tpu.memref_squeeze %dma_start3A_818 : memref<1x1x128xi32, #tpu.memory_space<hbm>> -> memref<1x128xi32, #tpu.memory_space<hbm>>
        tpu.enqueue_dma source(%dma_start3A_819 : memref<1x128xi32, #tpu.memory_space<hbm>>) target(%arg7 : memref<1x128xi32, #tpu.memory_space<vmem>>) target_semaphore(%run_scoped3A_813 : memref<!tpu.dma_semaphore, #tpu.memory_space<semaphore_mem>>)
        %dma_wait3A_820 = arith.constant 0 : i32
        %dma_wait3A_821 = tpu.memref_slice %arg3[%run_scoped3A_775, %add3A_774, %dma_wait3A_820] : memref<2x2500x128xi32, #tpu.memory_space<hbm>> -> memref<1x1x128xi32, #tpu.memory_space<hbm>>
        %dma_wait3A_822 = tpu.memref_squeeze %dma_wait3A_821 : memref<1x1x128xi32, #tpu.memory_space<hbm>> -> memref<1x128xi32, #tpu.memory_space<hbm>>
        %dma_wait3A_823 = arith.constant 0 : i32
        %dma_wait3A_824 = tpu.memref_slice %arg3[%run_scoped3A_775, %add3A_774, %dma_wait3A_823] : memref<2x2500x128xi32, #tpu.memory_space<hbm>> -> memref<1x1x128xi32, #tpu.memory_space<hbm>>
        %dma_wait3A_825 = tpu.memref_squeeze %dma_wait3A_824 : memref<1x1x128xi32, #tpu.memory_space<hbm>> -> memref<1x128xi32, #tpu.memory_space<hbm>>
        tpu.wait_dma2 semaphore(%run_scoped3A_813 : memref<!tpu.dma_semaphore, #tpu.memory_space<semaphore_mem>>) src(%dma_wait3A_825 : memref<1x128xi32, #tpu.memory_space<hbm>>) dst(%arg7 : memref<1x128xi32, #tpu.memory_space<vmem>>)
        tpu.yield
      }) : () -> ()
      %add3A_776 = arith.constant 2496 : i32
      %add3A_777 = arith.addi %add3A_776, %arg1 : i32
      %run_scoped3A_778 = arith.constant 1 : i32
      "tpu.region"() ({
        %run_scoped3A_813 = tpu.sem_alloc : memref<!tpu.dma_semaphore, #tpu.memory_space<semaphore_mem>>
        %dma_start3A_814 = arith.constant 0 : i32
        %dma_start3A_815 = tpu.memref_slice %arg3[%run_scoped3A_778, %add3A_777, %dma_start3A_814] : memref<2x2500x128xi32, #tpu.memory_space<hbm>> -> memref<1x1x128xi32, #tpu.memory_space<hbm>>
        %dma_start3A_816 = tpu.memref_squeeze %dma_start3A_815 : memref<1x1x128xi32, #tpu.memory_space<hbm>> -> memref<1x128xi32, #tpu.memory_space<hbm>>
        %dma_start3A_817 = arith.constant 0 : i32
        %dma_start3A_818 = tpu.memref_slice %arg3[%run_scoped3A_778, %add3A_777, %dma_start3A_817] : memref<2x2500x128xi32, #tpu.memory_space<hbm>> -> memref<1x1x128xi32, #tpu.memory_space<hbm>>
        %dma_start3A_819 = tpu.memref_squeeze %dma_start3A_818 : memref<1x1x128xi32, #tpu.memory_space<hbm>> -> memref<1x128xi32, #tpu.memory_space<hbm>>
        tpu.enqueue_dma source(%dma_start3A_819 : memref<1x128xi32, #tpu.memory_space<hbm>>) target(%arg8 : memref<1x128xi32, #tpu.memory_space<vmem>>) target_semaphore(%run_scoped3A_813 : memref<!tpu.dma_semaphore, #tpu.memory_space<semaphore_mem>>)
        %dma_wait3A_820 = arith.constant 0 : i32
        %dma_wait3A_821 = tpu.memref_slice %arg3[%run_scoped3A_778, %add3A_777, %dma_wait3A_820] : memref<2x2500x128xi32, #tpu.memory_space<hbm>> -> memref<1x1x128xi32, #tpu.memory_space<hbm>>
        %dma_wait3A_822 = tpu.memref_squeeze %dma_wait3A_821 : memref<1x1x128xi32, #tpu.memory_space<hbm>> -> memref<1x128xi32, #tpu.memory_space<hbm>>
        %dma_wait3A_823 = arith.constant 0 : i32
        %dma_wait3A_824 = tpu.memref_slice %arg3[%run_scoped3A_778, %add3A_777, %dma_wait3A_823] : memref<2x2500x128xi32, #tpu.memory_space<hbm>> -> memref<1x1x128xi32, #tpu.memory_space<hbm>>
        %dma_wait3A_825 = tpu.memref_squeeze %dma_wait3A_824 : memref<1x1x128xi32, #tpu.memory_space<hbm>> -> memref<1x128xi32, #tpu.memory_space<hbm>>
        tpu.wait_dma2 semaphore(%run_scoped3A_813 : memref<!tpu.dma_semaphore, #tpu.memory_space<semaphore_mem>>) src(%dma_wait3A_825 : memref<1x128xi32, #tpu.memory_space<hbm>>) dst(%arg8 : memref<1x128xi32, #tpu.memory_space<vmem>>)
        tpu.yield
      }) : () -> ()
      %dma_start3A_779 = arith.constant 0 : i32
      %dma_start3A_780 = arith.constant 0 : i32
      %dma_start3A_781 = arith.constant 0 : i32
      %dma_start3A_782 = arith.constant 0 : i32
      %dma_start3A_783 = tpu.memref_slice %arg9[%dma_start3A_780, %dma_start3A_781, %dma_start3A_782] : memref<6x128x64xf32, #tpu.memory_space<vmem>> -> memref<1x128x64xf32, #tpu.memory_space<vmem>>
      %dma_start3A_784 = tpu.memref_squeeze %dma_start3A_783 : memref<1x128x64xf32, #tpu.memory_space<vmem>> -> memref<128x64xf32, #tpu.memory_space<vmem>>
      %dma_start3A_785 = arith.constant 0 : i32
      %dma_start3A_786 = tpu.memref_slice %arg7[%dma_start3A_779, %dma_start3A_785] : memref<1x128xi32, #tpu.memory_space<vmem>> -> memref<1x128xi32, #tpu.memory_space<vmem>>
      %dma_start3A_787 = tpu.memref_squeeze %dma_start3A_786 : memref<1x128xi32, #tpu.memory_space<vmem>> -> memref<128xi32, #tpu.memory_space<vmem>>
      %dma_start3A_788 = arith.constant 0 : i32
      %dma_start3A_789 = arith.constant 0 : i32
      %dma_start3A_790 = tpu.memref_slice %arg2[%arg0, %dma_start3A_788, %dma_start3A_789] : memref<2x10240x64xf32, #tpu.memory_space<hbm>> -> memref<1x10240x64xf32, #tpu.memory_space<hbm>>
      %dma_start3A_791 = tpu.memref_squeeze %dma_start3A_790 : memref<1x10240x64xf32, #tpu.memory_space<hbm>> -> memref<10240x64xf32, #tpu.memory_space<hbm>>
      %dma_start3A_792 = arith.constant 0 : i32
      %dma_start3A_793 = arith.constant 0 : i32
      %dma_start3A_794 = tpu.memref_slice %dma_start3A_791[%dma_start3A_792, %dma_start3A_793] : memref<10240x64xf32, #tpu.memory_space<hbm>> -> memref<10240x64xf32, #tpu.memory_space<hbm>>
      tpu.enqueue_indirect_dma source(%dma_start3A_794 : memref<10240x64xf32, #tpu.memory_space<hbm>>) target(%dma_start3A_784 : memref<128x64xf32, #tpu.memory_space<vmem>>) offsets(%dma_start3A_787 : memref<128xi32, #tpu.memory_space<vmem>>) semaphore(%arg11 : memref<!tpu.dma_semaphore, #tpu.memory_space<semaphore_mem>>)
      %dma_wait3A_795 = arith.constant 0 : i32
      %dma_wait3A_796 = arith.constant 0 : i32
      %dma_wait3A_797 = arith.constant 0 : i32
      %dma_wait3A_798 = arith.constant 0 : i32
      %dma_wait3A_799 = tpu.memref_slice %arg9[%dma_wait3A_796, %dma_wait3A_797, %dma_wait3A_798] : memref<6x128x64xf32, #tpu.memory_space<vmem>> -> memref<1x128x64xf32, #tpu.memory_space<vmem>>
      %dma_wait3A_800 = tpu.memref_squeeze %dma_wait3A_799 : memref<1x128x64xf32, #tpu.memory_space<vmem>> -> memref<128x64xf32, #tpu.memory_space<vmem>>
      %dma_wait3A_801 = arith.constant 0 : i32
      %dma_wait3A_802 = tpu.memref_slice %arg7[%dma_wait3A_795, %dma_wait3A_801] : memref<1x128xi32, #tpu.memory_space<vmem>> -> memref<1x128xi32, #tpu.memory_space<vmem>>
      %dma_wait3A_803 = tpu.memref_squeeze %dma_wait3A_802 : memref<1x128xi32, #tpu.memory_space<vmem>> -> memref<128xi32, #tpu.memory_space<vmem>>
      %dma_wait3A_804 = arith.constant 0 : i32
      %dma_wait3A_805 = arith.constant 0 : i32
      %dma_wait3A_806 = tpu.memref_slice %arg2[%arg0, %dma_wait3A_804, %dma_wait3A_805] : memref<2x10240x64xf32, #tpu.memory_space<hbm>> -> memref<1x10240x64xf32, #tpu.memory_space<hbm>>
      %dma_wait3A_807 = tpu.memref_squeeze %dma_wait3A_806 : memref<1x10240x64xf32, #tpu.memory_space<hbm>> -> memref<10240x64xf32, #tpu.memory_space<hbm>>
      %dma_wait3A_808 = arith.constant 0 : i32
      %dma_wait3A_809 = arith.constant 0 : i32
      %dma_wait3A_810 = tpu.memref_slice %dma_wait3A_807[%dma_wait3A_808, %dma_wait3A_809] : memref<10240x64xf32, #tpu.memory_space<hbm>> -> memref<10240x64xf32, #tpu.memory_space<hbm>>
      tpu.wait_indirect_dma semaphore(%arg11 : memref<!tpu.dma_semaphore, #tpu.memory_space<semaphore_mem>>) src(%dma_wait3A_810 : memref<10240x64xf32, #tpu.memory_space<hbm>>) dst(%dma_wait3A_800 : memref<128x64xf32, #tpu.memory_space<vmem>>)
      %run_scoped3A_811 = arith.constant 0 : i32
      %run_scoped3A_812 = arith.constant 0 : i32
      "tpu.region"() ({
        %run_scoped3A_813 = tpu.sem_alloc : memref<!tpu.dma_semaphore, #tpu.memory_space<semaphore_mem>>
        %dma_start3A_814 = arith.constant 0 : i32
        %dma_start3A_815 = arith.constant 0 : i32
        %dma_start3A_816 = tpu.memref_slice %arg9[%run_scoped3A_811, %dma_start3A_814, %dma_start3A_815] : memref<6x128x64xf32, #tpu.memory_space<vmem>> -> memref<1x128x64xf32, #tpu.memory_space<vmem>>
        %dma_start3A_817 = tpu.memref_squeeze %dma_start3A_816 : memref<1x128x64xf32, #tpu.memory_space<vmem>> -> memref<128x64xf32, #tpu.memory_space<vmem>>
        %dma_start3A_818 = arith.constant 0 : i32
        %dma_start3A_819 = tpu.memref_slice %arg8[%run_scoped3A_812, %dma_start3A_818] : memref<1x128xi32, #tpu.memory_space<vmem>> -> memref<1x128xi32, #tpu.memory_space<vmem>>
        %dma_start3A_820 = tpu.memref_squeeze %dma_start3A_819 : memref<1x128xi32, #tpu.memory_space<vmem>> -> memref<128xi32, #tpu.memory_space<vmem>>
        %dma_start3A_821 = arith.constant 0 : i32
        %dma_start3A_822 = arith.constant 0 : i32
        %dma_start3A_823 = tpu.memref_slice %arg10[%dma_start3A_821, %dma_start3A_822] : memref<10240x64xf32, #tpu.memory_space<vmem_shared>> -> memref<10240x64xf32, #tpu.memory_space<vmem_shared>>
        tpu.enqueue_indirect_dma source(%dma_start3A_817 : memref<128x64xf32, #tpu.memory_space<vmem>>) target(%dma_start3A_823 : memref<10240x64xf32, #tpu.memory_space<vmem_shared>>) offsets(%dma_start3A_820 : memref<128xi32, #tpu.memory_space<vmem>>) semaphore(%run_scoped3A_813 : memref<!tpu.dma_semaphore, #tpu.memory_space<semaphore_mem>>) {add = true}
        %dma_wait3A_824 = arith.constant 0 : i32
        %dma_wait3A_825 = arith.constant 0 : i32
        %dma_wait3A_826 = tpu.memref_slice %arg9[%run_scoped3A_811, %dma_wait3A_824, %dma_wait3A_825] : memref<6x128x64xf32, #tpu.memory_space<vmem>> -> memref<1x128x64xf32, #tpu.memory_space<vmem>>
        %dma_wait3A_827 = tpu.memref_squeeze %dma_wait3A_826 : memref<1x128x64xf32, #tpu.memory_space<vmem>> -> memref<128x64xf32, #tpu.memory_space<vmem>>
        %dma_wait3A_828 = arith.constant 0 : i32
        %dma_wait3A_829 = tpu.memref_slice %arg8[%run_scoped3A_812, %dma_wait3A_828] : memref<1x128xi32, #tpu.memory_space<vmem>> -> memref<1x128xi32, #tpu.memory_space<vmem>>
        %dma_wait3A_830 = tpu.memref_squeeze %dma_wait3A_829 : memref<1x128xi32, #tpu.memory_space<vmem>> -> memref<128xi32, #tpu.memory_space<vmem>>
        %dma_wait3A_831 = arith.constant 0 : i32
        %dma_wait3A_832 = arith.constant 0 : i32
        %dma_wait3A_833 = tpu.memref_slice %arg10[%dma_wait3A_831, %dma_wait3A_832] : memref<10240x64xf32, #tpu.memory_space<vmem_shared>> -> memref<10240x64xf32, #tpu.memory_space<vmem_shared>>
        tpu.wait_indirect_dma semaphore(%run_scoped3A_813 : memref<!tpu.dma_semaphore, #tpu.memory_space<semaphore_mem>>) src(%dma_wait3A_827 : memref<128x64xf32, #tpu.memory_space<vmem>>) dst(%dma_wait3A_833 : memref<10240x64xf32, #tpu.memory_space<vmem_shared>>)
        tpu.yield
      }) : () -> ()
    } else {
    }
    %barrier3A_768 = arith.constant 0 : index
    tpu.barrier barrier_id(%barrier3A_768)
    %mul3A_769 = arith.constant 640 : i32
    %mul3A_770 = arith.muli %arg1, %mul3A_769 : i32
    %mul3A_771 = arith.constant 640 : i32
    %mul3A_772 = arith.muli %arg1, %mul3A_771 : i32
    "tpu.region"() ({
      %run_scoped3A_773 = tpu.sem_alloc : memref<!tpu.dma_semaphore, #tpu.memory_space<semaphore_mem>>
      %dma_start3A_774 = arith.constant 0 : i32
      %dma_start3A_775 = tpu.memref_slice %arg4[%arg0, %mul3A_772, %dma_start3A_774] : memref<2x10240x64xf32, #tpu.memory_space<hbm>> -> memref<1x640x64xf32, #tpu.memory_space<hbm>>
      %dma_start3A_776 = tpu.memref_squeeze %dma_start3A_775 : memref<1x640x64xf32, #tpu.memory_space<hbm>> -> memref<640x64xf32, #tpu.memory_space<hbm>>
      %dma_start3A_777 = arith.constant 0 : i32
      %dma_start3A_778 = tpu.memref_slice %arg10[%mul3A_770, %dma_start3A_777] : memref<10240x64xf32, #tpu.memory_space<vmem_shared>> -> memref<640x64xf32, #tpu.memory_space<vmem_shared>>
      tpu.enqueue_dma source(%dma_start3A_778 : memref<640x64xf32, #tpu.memory_space<vmem_shared>>) target(%dma_start3A_776 : memref<640x64xf32, #tpu.memory_space<hbm>>) target_semaphore(%run_scoped3A_773 : memref<!tpu.dma_semaphore, #tpu.memory_space<semaphore_mem>>)
      %dma_wait3A_779 = arith.constant 0 : i32
      %dma_wait3A_780 = tpu.memref_slice %arg4[%arg0, %mul3A_772, %dma_wait3A_779] : memref<2x10240x64xf32, #tpu.memory_space<hbm>> -> memref<1x640x64xf32, #tpu.memory_space<hbm>>
      %dma_wait3A_781 = tpu.memref_squeeze %dma_wait3A_780 : memref<1x640x64xf32, #tpu.memory_space<hbm>> -> memref<640x64xf32, #tpu.memory_space<hbm>>
      %dma_wait3A_782 = arith.constant 0 : i32
      %dma_wait3A_783 = tpu.memref_slice %arg10[%mul3A_770, %dma_wait3A_782] : memref<10240x64xf32, #tpu.memory_space<vmem_shared>> -> memref<640x64xf32, #tpu.memory_space<vmem_shared>>
      tpu.wait_dma2 semaphore(%run_scoped3A_773 : memref<!tpu.dma_semaphore, #tpu.memory_space<semaphore_mem>>) src(%dma_wait3A_783 : memref<640x64xf32, #tpu.memory_space<vmem_shared>>) dst(%dma_wait3A_781 : memref<640x64xf32, #tpu.memory_space<hbm>>)
      tpu.yield
    }) : () -> ()
    return
  }
}

module attributes {stable_mosaic.version = 14 : i64} {
  func.func @_tc_mm_body(%arg0: i32, %arg1: memref<2048x128xf32, #tpu.memory_space<vmem>>, %arg2: memref<128x128xf32, #tpu.memory_space<vmem>>, %arg3: memref<2048x128xf32, #tpu.memory_space<vmem>>) attributes {dimension_semantics = [#tpu.dimension_semantics<arbitrary>], iteration_bounds = array<i64: 5>, scalar_prefetch = 0 : i64, scratch_operands = 0 : i64, tpu.core_type = #tpu.core_type<tc>, window_params = [{transform_indices = @transform_0, window_bounds = array<i64: 2048, 128>}, {pipeline_mode = #tpu.pipeline_mode<synchronous>, transform_indices = @transform_1, window_bounds = array<i64: 128, 128>}, {transform_indices = @transform_2, window_bounds = array<i64: 2048, 128>}]} {
    %get3A = arith.constant 0 : index
    %get3A_0 = arith.constant 0 : index
    %get3A_1 = vector.load %arg1[%get3A, %get3A_0] : memref<2048x128xf32, #tpu.memory_space<vmem>>, vector<2048x128xf32>
    %get3A_2 = arith.constant 0 : index
    %get3A_3 = arith.constant 0 : index
    %get3A_4 = vector.load %arg2[%get3A_2, %get3A_3] : memref<128x128xf32, #tpu.memory_space<vmem>>, vector<128x128xf32>
    %dot_general3A = arith.constant dense<0.000000e+00> : vector<2048x128xf32>
    %dot_general3A_5 = tpu.matmul %get3A_1, %get3A_4, %dot_general3A {dimension_numbers = #tpu.dot_dimension_numbers<[1], [0], [0], [1], [0, 0, 1, 1], [], []>, transpose_lhs_hint = false} : vector<2048x128xf32>, vector<128x128xf32>, vector<2048x128xf32> -> vector<2048x128xf32>
    %swap3A = arith.constant 0 : index
    %swap3A_6 = arith.constant 0 : index
    %swap3A_7 = vector.load %arg3[%swap3A, %swap3A_6] : memref<2048x128xf32, #tpu.memory_space<vmem>>, vector<2048x128xf32>
    tpu.vector_store %arg3[%swap3A, %swap3A_6], %dot_general3A_5 {strides = array<i32>} : memref<2048x128xf32, #tpu.memory_space<vmem>>, vector<2048x128xf32>,
    return
  }
  func.func @transform_0(%arg0: i32) -> (i32, i32) {
    %c0_i32 = arith.constant 0 : i32
    %c0_i32_0 = arith.constant 0 : i32
    return %arg0, %c0_i32 : i32, i32
  }
  func.func @transform_1(%arg0: i32) -> (i32, i32) {
    %c0_i32 = arith.constant 0 : i32
    %c0_i32_0 = arith.constant 0 : i32
    %c0_i32_1 = arith.constant 0 : i32
    return %c0_i32, %c0_i32_0 : i32, i32
  }
  func.func @transform_2(%arg0: i32) -> (i32, i32) {
    %c0_i32 = arith.constant 0 : i32
    %c0_i32_0 = arith.constant 0 : i32
    return %arg0, %c0_i32 : i32, i32
  }
}

module attributes {stable_mosaic.version = 14 : i64} {
  func.func @_tc_scale_body(%arg0: i32, %arg1: memref<2048x128xf32, #tpu.memory_space<vmem>>, %arg2: memref<2x2048xf32, #tpu.memory_space<vmem>>, %arg3: memref<2x2048x64xf32, #tpu.memory_space<vmem>>) attributes {dimension_semantics = [#tpu.dimension_semantics<arbitrary>], iteration_bounds = array<i64: 5>, scalar_prefetch = 0 : i64, scratch_operands = 0 : i64, tpu.core_type = #tpu.core_type<tc>, window_params = [{transform_indices = @transform_0, window_bounds = array<i64: 2048, 128>}, {transform_indices = @transform_1, window_bounds = array<i64: 2, 2048>}, {transform_indices = @transform_2, window_bounds = array<i64: 2, 2048, 64>}]} {
    %get3A = arith.constant 0 : index
    %get3A_0 = arith.constant 0 : index
    %get3A_1 = vector.load %arg2[%get3A, %get3A_0] : memref<2x2048xf32, #tpu.memory_space<vmem>>, vector<1x2048xf32>
    %get3A_2 = vector.shape_cast %get3A_1 : vector<1x2048xf32> to vector<2048xf32>
    %get3A_3 = arith.constant 1 : index
    %get3A_4 = arith.constant 0 : index
    %get3A_5 = vector.load %arg2[%get3A_3, %get3A_4] : memref<2x2048xf32, #tpu.memory_space<vmem>>, vector<1x2048xf32>
    %get3A_6 = vector.shape_cast %get3A_5 : vector<1x2048xf32> to vector<2048xf32>
    %add3A = arith.addf %get3A_2, %get3A_6 : vector<2048xf32>
    %add3A_7 = arith.constant 1.000000e+00 : f32
    %add3A_8 = vector.broadcast %add3A_7 : f32 to vector<2048xf32>
    %add3A_9 = arith.addf %add3A, %add3A_8 : vector<2048xf32>
    %rsqrt3A = math.rsqrt %add3A_9 : vector<2048xf32>
    %broadcast_in_dim3A = vector.shape_cast %rsqrt3A : vector<2048xf32> to vector<1x2048xf32>
    %transpose3A = tpu.transpose %broadcast_in_dim3A, [1, 0] : vector<1x2048xf32> -> vector<2048x1xf32>
    %get3A_10 = arith.constant 0 : index
    %get3A_11 = arith.constant 0 : index
    %get3A_12 = vector.load %arg1[%get3A_10, %get3A_11] : memref<2048x128xf32, #tpu.memory_space<vmem>>, vector<2048x128xf32>
    %mul3A = vector.broadcast %transpose3A : vector<2048x1xf32> to vector<2048x128xf32>
    %mul3A_13 = arith.mulf %get3A_12, %mul3A : vector<2048x128xf32>
    %slice3A = vector.extract_strided_slice %mul3A_13 {offsets = [0, 0], sizes = [2048, 64], strides = [1, 1]} : vector<2048x128xf32> to vector<2048x64xf32>
    %swap3A = arith.constant 0 : index
    %swap3A_14 = arith.constant 0 : index
    %swap3A_15 = arith.constant 0 : index
    %swap3A_16 = vector.load %arg3[%swap3A, %swap3A_14, %swap3A_15] : memref<2x2048x64xf32, #tpu.memory_space<vmem>>, vector<1x2048x64xf32>
    %swap3A_17 = vector.shape_cast %swap3A_16 : vector<1x2048x64xf32> to vector<2048x64xf32>
    %swap3A_18 = vector.shape_cast %slice3A : vector<2048x64xf32> to vector<1x2048x64xf32>
    tpu.vector_store %arg3[%swap3A, %swap3A_14, %swap3A_15], %swap3A_18 {strides = array<i32>} : memref<2x2048x64xf32, #tpu.memory_space<vmem>>, vector<1x2048x64xf32>,
    %slice3A_19 = vector.extract_strided_slice %mul3A_13 {offsets = [0, 64], sizes = [2048, 64], strides = [1, 1]} : vector<2048x128xf32> to vector<2048x64xf32>
    %swap3A_20 = arith.constant 1 : index
    %swap3A_21 = arith.constant 0 : index
    %swap3A_22 = arith.constant 0 : index
    %swap3A_23 = vector.load %arg3[%swap3A_20, %swap3A_21, %swap3A_22] : memref<2x2048x64xf32, #tpu.memory_space<vmem>>, vector<1x2048x64xf32>
    %swap3A_24 = vector.shape_cast %swap3A_23 : vector<1x2048x64xf32> to vector<2048x64xf32>
    %swap3A_25 = vector.shape_cast %slice3A_19 : vector<2048x64xf32> to vector<1x2048x64xf32>
    tpu.vector_store %arg3[%swap3A_20, %swap3A_21, %swap3A_22], %swap3A_25 {strides = array<i32>} : memref<2x2048x64xf32, #tpu.memory_space<vmem>>, vector<1x2048x64xf32>,
    return
  }
  func.func @transform_0(%arg0: i32) -> (i32, i32) {
    %c0_i32 = arith.constant 0 : i32
    %c0_i32_0 = arith.constant 0 : i32
    return %arg0, %c0_i32 : i32, i32
  }
  func.func @transform_1(%arg0: i32) -> (i32, i32) {
    %c0_i32 = arith.constant 0 : i32
    %c0_i32_0 = arith.constant 0 : i32
    return %c0_i32, %arg0 : i32, i32
  }
  func.func @transform_2(%arg0: i32) -> (i32, i32, i32) {
    %c0_i32 = arith.constant 0 : i32
    %c0_i32_0 = arith.constant 0 : i32
    %c0_i32_1 = arith.constant 0 : i32
    return %c0_i32, %arg0, %c0_i32_0 : i32, i32, i32
  }
}

module attributes {stable_mosaic.version = 14 : i64} {
  func.func @_tc_head_body(%arg0: i32, %arg1: memref<2x2048x64xf32, #tpu.memory_space<vmem>>, %arg2: memref<2048x128xf32, #tpu.memory_space<vmem>>, %arg3: memref<2x2048xf32, #tpu.memory_space<vmem>>, %arg4: memref<1x128xf32, #tpu.memory_space<vmem>>, %arg5: memref<128x32xf32, #tpu.memory_space<vmem>>, %arg6: memref<1x32xf32, #tpu.memory_space<vmem>>, %arg7: memref<32x32xf32, #tpu.memory_space<vmem>>, %arg8: memref<1x32xf32, #tpu.memory_space<vmem>>, %arg9: memref<1x32xf32, #tpu.memory_space<vmem>>, %arg10: memref<1x1xf32, #tpu.memory_space<vmem>>, %arg11: memref<256x8xf32, #tpu.memory_space<vmem>>) attributes {dimension_semantics = [#tpu.dimension_semantics<arbitrary>], iteration_bounds = array<i64: 5>, scalar_prefetch = 0 : i64, scratch_operands = 0 : i64, tpu.core_type = #tpu.core_type<tc>, window_params = [{transform_indices = @transform_0, window_bounds = array<i64: 2, 2048, 64>}, {transform_indices = @transform_1, window_bounds = array<i64: 2048, 128>}, {transform_indices = @transform_2, window_bounds = array<i64: 2, 2048>}, {pipeline_mode = #tpu.pipeline_mode<synchronous>, transform_indices = @transform_3, window_bounds = array<i64: 1, 128>}, {pipeline_mode = #tpu.pipeline_mode<synchronous>, transform_indices = @transform_4, window_bounds = array<i64: 128, 32>}, {pipeline_mode = #tpu.pipeline_mode<synchronous>, transform_indices = @transform_5, window_bounds = array<i64: 1, 32>}, {pipeline_mode = #tpu.pipeline_mode<synchronous>, transform_indices = @transform_6, window_bounds = array<i64: 32, 32>}, {pipeline_mode = #tpu.pipeline_mode<synchronous>, transform_indices = @transform_7, window_bounds = array<i64: 1, 32>}, {pipeline_mode = #tpu.pipeline_mode<synchronous>, transform_indices = @transform_8, window_bounds = array<i64: 1, 32>}, {pipeline_mode = #tpu.pipeline_mode<synchronous>, transform_indices = @transform_9, window_bounds = array<i64: 1, 1>}, {transform_indices = @transform_10, window_bounds = array<i64: 256, 8>}]} {
    %get3A = arith.constant 0 : index
    %get3A_0 = arith.constant 0 : index
    %get3A_1 = vector.load %arg3[%get3A, %get3A_0] : memref<2x2048xf32, #tpu.memory_space<vmem>>, vector<1x2048xf32>
    %get3A_2 = vector.shape_cast %get3A_1 : vector<1x2048xf32> to vector<2048xf32>
    %get3A_3 = arith.constant 1 : index
    %get3A_4 = arith.constant 0 : index
    %get3A_5 = vector.load %arg3[%get3A_3, %get3A_4] : memref<2x2048xf32, #tpu.memory_space<vmem>>, vector<1x2048xf32>
    %get3A_6 = vector.shape_cast %get3A_5 : vector<1x2048xf32> to vector<2048xf32>
    %add3A = arith.addf %get3A_2, %get3A_6 : vector<2048xf32>
    %add3A_7 = arith.constant 1.000000e+00 : f32
    %add3A_8 = vector.broadcast %add3A_7 : f32 to vector<2048xf32>
    %add3A_9 = arith.addf %add3A, %add3A_8 : vector<2048xf32>
    %rsqrt3A = math.rsqrt %add3A_9 : vector<2048xf32>
    %broadcast_in_dim3A = vector.shape_cast %rsqrt3A : vector<2048xf32> to vector<1x2048xf32>
    %transpose3A = tpu.transpose %broadcast_in_dim3A, [1, 0] : vector<1x2048xf32> -> vector<2048x1xf32>
    %get3A_10 = arith.constant 0 : index
    %get3A_11 = arith.constant 0 : index
    %get3A_12 = arith.constant 0 : index
    %get3A_13 = vector.load %arg1[%get3A_10, %get3A_11, %get3A_12] : memref<2x2048x64xf32, #tpu.memory_space<vmem>>, vector<1x2048x64xf32>
    %get3A_14 = vector.shape_cast %get3A_13 : vector<1x2048x64xf32> to vector<2048x64xf32>
    %get3A_15 = arith.constant 1 : index
    %get3A_16 = arith.constant 0 : index
    %get3A_17 = arith.constant 0 : index
    %get3A_18 = vector.load %arg1[%get3A_15, %get3A_16, %get3A_17] : memref<2x2048x64xf32, #tpu.memory_space<vmem>>, vector<1x2048x64xf32>
    %get3A_19 = vector.shape_cast %get3A_18 : vector<1x2048x64xf32> to vector<2048x64xf32>
    %concatenate3A = tpu.concatenate %get3A_14, %get3A_19 in 1 : vector<2048x64xf32>, vector<2048x64xf32> -> vector<2048x128xf32>
    %mul3A = vector.broadcast %transpose3A : vector<2048x1xf32> to vector<2048x128xf32>
    %mul3A_20 = arith.mulf %concatenate3A, %mul3A : vector<2048x128xf32>
    %get3A_21 = arith.constant 0 : index
    %get3A_22 = arith.constant 0 : index
    %get3A_23 = vector.load %arg4[%get3A_21, %get3A_22] : memref<1x128xf32, #tpu.memory_space<vmem>>, vector<1x128xf32>
    %add3A_24 = vector.broadcast %get3A_23 : vector<1x128xf32> to vector<2048x128xf32>
    %add3A_25 = arith.addf %mul3A_20, %add3A_24 : vector<2048x128xf32>
    %max3A = arith.constant 0.000000e+00 : f32
    %max3A_26 = vector.broadcast %max3A : f32 to vector<2048x128xf32>
    %max3A_27 = arith.maximumf %add3A_25, %max3A_26 : vector<2048x128xf32>
    %get3A_28 = arith.constant 0 : index
    %get3A_29 = arith.constant 0 : index
    %get3A_30 = vector.load %arg2[%get3A_28, %get3A_29] : memref<2048x128xf32, #tpu.memory_space<vmem>>, vector<2048x128xf32>
    %add3A_31 = arith.addf %max3A_27, %get3A_30 : vector<2048x128xf32>
    %get3A_32 = arith.constant 0 : index
    %get3A_33 = arith.constant 0 : index
    %get3A_34 = vector.load %arg5[%get3A_32, %get3A_33] : memref<128x32xf32, #tpu.memory_space<vmem>>, vector<128x32xf32>
    %dot_general3A = arith.constant dense<0.000000e+00> : vector<2048x32xf32>
    %dot_general3A_35 = tpu.matmul %add3A_31, %get3A_34, %dot_general3A {dimension_numbers = #tpu.dot_dimension_numbers<[1], [0], [0], [1], [0, 0, 1, 1], [], []>, transpose_lhs_hint = false} : vector<2048x128xf32>, vector<128x32xf32>, vector<2048x32xf32> -> vector<2048x32xf32>
    %get3A_36 = arith.constant 0 : index
    %get3A_37 = arith.constant 0 : index
    %get3A_38 = vector.load %arg6[%get3A_36, %get3A_37] : memref<1x32xf32, #tpu.memory_space<vmem>>, vector<1x32xf32>
    %add3A_39 = vector.broadcast %get3A_38 : vector<1x32xf32> to vector<2048x32xf32>
    %add3A_40 = arith.addf %dot_general3A_35, %add3A_39 : vector<2048x32xf32>
    %ge3A = arith.constant 0.000000e+00 : f32
    %ge3A_41 = vector.broadcast %ge3A : f32 to vector<2048x32xf32>
    %ge3A_42 = arith.cmpf oge, %add3A_40, %ge3A_41 : vector<2048x32xf32>
    %mul3A_43 = arith.constant 0.00999999977 : f32
    %mul3A_44 = vector.broadcast %mul3A_43 : f32 to vector<2048x32xf32>
    %mul3A_45 = arith.mulf %mul3A_44, %add3A_40 : vector<2048x32xf32>
    %select_n3A = arith.select %ge3A_42, %add3A_40, %mul3A_45 : vector<2048x32xi1>, vector<2048x32xf32>
    %get3A_46 = arith.constant 0 : index
    %get3A_47 = arith.constant 0 : index
    %get3A_48 = vector.load %arg7[%get3A_46, %get3A_47] : memref<32x32xf32, #tpu.memory_space<vmem>>, vector<32x32xf32>
    %dot_general3A_49 = arith.constant dense<0.000000e+00> : vector<2048x32xf32>
    %dot_general3A_50 = tpu.matmul %select_n3A, %get3A_48, %dot_general3A_49 {dimension_numbers = #tpu.dot_dimension_numbers<[1], [0], [0], [1], [0, 0, 1, 1], [], []>, transpose_lhs_hint = false} : vector<2048x32xf32>, vector<32x32xf32>, vector<2048x32xf32> -> vector<2048x32xf32>
    %get3A_51 = arith.constant 0 : index
    %get3A_52 = arith.constant 0 : index
    %get3A_53 = vector.load %arg8[%get3A_51, %get3A_52] : memref<1x32xf32, #tpu.memory_space<vmem>>, vector<1x32xf32>
    %add3A_54 = vector.broadcast %get3A_53 : vector<1x32xf32> to vector<2048x32xf32>
    %add3A_55 = arith.addf %dot_general3A_50, %add3A_54 : vector<2048x32xf32>
    %ge3A_56 = arith.constant 0.000000e+00 : f32
    %ge3A_57 = vector.broadcast %ge3A_56 : f32 to vector<2048x32xf32>
    %ge3A_58 = arith.cmpf oge, %add3A_55, %ge3A_57 : vector<2048x32xf32>
    %mul3A_59 = arith.constant 0.00999999977 : f32
    %mul3A_60 = vector.broadcast %mul3A_59 : f32 to vector<2048x32xf32>
    %mul3A_61 = arith.mulf %mul3A_60, %add3A_55 : vector<2048x32xf32>
    %select_n3A_62 = arith.select %ge3A_58, %add3A_55, %mul3A_61 : vector<2048x32xi1>, vector<2048x32xf32>
    %get3A_63 = arith.constant 0 : index
    %get3A_64 = arith.constant 0 : index
    %get3A_65 = vector.load %arg9[%get3A_63, %get3A_64] : memref<1x32xf32, #tpu.memory_space<vmem>>, vector<1x32xf32>
    %mul3A_66 = vector.broadcast %get3A_65 : vector<1x32xf32> to vector<2048x32xf32>
    %mul3A_67 = arith.mulf %select_n3A_62, %mul3A_66 : vector<2048x32xf32>
    %reduce_sum3A = arith.constant dense<0.000000e+00> : vector<2048xf32>
    %reduce_sum3A_68 = vector.multi_reduction <add>, %mul3A_67, %reduce_sum3A [1] : vector<2048x32xf32> to vector<2048xf32>
    %broadcast_in_dim3A_69 = vector.shape_cast %reduce_sum3A_68 : vector<2048xf32> to vector<2048x1xf32>
    %get3A_70 = arith.constant 0 : index
    %get3A_71 = arith.constant 0 : index
    %get3A_72 = vector.load %arg10[%get3A_70, %get3A_71] : memref<1x1xf32, #tpu.memory_space<vmem>>, vector<1x1xf32>
    %add3A_73 = vector.broadcast %get3A_72 : vector<1x1xf32> to vector<2048x1xf32>
    %add3A_74 = arith.addf %broadcast_in_dim3A_69, %add3A_73 : vector<2048x1xf32>
    %reshape3A = vector.shape_cast %add3A_74 : vector<2048x1xf32> to vector<256x8xf32>
    %swap3A = arith.constant 0 : index
    %swap3A_75 = arith.constant 0 : index
    %swap3A_76 = vector.load %arg11[%swap3A, %swap3A_75] : memref<256x8xf32, #tpu.memory_space<vmem>>, vector<256x8xf32>
    tpu.vector_store %arg11[%swap3A, %swap3A_75], %reshape3A {strides = array<i32>} : memref<256x8xf32, #tpu.memory_space<vmem>>, vector<256x8xf32>,
    return
  }
  func.func @transform_0(%arg0: i32) -> (i32, i32, i32) {
    %c0_i32 = arith.constant 0 : i32
    %c0_i32_0 = arith.constant 0 : i32
    %c0_i32_1 = arith.constant 0 : i32
    return %c0_i32, %arg0, %c0_i32_0 : i32, i32, i32
  }
  func.func @transform_1(%arg0: i32) -> (i32, i32) {
    %c0_i32 = arith.constant 0 : i32
    %c0_i32_0 = arith.constant 0 : i32
    return %arg0, %c0_i32 : i32, i32
  }
  func.func @transform_2(%arg0: i32) -> (i32, i32) {
    %c0_i32 = arith.constant 0 : i32
    %c0_i32_0 = arith.constant 0 : i32
    return %c0_i32, %arg0 : i32, i32
  }
  func.func @transform_3(%arg0: i32) -> (i32, i32) {
    %c0_i32 = arith.constant 0 : i32
    %c0_i32_0 = arith.constant 0 : i32
    %c0_i32_1 = arith.constant 0 : i32
    return %c0_i32, %c0_i32_0 : i32, i32
  }
  func.func @transform_4(%arg0: i32) -> (i32, i32) {
    %c0_i32 = arith.constant 0 : i32
    %c0_i32_0 = arith.constant 0 : i32
    %c0_i32_1 = arith.constant 0 : i32
    return %c0_i32, %c0_i32_0 : i32, i32
  }
  func.func @transform_5(%arg0: i32) -> (i32, i32) {
    %c0_i32 = arith.constant 0 : i32
    %c0_i32_0 = arith.constant 0 : i32
    %c0_i32_1 = arith.constant 0 : i32
    return %c0_i32, %c0_i32_0 : i32, i32
  }
  func.func @transform_6(%arg0: i32) -> (i32, i32) {
    %c0_i32 = arith.constant 0 : i32
    %c0_i32_0 = arith.constant 0 : i32
    %c0_i32_1 = arith.constant 0 : i32
    return %c0_i32, %c0_i32_0 : i32, i32
  }
  func.func @transform_7(%arg0: i32) -> (i32, i32) {
    %c0_i32 = arith.constant 0 : i32
    %c0_i32_0 = arith.constant 0 : i32
    %c0_i32_1 = arith.constant 0 : i32
    return %c0_i32, %c0_i32_0 : i32, i32
  }
  func.func @transform_8(%arg0: i32) -> (i32, i32) {
    %c0_i32 = arith.constant 0 : i32
    %c0_i32_0 = arith.constant 0 : i32
    %c0_i32_1 = arith.constant 0 : i32
    return %c0_i32, %c0_i32_0 : i32, i32
  }
  func.func @transform_9(%arg0: i32) -> (i32, i32) {
    %c0_i32 = arith.constant 0 : i32
    %c0_i32_0 = arith.constant 0 : i32
    %c0_i32_1 = arith.constant 0 : i32
    return %c0_i32, %c0_i32_0 : i32, i32
  }
  func.func @transform_10(%arg0: i32) -> (i32, i32) {
    %c0_i32 = arith.constant 0 : i32
    %c0_i32_0 = arith.constant 0 : i32
    return %arg0, %c0_i32 : i32, i32
  }
}

</mosaic_0001>

<sc_bundles>
// kernel: kernel.10.cloned.1.call-start
scs
__scs_entry_jumppad:
0x0: {  	(pc) =	sbr.rel $0x88, $3  }
0x1: {  	(tag) =	ssettag $0x0;
	lr =	simm.s32 $0x1  }
0x2: {  	[smem:$0x3F97] =	sst lr;
	_ =	strace $0xD0000000  }
0x3: {  	_ = 	snop  }
0x4: {  	_ = 	snop  }
0x5: {  	_ = 	snop  }
0x6: {  	_ = 	snop  }
0x7: {  	_ = 	snop  }
__scs_overlays_trampoline_lowered:
0x8: {  	[smem:$0x3FA6] =	sst s0  }
0x9: {  	[smem:$0x3FA7] =	sst s1  }
0xa: {  	[smem:$0x3FA8] =	sst s2  }
0xb: {  	[smem:$0x3FA9] =	sst s3  }
0xc: {  	[smem:$0x3FAA] =	sst s4  }
0xd: {  	[smem:$0x3FAB] =	sst s5  }
0xe: {  	[smem:$0x3FAC] =	sst s6  }
0xf: {  	[smem:$0x3FAD] =	sst s7  }
0x10: {  	[smem:$0x3FAE] =	sst s8  }
0x11: {  	[smem:$0x3FAF] =	sst s9;
	s0 =	simm.s32 @!p0 $0x0  }
0x12: {  	s1 =	sld [smem:$0x3F95];
	s0 =	simm.s32 @p0 $0x1  }
0x13: {  	[smem:$0x3FB0] =	sst s0;
	s0 =	simm.s32 @!p1 $0x0  }
0x14: {  	s2 =	sld [smem:$0x3F94];
	s0 =	simm.s32 @p1 $0x1  }
0x15: {  	[smem:$0x3FB1] =	sst s0;
	s0 =	simm.s32 @!p2 $0x0  }
0x16: {  	s3 =	sld [smem:$0x3FDB];
	s0 =	simm.s32 @p2 $0x1  }
0x17: {  	s4 =	simm.s32 $0x1BF5;
	[smem:$0x3FB3] =	sst s0  }
0x18: {  	s0 =	sld [smem:$0x3F96];
	_ =	swait.ge [sflag:s4], $0x0  }
0x19: {  	s7 =	sld [smem:$0x3F97]  }
0x1a: {  	s8 =	sadd.s32 $0xFFFFE003, lr  }
0x1b: {  	s9 =	sadd.s32 $0xFFFFFEF7, lr;
	s5 =	simm.s32 $0xFFFFFFFF;
	p2 =	slt.u32 s8, $0xFFFFF086  }
0x1c: {  	p1 =	slt.u32 s9, $0xF7A;
	s5 =	simm.s32 @!p2 $0x0  }
0x1d: {  	s5 =	simm.s32 @p1 $0x1;
	p0 =	seq.s32 s7, s2  }
0x1e: {  	s7 =	smul.u32 @!p0 $0xF7A, s2;
	p2 =	seq.s32 @!p0 s5, $0x0  }
0x1f: {  	s9 =	smul.u32 $0xF7A, s1;
	s8 =	simm.s32 @!p0 $0x1BF5;
	p2 =	por !p2, p0  }
0x20: {  	[sflag:s8] =	ssyncset.s32 @!p0 $0xFFFFF086;
	s6 =	sadd.s32 @!p0 s3, s7;
	s7 =	simm.s32 @!p0 $0x108  }
0x21: {  	s3 =	sadd.s32 s3, s9;
	s6 =	sadd.s32 @!p0 $0x88, s6;
	s7 =	simm.s32 @p2 $0x1082  }
0x22: {  	[simem:s7], [sflag:s8] =	dma.local @!p0 [hbm:s6], $0xF7A  }
0x23: {  	s9 =	sor.u32 $0xD0000000, s2;
	s6 =	simm.s32 $0x108;
	_ =	swait.ge @!p0 [sflag:s8], $0x0  }
0x24: {  	s3 =	sadd.s32 $0x88, s3;
	s6 =	simm.s32 @!p1 $0x1082;
	[sflag:s4] =	ssyncset.s32 $0xFFFFF086  }
0x25: {  	[simem:s6], [sflag:s4] =	dma.local [hbm:s3], $0xF7A  }
0x26: {  	[smem:$0x3F97] =	sst s1;
	(tag) =	ssettag s2;
	_ =	strace s9  }
0x27: {  	s1 =	sld [smem:$0x3FA7]  }
0x28: {  	s2 =	sld [smem:$0x3FA8]  }
0x29: {  	s4 =	sld [smem:$0x3FAA]  }
0x2a: {  	p0 =	seq.s32 s5, $0x0;
	s5 =	sld [smem:$0x3FAB]  }
0x2b: {  	s6 =	sld [smem:$0x3FAC]  }
0x2c: {  	s7 =	sld [smem:$0x3FAD]  }
0x2d: {  	s3 =	simm.s32 $0x108;
	s8 =	sld [smem:$0x3FAE]  }
0x2e: {  	s3 =	simm.s32 @!p0 $0x1082;
	s9 =	sld [smem:$0x3FAF]  }
0x2f: {  	lr =	sadd.s32 s0, s3;
	s0 =	sld [smem:$0x3FA6]  }
0x30: {  	s3 =	sld [smem:$0x3FA9]  }
0x31: {  	[smem:$0x3FB2] =	sst s10  }
0x32: {  	s10 =	sld [smem:$0x3FB0];
	_ =	sdelay $0x3  }
0x33: {  	p0 =	seq.s32 s10, $0x1;
	s10 =	sld [smem:$0x3FB2];
	_ =	sdelay $0x3  }
0x34: {  	[smem:$0x3FB2] =	sst s10  }
0x35: {  	s10 =	sld [smem:$0x3FB1];
	_ =	sdelay $0x3  }
0x36: {  	p1 =	seq.s32 s10, $0x1;
	s10 =	sld [smem:$0x3FB2];
	_ =	sdelay $0x3  }
0x37: {  	[smem:$0x3FB2] =	sst s10  }
0x38: {  	s10 =	sld [smem:$0x3FB3]  }
0x39: {  	_ = 	snop;
	(pc) =	sbr.ind lr, $3  }
0x3a: {  	_ = 	snop  }
0x3b: {  	_ = 	snop  }
0x3c: {  	p2 =	seq.s32 s10, $0x1;
	s10 =	sld [smem:$0x3FB2]  }
0x3d: {  	_ =	shalt  }
0x3e: {  	_ =	shalt  }
0x3f: {  	_ =	shalt  }
0x40: {  	_ =	shalt  }
0x41: {  	_ =	shalt  }
0x42: {  	_ =	shalt  }
0x43: {  	_ =	shalt  }
0x44: {  	_ =	shalt  }
0x45: {  	_ =	shalt  }
0x46: {  	_ =	shalt  }
0x47: {  	_ =	shalt  }
0x48: {  	_ =	shalt  }
0x49: {  	_ =	shalt  }
0x4a: {  	_ =	shalt  }
0x4b: {  	_ =	shalt  }
0x4c: {  	_ =	shalt  }
0x4d: {  	_ =	shalt  }
0x4e: {  	_ =	shalt  }
0x4f: {  	_ =	shalt  }
0x50: {  	_ =	shalt  }
0x51: {  	_ =	shalt  }
0x52: {  	_ =	shalt  }
0x53: {  	_ =	shalt  }
0x54: {  	_ =	shalt  }
0x55: {  	_ =	shalt  }
0x56: {  	_ =	shalt  }
0x57: {  	_ =	shalt  }
0x58: {  	_ =	shalt  }
0x59: {  	_ =	shalt  }
0x5a: {  	_ =	shalt  }
0x5b: {  	_ =	shalt  }
0x5c: {  	_ =	shalt  }
0x5d: {  	_ =	shalt  }
0x5e: {  	_ =	shalt  }
0x5f: {  	_ =	shalt  }
0x60: {  	_ =	shalt  }
0x61: {  	_ =	shalt  }
0x62: {  	_ =	shalt  }
0x63: {  	_ =	shalt  }
0x64: {  	_ =	shalt  }
0x65: {  	_ =	shalt  }
0x66: {  	_ =	shalt  }
0x67: {  	_ =	shalt  }
0x68: {  	_ =	shalt  }
0x69: {  	_ =	shalt  }
0x6a: {  	_ =	shalt  }
0x6b: {  	_ =	shalt  }
0x6c: {  	_ =	shalt  }
0x6d: {  	_ =	shalt  }
0x6e: {  	_ =	shalt  }
0x6f: {  	_ =	shalt  }
0x70: {  	_ =	shalt  }
0x71: {  	_ =	shalt  }
0x72: {  	_ =	shalt  }
0x73: {  	_ =	shalt  }
0x74: {  	_ =	shalt  }
0x75: {  	_ =	shalt  }
0x76: {  	_ =	shalt  }
0x77: {  	_ =	shalt  }
0x78: {  	_ =	shalt  }
0x79: {  	_ =	shalt  }
0x7a: {  	_ =	shalt  }
0x7b: {  	_ =	shalt  }
0x7c: {  	_ =	shalt  }
0x7d: {  	_ =	shalt  }
0x7e: {  	_ =	shalt  }
0x7f: {  	_ =	shalt  }
0x80: {  	_ =	shalt  }
0x81: {  	_ =	shalt  }
0x82: {  	_ =	shalt  }
0x83: {  	_ =	shalt  }
0x84: {  	_ =	shalt  }
0x85: {  	_ =	shalt  }
0x86: {  	_ =	shalt  }
0x87: {  	_ =	shalt  }
.Lfunc_end0:
.L_simem_size_0:
called_computation.1_lowered:
.L_overlay_start_0:
0x88: {  	s2 =	sld [smem:$0x3FD9]  }
0x89: {  	s3 =	sld [smem:$0x3FFE];
	_ =	sdelay $0x1  }
0x8a: {  	s1 =	srdreg.scid  }
0x8b: {  	s0 =	sand.u32 $0x1, s1  }
0x8c: {  	s16 =	sshll.u32 s0, $0xA;
	s2 =	sadd.s32 s3, s2  }
0x8d: {  	s2 =	sadd.s32 s2, s16  }
0x8e: {  	[smem:$0x3FBE] =	sst s2  }
0x8f: {  	_ = 	snop  }
0x90: {  	(tm) =	ssettm $0x1  }
0x91: {  	s17 =	sld [smem:$0x3FFB];
	_ =	sdelay $0x3  }
0x92: {  	_ =	strace s17  }
0x93: {  	s2 =	sld [smem:$0x3FFC];
	_ =	sdelay $0x3  }
0x94: {  	_ =	strace s2  }
0x95: {  	s2 =	sld [smem:$0x3FFD];
	_ =	sdelay $0x3  }
0x96: {  	_ =	strace s2  }
0x97: {  	_ =	strace $0x8FFFFFFF  }
0x98: {  	s18 =	sld [smem:$0x3FDB];
	_ =	sdelay $0x1  }
0x99: {  	s19 =	simm.s32 $_scs_section_size  }
0x9a: {  	s4 =	simm.s32 $_size__tile_overlayer_lowered;
	s5 =	simm.s32 $_tile_overlayer_lowered  }
0x9b: {  	s22 =	simm.s32 $0x1BFF;
	s21 =	sshll.u32 s5, $0x1;
	s2 =	sadd.s32 s19, s18  }
0x9c: {  	s6 =	simm.s32 $0x0;
	s20 =	sshll.u32 s4, $0x1;
	s4 =	sadd.s32 s21, s2  }
0x9d: {  	[timem:s6], [sflag:s22] =	dma.local [hbm:s4], s20  }
0x9e: {  	_ =	swait.ge [sflag:s22], s20  }
0x9f: {  	s3 =	ssub.s32 $0x0, s20;
	[sflag:s22] =	ssyncset.done $0x0  }
0xa0: {  	[sflag:s22] =	ssyncadd.s32 s3;
	_ =	sdelay $0x1  }
0xa1: {  	s23 =	simm.s32 $0x1B8B  }
0xa2: {  	_ =	swait.ge [sflag:s23], $0x1  }
0xa3: {  	[sflag:s23] =	ssyncset.done $0x0  }
0xa4: {  	s25 =	simm.s32 $0x1B8E;
	s24 =	sld [smem:$0x3FFE];
	[sflag:s23] =	ssyncadd.s32 $0xFFFFFFFF  }
0xa5: {  	s26 =	simm.s32 $execute0_lowered;
	[smem:$0x3FD2] =	sst s25  }
0xa6: {  	s4 =	sshll.u32 s26, $0x1;
	_ =	strace $0x80000049;
	[dreg:$0x1] =	wrdreg $0xFFFFFFFF  }
0xa7: {  	s28 =	simm.s32 $_size_execute0_lowered;
	s2 =	sadd.s32 s2, s4;
	[dreg:$0x0] =	wrdreg $0x0  }
0xa8: {  	s4 =	sshll.u32 s28, $0x1;
	[dreg:$0x2] =	wrdreg s2  }
0xa9: {  	[dreg:$0x3] =	wrdreg s4  }
0xaa: {  	[dreg:$0x4] =	wrdreg $0xC0  }
0xab: {  	_ =	task [dreg:s6], $0x5FFFF  }
0xac: {  	[dreg:$0x1] =	wrdreg $0xFFFFFFFF  }
0xad: {  	[dreg:$0x0] =	wrdreg $0x60  }
0xae: {  	[dreg:$0x2] =	wrdreg s24  }
0xaf: {  	[dreg:$0x3] =	wrdreg $0x10F000  }
0xb0: {  	[dreg:$0x4] =	wrdreg $0x9  }
0xb1: {  	_ =	task.clear_ibuf [dreg:s6], $0x5FFFF;
	_ =	strace $0x90000049  }
0xb2: {  	s29 =	simm.s32 $0x9;
	_ =	strace $0x8000004B  }
0xb3: {  	_ =	swait.ge [sflag:s29], $0x1  }
0xb4: {  	[sflag:s29] =	ssyncadd.s32 $0xFFFFFFFF  }
0xb5: {  	_ =	strace $0x9000004B  }
0xb6: {  	_ =	sfence  }
0xb7: {  	s30 =	sld [smem:$0x0];
	_ =	sdelay $0x2  }
0xb8: {  	s31 =	sshll.u32 s1, $0xD;
	s1 =	sshrl.u32 s1, $0x2  }
0xb9: {  	s3 =	sand.u32 $0x4000, s31;
	s1 =	sadd.s32 s1, s30  }
0xba: {  	s0 =	sor.u32 s3, s0;
	s1 =	sshll.u32 s1, $0x11  }
0xbb: {  	s0 =	sor.u32 s1, s0  }
0xbc: {  	s0 =	sadd.s32 $0x8F2B, s0  }
0xbd: {  	[sflag:s0] =	ssyncadd.remote.s32 $0x1  }
0xbe: {  	_ =	sfence.sel $0xFFFF  }
0xbf: {  	[dreg:$0x0] =	wrdreg $0xFFFFFFFF;
	(pc) =	sbr.abs _section_cstart, $3  }
0xc0: {  	[dreg:$0x1] =	wrdreg $0xFFFFFFFF  }
0xc1: {  	_ =	task.clear_ibuf [dreg:s6], $0x2FFFF;
	_ =	strace $0x9FFFFFFF  }
0xc2: {  	(tm) =	ssettm $0x7FFFFFFF  }
0xc3: {  	_ =	shalt  }
tec
execute0_lowered:
.L_overlay_start_1:
0x0: {  	(tag) =	ssettag $0x1  }
0x1: {  	s0 =	rddreg [dreg:$0x0]  }
0x2: {  	s1 =	rddreg [dreg:$0x1];
	s2 =	srdreg.scid  }
0x3: {  	s3 =	simm.s32 $0x0;
	s11 =	stileid.u32;
	s15 =	simm.s32 $0x5  }
0x4: {  	s16 =	simm.s32 $0x2700;
	s17 =	simm.s32 $0x80;
	s18 =	simm.s32 $0x4F00  }
0x5: {  	s19 =	simm.s32 $0x6F00;
	s13 =	simm.s32 $0x100;
	s29 =	simm.s32 $0xCF00  }
0x6: {  	s31 =	simm.s32 $0xEF00;
	s14 =	simm.s32 $0x2600;
	s28 =	simm.s32 $0x4C80  }
0x7: {  	s30 =	simm.s32 $0x4D00;
	s2 =	sand.u32 $0x1, s2;
	s7 =	smul.u32 $0xA000, s11  }
0x8: {  	[smem:$0x7FF] =	sst s3;
	s8 =	sadd.s32 $0x15800, s0;
	s6 =	smul.u32 $0x4E00, s11  }
0x9: {  	s9 =	sadd.s32 $0x1E00, s0;
	s21 =	sshll.u32 s11, $0x4;
	p0 =	sgt.u32 s11, $0x3  }
0xa: {  	s11 =	simm.s32 $0x4;
	s5 =	smul.u32 $0xA0000, s2;
	s2 =	ssub.s32 $0x2, s2  }
0xb: {  	_ =	strace $0x8000004A;
	s20 =	sshrl.u32 s2, $0x1;
	s6 =	sshrl.u32 s6, $0x3  }
0xc: {  	s4 =	sadd.s32 s7, s5;
	s2 =	ssub.s32 s2, s20;
	s5 =	sshrl.u32 s5, $0x3  }
0xd: {  	s7 =	sadd.s32 s7, s1;
	s10 =	sshrl.u32 s4, $0x3;
	s4 =	sadd.s32 s9, s6  }
0xe: {  	[dreg:$0x4] =	wrdreg s7;
	s26 =	smax.u32 s2, $0x1;
	s2 =	simm.s32 $0x4D80  }
0xf: {  	s0 =	sadd.s32 s10, s0;
	s6 =	sadd.s32 $0x9C40, s4;
	[dreg:$0xb] =	wrdreg s26  }
0x10: {  	s22 =	sadd.s32 s8, s10;
	s23 =	sadd.s32 $0x4E0, s4;
	[dreg:$0x3] =	wrdreg s6  }
0x11: {  	s24 =	sadd.s32 $0xA120, s4;
	s26 =	simm.s32 $0xAF00;
	[dreg:$0x5] =	wrdreg s22  }
0x12: {  	s6 =	sadd.s32 s8, s5;
	s5 =	sadd.s32 s21, s9;
	[dreg:$0x6] =	wrdreg s23  }
0x13: {  	[dreg:$0x7] =	wrdreg s24;
	s0 =	sadd.s32 $0x3D800, s0;
	s21 =	simm.s32 $0x8F00  }
0x14: {  	s22 =	simm.s32 $0x1;
	s23 =	simm.s32 $0x2780;
	s8 =	simm.s32 $0x3  }
0x15: {  	s24 =	simm.s32 $0x2580;
	s25 =	sadd.s32 $0x9C00, s5;
	[dreg:$0xa] =	wrdreg s0  }
0x16: {  	s5 =	sadd.s32 $0x13840, s5;
	s0 =	simm.s32 $0x2;
	[dreg:$0x8] =	wrdreg s25  }
0x17: {  	[dreg:$0x9] =	wrdreg s5;
	s25 =	simm.s32 $0x2680;
	s5 =	simm.s32 $0x0  }
.LBB2_1:
0x18: {  	[tilespmem:s3], [sflag:$0x5] =	stream.linear.gather [hbm4b:s4+s3], $0x2700, $0x38;
	[tilespmem:$0x1AF00] =	vst v63  }
0x19: {  	_ =	swait.ge [sflag:s15], $0x2700  }
0x1a: {  	[sflag:s15] =	ssyncset.done $0x0  }
0x1b: {  	s7 =	rddreg [dreg:$0x3];
	[sflag:s15] =	ssyncadd.s32 $0xFFFFD900  }
0x1c: {  	[tilespmem:s16], [sflag:$0x5] =	stream.linear.gather [hbm4b:s7+s3], $0x2700, $0x38;
	[tilespmem:$0x1AF00] =	vst v63  }
0x1d: {  	_ =	swait.ge [sflag:s15], $0x2700  }
0x1e: {  	[sflag:s15] =	ssyncset.done $0x0  }
0x1f: {  	s12 =	stileid.u32;
	[sflag:s15] =	ssyncadd.s32 $0xFFFFD900  }
0x20: {  	[tilespmem:s18], [sflag:$0x1] =	stream.indirect.gather [hbm4b:s6+s17], $0x40, s3, s17, $0xb8;
	[tilespmem:$0x1AF00] =	vst v63  }
0x21: {  	s7 =	sshll.u32 s12, $0x6;
	s9 =	rddreg [dreg:$0x4]  }
0x22: {  	[tilespmem:s19], [sflag:$0x1] =	stream.indirect.gather [hbm4b:s6+s17], $0x40, s17, s17, $0xb8;
	[tilespmem:$0x1AF00] =	vst v63  }
0x23: {  	s7 =	sor.u32 $0x1C05, s7;
	s10 =	rddreg [dreg:$0x5];
	s9 =	sshrl.u32 s9, $0x3  }
0x24: {  	[tilespmem:s21], [sflag:$0x1] =	stream.indirect.gather [hbm4b:s6+s17], $0x40, s13, s17, $0xb8;
	[tilespmem:$0x1AF00] =	vst v63  }
0x25: {  	[spmem:s9], [sflag:s7] =	dma.local [hbm:s10], $0x1400  }
0x26: {  	_ =	swait.ge [sflag:s15], $0x1400  }
0x27: {  	[sflag:s15] =	ssyncset.done $0x0  }
0x28: {  	[sflag:s15] =	ssyncadd.s32 $0xFFFFEC00  }
0x29: {  	[bflag:$0x0] =	sbarrier.arrive $0xFFFF  }
0x2a: {  	_ =	swait.ge [sflag:s22], $0x2000  }
0x2b: {  	[sflag:s22] =	ssyncset.done $0x0  }
0x2c: {  	[sflag:s22] =	ssyncadd.s32 $0xFFFFE000  }
0x2d: {  	_ =	swait.ge [sflag:s22], $0x2000  }
0x2e: {  	[sflag:s22] =	ssyncset.done $0x0  }
0x2f: {  	[sflag:s22] =	ssyncadd.s32 $0xFFFFE000  }
0x30: {  	_ =	swait.ge [sflag:s22], $0x2000  }
0x31: {  	[sflag:s22] =	ssyncset.done $0x0  }
0x32: {  	[sflag:s22] =	ssyncadd.s32 $0xFFFFE000  }
0x33: {  	[spmem:s1] =	stream.indirect.scatter.add.f32 [tilespmem:s18], [sflag:$0x3], $0x40, s16, s17, $0xb8;
	[tilespmem:$0x1AF00] =	vst v63  }
0x34: {  	_ = 	snop  }
0x35: {  	[spmem:s1] =	stream.indirect.scatter.add.f32 [tilespmem:s19], [sflag:$0x3], $0x40, s23, s17, $0xb8;
	[tilespmem:$0x1AF00] =	vst v63  }
0x36: {  	s20 =	simm.s32 $0x2800  }
0x37: {  	[spmem:s1] =	stream.indirect.scatter.add.f32 [tilespmem:s21], [sflag:$0x3], $0x40, s20, s17, $0xb8;
	[tilespmem:$0x1AF00] =	vst v63  }
0x38: {  	s12 =	simm.s32 $0x180  }
0x39: {  	[tilespmem:s26], [sflag:$0x2] =	stream.indirect.gather [hbm4b:s6+s17], $0x40, s12, s17, $0xb8;
	[tilespmem:$0x1AF00] =	vst v63  }
0x3a: {  	s20 =	simm.s32 $0x200  }
0x3b: {  	[tilespmem:s29], [sflag:$0x2] =	stream.indirect.gather [hbm4b:s6+s17], $0x40, s20, s17, $0xb8;
	[tilespmem:$0x1AF00] =	vst v63  }
0x3c: {  	s12 =	simm.s32 $0x280  }
0x3d: {  	[tilespmem:s31], [sflag:$0x2] =	stream.indirect.gather [hbm4b:s6+s17], $0x40, s12, s17, $0xb8;
	[tilespmem:$0x1AF00] =	vst v63  }
0x3e: {  	_ =	swait.ge [sflag:s0], $0x2000  }
0x3f: {  	[sflag:s0] =	ssyncset.done $0x0  }
0x40: {  	[sflag:s0] =	ssyncadd.s32 $0xFFFFE000  }
0x41: {  	_ =	swait.ge [sflag:s0], $0x2000  }
0x42: {  	[sflag:s0] =	ssyncset.done $0x0  }
0x43: {  	[sflag:s0] =	ssyncadd.s32 $0xFFFFE000  }
0x44: {  	_ =	swait.ge [sflag:s0], $0x2000  }
0x45: {  	[sflag:s0] =	ssyncset.done $0x0  }
0x46: {  	s20 =	simm.s32 $0x2880;
	[sflag:s0] =	ssyncadd.s32 $0xFFFFE000  }
0x47: {  	[spmem:s1] =	stream.indirect.scatter.add.f32 [tilespmem:s26], [sflag:$0x4], $0x40, s20, s17, $0xb8;
	[tilespmem:$0x1AF00] =	vst v63  }
0x48: {  	s12 =	simm.s32 $0x2900  }
0x49: {  	[spmem:s1] =	stream.indirect.scatter.add.f32 [tilespmem:s29], [sflag:$0x4], $0x40, s12, s17, $0xb8;
	[tilespmem:$0x1AF00] =	vst v63  }
0x4a: {  	s20 =	simm.s32 $0x2980  }
0x4b: {  	[spmem:s1] =	stream.indirect.scatter.add.f32 [tilespmem:s31], [sflag:$0x4], $0x40, s20, s17, $0xb8;
	[tilespmem:$0x1AF00] =	vst v63  }
0x4c: {  	_ =	swait.ge [sflag:s8], $0x2000  }
0x4d: {  	[sflag:s8] =	ssyncset.done $0x0  }
0x4e: {  	[sflag:s8] =	ssyncadd.s32 $0xFFFFE000  }
0x4f: {  	_ =	swait.ge [sflag:s8], $0x2000  }
0x50: {  	[sflag:s8] =	ssyncset.done $0x0  }
0x51: {  	[sflag:s8] =	ssyncadd.s32 $0xFFFFE000  }
0x52: {  	_ =	swait.ge [sflag:s8], $0x2000  }
0x53: {  	[sflag:s8] =	ssyncset.done $0x0  }
0x54: {  	s12 =	simm.s32 $0x300;
	[sflag:s8] =	ssyncadd.s32 $0xFFFFE000  }
0x55: {  	[tilespmem:s18], [sflag:$0x1] =	stream.indirect.gather [hbm4b:s6+s17], $0x40, s12, s17, $0xb8;
	[tilespmem:$0x1AF00] =	vst v63  }
0x56: {  	s20 =	simm.s32 $0x380  }
0x57: {  	[tilespmem:s19], [sflag:$0x1] =	stream.indirect.gather [hbm4b:s6+s17], $0x40, s20, s17, $0xb8;
	[tilespmem:$0x1AF00] =	vst v63  }
0x58: {  	s12 =	simm.s32 $0x400  }
0x59: {  	[tilespmem:s21], [sflag:$0x1] =	stream.indirect.gather [hbm4b:s6+s17], $0x40, s12, s17, $0xb8;
	[tilespmem:$0x1AF00] =	vst v63  }
0x5a: {  	_ =	swait.ge [sflag:s22], $0x2000  }
0x5b: {  	[sflag:s22] =	ssyncset.done $0x0  }
0x5c: {  	[sflag:s22] =	ssyncadd.s32 $0xFFFFE000  }
0x5d: {  	_ =	swait.ge [sflag:s22], $0x2000  }
0x5e: {  	[sflag:s22] =	ssyncset.done $0x0  }
0x5f: {  	[sflag:s22] =	ssyncadd.s32 $0xFFFFE000  }
0x60: {  	_ =	swait.ge [sflag:s22], $0x2000  }
0x61: {  	[sflag:s22] =	ssyncset.done $0x0  }
0x62: {  	s20 =	simm.s32 $0x2A00;
	[sflag:s22] =	ssyncadd.s32 $0xFFFFE000  }
0x63: {  	[spmem:s1] =	stream.indirect.scatter.add.f32 [tilespmem:s18], [sflag:$0x3], $0x40, s20, s17, $0xb8;
	[tilespmem:$0x1AF00] =	vst v63  }
0x64: {  	s12 =	simm.s32 $0x2A80  }
0x65: {  	[spmem:s1] =	stream.indirect.scatter.add.f32 [tilespmem:s19], [sflag:$0x3], $0x40, s12, s17, $0xb8;
	[tilespmem:$0x1AF00] =	vst v63  }
0x66: {  	s20 =	simm.s32 $0x2B00  }
0x67: {  	[spmem:s1] =	stream.indirect.scatter.add.f32 [tilespmem:s21], [sflag:$0x3], $0x40, s20, s17, $0xb8;
	[tilespmem:$0x1AF00] =	vst v63  }
0x68: {  	_ =	swait.ge [sflag:s11], $0x2000  }
0x69: {  	[sflag:s11] =	ssyncset.done $0x0  }
0x6a: {  	[sflag:s11] =	ssyncadd.s32 $0xFFFFE000  }
0x6b: {  	_ =	swait.ge [sflag:s11], $0x2000  }
0x6c: {  	[sflag:s11] =	ssyncset.done $0x0  }
0x6d: {  	[sflag:s11] =	ssyncadd.s32 $0xFFFFE000  }
0x6e: {  	_ =	swait.ge [sflag:s11], $0x2000  }
0x6f: {  	[sflag:s11] =	ssyncset.done $0x0  }
0x70: {  	s12 =	simm.s32 $0x480;
	[sflag:s11] =	ssyncadd.s32 $0xFFFFE000  }
0x71: {  	[tilespmem:s26], [sflag:$0x2] =	stream.indirect.gather [hbm4b:s6+s17], $0x40, s12, s17, $0xb8;
	[tilespmem:$0x1AF00] =	vst v63  }
0x72: {  	s20 =	simm.s32 $0x500  }
0x73: {  	[tilespmem:s29], [sflag:$0x2] =	stream.indirect.gather [hbm4b:s6+s17], $0x40, s20, s17, $0xb8;
	[tilespmem:$0x1AF00] =	vst v63  }
0x74: {  	s12 =	simm.s32 $0x580  }
0x75: {  	[tilespmem:s31], [sflag:$0x2] =	stream.indirect.gather [hbm4b:s6+s17], $0x40, s12, s17, $0xb8;
	[tilespmem:$0x1AF00] =	vst v63  }
0x76: {  	_ =	swait.ge [sflag:s0], $0x2000  }
0x77: {  	[sflag:s0] =	ssyncset.done $0x0  }
0x78: {  	[sflag:s0] =	ssyncadd.s32 $0xFFFFE000  }
0x79: {  	_ =	swait.ge [sflag:s0], $0x2000  }
0x7a: {  	[sflag:s0] =	ssyncset.done $0x0  }
0x7b: {  	[sflag:s0] =	ssyncadd.s32 $0xFFFFE000  }
0x7c: {  	_ =	swait.ge [sflag:s0], $0x2000  }
0x7d: {  	[sflag:s0] =	ssyncset.done $0x0  }
0x7e: {  	s20 =	simm.s32 $0x2B80;
	[sflag:s0] =	ssyncadd.s32 $0xFFFFE000  }
0x7f: {  	[spmem:s1] =	stream.indirect.scatter.add.f32 [tilespmem:s26], [sflag:$0x4], $0x40, s20, s17, $0xb8;
	[tilespmem:$0x1AF00] =	vst v63  }
0x80: {  	s12 =	simm.s32 $0x2C00  }
0x81: {  	[spmem:s1] =	stream.indirect.scatter.add.f32 [tilespmem:s29], [sflag:$0x4], $0x40, s12, s17, $0xb8;
	[tilespmem:$0x1AF00] =	vst v63  }
0x82: {  	s20 =	simm.s32 $0x2C80  }
0x83: {  	[spmem:s1] =	stream.indirect.scatter.add.f32 [tilespmem:s31], [sflag:$0x4], $0x40, s20, s17, $0xb8;
	[tilespmem:$0x1AF00] =	vst v63  }
0x84: {  	_ =	swait.ge [sflag:s8], $0x2000  }
0x85: {  	[sflag:s8] =	ssyncset.done $0x0  }
0x86: {  	[sflag:s8] =	ssyncadd.s32 $0xFFFFE000  }
0x87: {  	_ =	swait.ge [sflag:s8], $0x2000  }
0x88: {  	[sflag:s8] =	ssyncset.done $0x0  }
0x89: {  	[sflag:s8] =	ssyncadd.s32 $0xFFFFE000  }
0x8a: {  	_ =	swait.ge [sflag:s8], $0x2000  }
0x8b: {  	[sflag:s8] =	ssyncset.done $0x0  }
0x8c: {  	s12 =	simm.s32 $0x600;
	[sflag:s8] =	ssyncadd.s32 $0xFFFFE000  }
0x8d: {  	[tilespmem:s18], [sflag:$0x1] =	stream.indirect.gather [hbm4b:s6+s17], $0x40, s12, s17, $0xb8;
	[tilespmem:$0x1AF00] =	vst v63  }
0x8e: {  	s20 =	simm.s32 $0x680  }
0x8f: {  	[tilespmem:s19], [sflag:$0x1] =	stream.indirect.gather [hbm4b:s6+s17], $0x40, s20, s17, $0xb8;
	[tilespmem:$0x1AF00] =	vst v63  }
0x90: {  	s10 =	simm.s32 $0x700;
	s20 =	simm.s32 $0xC00  }
.LBB2_2:
0x91: {  	[tilespmem:s21], [sflag:$0x1] =	stream.indirect.gather [hbm4b:s6+s17], $0x40, s10, s17, $0xb8;
	[tilespmem:$0x1AF00] =	vst v63  }
0x92: {  	s10 =	smov.u32 s20  }
0x93: {  	p1 =	sne.s32 s20, $0x7800;
	s20 =	sadd.s32 $0xC00, s20;
	_ =	swait.ge [sflag:s22], $0x2000  }
0x94: {  	[sflag:s22] =	ssyncset.done $0x0  }
0x95: {  	[sflag:s22] =	ssyncadd.s32 $0xFFFFE000  }
0x96: {  	_ =	swait.ge [sflag:s22], $0x2000  }
0x97: {  	[sflag:s22] =	ssyncset.done $0x0  }
0x98: {  	[sflag:s22] =	ssyncadd.s32 $0xFFFFE000  }
0x99: {  	_ =	swait.ge [sflag:s22], $0x2000  }
0x9a: {  	s10 =	sshra.s32 s10, $0x2;
	[sflag:s22] =	ssyncset.done $0x0  }
0x9b: {  	s12 =	sadd.s32 $0x2A00, s10;
	[sflag:s22] =	ssyncadd.s32 $0xFFFFE000  }
0x9c: {  	[spmem:s1] =	stream.indirect.scatter.add.f32 [tilespmem:s18], [sflag:$0x3], $0x40, s12, s17, $0xb8;
	[tilespmem:$0x1AF00] =	vst v63  }
0x9d: {  	s12 =	sadd.s32 $0x2A80, s10  }
0x9e: {  	[spmem:s1] =	stream.indirect.scatter.add.f32 [tilespmem:s19], [sflag:$0x3], $0x40, s12, s17, $0xb8;
	[tilespmem:$0x1AF00] =	vst v63  }
0x9f: {  	s12 =	sadd.s32 $0x2B00, s10  }
0xa0: {  	[spmem:s1] =	stream.indirect.scatter.add.f32 [tilespmem:s21], [sflag:$0x3], $0x40, s12, s17, $0xb8;
	[tilespmem:$0x1AF00] =	vst v63  }
0xa1: {  	_ =	swait.ge [sflag:s11], $0x2000  }
0xa2: {  	[sflag:s11] =	ssyncset.done $0x0  }
0xa3: {  	[sflag:s11] =	ssyncadd.s32 $0xFFFFE000  }
0xa4: {  	_ =	swait.ge [sflag:s11], $0x2000  }
0xa5: {  	[sflag:s11] =	ssyncset.done $0x0  }
0xa6: {  	[sflag:s11] =	ssyncadd.s32 $0xFFFFE000  }
0xa7: {  	_ =	swait.ge [sflag:s11], $0x2000  }
0xa8: {  	[sflag:s11] =	ssyncset.done $0x0  }
0xa9: {  	s12 =	sadd.s32 $0x480, s10;
	[sflag:s11] =	ssyncadd.s32 $0xFFFFE000  }
0xaa: {  	[tilespmem:s26], [sflag:$0x2] =	stream.indirect.gather [hbm4b:s6+s17], $0x40, s12, s17, $0xb8;
	[tilespmem:$0x1AF00] =	vst v63  }
0xab: {  	s12 =	sadd.s32 $0x500, s10  }
0xac: {  	[tilespmem:s29], [sflag:$0x2] =	stream.indirect.gather [hbm4b:s6+s17], $0x40, s12, s17, $0xb8;
	[tilespmem:$0x1AF00] =	vst v63  }
0xad: {  	s12 =	sadd.s32 $0x580, s10  }
0xae: {  	[tilespmem:s31], [sflag:$0x2] =	stream.indirect.gather [hbm4b:s6+s17], $0x40, s12, s17, $0xb8;
	[tilespmem:$0x1AF00] =	vst v63  }
0xaf: {  	_ =	swait.ge [sflag:s0], $0x2000  }
0xb0: {  	[sflag:s0] =	ssyncset.done $0x0  }
0xb1: {  	[sflag:s0] =	ssyncadd.s32 $0xFFFFE000  }
0xb2: {  	_ =	swait.ge [sflag:s0], $0x2000  }
0xb3: {  	[sflag:s0] =	ssyncset.done $0x0  }
0xb4: {  	[sflag:s0] =	ssyncadd.s32 $0xFFFFE000  }
0xb5: {  	_ =	swait.ge [sflag:s0], $0x2000  }
0xb6: {  	[sflag:s0] =	ssyncset.done $0x0  }
0xb7: {  	s12 =	sadd.s32 $0x2B80, s10;
	[sflag:s0] =	ssyncadd.s32 $0xFFFFE000  }
0xb8: {  	[spmem:s1] =	stream.indirect.scatter.add.f32 [tilespmem:s26], [sflag:$0x4], $0x40, s12, s17, $0xb8;
	[tilespmem:$0x1AF00] =	vst v63  }
0xb9: {  	s12 =	sadd.s32 $0x2C00, s10  }
0xba: {  	[spmem:s1] =	stream.indirect.scatter.add.f32 [tilespmem:s29], [sflag:$0x4], $0x40, s12, s17, $0xb8;
	[tilespmem:$0x1AF00] =	vst v63  }
0xbb: {  	s12 =	sadd.s32 $0x2C80, s10  }
0xbc: {  	[spmem:s1] =	stream.indirect.scatter.add.f32 [tilespmem:s31], [sflag:$0x4], $0x40, s12, s17, $0xb8;
	[tilespmem:$0x1AF00] =	vst v63  }
0xbd: {  	_ =	swait.ge [sflag:s8], $0x2000  }
0xbe: {  	[sflag:s8] =	ssyncset.done $0x0  }
0xbf: {  	[sflag:s8] =	ssyncadd.s32 $0xFFFFE000  }
0xc0: {  	_ =	swait.ge [sflag:s8], $0x2000  }
0xc1: {  	[sflag:s8] =	ssyncset.done $0x0  }
0xc2: {  	[sflag:s8] =	ssyncadd.s32 $0xFFFFE000  }
0xc3: {  	_ =	swait.ge [sflag:s8], $0x2000  }
0xc4: {  	[sflag:s8] =	ssyncset.done $0x0  }
.Ltmp0:
0xc5: {  	s12 =	sadd.s32 $0x600, s10;
	[sflag:s8] =	ssyncadd.s32 $0xFFFFE000;
	(pc) =	sbr.rel @p1 .LBB2_2-.Ltmp0, $4  }
0xc6: {  	[tilespmem:s18], [sflag:$0x1] =	stream.indirect.gather [hbm4b:s6+s17], $0x40, s12, s17, $0xb8;
	[tilespmem:$0x1AF00] =	vst v63  }
0xc7: {  	s12 =	sadd.s32 $0x680, s10  }
0xc8: {  	[tilespmem:s19], [sflag:$0x1] =	stream.indirect.gather [hbm4b:s6+s17], $0x40, s12, s17, $0xb8;
	[tilespmem:$0x1AF00] =	vst v63  }
0xc9: {  	s10 =	sadd.s32 $0x700, s10  }
0xca: {  	[tilespmem:s21], [sflag:$0x1] =	stream.indirect.gather [hbm4b:s6+s17], $0x40, s10, s17, $0xb8;
	[tilespmem:$0x1AF00] =	vst v63  }
0xcb: {  	_ =	swait.ge [sflag:s22], $0x2000  }
0xcc: {  	[sflag:s22] =	ssyncset.done $0x0  }
0xcd: {  	[sflag:s22] =	ssyncadd.s32 $0xFFFFE000  }
0xce: {  	_ =	swait.ge [sflag:s22], $0x2000  }
0xcf: {  	[sflag:s22] =	ssyncset.done $0x0  }
0xd0: {  	[sflag:s22] =	ssyncadd.s32 $0xFFFFE000  }
0xd1: {  	_ =	swait.ge [sflag:s22], $0x2000  }
0xd2: {  	[sflag:s22] =	ssyncset.done $0x0  }
0xd3: {  	s12 =	simm.s32 $0x4B00;
	[sflag:s22] =	ssyncadd.s32 $0xFFFFE000  }
0xd4: {  	[spmem:s1] =	stream.indirect.scatter.add.f32 [tilespmem:s18], [sflag:$0x3], $0x40, s12, s17, $0xb8;
	[tilespmem:$0x1AF00] =	vst v63  }
0xd5: {  	s20 =	simm.s32 $0x4B80  }
0xd6: {  	[spmem:s1] =	stream.indirect.scatter.add.f32 [tilespmem:s19], [sflag:$0x3], $0x40, s20, s17, $0xb8;
	[tilespmem:$0x1AF00] =	vst v63  }
0xd7: {  	s12 =	simm.s32 $0x4C00  }
0xd8: {  	[spmem:s1] =	stream.indirect.scatter.add.f32 [tilespmem:s21], [sflag:$0x3], $0x40, s12, s17, $0xb8;
	[tilespmem:$0x1AF00] =	vst v63  }
0xd9: {  	_ =	swait.ge [sflag:s11], $0x2000  }
0xda: {  	[sflag:s11] =	ssyncset.done $0x0  }
0xdb: {  	[sflag:s11] =	ssyncadd.s32 $0xFFFFE000  }
0xdc: {  	_ =	swait.ge [sflag:s11], $0x2000  }
0xdd: {  	[sflag:s11] =	ssyncset.done $0x0  }
0xde: {  	[sflag:s11] =	ssyncadd.s32 $0xFFFFE000  }
0xdf: {  	_ =	swait.ge [sflag:s11], $0x2000  }
0xe0: {  	[sflag:s11] =	ssyncset.done $0x0  }
0xe1: {  	[sflag:s11] =	ssyncadd.s32 $0xFFFFE000  }
0xe2: {  	[tilespmem:s26], [sflag:$0x2] =	stream.indirect.gather [hbm4b:s6+s17], $0x40, s24, s17, $0xb8;
	[tilespmem:$0x1AF00] =	vst v63  }
0xe3: {  	_ = 	snop  }
0xe4: {  	[tilespmem:s29], [sflag:$0x2] =	stream.indirect.gather [hbm4b:s6+s17], $0x40, s14, s17, $0xb8;
	[tilespmem:$0x1AF00] =	vst v63  }
0xe5: {  	_ = 	snop  }
0xe6: {  	[tilespmem:s31], [sflag:$0x2] =	stream.indirect.gather [hbm4b:s6+s17], $0x40, s25, s17, $0xb8;
	[tilespmem:$0x1AF00] =	vst v63  }
0xe7: {  	_ =	swait.ge [sflag:s0], $0x2000  }
0xe8: {  	[sflag:s0] =	ssyncset.done $0x0  }
0xe9: {  	[sflag:s0] =	ssyncadd.s32 $0xFFFFE000  }
0xea: {  	_ =	swait.ge [sflag:s0], $0x2000  }
0xeb: {  	[sflag:s0] =	ssyncset.done $0x0  }
0xec: {  	[sflag:s0] =	ssyncadd.s32 $0xFFFFE000  }
0xed: {  	_ =	swait.ge [sflag:s0], $0x2000  }
0xee: {  	[sflag:s0] =	ssyncset.done $0x0  }
0xef: {  	[sflag:s0] =	ssyncadd.s32 $0xFFFFE000  }
0xf0: {  	[spmem:s1] =	stream.indirect.scatter.add.f32 [tilespmem:s26], [sflag:$0x4], $0x40, s28, s17, $0xb8;
	[tilespmem:$0x1AF00] =	vst v63  }
0xf1: {  	_ = 	snop  }
0xf2: {  	[spmem:s1] =	stream.indirect.scatter.add.f32 [tilespmem:s29], [sflag:$0x4], $0x40, s30, s17, $0xb8;
	[tilespmem:$0x1AF00] =	vst v63  }
0xf3: {  	_ = 	snop  }
0xf4: {  	[spmem:s1] =	stream.indirect.scatter.add.f32 [tilespmem:s31], [sflag:$0x4], $0x40, s2, s17, $0xb8;
	[tilespmem:$0x1AF00] =	vst v63  }
0xf5: {  	_ =	swait.ge [sflag:s8], $0x2000  }
0xf6: {  	[sflag:s8] =	ssyncset.done $0x0  }
0xf7: {  	[sflag:s8] =	ssyncadd.s32 $0xFFFFE000  }
0xf8: {  	_ =	swait.ge [sflag:s8], $0x2000  }
0xf9: {  	[sflag:s8] =	ssyncset.done $0x0  }
0xfa: {  	[sflag:s8] =	ssyncadd.s32 $0xFFFFE000  }
0xfb: {  	_ =	swait.ge [sflag:s8], $0x2000  }
0xfc: {  	[sflag:s8] =	ssyncset.done $0x0  }
0xfd: {  	[sflag:s8] =	ssyncadd.s32 $0xFFFFE000  }
0xfe: {  	_ =	swait.ge [sflag:s11], $0x2000  }
0xff: {  	[sflag:s11] =	ssyncset.done $0x0  }
0x100: {  	[sflag:s11] =	ssyncadd.s32 $0xFFFFE000  }
0x101: {  	_ =	swait.ge [sflag:s11], $0x2000  }
0x102: {  	[sflag:s11] =	ssyncset.done $0x0  }
0x103: {  	[sflag:s11] =	ssyncadd.s32 $0xFFFFE000  }
0x104: {  	_ =	swait.ge [sflag:s11], $0x2000  }
0x105: {  	[sflag:s11] =	ssyncset.done $0x0  }
0x106: {  	s10 =	simm.s32 $0x0;
	s12 =	rddreg [dreg:$0x6];
	[sflag:s11] =	ssyncadd.s32 $0xFFFFE000  }
0x107: {  	[tilespmem:s10], [sflag:$0x5] =	stream.linear.gather [hbm4b:s12+s10], $0x2700, $0x38;
	[tilespmem:$0x1AF00] =	vst v63  }
0x108: {  	_ =	swait.ge [sflag:s15], $0x2700  }
0x109: {  	[sflag:s15] =	ssyncset.done $0x0  }
0x10a: {  	s20 =	rddreg [dreg:$0x7];
	[sflag:s15] =	ssyncadd.s32 $0xFFFFD900  }
0x10b: {  	[tilespmem:s16], [sflag:$0x5] =	stream.linear.gather [hbm4b:s20+s10], $0x2700, $0x38;
	[tilespmem:$0x1AF00] =	vst v63  }
0x10c: {  	_ =	swait.ge [sflag:s15], $0x2700  }
0x10d: {  	[sflag:s15] =	ssyncset.done $0x0  }
0x10e: {  	[sflag:s15] =	ssyncadd.s32 $0xFFFFD900  }
0x10f: {  	[tilespmem:s18], [sflag:$0x1] =	stream.indirect.gather [hbm4b:s6+s17], $0x40, s10, s17, $0xb8;
	[tilespmem:$0x1AF00] =	vst v63  }
0x110: {  	_ = 	snop  }
0x111: {  	[tilespmem:s19], [sflag:$0x1] =	stream.indirect.gather [hbm4b:s6+s17], $0x40, s17, s17, $0xb8;
	[tilespmem:$0x1AF00] =	vst v63  }
0x112: {  	_ = 	snop  }
0x113: {  	[tilespmem:s21], [sflag:$0x1] =	stream.indirect.gather [hbm4b:s6+s17], $0x40, s13, s17, $0xb8;
	[tilespmem:$0x1AF00] =	vst v63  }
0x114: {  	_ =	swait.ge [sflag:s22], $0x2000  }
0x115: {  	[sflag:s22] =	ssyncset.done $0x0  }
0x116: {  	[sflag:s22] =	ssyncadd.s32 $0xFFFFE000  }
0x117: {  	_ =	swait.ge [sflag:s22], $0x2000  }
0x118: {  	[sflag:s22] =	ssyncset.done $0x0  }
0x119: {  	[sflag:s22] =	ssyncadd.s32 $0xFFFFE000  }
0x11a: {  	_ =	swait.ge [sflag:s22], $0x2000  }
0x11b: {  	[sflag:s22] =	ssyncset.done $0x0  }
0x11c: {  	[sflag:s22] =	ssyncadd.s32 $0xFFFFE000  }
0x11d: {  	[spmem:s1] =	stream.indirect.scatter.add.f32 [tilespmem:s18], [sflag:$0x3], $0x40, s16, s17, $0xb8;
	[tilespmem:$0x1AF00] =	vst v63  }
0x11e: {  	_ = 	snop  }
0x11f: {  	[spmem:s1] =	stream.indirect.scatter.add.f32 [tilespmem:s19], [sflag:$0x3], $0x40, s23, s17, $0xb8;
	[tilespmem:$0x1AF00] =	vst v63  }
0x120: {  	s23 =	simm.s32 $0x2800  }
0x121: {  	[spmem:s1] =	stream.indirect.scatter.add.f32 [tilespmem:s21], [sflag:$0x3], $0x40, s23, s17, $0xb8;
	[tilespmem:$0x1AF00] =	vst v63  }
0x122: {  	s12 =	simm.s32 $0x180  }
0x123: {  	[tilespmem:s26], [sflag:$0x2] =	stream.indirect.gather [hbm4b:s6+s17], $0x40, s12, s17, $0xb8;
	[tilespmem:$0x1AF00] =	vst v63  }
0x124: {  	s13 =	simm.s32 $0x200  }
0x125: {  	[tilespmem:s29], [sflag:$0x2] =	stream.indirect.gather [hbm4b:s6+s17], $0x40, s13, s17, $0xb8;
	[tilespmem:$0x1AF00] =	vst v63  }
0x126: {  	s20 =	simm.s32 $0x280  }
0x127: {  	[tilespmem:s31], [sflag:$0x2] =	stream.indirect.gather [hbm4b:s6+s17], $0x40, s20, s17, $0xb8;
	[tilespmem:$0x1AF00] =	vst v63  }
0x128: {  	_ =	swait.ge [sflag:s0], $0x2000  }
0x129: {  	[sflag:s0] =	ssyncset.done $0x0  }
0x12a: {  	[sflag:s0] =	ssyncadd.s32 $0xFFFFE000  }
0x12b: {  	_ =	swait.ge [sflag:s0], $0x2000  }
0x12c: {  	[sflag:s0] =	ssyncset.done $0x0  }
0x12d: {  	[sflag:s0] =	ssyncadd.s32 $0xFFFFE000  }
0x12e: {  	_ =	swait.ge [sflag:s0], $0x2000  }
0x12f: {  	[sflag:s0] =	ssyncset.done $0x0  }
0x130: {  	s23 =	simm.s32 $0x2880;
	[sflag:s0] =	ssyncadd.s32 $0xFFFFE000  }
0x131: {  	[spmem:s1] =	stream.indirect.scatter.add.f32 [tilespmem:s26], [sflag:$0x4], $0x40, s23, s17, $0xb8;
	[tilespmem:$0x1AF00] =	vst v63  }
0x132: {  	s12 =	simm.s32 $0x2900  }
0x133: {  	[spmem:s1] =	stream.indirect.scatter.add.f32 [tilespmem:s29], [sflag:$0x4], $0x40, s12, s17, $0xb8;
	[tilespmem:$0x1AF00] =	vst v63  }
0x134: {  	s13 =	simm.s32 $0x2980  }
0x135: {  	[spmem:s1] =	stream.indirect.scatter.add.f32 [tilespmem:s31], [sflag:$0x4], $0x40, s13, s17, $0xb8;
	[tilespmem:$0x1AF00] =	vst v63  }
0x136: {  	_ =	swait.ge [sflag:s8], $0x2000  }
0x137: {  	[sflag:s8] =	ssyncset.done $0x0  }
0x138: {  	[sflag:s8] =	ssyncadd.s32 $0xFFFFE000  }
0x139: {  	_ =	swait.ge [sflag:s8], $0x2000  }
0x13a: {  	[sflag:s8] =	ssyncset.done $0x0  }
0x13b: {  	[sflag:s8] =	ssyncadd.s32 $0xFFFFE000  }
0x13c: {  	_ =	swait.ge [sflag:s8], $0x2000  }
0x13d: {  	[sflag:s8] =	ssyncset.done $0x0  }
0x13e: {  	s20 =	simm.s32 $0x300;
	[sflag:s8] =	ssyncadd.s32 $0xFFFFE000  }
0x13f: {  	[tilespmem:s18], [sflag:$0x1] =	stream.indirect.gather [hbm4b:s6+s17], $0x40, s20, s17, $0xb8;
	[tilespmem:$0x1AF00] =	vst v63  }
0x140: {  	s23 =	simm.s32 $0x380  }
0x141: {  	[tilespmem:s19], [sflag:$0x1] =	stream.indirect.gather [hbm4b:s6+s17], $0x40, s23, s17, $0xb8;
	[tilespmem:$0x1AF00] =	vst v63  }
0x142: {  	s12 =	simm.s32 $0x400  }
0x143: {  	[tilespmem:s21], [sflag:$0x1] =	stream.indirect.gather [hbm4b:s6+s17], $0x40, s12, s17, $0xb8;
	[tilespmem:$0x1AF00] =	vst v63  }
0x144: {  	_ =	swait.ge [sflag:s22], $0x2000  }
0x145: {  	[sflag:s22] =	ssyncset.done $0x0  }
0x146: {  	[sflag:s22] =	ssyncadd.s32 $0xFFFFE000  }
0x147: {  	_ =	swait.ge [sflag:s22], $0x2000  }
0x148: {  	[sflag:s22] =	ssyncset.done $0x0  }
0x149: {  	[sflag:s22] =	ssyncadd.s32 $0xFFFFE000  }
0x14a: {  	_ =	swait.ge [sflag:s22], $0x2000  }
0x14b: {  	[sflag:s22] =	ssyncset.done $0x0  }
0x14c: {  	s13 =	simm.s32 $0x2A00;
	[sflag:s22] =	ssyncadd.s32 $0xFFFFE000  }
0x14d: {  	[spmem:s1] =	stream.indirect.scatter.add.f32 [tilespmem:s18], [sflag:$0x3], $0x40, s13, s17, $0xb8;
	[tilespmem:$0x1AF00] =	vst v63  }
0x14e: {  	s20 =	simm.s32 $0x2A80  }
0x14f: {  	[spmem:s1] =	stream.indirect.scatter.add.f32 [tilespmem:s19], [sflag:$0x3], $0x40, s20, s17, $0xb8;
	[tilespmem:$0x1AF00] =	vst v63  }
0x150: {  	s23 =	simm.s32 $0x2B00  }
0x151: {  	[spmem:s1] =	stream.indirect.scatter.add.f32 [tilespmem:s21], [sflag:$0x3], $0x40, s23, s17, $0xb8;
	[tilespmem:$0x1AF00] =	vst v63  }
0x152: {  	_ =	swait.ge [sflag:s11], $0x2000  }
0x153: {  	[sflag:s11] =	ssyncset.done $0x0  }
0x154: {  	[sflag:s11] =	ssyncadd.s32 $0xFFFFE000  }
0x155: {  	_ =	swait.ge [sflag:s11], $0x2000  }
0x156: {  	[sflag:s11] =	ssyncset.done $0x0  }
0x157: {  	[sflag:s11] =	ssyncadd.s32 $0xFFFFE000  }
0x158: {  	_ =	swait.ge [sflag:s11], $0x2000  }
0x159: {  	[sflag:s11] =	ssyncset.done $0x0  }
0x15a: {  	s12 =	simm.s32 $0x480;
	[sflag:s11] =	ssyncadd.s32 $0xFFFFE000  }
0x15b: {  	[tilespmem:s26], [sflag:$0x2] =	stream.indirect.gather [hbm4b:s6+s17], $0x40, s12, s17, $0xb8;
	[tilespmem:$0x1AF00] =	vst v63  }
0x15c: {  	s13 =	simm.s32 $0x500  }
0x15d: {  	[tilespmem:s29], [sflag:$0x2] =	stream.indirect.gather [hbm4b:s6+s17], $0x40, s13, s17, $0xb8;
	[tilespmem:$0x1AF00] =	vst v63  }
0x15e: {  	s20 =	simm.s32 $0x580  }
0x15f: {  	[tilespmem:s31], [sflag:$0x2] =	stream.indirect.gather [hbm4b:s6+s17], $0x40, s20, s17, $0xb8;
	[tilespmem:$0x1AF00] =	vst v63  }
0x160: {  	_ =	swait.ge [sflag:s0], $0x2000  }
0x161: {  	[sflag:s0] =	ssyncset.done $0x0  }
0x162: {  	[sflag:s0] =	ssyncadd.s32 $0xFFFFE000  }
0x163: {  	_ =	swait.ge [sflag:s0], $0x2000  }
0x164: {  	[sflag:s0] =	ssyncset.done $0x0  }
0x165: {  	[sflag:s0] =	ssyncadd.s32 $0xFFFFE000  }
0x166: {  	_ =	swait.ge [sflag:s0], $0x2000  }
0x167: {  	[sflag:s0] =	ssyncset.done $0x0  }
0x168: {  	s23 =	simm.s32 $0x2B80;
	[sflag:s0] =	ssyncadd.s32 $0xFFFFE000  }
0x169: {  	[spmem:s1] =	stream.indirect.scatter.add.f32 [tilespmem:s26], [sflag:$0x4], $0x40, s23, s17, $0xb8;
	[tilespmem:$0x1AF00] =	vst v63  }
0x16a: {  	s12 =	simm.s32 $0x2C00  }
0x16b: {  	[spmem:s1] =	stream.indirect.scatter.add.f32 [tilespmem:s29], [sflag:$0x4], $0x40, s12, s17, $0xb8;
	[tilespmem:$0x1AF00] =	vst v63  }
0x16c: {  	s13 =	simm.s32 $0x2C80  }
0x16d: {  	[spmem:s1] =	stream.indirect.scatter.add.f32 [tilespmem:s31], [sflag:$0x4], $0x40, s13, s17, $0xb8;
	[tilespmem:$0x1AF00] =	vst v63  }
0x16e: {  	_ =	swait.ge [sflag:s8], $0x2000  }
0x16f: {  	[sflag:s8] =	ssyncset.done $0x0  }
0x170: {  	[sflag:s8] =	ssyncadd.s32 $0xFFFFE000  }
0x171: {  	_ =	swait.ge [sflag:s8], $0x2000  }
0x172: {  	[sflag:s8] =	ssyncset.done $0x0  }
0x173: {  	[sflag:s8] =	ssyncadd.s32 $0xFFFFE000  }
0x174: {  	_ =	swait.ge [sflag:s8], $0x2000  }
0x175: {  	[sflag:s8] =	ssyncset.done $0x0  }
0x176: {  	s20 =	simm.s32 $0x600;
	[sflag:s8] =	ssyncadd.s32 $0xFFFFE000  }
0x177: {  	[tilespmem:s18], [sflag:$0x1] =	stream.indirect.gather [hbm4b:s6+s17], $0x40, s20, s17, $0xb8;
	[tilespmem:$0x1AF00] =	vst v63  }
0x178: {  	s10 =	simm.s32 $0x700;
	s23 =	simm.s32 $0x680;
	s20 =	simm.s32 $0xC00  }
0x179: {  	[tilespmem:s19], [sflag:$0x1] =	stream.indirect.gather [hbm4b:s6+s17], $0x40, s23, s17, $0xb8;
	[tilespmem:$0x1AF00] =	vst v63  }
.LBB2_4:
0x17a: {  	[tilespmem:s21], [sflag:$0x1] =	stream.indirect.gather [hbm4b:s6+s17], $0x40, s10, s17, $0xb8;
	[tilespmem:$0x1AF00] =	vst v63  }
0x17b: {  	s10 =	smov.u32 s20  }
0x17c: {  	p1 =	sne.s32 s20, $0x7800;
	s20 =	sadd.s32 $0xC00, s20;
	_ =	swait.ge [sflag:s22], $0x2000  }
0x17d: {  	[sflag:s22] =	ssyncset.done $0x0  }
0x17e: {  	[sflag:s22] =	ssyncadd.s32 $0xFFFFE000  }
0x17f: {  	_ =	swait.ge [sflag:s22], $0x2000  }
0x180: {  	[sflag:s22] =	ssyncset.done $0x0  }
0x181: {  	[sflag:s22] =	ssyncadd.s32 $0xFFFFE000  }
0x182: {  	_ =	swait.ge [sflag:s22], $0x2000  }
0x183: {  	s10 =	sshra.s32 s10, $0x2;
	[sflag:s22] =	ssyncset.done $0x0  }
0x184: {  	s12 =	sadd.s32 $0x2A00, s10;
	[sflag:s22] =	ssyncadd.s32 $0xFFFFE000  }
0x185: {  	[spmem:s1] =	stream.indirect.scatter.add.f32 [tilespmem:s18], [sflag:$0x3], $0x40, s12, s17, $0xb8;
	[tilespmem:$0x1AF00] =	vst v63  }
0x186: {  	s12 =	sadd.s32 $0x2A80, s10  }
0x187: {  	[spmem:s1] =	stream.indirect.scatter.add.f32 [tilespmem:s19], [sflag:$0x3], $0x40, s12, s17, $0xb8;
	[tilespmem:$0x1AF00] =	vst v63  }
0x188: {  	s12 =	sadd.s32 $0x2B00, s10  }
0x189: {  	[spmem:s1] =	stream.indirect.scatter.add.f32 [tilespmem:s21], [sflag:$0x3], $0x40, s12, s17, $0xb8;
	[tilespmem:$0x1AF00] =	vst v63  }
0x18a: {  	_ =	swait.ge [sflag:s11], $0x2000  }
0x18b: {  	[sflag:s11] =	ssyncset.done $0x0  }
0x18c: {  	[sflag:s11] =	ssyncadd.s32 $0xFFFFE000  }
0x18d: {  	_ =	swait.ge [sflag:s11], $0x2000  }
0x18e: {  	[sflag:s11] =	ssyncset.done $0x0  }
0x18f: {  	[sflag:s11] =	ssyncadd.s32 $0xFFFFE000  }
0x190: {  	_ =	swait.ge [sflag:s11], $0x2000  }
0x191: {  	[sflag:s11] =	ssyncset.done $0x0  }
0x192: {  	s12 =	sadd.s32 $0x480, s10;
	[sflag:s11] =	ssyncadd.s32 $0xFFFFE000  }
0x193: {  	[tilespmem:s26], [sflag:$0x2] =	stream.indirect.gather [hbm4b:s6+s17], $0x40, s12, s17, $0xb8;
	[tilespmem:$0x1AF00] =	vst v63  }
0x194: {  	s12 =	sadd.s32 $0x500, s10  }
0x195: {  	[tilespmem:s29], [sflag:$0x2] =	stream.indirect.gather [hbm4b:s6+s17], $0x40, s12, s17, $0xb8;
	[tilespmem:$0x1AF00] =	vst v63  }
0x196: {  	s12 =	sadd.s32 $0x580, s10  }
0x197: {  	[tilespmem:s31], [sflag:$0x2] =	stream.indirect.gather [hbm4b:s6+s17], $0x40, s12, s17, $0xb8;
	[tilespmem:$0x1AF00] =	vst v63  }
0x198: {  	_ =	swait.ge [sflag:s0], $0x2000  }
0x199: {  	[sflag:s0] =	ssyncset.done $0x0  }
0x19a: {  	[sflag:s0] =	ssyncadd.s32 $0xFFFFE000  }
0x19b: {  	_ =	swait.ge [sflag:s0], $0x2000  }
0x19c: {  	[sflag:s0] =	ssyncset.done $0x0  }
0x19d: {  	[sflag:s0] =	ssyncadd.s32 $0xFFFFE000  }
0x19e: {  	_ =	swait.ge [sflag:s0], $0x2000  }
0x19f: {  	[sflag:s0] =	ssyncset.done $0x0  }
0x1a0: {  	s12 =	sadd.s32 $0x2B80, s10;
	[sflag:s0] =	ssyncadd.s32 $0xFFFFE000  }
0x1a1: {  	[spmem:s1] =	stream.indirect.scatter.add.f32 [tilespmem:s26], [sflag:$0x4], $0x40, s12, s17, $0xb8;
	[tilespmem:$0x1AF00] =	vst v63  }
0x1a2: {  	s12 =	sadd.s32 $0x2C00, s10  }
0x1a3: {  	[spmem:s1] =	stream.indirect.scatter.add.f32 [tilespmem:s29], [sflag:$0x4], $0x40, s12, s17, $0xb8;
	[tilespmem:$0x1AF00] =	vst v63  }
0x1a4: {  	s12 =	sadd.s32 $0x2C80, s10  }
0x1a5: {  	[spmem:s1] =	stream.indirect.scatter.add.f32 [tilespmem:s31], [sflag:$0x4], $0x40, s12, s17, $0xb8;
	[tilespmem:$0x1AF00] =	vst v63  }
0x1a6: {  	_ =	swait.ge [sflag:s8], $0x2000  }
0x1a7: {  	[sflag:s8] =	ssyncset.done $0x0  }
0x1a8: {  	[sflag:s8] =	ssyncadd.s32 $0xFFFFE000  }
0x1a9: {  	_ =	swait.ge [sflag:s8], $0x2000  }
0x1aa: {  	[sflag:s8] =	ssyncset.done $0x0  }
0x1ab: {  	[sflag:s8] =	ssyncadd.s32 $0xFFFFE000  }
0x1ac: {  	_ =	swait.ge [sflag:s8], $0x2000  }
0x1ad: {  	[sflag:s8] =	ssyncset.done $0x0  }
.Ltmp1:
0x1ae: {  	s12 =	sadd.s32 $0x600, s10;
	[sflag:s8] =	ssyncadd.s32 $0xFFFFE000;
	(pc) =	sbr.rel @p1 .LBB2_4-.Ltmp1, $4  }
0x1af: {  	[tilespmem:s18], [sflag:$0x1] =	stream.indirect.gather [hbm4b:s6+s17], $0x40, s12, s17, $0xb8;
	[tilespmem:$0x1AF00] =	vst v63  }
0x1b0: {  	s12 =	sadd.s32 $0x680, s10  }
0x1b1: {  	[tilespmem:s19], [sflag:$0x1] =	stream.indirect.gather [hbm4b:s6+s17], $0x40, s12, s17, $0xb8;
	[tilespmem:$0x1AF00] =	vst v63  }
0x1b2: {  	s10 =	sadd.s32 $0x700, s10  }
0x1b3: {  	[tilespmem:s21], [sflag:$0x1] =	stream.indirect.gather [hbm4b:s6+s17], $0x40, s10, s17, $0xb8;
	[tilespmem:$0x1AF00] =	vst v63  }
0x1b4: {  	_ =	swait.ge [sflag:s22], $0x2000  }
0x1b5: {  	[sflag:s22] =	ssyncset.done $0x0  }
0x1b6: {  	[sflag:s22] =	ssyncadd.s32 $0xFFFFE000  }
0x1b7: {  	_ =	swait.ge [sflag:s22], $0x2000  }
0x1b8: {  	[sflag:s22] =	ssyncset.done $0x0  }
0x1b9: {  	[sflag:s22] =	ssyncadd.s32 $0xFFFFE000  }
0x1ba: {  	_ =	swait.ge [sflag:s22], $0x2000  }
0x1bb: {  	[sflag:s22] =	ssyncset.done $0x0  }
0x1bc: {  	s23 =	simm.s32 $0x4B00;
	[sflag:s22] =	ssyncadd.s32 $0xFFFFE000  }
0x1bd: {  	[spmem:s1] =	stream.indirect.scatter.add.f32 [tilespmem:s18], [sflag:$0x3], $0x40, s23, s17, $0xb8;
	[tilespmem:$0x1AF00] =	vst v63  }
0x1be: {  	s12 =	simm.s32 $0x4B80  }
0x1bf: {  	[spmem:s1] =	stream.indirect.scatter.add.f32 [tilespmem:s19], [sflag:$0x3], $0x40, s12, s17, $0xb8;
	[tilespmem:$0x1AF00] =	vst v63  }
0x1c0: {  	s13 =	simm.s32 $0x4C00  }
0x1c1: {  	[spmem:s1] =	stream.indirect.scatter.add.f32 [tilespmem:s21], [sflag:$0x3], $0x40, s13, s17, $0xb8;
	[tilespmem:$0x1AF00] =	vst v63  }
0x1c2: {  	_ =	swait.ge [sflag:s11], $0x2000  }
0x1c3: {  	[sflag:s11] =	ssyncset.done $0x0  }
0x1c4: {  	[sflag:s11] =	ssyncadd.s32 $0xFFFFE000  }
0x1c5: {  	_ =	swait.ge [sflag:s11], $0x2000  }
0x1c6: {  	[sflag:s11] =	ssyncset.done $0x0  }
0x1c7: {  	[sflag:s11] =	ssyncadd.s32 $0xFFFFE000  }
0x1c8: {  	_ =	swait.ge [sflag:s11], $0x2000  }
0x1c9: {  	[sflag:s11] =	ssyncset.done $0x0  }
0x1ca: {  	[sflag:s11] =	ssyncadd.s32 $0xFFFFE000  }
0x1cb: {  	[tilespmem:s26], [sflag:$0x2] =	stream.indirect.gather [hbm4b:s6+s17], $0x40, s24, s17, $0xb8;
	[tilespmem:$0x1AF00] =	vst v63  }
0x1cc: {  	_ = 	snop  }
0x1cd: {  	[tilespmem:s29], [sflag:$0x2] =	stream.indirect.gather [hbm4b:s6+s17], $0x40, s14, s17, $0xb8;
	[tilespmem:$0x1AF00] =	vst v63  }
0x1ce: {  	_ = 	snop  }
0x1cf: {  	[tilespmem:s31], [sflag:$0x2] =	stream.indirect.gather [hbm4b:s6+s17], $0x40, s25, s17, $0xb8;
	[tilespmem:$0x1AF00] =	vst v63  }
0x1d0: {  	_ =	swait.ge [sflag:s0], $0x2000  }
0x1d1: {  	[sflag:s0] =	ssyncset.done $0x0  }
0x1d2: {  	[sflag:s0] =	ssyncadd.s32 $0xFFFFE000  }
0x1d3: {  	_ =	swait.ge [sflag:s0], $0x2000  }
0x1d4: {  	[sflag:s0] =	ssyncset.done $0x0  }
0x1d5: {  	[sflag:s0] =	ssyncadd.s32 $0xFFFFE000  }
0x1d6: {  	_ =	swait.ge [sflag:s0], $0x2000  }
0x1d7: {  	[sflag:s0] =	ssyncset.done $0x0  }
0x1d8: {  	[sflag:s0] =	ssyncadd.s32 $0xFFFFE000  }
0x1d9: {  	[spmem:s1] =	stream.indirect.scatter.add.f32 [tilespmem:s26], [sflag:$0x4], $0x40, s28, s17, $0xb8;
	[tilespmem:$0x1AF00] =	vst v63  }
0x1da: {  	_ = 	snop  }
0x1db: {  	[spmem:s1] =	stream.indirect.scatter.add.f32 [tilespmem:s29], [sflag:$0x4], $0x40, s30, s17, $0xb8;
	[tilespmem:$0x1AF00] =	vst v63  }
0x1dc: {  	_ = 	snop  }
0x1dd: {  	[spmem:s1] =	stream.indirect.scatter.add.f32 [tilespmem:s31], [sflag:$0x4], $0x40, s2, s17, $0xb8;
	[tilespmem:$0x1AF00] =	vst v63  }
0x1de: {  	_ =	swait.ge [sflag:s8], $0x2000  }
0x1df: {  	[sflag:s8] =	ssyncset.done $0x0  }
0x1e0: {  	[sflag:s8] =	ssyncadd.s32 $0xFFFFE000  }
0x1e1: {  	_ =	swait.ge [sflag:s8], $0x2000  }
0x1e2: {  	[sflag:s8] =	ssyncset.done $0x0  }
0x1e3: {  	[sflag:s8] =	ssyncadd.s32 $0xFFFFE000  }
0x1e4: {  	_ =	swait.ge [sflag:s8], $0x2000  }
0x1e5: {  	[sflag:s8] =	ssyncset.done $0x0  }
0x1e6: {  	[sflag:s8] =	ssyncadd.s32 $0xFFFFE000  }
0x1e7: {  	_ =	swait.ge [sflag:s11], $0x2000  }
0x1e8: {  	[sflag:s11] =	ssyncset.done $0x0  }
0x1e9: {  	[sflag:s11] =	ssyncadd.s32 $0xFFFFE000  }
0x1ea: {  	_ =	swait.ge [sflag:s11], $0x2000  }
0x1eb: {  	[sflag:s11] =	ssyncset.done $0x0  }
0x1ec: {  	[sflag:s11] =	ssyncadd.s32 $0xFFFFE000  }
0x1ed: {  	_ =	swait.ge [sflag:s11], $0x2000  }
0x1ee: {  	s10 =	simm.s32 @!p0 $0x0;
	s20 =	simm.s32 @!p0 $0x5;
	[sflag:s11] =	ssyncset.done $0x0  }
0x1ef: {  	s12 =	simm.s32 @!p0 $0x4E00;
	s13 =	rddreg [dreg:$0x8];
	[sflag:s11] =	ssyncadd.s32 $0xFFFFE000  }
0x1f0: {  	[tilespmem:s12], [sflag:$0x5] =	stream.linear.gather @!p0 [hbm4b:s13+s10], $0x80, $0x38;
	[tilespmem:$0x1AF00] =	vst v63  }
0x1f1: {  	_ =	swait.ge @!p0 [sflag:s20], $0x80  }
0x1f2: {  	[sflag:s20] =	ssyncset.done @!p0 $0x0  }
0x1f3: {  	s23 =	simm.s32 @!p0 $0x4E80;
	s13 =	rddreg [dreg:$0x9];
	[sflag:s20] =	ssyncadd.s32 @!p0 $0xFFFFFF80  }
0x1f4: {  	[tilespmem:s23], [sflag:$0x5] =	stream.linear.gather @!p0 [hbm4b:s13+s10], $0x80, $0x38;
	[tilespmem:$0x1AF00] =	vst v63  }
0x1f5: {  	_ =	swait.ge @!p0 [sflag:s20], $0x80  }
0x1f6: {  	[sflag:s20] =	ssyncset.done @!p0 $0x0  }
0x1f7: {  	s10 =	simm.s32 @!p0 $0x80;
	s13 =	simm.s32 @!p0 $0x4F00;
	[sflag:s20] =	ssyncadd.s32 @!p0 $0xFFFFFF80  }
0x1f8: {  	[tilespmem:s13], [sflag:$0x1] =	stream.indirect.gather @!p0 [hbm4b:s6+s10], $0x40, s12, s10, $0xb8;
	[tilespmem:$0x1AF00] =	vst v63  }
0x1f9: {  	s12 =	simm.s32 @!p0 $0x1  }
0x1fa: {  	_ =	swait.ge @!p0 [sflag:s12], $0x2000  }
0x1fb: {  	[sflag:s12] =	ssyncset.done @!p0 $0x0  }
0x1fc: {  	[sflag:s12] =	ssyncadd.s32 @!p0 $0xFFFFE000  }
0x1fd: {  	[spmem:s1] =	stream.indirect.scatter.add.f32 @!p0 [tilespmem:s13], [sflag:$0x5], $0x40, s23, s10, $0xb8;
	[tilespmem:$0x1AF00] =	vst v63  }
0x1fe: {  	_ =	swait.ge @!p0 [sflag:s20], $0x2000  }
0x1ff: {  	[sflag:s20] =	ssyncset.done @!p0 $0x0  }
0x200: {  	[sflag:s20] =	ssyncadd.s32 @!p0 $0xFFFFE000  }
0x201: {  	[bflag:$0x0] =	sbarrier.arrive $0xFFFF  }
0x202: {  	s20 =	rddreg [dreg:$0xa]  }
0x203: {  	[hbm:s20], [sflag:s7] =	dma.local [spmem:s9], $0x1400  }
0x204: {  	_ =	swait.ge [sflag:s15], $0x1400  }
0x205: {  	s5 =	sadd.s32 $0x1, s5;
	s23 =	rddreg [dreg:$0xb]  }
0x206: {  	p1 =	sne.s32 s5, s23  }
.Ltmp2:
0x207: {  	_ = 	snop;
	(pc) =	sbr.rel @p1 .LBB2_1-.Ltmp2, $3  }
0x208: {  	_ =	sdelay $0x1  }
0x209: {  	[sflag:s15] =	ssyncset.done $0x0  }
0x20a: {  	s13 =	simm.s32 $0x100;
	[sflag:s15] =	ssyncadd.s32 $0xFFFFEC00;
	s23 =	simm.s32 $0x2780  }
0x20b: {  	_ =	sfence.sel $0x180000  }
0x20c: {  	[bflag:$0x0] =	sbarrier.arrive $0xFFFF  }
0x20d: {  	_ =	strace $0x9000004A  }
0x20e: {  	s0 =	stileid.u32;
	[bflag:$0x2] =	sbarrier.arrive $0xFFFF  }
0x20f: {  	p0 =	sne.s32 s0, $0x0;
	s0 =	rddreg [dreg:$0x2]  }
0x210: {  	s0 =	sadd.s32 @!p0 $0x100000, s0  }
0x211: {  	[sflag:s0] =	ssyncadd.tile.s32 @!p0 $0x1;
	_ =	shalt  }
.Lfunc_end2:
_tile_overlayer_lowered:
.L_overlay_start_2:
0x212: {  	(tag) =	ssettag $0x2  }
0x213: {  	s0 =	rddreg [dreg:$0x0];
	s2 =	stileid.u32  }
0x214: {  	s1 =	rddreg [dreg:$0x1];
	p0 =	sne.s32 s2, $0x0  }
0x215: {  	s3 =	rddreg [dreg:$0x2];
	[bflag:$0x3] =	sbarrier.arrive $0xFFFF;
	s2 =	simm.s32 @!p0 $0x1C05  }
0x216: {  	[timem:s3], [sflag:s2] =	dma.local @!p0 [hbm:s0], s1  }
0x217: {  	s0 =	simm.s32 @!p0 $0x5  }
0x218: {  	_ =	swait.ge @!p0 [sflag:s0], s1  }
0x219: {  	s1 =	ssub.s32 @!p0 $0x0, s1;
	[sflag:s0] =	ssyncset.done @!p0 $0x0  }
0x21a: {  	[sflag:s0] =	ssyncadd.s32 @!p0 s1  }
0x21b: {  	[bflag:$0x3] =	sbarrier.arrive $0xFFFF  }
0x21c: {  	_ =	shalt  }

// kernel: kernel.7.cloned.1.call-start
scs
__scs_entry_jumppad:
0x0: {  	(pc) =	sbr.rel $0x88, $3  }
0x1: {  	(tag) =	ssettag $0x0;
	lr =	simm.s32 $0x1  }
0x2: {  	[smem:$0x3F97] =	sst lr;
	_ =	strace $0xD0000000  }
0x3: {  	_ = 	snop  }
0x4: {  	_ = 	snop  }
0x5: {  	_ = 	snop  }
0x6: {  	_ = 	snop  }
0x7: {  	_ = 	snop  }
__scs_overlays_trampoline_lowered:
0x8: {  	[smem:$0x3FA6] =	sst s0  }
0x9: {  	[smem:$0x3FA7] =	sst s1  }
0xa: {  	[smem:$0x3FA8] =	sst s2  }
0xb: {  	[smem:$0x3FA9] =	sst s3  }
0xc: {  	[smem:$0x3FAA] =	sst s4  }
0xd: {  	[smem:$0x3FAB] =	sst s5  }
0xe: {  	[smem:$0x3FAC] =	sst s6  }
0xf: {  	[smem:$0x3FAD] =	sst s7  }
0x10: {  	[smem:$0x3FAE] =	sst s8  }
0x11: {  	[smem:$0x3FAF] =	sst s9;
	s0 =	simm.s32 @!p0 $0x0  }
0x12: {  	s1 =	sld [smem:$0x3F95];
	s0 =	simm.s32 @p0 $0x1  }
0x13: {  	[smem:$0x3FB0] =	sst s0;
	s0 =	simm.s32 @!p1 $0x0  }
0x14: {  	s2 =	sld [smem:$0x3F94];
	s0 =	simm.s32 @p1 $0x1  }
0x15: {  	[smem:$0x3FB1] =	sst s0;
	s0 =	simm.s32 @!p2 $0x0  }
0x16: {  	s3 =	sld [smem:$0x3FDB];
	s0 =	simm.s32 @p2 $0x1  }
0x17: {  	s4 =	simm.s32 $0x1BF5;
	[smem:$0x3FB3] =	sst s0  }
0x18: {  	s0 =	sld [smem:$0x3F96];
	_ =	swait.ge [sflag:s4], $0x0  }
0x19: {  	s7 =	sld [smem:$0x3F97]  }
0x1a: {  	s8 =	sadd.s32 $0xFFFFE003, lr  }
0x1b: {  	s9 =	sadd.s32 $0xFFFFFEF7, lr;
	s5 =	simm.s32 $0xFFFFFFFF;
	p2 =	slt.u32 s8, $0xFFFFF086  }
0x1c: {  	p1 =	slt.u32 s9, $0xF7A;
	s5 =	simm.s32 @!p2 $0x0  }
0x1d: {  	s5 =	simm.s32 @p1 $0x1;
	p0 =	seq.s32 s7, s2  }
0x1e: {  	s7 =	smul.u32 @!p0 $0xF7A, s2;
	p2 =	seq.s32 @!p0 s5, $0x0  }
0x1f: {  	s9 =	smul.u32 $0xF7A, s1;
	s8 =	simm.s32 @!p0 $0x1BF5;
	p2 =	por !p2, p0  }
0x20: {  	[sflag:s8] =	ssyncset.s32 @!p0 $0xFFFFF086;
	s6 =	sadd.s32 @!p0 s3, s7;
	s7 =	simm.s32 @!p0 $0x108  }
0x21: {  	s3 =	sadd.s32 s3, s9;
	s6 =	sadd.s32 @!p0 $0x88, s6;
	s7 =	simm.s32 @p2 $0x1082  }
0x22: {  	[simem:s7], [sflag:s8] =	dma.local @!p0 [hbm:s6], $0xF7A  }
0x23: {  	s9 =	sor.u32 $0xD0000000, s2;
	s6 =	simm.s32 $0x108;
	_ =	swait.ge @!p0 [sflag:s8], $0x0  }
0x24: {  	s3 =	sadd.s32 $0x88, s3;
	s6 =	simm.s32 @!p1 $0x1082;
	[sflag:s4] =	ssyncset.s32 $0xFFFFF086  }
0x25: {  	[simem:s6], [sflag:s4] =	dma.local [hbm:s3], $0xF7A  }
0x26: {  	[smem:$0x3F97] =	sst s1;
	(tag) =	ssettag s2;
	_ =	strace s9  }
0x27: {  	s1 =	sld [smem:$0x3FA7]  }
0x28: {  	s2 =	sld [smem:$0x3FA8]  }
0x29: {  	s4 =	sld [smem:$0x3FAA]  }
0x2a: {  	p0 =	seq.s32 s5, $0x0;
	s5 =	sld [smem:$0x3FAB]  }
0x2b: {  	s6 =	sld [smem:$0x3FAC]  }
0x2c: {  	s7 =	sld [smem:$0x3FAD]  }
0x2d: {  	s3 =	simm.s32 $0x108;
	s8 =	sld [smem:$0x3FAE]  }
0x2e: {  	s3 =	simm.s32 @!p0 $0x1082;
	s9 =	sld [smem:$0x3FAF]  }
0x2f: {  	lr =	sadd.s32 s0, s3;
	s0 =	sld [smem:$0x3FA6]  }
0x30: {  	s3 =	sld [smem:$0x3FA9]  }
0x31: {  	[smem:$0x3FB2] =	sst s10  }
0x32: {  	s10 =	sld [smem:$0x3FB0];
	_ =	sdelay $0x3  }
0x33: {  	p0 =	seq.s32 s10, $0x1;
	s10 =	sld [smem:$0x3FB2];
	_ =	sdelay $0x3  }
0x34: {  	[smem:$0x3FB2] =	sst s10  }
0x35: {  	s10 =	sld [smem:$0x3FB1];
	_ =	sdelay $0x3  }
0x36: {  	p1 =	seq.s32 s10, $0x1;
	s10 =	sld [smem:$0x3FB2];
	_ =	sdelay $0x3  }
0x37: {  	[smem:$0x3FB2] =	sst s10  }
0x38: {  	s10 =	sld [smem:$0x3FB3]  }
0x39: {  	_ = 	snop;
	(pc) =	sbr.ind lr, $3  }
0x3a: {  	_ = 	snop  }
0x3b: {  	_ = 	snop  }
0x3c: {  	p2 =	seq.s32 s10, $0x1;
	s10 =	sld [smem:$0x3FB2]  }
0x3d: {  	_ =	shalt  }
0x3e: {  	_ =	shalt  }
0x3f: {  	_ =	shalt  }
0x40: {  	_ =	shalt  }
0x41: {  	_ =	shalt  }
0x42: {  	_ =	shalt  }
0x43: {  	_ =	shalt  }
0x44: {  	_ =	shalt  }
0x45: {  	_ =	shalt  }
0x46: {  	_ =	shalt  }
0x47: {  	_ =	shalt  }
0x48: {  	_ =	shalt  }
0x49: {  	_ =	shalt  }
0x4a: {  	_ =	shalt  }
0x4b: {  	_ =	shalt  }
0x4c: {  	_ =	shalt  }
0x4d: {  	_ =	shalt  }
0x4e: {  	_ =	shalt  }
0x4f: {  	_ =	shalt  }
0x50: {  	_ =	shalt  }
0x51: {  	_ =	shalt  }
0x52: {  	_ =	shalt  }
0x53: {  	_ =	shalt  }
0x54: {  	_ =	shalt  }
0x55: {  	_ =	shalt  }
0x56: {  	_ =	shalt  }
0x57: {  	_ =	shalt  }
0x58: {  	_ =	shalt  }
0x59: {  	_ =	shalt  }
0x5a: {  	_ =	shalt  }
0x5b: {  	_ =	shalt  }
0x5c: {  	_ =	shalt  }
0x5d: {  	_ =	shalt  }
0x5e: {  	_ =	shalt  }
0x5f: {  	_ =	shalt  }
0x60: {  	_ =	shalt  }
0x61: {  	_ =	shalt  }
0x62: {  	_ =	shalt  }
0x63: {  	_ =	shalt  }
0x64: {  	_ =	shalt  }
0x65: {  	_ =	shalt  }
0x66: {  	_ =	shalt  }
0x67: {  	_ =	shalt  }
0x68: {  	_ =	shalt  }
0x69: {  	_ =	shalt  }
0x6a: {  	_ =	shalt  }
0x6b: {  	_ =	shalt  }
0x6c: {  	_ =	shalt  }
0x6d: {  	_ =	shalt  }
0x6e: {  	_ =	shalt  }
0x6f: {  	_ =	shalt  }
0x70: {  	_ =	shalt  }
0x71: {  	_ =	shalt  }
0x72: {  	_ =	shalt  }
0x73: {  	_ =	shalt  }
0x74: {  	_ =	shalt  }
0x75: {  	_ =	shalt  }
0x76: {  	_ =	shalt  }
0x77: {  	_ =	shalt  }
0x78: {  	_ =	shalt  }
0x79: {  	_ =	shalt  }
0x7a: {  	_ =	shalt  }
0x7b: {  	_ =	shalt  }
0x7c: {  	_ =	shalt  }
0x7d: {  	_ =	shalt  }
0x7e: {  	_ =	shalt  }
0x7f: {  	_ =	shalt  }
0x80: {  	_ =	shalt  }
0x81: {  	_ =	shalt  }
0x82: {  	_ =	shalt  }
0x83: {  	_ =	shalt  }
0x84: {  	_ =	shalt  }
0x85: {  	_ =	shalt  }
0x86: {  	_ =	shalt  }
0x87: {  	_ =	shalt  }
.Lfunc_end0:
.L_simem_size_0:
called_computation_lowered:
.L_overlay_start_0:
0x88: {  	s2 =	sld [smem:$0x3FD9]  }
0x89: {  	s3 =	sld [smem:$0x3FFE];
	_ =	sdelay $0x1  }
0x8a: {  	s1 =	srdreg.scid  }
0x8b: {  	s0 =	sand.u32 $0x1, s1  }
0x8c: {  	s16 =	sshll.u32 s0, $0xA;
	s2 =	sadd.s32 s3, s2  }
0x8d: {  	s2 =	sadd.s32 s2, s16  }
0x8e: {  	[smem:$0x3FBE] =	sst s2  }
0x8f: {  	_ = 	snop  }
0x90: {  	(tm) =	ssettm $0x1  }
0x91: {  	s17 =	sld [smem:$0x3FFB];
	_ =	sdelay $0x3  }
0x92: {  	_ =	strace s17  }
0x93: {  	s2 =	sld [smem:$0x3FFC];
	_ =	sdelay $0x3  }
0x94: {  	_ =	strace s2  }
0x95: {  	s2 =	sld [smem:$0x3FFD];
	_ =	sdelay $0x3  }
0x96: {  	_ =	strace s2  }
0x97: {  	_ =	strace $0x8FFFFFFF  }
0x98: {  	s18 =	sld [smem:$0x3FDB];
	_ =	sdelay $0x1  }
0x99: {  	s19 =	simm.s32 $_scs_section_size  }
0x9a: {  	s4 =	simm.s32 $_size__tile_overlayer_lowered;
	s5 =	simm.s32 $_tile_overlayer_lowered  }
0x9b: {  	s22 =	simm.s32 $0x1BFF;
	s21 =	sshll.u32 s5, $0x1;
	s2 =	sadd.s32 s19, s18  }
0x9c: {  	s6 =	simm.s32 $0x0;
	s20 =	sshll.u32 s4, $0x1;
	s4 =	sadd.s32 s21, s2  }
0x9d: {  	[timem:s6], [sflag:s22] =	dma.local [hbm:s4], s20  }
0x9e: {  	_ =	swait.ge [sflag:s22], s20  }
0x9f: {  	s3 =	ssub.s32 $0x0, s20;
	[sflag:s22] =	ssyncset.done $0x0  }
0xa0: {  	[sflag:s22] =	ssyncadd.s32 s3;
	_ =	sdelay $0x1  }
0xa1: {  	s23 =	simm.s32 $0x1B8B  }
0xa2: {  	_ =	swait.ge [sflag:s23], $0x1  }
0xa3: {  	[sflag:s23] =	ssyncset.done $0x0  }
0xa4: {  	s25 =	simm.s32 $0x1B8E;
	s24 =	sld [smem:$0x3FFE];
	[sflag:s23] =	ssyncadd.s32 $0xFFFFFFFF  }
0xa5: {  	s26 =	simm.s32 $execute0_lowered;
	[smem:$0x3FD2] =	sst s25  }
0xa6: {  	s4 =	sshll.u32 s26, $0x1;
	_ =	strace $0x80000046;
	[dreg:$0x1] =	wrdreg $0xFFFFFFFF  }
0xa7: {  	s28 =	simm.s32 $_size_execute0_lowered;
	s2 =	sadd.s32 s2, s4;
	[dreg:$0x0] =	wrdreg $0x0  }
0xa8: {  	s4 =	sshll.u32 s28, $0x1;
	[dreg:$0x2] =	wrdreg s2  }
0xa9: {  	[dreg:$0x3] =	wrdreg s4  }
0xaa: {  	[dreg:$0x4] =	wrdreg $0xC0  }
0xab: {  	_ =	task [dreg:s6], $0x5FFFF  }
0xac: {  	[dreg:$0x1] =	wrdreg $0xFFFFFFFF  }
0xad: {  	[dreg:$0x0] =	wrdreg $0x60  }
0xae: {  	[dreg:$0x2] =	wrdreg s24  }
0xaf: {  	[dreg:$0x3] =	wrdreg $0x2A800  }
0xb0: {  	[dreg:$0x4] =	wrdreg $0x9  }
0xb1: {  	_ =	task.clear_ibuf [dreg:s6], $0x5FFFF;
	_ =	strace $0x90000046  }
0xb2: {  	s29 =	simm.s32 $0x9;
	_ =	strace $0x80000048  }
0xb3: {  	_ =	swait.ge [sflag:s29], $0x1  }
0xb4: {  	[sflag:s29] =	ssyncadd.s32 $0xFFFFFFFF  }
0xb5: {  	_ =	strace $0x90000048  }
0xb6: {  	_ =	sfence  }
0xb7: {  	s30 =	sld [smem:$0x0];
	_ =	sdelay $0x2  }
0xb8: {  	s31 =	sshll.u32 s1, $0xD;
	s1 =	sshrl.u32 s1, $0x2  }
0xb9: {  	s3 =	sand.u32 $0x4000, s31;
	s1 =	sadd.s32 s1, s30  }
0xba: {  	s0 =	sor.u32 s3, s0;
	s1 =	sshll.u32 s1, $0x11  }
0xbb: {  	s0 =	sor.u32 s1, s0  }
0xbc: {  	s0 =	sadd.s32 $0x8F2B, s0  }
0xbd: {  	[sflag:s0] =	ssyncadd.remote.s32 $0x1  }
0xbe: {  	_ =	sfence.sel $0xFFFF  }
0xbf: {  	[dreg:$0x0] =	wrdreg $0xFFFFFFFF;
	(pc) =	sbr.abs _section_cstart, $3  }
0xc0: {  	[dreg:$0x1] =	wrdreg $0xFFFFFFFF  }
0xc1: {  	_ =	task.clear_ibuf [dreg:s6], $0x2FFFF;
	_ =	strace $0x9FFFFFFF  }
0xc2: {  	(tm) =	ssettm $0x7FFFFFFF  }
0xc3: {  	_ =	shalt  }
tec
execute0_lowered:
.L_overlay_start_1:
0x0: {  	(tag) =	ssettag $0x1  }
0x1: {  	s1 =	srdreg.scid  }
0x2: {  	s0 =	stileid.u32;
	s4 =	rddreg [dreg:$0x0]  }
0x3: {  	s2 =	rddreg [dreg:$0x1];
	s3 =	simm.s32 $0x0;
	s12 =	simm.s32 $0x2780  }
0x4: {  	s13 =	simm.s32 $0x100;
	s14 =	simm.s32 $0x180;
	s15 =	simm.s32 $0x200  }
0x5: {  	s16 =	simm.s32 $0x280;
	s17 =	simm.s32 $0x1;
	s20 =	simm.s32 $0x0  }
0x6: {  	s5 =	sand.u32 $0x1, s1;
	s6 =	smul.u32 $0x280, s0;
	s1 =	rddreg [dreg:$0x2]  }
0x7: {  	[smem:$0x7FF] =	sst s3;
	s8 =	smul.u32 $0x9C0, s0;
	s10 =	sadd.s32 $0x1E00, s4  }
0x8: {  	s29 =	sshll.u32 s0, $0x4;
	p0 =	sgt.u32 s0, $0x1;
	s7 =	smul.u32 $0x2800, s5  }
0x9: {  	s18 =	sshll.u32 s0, $0x6;
	_ =	strace $0x80000047;
	s9 =	smul.u32 $0x4E0, s5  }
0xa: {  	s28 =	ssub.s32 $0x2, s5;
	s5 =	sshll.u32 s5, $0x5;
	s18 =	sor.u32 $0x1C02, s18  }
0xb: {  	s11 =	sshrl.u32 s28, $0x1;
	s7 =	sadd.s32 s6, s7;
	s8 =	sadd.s32 s9, s8  }
0xc: {  	s9 =	sadd.s32 s29, s10;
	s30 =	ssub.s32 s28, s11;
	s11 =	simm.s32 $0x80  }
0xd: {  	s7 =	sshrl.u32 s7, $0x3;
	s8 =	sadd.s32 s8, s10;
	s31 =	sadd.s32 s5, s9  }
0xe: {  	s5 =	sadd.s32 s6, s2;
	s9 =	simm.s32 $0x2;
	s10 =	simm.s32 $0x2800  }
0xf: {  	s7 =	sadd.s32 s7, s4;
	s4 =	sadd.s32 $0x9C40, s8;
	s6 =	sadd.s32 $0x13840, s31  }
0x10: {  	v0 =	vimm.f32 $1.000000000e+00;
	v1 =	vimm.f32 $0.0e+00;
	s8 =	smax.u32 s30, $0x1;
	s19 =	sshrl.u32 s5, $0x3;
	s7 =	sadd.s32 $0x15800, s7  }
.LBB2_1:
0x11: {  	[tilespmem:s3], [sflag:$0x2] =	stream.linear.gather [hbm4b:s4+s3], $0x2700, $0x38;
	[tilespmem:$0x2D00] =	vst v63  }
0x12: {  	_ =	swait.ge [sflag:s9], $0x2700  }
0x13: {  	[sflag:s9] =	ssyncset.done $0x0  }
0x14: {  	[sflag:s9] =	ssyncadd.s32 $0xFFFFD900  }
0x15: {  	[tilespmem:$0x2780] =	vst v0  }
0x16: {  	[tilespmem:$0x2790] =	vst v0  }
0x17: {  	[tilespmem:$0x27A0] =	vst v0  }
0x18: {  	[tilespmem:$0x27B0] =	vst v0  }
0x19: {  	[tilespmem:$0x27C0] =	vst v0  }
0x1a: {  	[tilespmem:$0x27D0] =	vst v0  }
0x1b: {  	[tilespmem:$0x27E0] =	vst v0  }
0x1c: {  	[tilespmem:$0x27F0] =	vst v0  }
0x1d: {  	[tilespmem:$0x2800] =	vst v1  }
0x1e: {  	[tilespmem:$0x2810] =	vst v1  }
0x1f: {  	[tilespmem:$0x2820] =	vst v1  }
0x20: {  	[tilespmem:$0x2830] =	vst v1  }
0x21: {  	[tilespmem:$0x2840] =	vst v1  }
0x22: {  	[tilespmem:$0x2850] =	vst v1  }
0x23: {  	[tilespmem:$0x2860] =	vst v1  }
0x24: {  	[tilespmem:$0x2870] =	vst v1  }
0x25: {  	[tilespmem:$0x2880] =	vst v1  }
0x26: {  	[tilespmem:$0x2890] =	vst v1  }
0x27: {  	[tilespmem:$0x28A0] =	vst v1  }
0x28: {  	[tilespmem:$0x28B0] =	vst v1  }
0x29: {  	[tilespmem:$0x28C0] =	vst v1  }
0x2a: {  	[tilespmem:$0x28D0] =	vst v1  }
0x2b: {  	[tilespmem:$0x28E0] =	vst v1  }
0x2c: {  	[tilespmem:$0x28F0] =	vst v1  }
0x2d: {  	[tilespmem:$0x2900] =	vst v1  }
0x2e: {  	[tilespmem:$0x2910] =	vst v1  }
0x2f: {  	[tilespmem:$0x2920] =	vst v1  }
0x30: {  	[tilespmem:$0x2930] =	vst v1  }
0x31: {  	[tilespmem:$0x2940] =	vst v1  }
0x32: {  	[tilespmem:$0x2950] =	vst v1  }
0x33: {  	[tilespmem:$0x2960] =	vst v1  }
0x34: {  	[tilespmem:$0x2970] =	vst v1  }
0x35: {  	[tilespmem:$0x2980] =	vst v1  }
0x36: {  	[tilespmem:$0x2990] =	vst v1  }
0x37: {  	[tilespmem:$0x29A0] =	vst v1  }
0x38: {  	[tilespmem:$0x29B0] =	vst v1  }
0x39: {  	[tilespmem:$0x29C0] =	vst v1  }
0x3a: {  	[tilespmem:$0x29D0] =	vst v1  }
0x3b: {  	[tilespmem:$0x29E0] =	vst v1  }
0x3c: {  	[tilespmem:$0x29F0] =	vst v1  }
0x3d: {  	[tilespmem:$0x2A00] =	vst v1  }
0x3e: {  	[tilespmem:$0x2A10] =	vst v1  }
0x3f: {  	[tilespmem:$0x2A20] =	vst v1  }
0x40: {  	[tilespmem:$0x2A30] =	vst v1  }
0x41: {  	[tilespmem:$0x2A40] =	vst v1  }
0x42: {  	[tilespmem:$0x2A50] =	vst v1  }
0x43: {  	[tilespmem:$0x2A60] =	vst v1  }
0x44: {  	[tilespmem:$0x2A70] =	vst v1  }
0x45: {  	[spmem:s5] =	stream.linear.scatter [tilespmem:s10], [sflag:$0x2], $0x280, $0x38;
	[tilespmem:$0x2D00] =	vst v63  }
0x46: {  	_ =	swait.ge [sflag:s9], $0x280  }
0x47: {  	[sflag:s9] =	ssyncset.done $0x0  }
0x48: {  	[sflag:s9] =	ssyncadd.s32 $0xFFFFFD80  }
0x49: {  	[bflag:$0x0] =	sbarrier.arrive $0xFFFF  }
0x4a: {  	[spmem:s2] =	stream.indirect.scatter.add.f32 [tilespmem:s12], [sflag:$0x1], $0x1, s3, s11, $0xb8;
	[tilespmem:$0x2D00] =	vst v63  }
0x4b: {  	_ = 	snop  }
0x4c: {  	[spmem:s2] =	stream.indirect.scatter.add.f32 [tilespmem:s12], [sflag:$0x1], $0x1, s11, s11, $0xb8;
	[tilespmem:$0x2D00] =	vst v63  }
0x4d: {  	_ = 	snop  }
0x4e: {  	[spmem:s2] =	stream.indirect.scatter.add.f32 [tilespmem:s12], [sflag:$0x1], $0x1, s13, s11, $0xb8;
	[tilespmem:$0x2D00] =	vst v63  }
0x4f: {  	_ = 	snop  }
0x50: {  	[spmem:s2] =	stream.indirect.scatter.add.f32 [tilespmem:s12], [sflag:$0x1], $0x1, s14, s11, $0xb8;
	[tilespmem:$0x2D00] =	vst v63  }
0x51: {  	_ = 	snop  }
0x52: {  	[spmem:s2] =	stream.indirect.scatter.add.f32 [tilespmem:s12], [sflag:$0x1], $0x1, s15, s11, $0xb8;
	[tilespmem:$0x2D00] =	vst v63  }
0x53: {  	_ = 	snop  }
0x54: {  	[spmem:s2] =	stream.indirect.scatter.add.f32 [tilespmem:s12], [sflag:$0x1], $0x1, s16, s11, $0xb8;
	[tilespmem:$0x2D00] =	vst v63  }
0x55: {  	s21 =	simm.s32 $0x300  }
0x56: {  	[spmem:s2] =	stream.indirect.scatter.add.f32 [tilespmem:s12], [sflag:$0x1], $0x1, s21, s11, $0xb8;
	[tilespmem:$0x2D00] =	vst v63  }
0x57: {  	s26 =	simm.s32 $0x380  }
0x58: {  	[spmem:s2] =	stream.indirect.scatter.add.f32 [tilespmem:s12], [sflag:$0x1], $0x1, s26, s11, $0xb8;
	[tilespmem:$0x2D00] =	vst v63  }
0x59: {  	s28 =	simm.s32 $0x400  }
0x5a: {  	[spmem:s2] =	stream.indirect.scatter.add.f32 [tilespmem:s12], [sflag:$0x1], $0x1, s28, s11, $0xb8;
	[tilespmem:$0x2D00] =	vst v63  }
0x5b: {  	s29 =	simm.s32 $0x480  }
0x5c: {  	[spmem:s2] =	stream.indirect.scatter.add.f32 [tilespmem:s12], [sflag:$0x1], $0x1, s29, s11, $0xb8;
	[tilespmem:$0x2D00] =	vst v63  }
0x5d: {  	s30 =	simm.s32 $0x500  }
0x5e: {  	[spmem:s2] =	stream.indirect.scatter.add.f32 [tilespmem:s12], [sflag:$0x1], $0x1, s30, s11, $0xb8;
	[tilespmem:$0x2D00] =	vst v63  }
0x5f: {  	s31 =	simm.s32 $0x580  }
0x60: {  	[spmem:s2] =	stream.indirect.scatter.add.f32 [tilespmem:s12], [sflag:$0x1], $0x1, s31, s11, $0xb8;
	[tilespmem:$0x2D00] =	vst v63  }
0x61: {  	_ =	swait.ge [sflag:s17], $0x80  }
0x62: {  	[sflag:s17] =	ssyncset.done $0x0  }
0x63: {  	[sflag:s17] =	ssyncadd.s32 $0xFFFFFF80  }
0x64: {  	_ =	swait.ge [sflag:s17], $0x80  }
0x65: {  	[sflag:s17] =	ssyncset.done $0x0  }
0x66: {  	[sflag:s17] =	ssyncadd.s32 $0xFFFFFF80  }
0x67: {  	_ =	swait.ge [sflag:s17], $0x80  }
0x68: {  	[sflag:s17] =	ssyncset.done $0x0  }
0x69: {  	[sflag:s17] =	ssyncadd.s32 $0xFFFFFF80  }
0x6a: {  	_ =	swait.ge [sflag:s17], $0x80  }
0x6b: {  	[sflag:s17] =	ssyncset.done $0x0  }
0x6c: {  	[sflag:s17] =	ssyncadd.s32 $0xFFFFFF80  }
0x6d: {  	_ =	swait.ge [sflag:s17], $0x80  }
0x6e: {  	[sflag:s17] =	ssyncset.done $0x0  }
0x6f: {  	[sflag:s17] =	ssyncadd.s32 $0xFFFFFF80  }
0x70: {  	_ =	swait.ge [sflag:s17], $0x80  }
0x71: {  	s22 =	simm.s32 $0x1800;
	s21 =	simm.s32 $0x300;
	[sflag:s17] =	ssyncset.done $0x0  }
.LBB2_2:
0x72: {  	s23 =	sadd.s32 $0x300, s21  }
0x73: {  	[sflag:s17] =	ssyncadd.s32 $0xFFFFFF80;
	s24 =	smov.u32 s22;
	s25 =	sadd.s32 $0xC00, s22  }
0x74: {  	[spmem:s2] =	stream.indirect.scatter.add.f32 [tilespmem:s12], [sflag:$0x1], $0x1, s23, s11, $0xb8;
	[tilespmem:$0x2D00] =	vst v63  }
0x75: {  	p1 =	sne.s32 s22, $0x8400;
	s22 =	sadd.s32 $0x380, s21  }
0x76: {  	[spmem:s2] =	stream.indirect.scatter.add.f32 [tilespmem:s12], [sflag:$0x1], $0x1, s22, s11, $0xb8;
	[tilespmem:$0x2D00] =	vst v63  }
0x77: {  	s22 =	sadd.s32 $0x400, s21  }
0x78: {  	[spmem:s2] =	stream.indirect.scatter.add.f32 [tilespmem:s12], [sflag:$0x1], $0x1, s22, s11, $0xb8;
	[tilespmem:$0x2D00] =	vst v63  }
0x79: {  	s22 =	sadd.s32 $0x480, s21  }
0x7a: {  	[spmem:s2] =	stream.indirect.scatter.add.f32 [tilespmem:s12], [sflag:$0x1], $0x1, s22, s11, $0xb8;
	[tilespmem:$0x2D00] =	vst v63  }
0x7b: {  	s22 =	sadd.s32 $0x500, s21  }
0x7c: {  	[spmem:s2] =	stream.indirect.scatter.add.f32 [tilespmem:s12], [sflag:$0x1], $0x1, s22, s11, $0xb8;
	[tilespmem:$0x2D00] =	vst v63  }
0x7d: {  	s21 =	sadd.s32 $0x580, s21  }
0x7e: {  	[spmem:s2] =	stream.indirect.scatter.add.f32 [tilespmem:s12], [sflag:$0x1], $0x1, s21, s11, $0xb8;
	[tilespmem:$0x2D00] =	vst v63  }
0x7f: {  	_ =	swait.ge [sflag:s17], $0x80  }
0x80: {  	[sflag:s17] =	ssyncset.done $0x0  }
0x81: {  	[sflag:s17] =	ssyncadd.s32 $0xFFFFFF80  }
0x82: {  	_ =	swait.ge [sflag:s17], $0x80  }
0x83: {  	[sflag:s17] =	ssyncset.done $0x0  }
0x84: {  	[sflag:s17] =	ssyncadd.s32 $0xFFFFFF80  }
0x85: {  	_ =	swait.ge [sflag:s17], $0x80  }
0x86: {  	[sflag:s17] =	ssyncset.done $0x0  }
0x87: {  	[sflag:s17] =	ssyncadd.s32 $0xFFFFFF80  }
0x88: {  	_ =	swait.ge [sflag:s17], $0x80  }
0x89: {  	[sflag:s17] =	ssyncset.done $0x0  }
0x8a: {  	[sflag:s17] =	ssyncadd.s32 $0xFFFFFF80  }
.Ltmp0:
0x8b: {  	_ =	swait.ge [sflag:s17], $0x80;
	(pc) =	sbr.rel @p1 .LBB2_2-.Ltmp0, $4  }
0x8c: {  	[sflag:s17] =	ssyncset.done $0x0  }
0x8d: {  	[sflag:s17] =	ssyncadd.s32 $0xFFFFFF80  }
0x8e: {  	_ =	swait.ge [sflag:s17], $0x80  }
0x8f: {  	s22 =	smov.u32 s25;
	s21 =	sshra.s32 s24, $0x2;
	[sflag:s17] =	ssyncset.done $0x0  }
0x90: {  	s22 =	sadd.s32 $0x300, s21;
	[sflag:s17] =	ssyncadd.s32 $0xFFFFFF80  }
0x91: {  	[spmem:s2] =	stream.indirect.scatter.add.f32 [tilespmem:s12], [sflag:$0x1], $0x1, s22, s11, $0xb8;
	[tilespmem:$0x2D00] =	vst v63  }
0x92: {  	s26 =	sadd.s32 $0x380, s21  }
0x93: {  	[spmem:s2] =	stream.indirect.scatter.add.f32 [tilespmem:s12], [sflag:$0x1], $0x1, s26, s11, $0xb8;
	[tilespmem:$0x2D00] =	vst v63  }
0x94: {  	s28 =	sadd.s32 $0x400, s21  }
0x95: {  	[spmem:s2] =	stream.indirect.scatter.add.f32 [tilespmem:s12], [sflag:$0x1], $0x1, s28, s11, $0xb8;
	[tilespmem:$0x2D00] =	vst v63  }
0x96: {  	s29 =	sadd.s32 $0x480, s21  }
0x97: {  	[spmem:s2] =	stream.indirect.scatter.add.f32 [tilespmem:s12], [sflag:$0x1], $0x1, s29, s11, $0xb8;
	[tilespmem:$0x2D00] =	vst v63  }
0x98: {  	s30 =	sadd.s32 $0x500, s21  }
0x99: {  	[spmem:s2] =	stream.indirect.scatter.add.f32 [tilespmem:s12], [sflag:$0x1], $0x1, s30, s11, $0xb8;
	[tilespmem:$0x2D00] =	vst v63  }
0x9a: {  	s31 =	sadd.s32 $0x580, s21  }
0x9b: {  	[spmem:s2] =	stream.indirect.scatter.add.f32 [tilespmem:s12], [sflag:$0x1], $0x1, s31, s11, $0xb8;
	[tilespmem:$0x2D00] =	vst v63  }
0x9c: {  	_ =	swait.ge [sflag:s17], $0x80  }
0x9d: {  	[sflag:s17] =	ssyncset.done $0x0  }
0x9e: {  	[sflag:s17] =	ssyncadd.s32 $0xFFFFFF80  }
0x9f: {  	_ =	swait.ge [sflag:s17], $0x80  }
0xa0: {  	[sflag:s17] =	ssyncset.done $0x0  }
0xa1: {  	[sflag:s17] =	ssyncadd.s32 $0xFFFFFF80  }
0xa2: {  	_ =	swait.ge [sflag:s17], $0x80  }
0xa3: {  	[sflag:s17] =	ssyncset.done $0x0  }
0xa4: {  	[sflag:s17] =	ssyncadd.s32 $0xFFFFFF80  }
0xa5: {  	_ =	swait.ge [sflag:s17], $0x80  }
0xa6: {  	[sflag:s17] =	ssyncset.done $0x0  }
0xa7: {  	[sflag:s17] =	ssyncadd.s32 $0xFFFFFF80  }
0xa8: {  	_ =	swait.ge [sflag:s17], $0x80  }
0xa9: {  	[sflag:s17] =	ssyncset.done $0x0  }
0xaa: {  	[sflag:s17] =	ssyncadd.s32 $0xFFFFFF80  }
0xab: {  	_ =	swait.ge [sflag:s17], $0x80  }
0xac: {  	[sflag:s17] =	ssyncset.done $0x0  }
0xad: {  	[sflag:s17] =	ssyncadd.s32 $0xFFFFFF80  }
0xae: {  	_ =	swait.ge [sflag:s17], $0x80  }
0xaf: {  	[sflag:s17] =	ssyncset.done $0x0  }
0xb0: {  	[sflag:s17] =	ssyncadd.s32 $0xFFFFFF80  }
0xb1: {  	_ =	swait.ge [sflag:s17], $0x80  }
0xb2: {  	[sflag:s17] =	ssyncset.done $0x0  }
0xb3: {  	[sflag:s17] =	ssyncadd.s32 $0xFFFFFF80  }
0xb4: {  	_ =	swait.ge [sflag:s17], $0x80  }
0xb5: {  	[sflag:s17] =	ssyncset.done $0x0  }
0xb6: {  	[sflag:s17] =	ssyncadd.s32 $0xFFFFFF80  }
0xb7: {  	_ =	swait.ge [sflag:s17], $0x80  }
0xb8: {  	[sflag:s17] =	ssyncset.done $0x0  }
0xb9: {  	[sflag:s17] =	ssyncadd.s32 $0xFFFFFF80  }
0xba: {  	_ =	swait.ge [sflag:s17], $0x80  }
0xbb: {  	[sflag:s17] =	ssyncset.done $0x0  }
0xbc: {  	[sflag:s17] =	ssyncadd.s32 $0xFFFFFF80  }
0xbd: {  	_ =	swait.ge [sflag:s17], $0x80  }
0xbe: {  	[sflag:s17] =	ssyncset.done $0x0  }
0xbf: {  	s21 =	simm.s32 @!p0 $0x0;
	s22 =	simm.s32 @!p0 $0x2700;
	[sflag:s17] =	ssyncadd.s32 $0xFFFFFF80  }
0xc0: {  	[tilespmem:s22], [sflag:$0x2] =	stream.linear.gather @!p0 [hbm4b:s6+s21], $0x80, $0x38;
	[tilespmem:$0x2D00] =	vst v63  }
0xc1: {  	s21 =	simm.s32 @!p0 $0x2  }
0xc2: {  	_ =	swait.ge @!p0 [sflag:s21], $0x80  }
0xc3: {  	[sflag:s21] =	ssyncset.done @!p0 $0x0  }
0xc4: {  	s23 =	simm.s32 @!p0 $0x80;
	s24 =	simm.s32 @!p0 $0x2780;
	[sflag:s21] =	ssyncadd.s32 @!p0 $0xFFFFFF80  }
0xc5: {  	[spmem:s2] =	stream.indirect.scatter.add.f32 @!p0 [tilespmem:s24], [sflag:$0x2], $0x1, s22, s23, $0xb8;
	[tilespmem:$0x2D00] =	vst v63  }
0xc6: {  	_ =	swait.ge @!p0 [sflag:s21], $0x80  }
0xc7: {  	s20 =	sadd.s32 $0x1, s20;
	[sflag:s21] =	ssyncset.done @!p0 $0x0  }
0xc8: {  	p1 =	sne.s32 s20, s8;
	[sflag:s21] =	ssyncadd.s32 @!p0 $0xFFFFFF80  }
.Ltmp1:
0xc9: {  	[bflag:$0x0] =	sbarrier.arrive $0xFFFF;
	(pc) =	sbr.rel @p1 .LBB2_1-.Ltmp1, $4  }
0xca: {  	[hbm:s7], [sflag:s18] =	dma.local [spmem:s19], $0x50  }
0xcb: {  	_ =	swait.ge [sflag:s9], $0x50  }
0xcc: {  	[sflag:s9] =	ssyncset.done $0x0  }
0xcd: {  	[sflag:s9] =	ssyncadd.s32 $0xFFFFFFB0  }
0xce: {  	_ =	sfence.sel $0x180000  }
0xcf: {  	[bflag:$0x0] =	sbarrier.arrive $0xFFFF  }
0xd0: {  	p0 =	sne.s32 s0, $0x0;
	_ =	strace $0x90000047  }
0xd1: {  	s0 =	sadd.s32 @!p0 $0x100000, s1;
	[bflag:$0x2] =	sbarrier.arrive $0xFFFF  }
0xd2: {  	[sflag:s0] =	ssyncadd.tile.s32 @!p0 $0x1;
	_ =	shalt  }
.Lfunc_end2:
_tile_overlayer_lowered:
.L_overlay_start_2:
0xd3: {  	(tag) =	ssettag $0x2  }
0xd4: {  	s0 =	rddreg [dreg:$0x0];
	s2 =	stileid.u32  }
0xd5: {  	s1 =	rddreg [dreg:$0x1];
	p0 =	sne.s32 s2, $0x0  }
0xd6: {  	s3 =	rddreg [dreg:$0x2];
	[bflag:$0x3] =	sbarrier.arrive $0xFFFF;
	s2 =	simm.s32 @!p0 $0x1C02  }
0xd7: {  	[timem:s3], [sflag:s2] =	dma.local @!p0 [hbm:s0], s1  }
0xd8: {  	s0 =	simm.s32 @!p0 $0x2  }
0xd9: {  	_ =	swait.ge @!p0 [sflag:s0], s1  }
0xda: {  	s1 =	ssub.s32 @!p0 $0x0, s1;
	[sflag:s0] =	ssyncset.done @!p0 $0x0  }
0xdb: {  	[sflag:s0] =	ssyncadd.s32 @!p0 s1  }
0xdc: {  	[bflag:$0x3] =	sbarrier.arrive $0xFFFF  }
0xdd: {  	_ =	shalt  }

</sc_bundles>
